<compile_context>
chip_gen: v7x
topology: tpu7x:2x2x1
jax: 0.10.2.dev20260603
libtpu: 0.0.44.dev20260713+nightly
codegen_flags: <defaults>
</compile_context>

<pallas_src>
import jax
import jax.numpy as jnp
import numpy as np
from jax import lax
from jax.experimental import pallas as pl
from jax.experimental.pallas import tpu as pltpu
from jax.experimental.pallas import tpu_sc as plsc

_N = 256
_M = 512
_W = 6
_HSH = _W // 2 - 1
_BETA = 2.30 * (_W / 2.0)
_NBLK = 64
_NROW = 2
_K = 32768
_NWORK = 32
_PERW = _K // _NWORK
_CHUNK = 64
_NCHUNK = _PERW // _CHUNK
_NGRP = _CHUNK // 16


def _window_np(u):
    t = np.maximum(1.0 - (2.0 * u / _W) ** 2, 0.0)
    return np.where(np.abs(u) <= _W / 2, np.exp(_BETA * (np.sqrt(t) - 1.0)), 0.0)


def _build_constants():
    g = np.arange(_N) - _N // 2
    u = np.linspace(-_W / 2, _W / 2, 4001)
    pu = _window_np(u)
    ft = np.trapezoid(
        pu[None, :] * np.cos(2 * np.pi * (g / _M)[:, None] * u[None, :]), u, axis=1)
    d = 1.0 / ft
    p = np.arange(_M) - _M // 2
    ang = -2.0 * np.pi * np.outer(p, g) / _M
    ar = (np.cos(ang) * d[None, :]).astype(np.float32)
    ai = (np.sin(ang) * d[None, :]).astype(np.float32)
    tt = (np.cos(np.pi * (np.arange(64) + 0.5) / 64) + 1.0) / 2.0
    coef = np.stack(
        [np.polyfit(tt, _window_np((a - _HSH) - tt), 7) for a in range(_W)])
    perm = 8 * (np.arange(_M) % 64) + np.arange(_M) // 64
    return ar[perm], ai[perm], ar.T.copy(), ai.T.copy(), coef


_AR, _AI, _ATR, _ATI, _COEF = _build_constants()


def _grid_kernel(ar_ref, ai_ref, atr_ref, ati_ref, xr_ref, xi_ref, dcf_ref,
                 t32_ref, sd_ref):
    hi = None
    f32 = jnp.float32
    ar = ar_ref[:, :]
    ai = ai_ref[:, :]
    xr = xr_ref[:, :]
    xi = xi_ref[:, :]
    br = jnp.dot(ar, xr, precision=hi, preferred_element_type=f32) - jnp.dot(
        ai, xi, precision=hi, preferred_element_type=f32)
    bi = jnp.dot(ar, xi, precision=hi, preferred_element_type=f32) + jnp.dot(
        ai, xr, precision=hi, preferred_element_type=f32)
    atr = atr_ref[:, :]
    ati = ati_ref[:, :]
    gr = jnp.dot(br, atr, precision=hi, preferred_element_type=f32) - jnp.dot(
        bi, ati, precision=hi, preferred_element_type=f32)
    gi = jnp.dot(br, ati, precision=hi, preferred_element_type=f32) + jnp.dot(
        bi, atr, precision=hi, preferred_element_type=f32)
    grp = jnp.concatenate([gr, gr[:, :16]], axis=1)
    gip = jnp.concatenate([gi, gi[:, :16]], axis=1)
    rbits = jax.lax.bitcast_convert_type(grp, jnp.int32) + 32768
    ibits = jax.lax.bitcast_convert_type(gip, jnp.int32) + 32768
    words = (rbits & jnp.int32(-65536)) | jax.lax.shift_right_logical(ibits, 16)
    for j in range(_NBLK):
        pieces = [words[sub * 64:(sub + 1) * 64, 8 * j:8 * j + 16]
                  for sub in range(8)]
        t32_ref[j * 64:(j + 1) * 64, :] = jnp.concatenate(pieces, axis=1)
    sd_ref[:, :] = jnp.sqrt(dcf_ref[:, :])


def _horner(coef_row, t):
    w = float(coef_row[0])
    for c in coef_row[1:]:
        w = w * t + float(c)
    return w


def _interp_kernel(t32_hbm, kx_hbm, ky_hbm, sd_hbm, out_hbm,
                   kxv, kyv, sdv, idx0, idx1, gbuf0, gbuf1, outv, sem0, sem1):
    wid = lax.axis_index("s") * 2 + lax.axis_index("c")
    base = wid * _PERW
    pltpu.sync_copy(kx_hbm.at[pl.ds(base, _PERW)], kxv)
    pltpu.sync_copy(ky_hbm.at[pl.ds(base, _PERW)], kyv)
    pltpu.sync_copy(sd_hbm.at[pl.ds(base, _PERW)], sdv)
    lane = lax.iota(jnp.int32, 16)
    lane2 = lane * 2

    def phase_a(c, idxv):
        off = c * _CHUNK

        def a_body(gidx, carry):
            kxg = kxv[pl.ds(off + gidx * 16, 16)]
            kyg = kyv[pl.ds(off + gidx * 16, 16)]
            fxi = (kxg * float(_M) + float(_M // 2)).astype(jnp.int32)
            fyi = (kyg * float(_M) + float(_M // 2)).astype(jnp.int32)
            qs = (fyi + (512 - _HSH)) & 511
            qb0 = qs >> 3
            sw = (fxi + (512 - _HSH)) & 511
            pgv = sw >> 3
            for r in range(_NROW):
                pg = (pgv + r) & 63
                idxv[pl.ds(r * _CHUNK + gidx * 16, 16)] = qb0 * 64 + pg
            return carry

        lax.fori_loop(0, _NGRP, a_body, 0)

    def phase_b(idxv, gbuf, sem):
        for i in range(_NROW):
            pltpu.async_copy(
                t32_hbm.at[idxv.at[pl.ds(i * _CHUNK, _CHUNK)]],
                gbuf.at[pl.ds(i * _CHUNK, _CHUNK)], sem)

    def phase_c(gbuf, sem):
        for i in range(_NROW):
            pltpu.make_async_copy(
                t32_hbm.at[idx0.at[pl.ds(i * _CHUNK, _CHUNK)]],
                gbuf.at[pl.ds(i * _CHUNK, _CHUNK)], sem).wait()

    def phase_d(c, gbuf):
        off = c * _CHUNK

        def d_body(gidx, carry):
            kxg = kxv[pl.ds(off + gidx * 16, 16)]
            kyg = kyv[pl.ds(off + gidx * 16, 16)]
            px = kxg * float(_M) + float(_M // 2)
            py = kyg * float(_M) + float(_M // 2)
            fxi = px.astype(jnp.int32)
            fyi = py.astype(jnp.int32)
            fracx = px - fxi.astype(jnp.float32)
            fracy = py - fyi.astype(jnp.float32)
            qs = (fyi + (512 - _HSH)) & 511
            col0 = qs & 7
            sw = (fxi + (512 - _HSH)) & 511
            pgv = sw >> 3
            wx = [_horner(_COEF[a], fracx) for a in range(_W)]
            wy = [_horner(_COEF[b], fracy) for b in range(_W)]
            base16 = gidx * 16 + lane
            rows = []
            cbase = []
            for a in range(_W):
                u = sw + a
                ra = (u >> 3) - pgv
                rows.append(ra * _CHUNK + base16)
                cbase.append((u & 7) * 16 + col0)
            mhi = jnp.full((16,), -65536, jnp.int32)
            sre = []
            sim = []
            for b in range(_W):
                pr = None
                pi = None
                for a in range(_W):
                    colv = cbase[a] + b
                    w32 = plsc.load_gather(gbuf, [rows[a], colv])
                    re = plsc.bitcast(w32 & mhi, jnp.float32)
                    im = plsc.bitcast(w32 << 16, jnp.float32)
                    wa = wx[a]
                    pr = wa * re if pr is None else pr + wa * re
                    pi = wa * im if pi is None else pi + wa * im
                sre.append(pr * wy[b])
                sim.append(pi * wy[b])
            while len(sre) > 1:
                sre = [sre[i] + sre[i + 1] for i in range(0, len(sre) - 1, 2)] + (
                    [sre[-1]] if len(sre) % 2 else [])
                sim = [sim[i] + sim[i + 1] for i in range(0, len(sim) - 1, 2)] + (
                    [sim[-1]] if len(sim) % 2 else [])
            accr = sre[0]
            acci = sim[0]
            sdg = sdv[pl.ds(off + gidx * 16, 16)]
            opos = gidx * 16 + lane
            zero = jnp.zeros((16,), jnp.int32)
            plsc.store_scatter(outv, [opos, zero], accr * sdg)
            plsc.store_scatter(outv, [opos, zero + 1], acci * sdg)
            return carry

        lax.fori_loop(0, _NGRP, d_body, 0)
        pltpu.sync_copy(outv, out_hbm.at[pl.ds(base + c * _CHUNK, _CHUNK), :])

    phase_a(0, idx0)
    phase_b(idx0, gbuf0, sem0)

    def pair_body(c2, carry):
        ce = c2 * 2
        co = ce + 1
        phase_a(co, idx1)
        phase_b(idx1, gbuf1, sem1)
        phase_c(gbuf0, sem0)
        phase_d(ce, gbuf0)

        @pl.when(c2 < _NCHUNK // 2 - 1)
        def _():
            phase_a(ce + 2, idx0)
            phase_b(idx0, gbuf0, sem0)

        phase_c(gbuf1, sem1)
        phase_d(co, gbuf1)
        return carry

    lax.fori_loop(0, _NCHUNK // 2, pair_body, 0)


_interp_call = pl.kernel(
    _interp_kernel,
    out_type=jax.ShapeDtypeStruct((_K, 2), jnp.float32),
    mesh=plsc.VectorSubcoreMesh(
        core_axis_name="c", subcore_axis_name="s", num_cores=2,
        num_subcores=16),
    scratch_types=[
        pltpu.VMEM((_PERW,), jnp.float32),
        pltpu.VMEM((_PERW,), jnp.float32),
        pltpu.VMEM((_PERW,), jnp.float32),
        pltpu.VMEM((_CHUNK * _NROW,), jnp.int32),
        pltpu.VMEM((_CHUNK * _NROW,), jnp.int32),
        pltpu.VMEM((_CHUNK * _NROW, 128), jnp.int32),
        pltpu.VMEM((_CHUNK * _NROW, 128), jnp.int32),
        pltpu.VMEM((_CHUNK, 2), jnp.float32),
        pltpu.SemaphoreType.DMA,
        pltpu.SemaphoreType.DMA,
    ],
    compiler_params=pltpu.CompilerParams(needs_layout_passes=False),
)


@jax.jit
def kernel(x, trajectory, dcf):
    xr = x[..., 0]
    xi = x[..., 1]
    ar = jnp.asarray(_AR)
    ai = jnp.asarray(_AI)
    atr = jnp.asarray(_ATR)
    ati = jnp.asarray(_ATI)
    dcf2 = dcf.reshape(_N, _K // _N)
    t32, sd2 = pl.pallas_call(
        _grid_kernel,
        out_shape=[
            jax.ShapeDtypeStruct((64 * _NBLK, 128), jnp.int32),
            jax.ShapeDtypeStruct((_N, _K // _N), jnp.float32),
        ],
    )(ar, ai, atr, ati, xr, xi, dcf2)
    return _interp_call(t32, trajectory[0], trajectory[1], sd2.reshape(-1))

# --- scband reference (transcript-rebuilt; emitter-appended) ---
"""Pipeline reference for scband-gpu-nufft-single-coil-32074815766962 (READ-ONLY COPY).

The authoritative reference and input builder live on the scoring server;
editing this copy changes nothing except your own understanding.
"""

import jax, jax.numpy as jnp
import numpy as np

IMG_DIM = 256
NUM_SAMPLES = 32768  # e.g. 64 radial spokes x 512 readout points


def setup_inputs(seed: int = 0) -> dict:
    key = jax.random.key(seed)
    k1, k2, k3 = jax.random.split(key, 3)
    # complex image stored as (real, imag) in last dim (torch.view_as_complex layout)
    x = jax.random.normal(k1, (IMG_DIM, IMG_DIM, 2), dtype=jnp.float32)
    # non-uniform k-space trajectory, normalized to [-0.5, 0.5) as in gpuNUFFT
    trajectory = jax.random.uniform(k2, (2, NUM_SAMPLES), dtype=jnp.float32, minval=-0.5, maxval=0.5)
    # density compensation function, strictly positive
    dcf = jax.random.uniform(k3, (NUM_SAMPLES,), dtype=jnp.float32, minval=0.0, maxval=1.0) + 1e-3
    return {"x": x, "trajectory": trajectory, "dcf": dcf}


def _nufft_type2(xc, trajectory):
    # Exact type-2 NUFFT (image -> non-uniform k-space samples).
    # Equivalent math to gpuNUFFT's gridding+FFT+interpolation pipeline
    # (kernel_width / sector_width / osf are approximation params of the
    #  gridding implementation; the exact DFT is the reference operator).
    N = xc.shape[0]
    grid = jnp.arange(N, dtype=jnp.float32) - (N // 2)
    kx = trajectory[0]
    ky = trajectory[1]
    Ex = jnp.exp(-2j * jnp.pi * kx[:, None] * grid[None, :]).astype(jnp.complex64)  # [K, Nx]
    Ey = jnp.exp(-2j * jnp.pi * ky[:, None] * grid[None, :]).astype(jnp.complex64)  # [K, Ny]
    T = Ex @ xc.astype(jnp.complex64)  # [K, Ny]
    y = jnp.sum(T * Ey, axis=1)        # [K]
    return y


def reference(x, trajectory, dcf):
    xc = x[..., 0] + 1j * x[..., 1]
    y = _nufft_type2(xc, trajectory)
    # symmetric sqrt(dcf) weighting so that the torch backward (adjoint with dcf)
    # is the exact vjp of this forward
    y = y * jnp.sqrt(dcf).astype(jnp.complex64)
    return jnp.stack([jnp.real(y), jnp.imag(y)], axis=-1).astype(jnp.float32)

if __name__ == "__main__":
    import jax
    _d = setup_inputs()
    print(jax.jit(kernel)(*tuple(_d.values())))

</pallas_src>

<mosaic_0001>
#map = affine_map<(d0, d1) -> (0, 0)>
#map1 = affine_map<(d0, d1) -> (0)>
module attributes {stable_mosaic.version = 14 : i64} {
  func.func @_interp_kernel(%arg0: i32, %arg1: i32, %arg2: memref<4096x128xi32, #tpu.memory_space<hbm>>, %arg3: memref<32768xf32, #tpu.memory_space<hbm>>, %arg4: memref<32768xf32, #tpu.memory_space<hbm>>, %arg5: memref<32768xf32, #tpu.memory_space<hbm>>, %arg6: memref<32768x2xf32, #tpu.memory_space<hbm>>, %arg7: memref<1024xf32, #tpu.memory_space<vmem>>, %arg8: memref<1024xf32, #tpu.memory_space<vmem>>, %arg9: memref<1024xf32, #tpu.memory_space<vmem>>, %arg10: memref<128xi32, #tpu.memory_space<vmem>>, %arg11: memref<128xi32, #tpu.memory_space<vmem>>, %arg12: memref<128x128xi32, #tpu.memory_space<vmem>>, %arg13: memref<128x128xi32, #tpu.memory_space<vmem>>, %arg14: memref<64x2xf32, #tpu.memory_space<vmem>>, %arg15: memref<!tpu.dma_semaphore, #tpu.memory_space<semaphore_mem>>, %arg16: memref<!tpu.dma_semaphore, #tpu.memory_space<semaphore_mem>>) attributes {dimension_semantics = [#tpu.dimension_semantics<core_parallel>, #tpu.dimension_semantics<subcore_parallel>], iteration_bounds = array<i64: 2, 16>, scalar_prefetch = 0 : i64, scratch_operands = 10 : i64, tpu.core_type = #tpu.core_type<sc_vector_subcore>, window_params = [{transform_indices = #map}, {transform_indices = #map1}, {transform_indices = #map1}, {transform_indices = #map1}, {transform_indices = #map}]} {
    %mul3A = arith.constant 2 : i32
    %mul3A_0 = arith.muli %arg1, %mul3A : i32
    %add3A = arith.addi %mul3A_0, %arg0 : i32
    %mul3A_1 = arith.constant 1024 : i32
    %mul3A_2 = arith.muli %add3A, %mul3A_1 : i32
    "tpu.region"() ({
      %run_scoped3A = tpu.sem_alloc : memref<!tpu.dma_semaphore, #tpu.memory_space<semaphore_mem>>
      %dma_start3A_32 = tpu.memref_slice %arg3[%mul3A_2] : memref<32768xf32, #tpu.memory_space<hbm>> -> memref<1024xf32, #tpu.memory_space<hbm>>
      %dma_start3A_33 = tpu.memref_slice %arg3[%mul3A_2] : memref<32768xf32, #tpu.memory_space<hbm>> -> memref<1024xf32, #tpu.memory_space<hbm>>
      tpu.enqueue_dma source(%dma_start3A_33 : memref<1024xf32, #tpu.memory_space<hbm>>) target(%arg7 : memref<1024xf32, #tpu.memory_space<vmem>>) target_semaphore(%run_scoped3A : memref<!tpu.dma_semaphore, #tpu.memory_space<semaphore_mem>>)
      %dma_wait3A = tpu.memref_slice %arg3[%mul3A_2] : memref<32768xf32, #tpu.memory_space<hbm>> -> memref<1024xf32, #tpu.memory_space<hbm>>
      %dma_wait3A_34 = tpu.memref_slice %arg3[%mul3A_2] : memref<32768xf32, #tpu.memory_space<hbm>> -> memref<1024xf32, #tpu.memory_space<hbm>>
      tpu.wait_dma2 semaphore(%run_scoped3A : memref<!tpu.dma_semaphore, #tpu.memory_space<semaphore_mem>>) src(%dma_wait3A_34 : memref<1024xf32, #tpu.memory_space<hbm>>) dst(%arg7 : memref<1024xf32, #tpu.memory_space<vmem>>)
      tpu.yield
    }) : () -> ()
    "tpu.region"() ({
      %run_scoped3A = tpu.sem_alloc : memref<!tpu.dma_semaphore, #tpu.memory_space<semaphore_mem>>
      %dma_start3A_32 = tpu.memref_slice %arg4[%mul3A_2] : memref<32768xf32, #tpu.memory_space<hbm>> -> memref<1024xf32, #tpu.memory_space<hbm>>
      %dma_start3A_33 = tpu.memref_slice %arg4[%mul3A_2] : memref<32768xf32, #tpu.memory_space<hbm>> -> memref<1024xf32, #tpu.memory_space<hbm>>
      tpu.enqueue_dma source(%dma_start3A_33 : memref<1024xf32, #tpu.memory_space<hbm>>) target(%arg8 : memref<1024xf32, #tpu.memory_space<vmem>>) target_semaphore(%run_scoped3A : memref<!tpu.dma_semaphore, #tpu.memory_space<semaphore_mem>>)
      %dma_wait3A = tpu.memref_slice %arg4[%mul3A_2] : memref<32768xf32, #tpu.memory_space<hbm>> -> memref<1024xf32, #tpu.memory_space<hbm>>
      %dma_wait3A_34 = tpu.memref_slice %arg4[%mul3A_2] : memref<32768xf32, #tpu.memory_space<hbm>> -> memref<1024xf32, #tpu.memory_space<hbm>>
      tpu.wait_dma2 semaphore(%run_scoped3A : memref<!tpu.dma_semaphore, #tpu.memory_space<semaphore_mem>>) src(%dma_wait3A_34 : memref<1024xf32, #tpu.memory_space<hbm>>) dst(%arg8 : memref<1024xf32, #tpu.memory_space<vmem>>)
      tpu.yield
    }) : () -> ()
    "tpu.region"() ({
      %run_scoped3A = tpu.sem_alloc : memref<!tpu.dma_semaphore, #tpu.memory_space<semaphore_mem>>
      %dma_start3A_32 = tpu.memref_slice %arg5[%mul3A_2] : memref<32768xf32, #tpu.memory_space<hbm>> -> memref<1024xf32, #tpu.memory_space<hbm>>
      %dma_start3A_33 = tpu.memref_slice %arg5[%mul3A_2] : memref<32768xf32, #tpu.memory_space<hbm>> -> memref<1024xf32, #tpu.memory_space<hbm>>
      tpu.enqueue_dma source(%dma_start3A_33 : memref<1024xf32, #tpu.memory_space<hbm>>) target(%arg9 : memref<1024xf32, #tpu.memory_space<vmem>>) target_semaphore(%run_scoped3A : memref<!tpu.dma_semaphore, #tpu.memory_space<semaphore_mem>>)
      %dma_wait3A = tpu.memref_slice %arg5[%mul3A_2] : memref<32768xf32, #tpu.memory_space<hbm>> -> memref<1024xf32, #tpu.memory_space<hbm>>
      %dma_wait3A_34 = tpu.memref_slice %arg5[%mul3A_2] : memref<32768xf32, #tpu.memory_space<hbm>> -> memref<1024xf32, #tpu.memory_space<hbm>>
      tpu.wait_dma2 semaphore(%run_scoped3A : memref<!tpu.dma_semaphore, #tpu.memory_space<semaphore_mem>>) src(%dma_wait3A_34 : memref<1024xf32, #tpu.memory_space<hbm>>) dst(%arg9 : memref<1024xf32, #tpu.memory_space<vmem>>)
      tpu.yield
    }) : () -> ()
    %iota3A = tpu.iota {dimensions = array<i32: 0>} : vector<16xi32>
    %mul3A_3 = arith.constant 2 : i32
    %mul3A_4 = vector.broadcast %mul3A_3 : i32 to vector<16xi32>
    %mul3A_5 = arith.muli %iota3A, %mul3A_4 : vector<16xi32>
    %scan3A = arith.constant 0 : i32
    %scan3A_6 = arith.constant 0 : i32
    %scan3A_7 = arith.constant 4 : i32
    %scan3A_8 = arith.addi %scan3A_6, %scan3A_7 : i32
    %scan3A_9 = arith.constant 1 : i32
    scf.for %scan3A_32 = %scan3A_6 to %scan3A_8 step %scan3A_9  : i32 {
      %mul3A_33 = arith.constant 16 : i32
      %mul3A_34 = arith.muli %scan3A_32, %mul3A_33 : i32
      %add3A_35 = arith.constant 0 : i32
      %add3A_36 = arith.addi %add3A_35, %mul3A_34 : i32
      %get3A = arith.index_cast %add3A_36 : i32 to index
      %get3A_37 = tpu.vector_load %arg7[%get3A] {strides = array<i32>} : memref<1024xf32, #tpu.memory_space<vmem>>, vector<16xf32>,
      %mul3A_38 = arith.constant 16 : i32
      %mul3A_39 = arith.muli %scan3A_32, %mul3A_38 : i32
      %add3A_40 = arith.constant 0 : i32
      %add3A_41 = arith.addi %add3A_40, %mul3A_39 : i32
      %get3A_42 = arith.index_cast %add3A_41 : i32 to index
      %get3A_43 = tpu.vector_load %arg8[%get3A_42] {strides = array<i32>} : memref<1024xf32, #tpu.memory_space<vmem>>, vector<16xf32>,
      %mul3A_44 = arith.constant 5.120000e+02 : f32
      %mul3A_45 = vector.broadcast %mul3A_44 : f32 to vector<16xf32>
      %mul3A_46 = arith.mulf %get3A_37, %mul3A_45 : vector<16xf32>
      %add3A_47 = arith.constant 2.560000e+02 : f32
      %add3A_48 = vector.broadcast %add3A_47 : f32 to vector<16xf32>
      %add3A_49 = arith.addf %mul3A_46, %add3A_48 : vector<16xf32>
      %convert_element_type3A = arith.fptosi %add3A_49 : vector<16xf32> to vector<16xi32>
      %mul3A_50 = arith.constant 5.120000e+02 : f32
      %mul3A_51 = vector.broadcast %mul3A_50 : f32 to vector<16xf32>
      %mul3A_52 = arith.mulf %get3A_43, %mul3A_51 : vector<16xf32>
      %add3A_53 = arith.constant 2.560000e+02 : f32
      %add3A_54 = vector.broadcast %add3A_53 : f32 to vector<16xf32>
      %add3A_55 = arith.addf %mul3A_52, %add3A_54 : vector<16xf32>
      %convert_element_type3A_56 = arith.fptosi %add3A_55 : vector<16xf32> to vector<16xi32>
      %add3A_57 = arith.constant 510 : i32
      %add3A_58 = vector.broadcast %add3A_57 : i32 to vector<16xi32>
      %add3A_59 = arith.addi %convert_element_type3A_56, %add3A_58 : vector<16xi32>
      %and3A = arith.constant 511 : i32
      %and3A_60 = vector.broadcast %and3A : i32 to vector<16xi32>
      %and3A_61 = arith.andi %add3A_59, %and3A_60 : vector<16xi32>
      %shift_right_arithmetic3A = arith.constant 3 : i32
      %shift_right_arithmetic3A_62 = vector.broadcast %shift_right_arithmetic3A : i32 to vector<16xi32>
      %shift_right_arithmetic3A_63 = arith.shrsi %and3A_61, %shift_right_arithmetic3A_62 : vector<16xi32>
      %add3A_64 = arith.constant 510 : i32
      %add3A_65 = vector.broadcast %add3A_64 : i32 to vector<16xi32>
      %add3A_66 = arith.addi %convert_element_type3A, %add3A_65 : vector<16xi32>
      %and3A_67 = arith.constant 511 : i32
      %and3A_68 = vector.broadcast %and3A_67 : i32 to vector<16xi32>
      %and3A_69 = arith.andi %add3A_66, %and3A_68 : vector<16xi32>
      %shift_right_arithmetic3A_70 = arith.constant 3 : i32
      %shift_right_arithmetic3A_71 = vector.broadcast %shift_right_arithmetic3A_70 : i32 to vector<16xi32>
      %shift_right_arithmetic3A_72 = arith.shrsi %and3A_69, %shift_right_arithmetic3A_71 : vector<16xi32>
      %add3A_73 = arith.constant 0 : i32
      %add3A_74 = vector.broadcast %add3A_73 : i32 to vector<16xi32>
      %add3A_75 = arith.addi %shift_right_arithmetic3A_72, %add3A_74 : vector<16xi32>
      %and3A_76 = arith.constant 63 : i32
      %and3A_77 = vector.broadcast %and3A_76 : i32 to vector<16xi32>
      %and3A_78 = arith.andi %add3A_75, %and3A_77 : vector<16xi32>
      %mul3A_79 = arith.constant 64 : i32
      %mul3A_80 = vector.broadcast %mul3A_79 : i32 to vector<16xi32>
      %mul3A_81 = arith.muli %shift_right_arithmetic3A_63, %mul3A_80 : vector<16xi32>
      %add3A_82 = arith.addi %mul3A_81, %and3A_78 : vector<16xi32>
      %mul3A_83 = arith.constant 16 : i32
      %mul3A_84 = arith.muli %scan3A_32, %mul3A_83 : i32
      %add3A_85 = arith.constant 0 : i32
      %add3A_86 = arith.addi %add3A_85, %mul3A_84 : i32
      %swap3A = arith.index_cast %add3A_86 : i32 to index
      %swap3A_87 = tpu.vector_load %arg10[%swap3A] {strides = array<i32>} : memref<128xi32, #tpu.memory_space<vmem>>, vector<16xi32>,
      tpu.vector_store %arg10[%swap3A], %add3A_82 {strides = array<i32>} : memref<128xi32, #tpu.memory_space<vmem>>, vector<16xi32>,
      %add3A_88 = arith.constant 1 : i32
      %add3A_89 = vector.broadcast %add3A_88 : i32 to vector<16xi32>
      %add3A_90 = arith.addi %shift_right_arithmetic3A_72, %add3A_89 : vector<16xi32>
      %and3A_91 = arith.constant 63 : i32
      %and3A_92 = vector.broadcast %and3A_91 : i32 to vector<16xi32>
      %and3A_93 = arith.andi %add3A_90, %and3A_92 : vector<16xi32>
      %mul3A_94 = arith.constant 64 : i32
      %mul3A_95 = vector.broadcast %mul3A_94 : i32 to vector<16xi32>
      %mul3A_96 = arith.muli %shift_right_arithmetic3A_63, %mul3A_95 : vector<16xi32>
      %add3A_97 = arith.addi %mul3A_96, %and3A_93 : vector<16xi32>
      %mul3A_98 = arith.constant 16 : i32
      %mul3A_99 = arith.muli %scan3A_32, %mul3A_98 : i32
      %add3A_100 = arith.constant 64 : i32
      %add3A_101 = arith.addi %add3A_100, %mul3A_99 : i32
      %swap3A_102 = arith.index_cast %add3A_101 : i32 to index
      %swap3A_103 = tpu.vector_load %arg10[%swap3A_102] {strides = array<i32>} : memref<128xi32, #tpu.memory_space<vmem>>, vector<16xi32>,
      tpu.vector_store %arg10[%swap3A_102], %add3A_97 {strides = array<i32>} : memref<128xi32, #tpu.memory_space<vmem>>, vector<16xi32>,
    }
    %scan3A_10 = arith.constant 4 : i32
    %dma_start3A = arith.constant 0 : i32
    %dma_start3A_11 = arith.constant 0 : i32
    %dma_start3A_12 = tpu.memref_slice %arg12[%dma_start3A, %dma_start3A_11] : memref<128x128xi32, #tpu.memory_space<vmem>> -> memref<64x128xi32, #tpu.memory_space<vmem>>
    %dma_start3A_13 = arith.constant 0 : i32
    %dma_start3A_14 = tpu.memref_slice %arg10[%dma_start3A_13] : memref<128xi32, #tpu.memory_space<vmem>> -> memref<64xi32, #tpu.memory_space<vmem>>
    %dma_start3A_15 = arith.constant 0 : i32
    %dma_start3A_16 = arith.constant 0 : i32
    %dma_start3A_17 = tpu.memref_slice %arg2[%dma_start3A_15, %dma_start3A_16] : memref<4096x128xi32, #tpu.memory_space<hbm>> -> memref<4096x128xi32, #tpu.memory_space<hbm>>
    tpu.enqueue_indirect_dma source(%dma_start3A_17 : memref<4096x128xi32, #tpu.memory_space<hbm>>) target(%dma_start3A_12 : memref<64x128xi32, #tpu.memory_space<vmem>>) offsets(%dma_start3A_14 : memref<64xi32, #tpu.memory_space<vmem>>) semaphore(%arg15 : memref<!tpu.dma_semaphore, #tpu.memory_space<semaphore_mem>>)
    %dma_start3A_18 = arith.constant 64 : i32
    %dma_start3A_19 = arith.constant 0 : i32
    %dma_start3A_20 = tpu.memref_slice %arg12[%dma_start3A_18, %dma_start3A_19] : memref<128x128xi32, #tpu.memory_space<vmem>> -> memref<64x128xi32, #tpu.memory_space<vmem>>
    %dma_start3A_21 = arith.constant 64 : i32
    %dma_start3A_22 = tpu.memref_slice %arg10[%dma_start3A_21] : memref<128xi32, #tpu.memory_space<vmem>> -> memref<64xi32, #tpu.memory_space<vmem>>
    %dma_start3A_23 = arith.constant 0 : i32
    %dma_start3A_24 = arith.constant 0 : i32
    %dma_start3A_25 = tpu.memref_slice %arg2[%dma_start3A_23, %dma_start3A_24] : memref<4096x128xi32, #tpu.memory_space<hbm>> -> memref<4096x128xi32, #tpu.memory_space<hbm>>
    tpu.enqueue_indirect_dma source(%dma_start3A_25 : memref<4096x128xi32, #tpu.memory_space<hbm>>) target(%dma_start3A_20 : memref<64x128xi32, #tpu.memory_space<vmem>>) offsets(%dma_start3A_22 : memref<64xi32, #tpu.memory_space<vmem>>) semaphore(%arg15 : memref<!tpu.dma_semaphore, #tpu.memory_space<semaphore_mem>>)
    %scan3A_26 = arith.constant 0 : i32
    %scan3A_27 = arith.constant 0 : i32
    %scan3A_28 = arith.constant 8 : i32
    %scan3A_29 = arith.addi %scan3A_27, %scan3A_28 : i32
    %scan3A_30 = arith.constant 1 : i32
    scf.for %scan3A_32 = %scan3A_27 to %scan3A_29 step %scan3A_30  : i32 {
      %mul3A_33 = arith.constant 2 : i32
      %mul3A_34 = arith.muli %scan3A_32, %mul3A_33 : i32
      %add3A_35 = arith.constant 1 : i32
      %add3A_36 = arith.addi %mul3A_34, %add3A_35 : i32
      %mul3A_37 = arith.constant 64 : i32
      %mul3A_38 = arith.muli %add3A_36, %mul3A_37 : i32
      %scan3A_39 = arith.constant 0 : i32
      %scan3A_40 = arith.constant 0 : i32
      %scan3A_41 = arith.constant 4 : i32
      %scan3A_42 = arith.addi %scan3A_40, %scan3A_41 : i32
      %scan3A_43 = arith.constant 1 : i32
      scf.for %scan3A_116 = %scan3A_40 to %scan3A_42 step %scan3A_43  : i32 {
        %mul3A_117 = arith.constant 16 : i32
        %mul3A_118 = arith.muli %scan3A_116, %mul3A_117 : i32
        %add3A_119 = arith.addi %mul3A_38, %mul3A_118 : i32
        %get3A = arith.index_cast %add3A_119 : i32 to index
        %get3A_120 = tpu.vector_load %arg7[%get3A] {strides = array<i32>} : memref<1024xf32, #tpu.memory_space<vmem>>, vector<16xf32>,
        %mul3A_121 = arith.constant 16 : i32
        %mul3A_122 = arith.muli %scan3A_116, %mul3A_121 : i32
        %add3A_123 = arith.addi %mul3A_38, %mul3A_122 : i32
        %get3A_124 = arith.index_cast %add3A_123 : i32 to index
        %get3A_125 = tpu.vector_load %arg8[%get3A_124] {strides = array<i32>} : memref<1024xf32, #tpu.memory_space<vmem>>, vector<16xf32>,
        %mul3A_126 = arith.constant 5.120000e+02 : f32
        %mul3A_127 = vector.broadcast %mul3A_126 : f32 to vector<16xf32>
        %mul3A_128 = arith.mulf %get3A_120, %mul3A_127 : vector<16xf32>
        %add3A_129 = arith.constant 2.560000e+02 : f32
        %add3A_130 = vector.broadcast %add3A_129 : f32 to vector<16xf32>
        %add3A_131 = arith.addf %mul3A_128, %add3A_130 : vector<16xf32>
        %convert_element_type3A_132 = arith.fptosi %add3A_131 : vector<16xf32> to vector<16xi32>
        %mul3A_133 = arith.constant 5.120000e+02 : f32
        %mul3A_134 = vector.broadcast %mul3A_133 : f32 to vector<16xf32>
        %mul3A_135 = arith.mulf %get3A_125, %mul3A_134 : vector<16xf32>
        %add3A_136 = arith.constant 2.560000e+02 : f32
        %add3A_137 = vector.broadcast %add3A_136 : f32 to vector<16xf32>
        %add3A_138 = arith.addf %mul3A_135, %add3A_137 : vector<16xf32>
        %convert_element_type3A_139 = arith.fptosi %add3A_138 : vector<16xf32> to vector<16xi32>
        %add3A_140 = arith.constant 510 : i32
        %add3A_141 = vector.broadcast %add3A_140 : i32 to vector<16xi32>
        %add3A_142 = arith.addi %convert_element_type3A_139, %add3A_141 : vector<16xi32>
        %and3A = arith.constant 511 : i32
        %and3A_143 = vector.broadcast %and3A : i32 to vector<16xi32>
        %and3A_144 = arith.andi %add3A_142, %and3A_143 : vector<16xi32>
        %shift_right_arithmetic3A = arith.constant 3 : i32
        %shift_right_arithmetic3A_145 = vector.broadcast %shift_right_arithmetic3A : i32 to vector<16xi32>
        %shift_right_arithmetic3A_146 = arith.shrsi %and3A_144, %shift_right_arithmetic3A_145 : vector<16xi32>
        %add3A_147 = arith.constant 510 : i32
        %add3A_148 = vector.broadcast %add3A_147 : i32 to vector<16xi32>
        %add3A_149 = arith.addi %convert_element_type3A_132, %add3A_148 : vector<16xi32>
        %and3A_150 = arith.constant 511 : i32
        %and3A_151 = vector.broadcast %and3A_150 : i32 to vector<16xi32>
        %and3A_152 = arith.andi %add3A_149, %and3A_151 : vector<16xi32>
        %shift_right_arithmetic3A_153 = arith.constant 3 : i32
        %shift_right_arithmetic3A_154 = vector.broadcast %shift_right_arithmetic3A_153 : i32 to vector<16xi32>
        %shift_right_arithmetic3A_155 = arith.shrsi %and3A_152, %shift_right_arithmetic3A_154 : vector<16xi32>
        %add3A_156 = arith.constant 0 : i32
        %add3A_157 = vector.broadcast %add3A_156 : i32 to vector<16xi32>
        %add3A_158 = arith.addi %shift_right_arithmetic3A_155, %add3A_157 : vector<16xi32>
        %and3A_159 = arith.constant 63 : i32
        %and3A_160 = vector.broadcast %and3A_159 : i32 to vector<16xi32>
        %and3A_161 = arith.andi %add3A_158, %and3A_160 : vector<16xi32>
        %mul3A_162 = arith.constant 64 : i32
        %mul3A_163 = vector.broadcast %mul3A_162 : i32 to vector<16xi32>
        %mul3A_164 = arith.muli %shift_right_arithmetic3A_146, %mul3A_163 : vector<16xi32>
        %add3A_165 = arith.addi %mul3A_164, %and3A_161 : vector<16xi32>
        %mul3A_166 = arith.constant 16 : i32
        %mul3A_167 = arith.muli %scan3A_116, %mul3A_166 : i32
        %add3A_168 = arith.constant 0 : i32
        %add3A_169 = arith.addi %add3A_168, %mul3A_167 : i32
        %swap3A = arith.index_cast %add3A_169 : i32 to index
        %swap3A_170 = tpu.vector_load %arg11[%swap3A] {strides = array<i32>} : memref<128xi32, #tpu.memory_space<vmem>>, vector<16xi32>,
        tpu.vector_store %arg11[%swap3A], %add3A_165 {strides = array<i32>} : memref<128xi32, #tpu.memory_space<vmem>>, vector<16xi32>,
        %add3A_171 = arith.constant 1 : i32
        %add3A_172 = vector.broadcast %add3A_171 : i32 to vector<16xi32>
        %add3A_173 = arith.addi %shift_right_arithmetic3A_155, %add3A_172 : vector<16xi32>
        %and3A_174 = arith.constant 63 : i32
        %and3A_175 = vector.broadcast %and3A_174 : i32 to vector<16xi32>
        %and3A_176 = arith.andi %add3A_173, %and3A_175 : vector<16xi32>
        %mul3A_177 = arith.constant 64 : i32
        %mul3A_178 = vector.broadcast %mul3A_177 : i32 to vector<16xi32>
        %mul3A_179 = arith.muli %shift_right_arithmetic3A_146, %mul3A_178 : vector<16xi32>
        %add3A_180 = arith.addi %mul3A_179, %and3A_176 : vector<16xi32>
        %mul3A_181 = arith.constant 16 : i32
        %mul3A_182 = arith.muli %scan3A_116, %mul3A_181 : i32
        %add3A_183 = arith.constant 64 : i32
        %add3A_184 = arith.addi %add3A_183, %mul3A_182 : i32
        %swap3A_185 = arith.index_cast %add3A_184 : i32 to index
        %swap3A_186 = tpu.vector_load %arg11[%swap3A_185] {strides = array<i32>} : memref<128xi32, #tpu.memory_space<vmem>>, vector<16xi32>,
        tpu.vector_store %arg11[%swap3A_185], %add3A_180 {strides = array<i32>} : memref<128xi32, #tpu.memory_space<vmem>>, vector<16xi32>,
      }
      %scan3A_44 = arith.constant 4 : i32
      %dma_start3A_45 = arith.constant 0 : i32
      %dma_start3A_46 = arith.constant 0 : i32
      %dma_start3A_47 = tpu.memref_slice %arg13[%dma_start3A_45, %dma_start3A_46] : memref<128x128xi32, #tpu.memory_space<vmem>> -> memref<64x128xi32, #tpu.memory_space<vmem>>
      %dma_start3A_48 = arith.constant 0 : i32
      %dma_start3A_49 = tpu.memref_slice %arg11[%dma_start3A_48] : memref<128xi32, #tpu.memory_space<vmem>> -> memref<64xi32, #tpu.memory_space<vmem>>
      %dma_start3A_50 = arith.constant 0 : i32
      %dma_start3A_51 = arith.constant 0 : i32
      %dma_start3A_52 = tpu.memref_slice %arg2[%dma_start3A_50, %dma_start3A_51] : memref<4096x128xi32, #tpu.memory_space<hbm>> -> memref<4096x128xi32, #tpu.memory_space<hbm>>
      tpu.enqueue_indirect_dma source(%dma_start3A_52 : memref<4096x128xi32, #tpu.memory_space<hbm>>) target(%dma_start3A_47 : memref<64x128xi32, #tpu.memory_space<vmem>>) offsets(%dma_start3A_49 : memref<64xi32, #tpu.memory_space<vmem>>) semaphore(%arg16 : memref<!tpu.dma_semaphore, #tpu.memory_space<semaphore_mem>>)
      %dma_start3A_53 = arith.constant 64 : i32
      %dma_start3A_54 = arith.constant 0 : i32
      %dma_start3A_55 = tpu.memref_slice %arg13[%dma_start3A_53, %dma_start3A_54] : memref<128x128xi32, #tpu.memory_space<vmem>> -> memref<64x128xi32, #tpu.memory_space<vmem>>
      %dma_start3A_56 = arith.constant 64 : i32
      %dma_start3A_57 = tpu.memref_slice %arg11[%dma_start3A_56] : memref<128xi32, #tpu.memory_space<vmem>> -> memref<64xi32, #tpu.memory_space<vmem>>
      %dma_start3A_58 = arith.constant 0 : i32
      %dma_start3A_59 = arith.constant 0 : i32
      %dma_start3A_60 = tpu.memref_slice %arg2[%dma_start3A_58, %dma_start3A_59] : memref<4096x128xi32, #tpu.memory_space<hbm>> -> memref<4096x128xi32, #tpu.memory_space<hbm>>
      tpu.enqueue_indirect_dma source(%dma_start3A_60 : memref<4096x128xi32, #tpu.memory_space<hbm>>) target(%dma_start3A_55 : memref<64x128xi32, #tpu.memory_space<vmem>>) offsets(%dma_start3A_57 : memref<64xi32, #tpu.memory_space<vmem>>) semaphore(%arg16 : memref<!tpu.dma_semaphore, #tpu.memory_space<semaphore_mem>>)
      %dma_wait3A = arith.constant 0 : i32
      %dma_wait3A_61 = arith.constant 0 : i32
      %dma_wait3A_62 = tpu.memref_slice %arg12[%dma_wait3A, %dma_wait3A_61] : memref<128x128xi32, #tpu.memory_space<vmem>> -> memref<64x128xi32, #tpu.memory_space<vmem>>
      %dma_wait3A_63 = arith.constant 0 : i32
      %dma_wait3A_64 = tpu.memref_slice %arg10[%dma_wait3A_63] : memref<128xi32, #tpu.memory_space<vmem>> -> memref<64xi32, #tpu.memory_space<vmem>>
      %dma_wait3A_65 = arith.constant 0 : i32
      %dma_wait3A_66 = arith.constant 0 : i32
      %dma_wait3A_67 = tpu.memref_slice %arg2[%dma_wait3A_65, %dma_wait3A_66] : memref<4096x128xi32, #tpu.memory_space<hbm>> -> memref<4096x128xi32, #tpu.memory_space<hbm>>
      tpu.wait_indirect_dma semaphore(%arg15 : memref<!tpu.dma_semaphore, #tpu.memory_space<semaphore_mem>>) src(%dma_wait3A_67 : memref<4096x128xi32, #tpu.memory_space<hbm>>) dst(%dma_wait3A_62 : memref<64x128xi32, #tpu.memory_space<vmem>>)
      %dma_wait3A_68 = arith.constant 64 : i32
      %dma_wait3A_69 = arith.constant 0 : i32
      %dma_wait3A_70 = tpu.memref_slice %arg12[%dma_wait3A_68, %dma_wait3A_69] : memref<128x128xi32, #tpu.memory_space<vmem>> -> memref<64x128xi32, #tpu.memory_space<vmem>>
      %dma_wait3A_71 = arith.constant 64 : i32
      %dma_wait3A_72 = tpu.memref_slice %arg10[%dma_wait3A_71] : memref<128xi32, #tpu.memory_space<vmem>> -> memref<64xi32, #tpu.memory_space<vmem>>
      %dma_wait3A_73 = arith.constant 0 : i32
      %dma_wait3A_74 = arith.constant 0 : i32
      %dma_wait3A_75 = tpu.memref_slice %arg2[%dma_wait3A_73, %dma_wait3A_74] : memref<4096x128xi32, #tpu.memory_space<hbm>> -> memref<4096x128xi32, #tpu.memory_space<hbm>>
      tpu.wait_indirect_dma semaphore(%arg15 : memref<!tpu.dma_semaphore, #tpu.memory_space<semaphore_mem>>) src(%dma_wait3A_75 : memref<4096x128xi32, #tpu.memory_space<hbm>>) dst(%dma_wait3A_70 : memref<64x128xi32, #tpu.memory_space<vmem>>)
      %mul3A_76 = arith.constant 64 : i32
      %mul3A_77 = arith.muli %mul3A_34, %mul3A_76 : i32
      %scan3A_78 = arith.constant 0 : i32
      %scan3A_79 = arith.constant 0 : i32
      %scan3A_80 = arith.constant 4 : i32
      %scan3A_81 = arith.addi %scan3A_79, %scan3A_80 : i32
      %scan3A_82 = arith.constant 1 : i32
      scf.for %scan3A_116 = %scan3A_79 to %scan3A_81 step %scan3A_82  : i32 {
        %mul3A_117 = arith.constant 16 : i32
        %mul3A_118 = arith.muli %scan3A_116, %mul3A_117 : i32
        %add3A_119 = arith.addi %mul3A_77, %mul3A_118 : i32
        %get3A = arith.index_cast %add3A_119 : i32 to index
        %get3A_120 = tpu.vector_load %arg7[%get3A] {strides = array<i32>} : memref<1024xf32, #tpu.memory_space<vmem>>, vector<16xf32>,
        %mul3A_121 = arith.constant 16 : i32
        %mul3A_122 = arith.muli %scan3A_116, %mul3A_121 : i32
        %add3A_123 = arith.addi %mul3A_77, %mul3A_122 : i32
        %get3A_124 = arith.index_cast %add3A_123 : i32 to index
        %get3A_125 = tpu.vector_load %arg8[%get3A_124] {strides = array<i32>} : memref<1024xf32, #tpu.memory_space<vmem>>, vector<16xf32>,
        %mul3A_126 = arith.constant 5.120000e+02 : f32
        %mul3A_127 = vector.broadcast %mul3A_126 : f32 to vector<16xf32>
        %mul3A_128 = arith.mulf %get3A_120, %mul3A_127 : vector<16xf32>
        %add3A_129 = arith.constant 2.560000e+02 : f32
        %add3A_130 = vector.broadcast %add3A_129 : f32 to vector<16xf32>
        %add3A_131 = arith.addf %mul3A_128, %add3A_130 : vector<16xf32>
        %mul3A_132 = arith.constant 5.120000e+02 : f32
        %mul3A_133 = vector.broadcast %mul3A_132 : f32 to vector<16xf32>
        %mul3A_134 = arith.mulf %get3A_125, %mul3A_133 : vector<16xf32>
        %add3A_135 = arith.constant 2.560000e+02 : f32
        %add3A_136 = vector.broadcast %add3A_135 : f32 to vector<16xf32>
        %add3A_137 = arith.addf %mul3A_134, %add3A_136 : vector<16xf32>
        %convert_element_type3A_138 = arith.fptosi %add3A_131 : vector<16xf32> to vector<16xi32>
        %convert_element_type3A_139 = arith.fptosi %add3A_137 : vector<16xf32> to vector<16xi32>
        %convert_element_type3A_140 = arith.sitofp %convert_element_type3A_138 : vector<16xi32> to vector<16xf32>
        %sub3A = arith.subf %add3A_131, %convert_element_type3A_140 : vector<16xf32>
        %convert_element_type3A_141 = arith.sitofp %convert_element_type3A_139 : vector<16xi32> to vector<16xf32>
        %sub3A_142 = arith.subf %add3A_137, %convert_element_type3A_141 : vector<16xf32>
        %add3A_143 = arith.constant 510 : i32
        %add3A_144 = vector.broadcast %add3A_143 : i32 to vector<16xi32>
        %add3A_145 = arith.addi %convert_element_type3A_139, %add3A_144 : vector<16xi32>
        %and3A = arith.constant 511 : i32
        %and3A_146 = vector.broadcast %and3A : i32 to vector<16xi32>
        %and3A_147 = arith.andi %add3A_145, %and3A_146 : vector<16xi32>
        %and3A_148 = arith.constant 7 : i32
        %and3A_149 = vector.broadcast %and3A_148 : i32 to vector<16xi32>
        %and3A_150 = arith.andi %and3A_147, %and3A_149 : vector<16xi32>
        %add3A_151 = arith.constant 510 : i32
        %add3A_152 = vector.broadcast %add3A_151 : i32 to vector<16xi32>
        %add3A_153 = arith.addi %convert_element_type3A_138, %add3A_152 : vector<16xi32>
        %and3A_154 = arith.constant 511 : i32
        %and3A_155 = vector.broadcast %and3A_154 : i32 to vector<16xi32>
        %and3A_156 = arith.andi %add3A_153, %and3A_155 : vector<16xi32>
        %shift_right_arithmetic3A = arith.constant 3 : i32
        %shift_right_arithmetic3A_157 = vector.broadcast %shift_right_arithmetic3A : i32 to vector<16xi32>
        %shift_right_arithmetic3A_158 = arith.shrsi %and3A_156, %shift_right_arithmetic3A_157 : vector<16xi32>
        %mul3A_159 = arith.constant -0.259640962 : f32
        %mul3A_160 = vector.broadcast %mul3A_159 : f32 to vector<16xf32>
        %mul3A_161 = arith.mulf %mul3A_160, %sub3A : vector<16xf32>
        %add3A_162 = arith.constant 0.825455963 : f32
        %add3A_163 = vector.broadcast %add3A_162 : f32 to vector<16xf32>
        %add3A_164 = arith.addf %mul3A_161, %add3A_163 : vector<16xf32>
        %mul3A_165 = arith.mulf %add3A_164, %sub3A : vector<16xf32>
        %add3A_166 = arith.constant -1.01572621 : f32
        %add3A_167 = vector.broadcast %add3A_166 : f32 to vector<16xf32>
        %add3A_168 = arith.addf %mul3A_165, %add3A_167 : vector<16xf32>
        %mul3A_169 = arith.mulf %add3A_168, %sub3A : vector<16xf32>
        %add3A_170 = arith.constant 0.582170069 : f32
        %add3A_171 = vector.broadcast %add3A_170 : f32 to vector<16xf32>
        %add3A_172 = arith.addf %mul3A_169, %add3A_171 : vector<16xf32>
        %mul3A_173 = arith.mulf %add3A_172, %sub3A : vector<16xf32>
        %add3A_174 = arith.constant -0.181265756 : f32
        %add3A_175 = vector.broadcast %add3A_174 : f32 to vector<16xf32>
        %add3A_176 = arith.addf %mul3A_173, %add3A_175 : vector<16xf32>
        %mul3A_177 = arith.mulf %add3A_176, %sub3A : vector<16xf32>
        %add3A_178 = arith.constant 0.234230801 : f32
        %add3A_179 = vector.broadcast %add3A_178 : f32 to vector<16xf32>
        %add3A_180 = arith.addf %mul3A_177, %add3A_179 : vector<16xf32>
        %mul3A_181 = arith.mulf %add3A_180, %sub3A : vector<16xf32>
        %add3A_182 = arith.constant -0.356552333 : f32
        %add3A_183 = vector.broadcast %add3A_182 : f32 to vector<16xf32>
        %add3A_184 = arith.addf %mul3A_181, %add3A_183 : vector<16xf32>
        %mul3A_185 = arith.mulf %add3A_184, %sub3A : vector<16xf32>
        %add3A_186 = arith.constant 0.172568098 : f32
        %add3A_187 = vector.broadcast %add3A_186 : f32 to vector<16xf32>
        %add3A_188 = arith.addf %mul3A_185, %add3A_187 : vector<16xf32>
        %mul3A_189 = arith.constant 4.00823745E-4 : f32
        %mul3A_190 = vector.broadcast %mul3A_189 : f32 to vector<16xf32>
        %mul3A_191 = arith.mulf %mul3A_190, %sub3A : vector<16xf32>
        %add3A_192 = arith.constant 0.00316058099 : f32
        %add3A_193 = vector.broadcast %add3A_192 : f32 to vector<16xf32>
        %add3A_194 = arith.addf %mul3A_191, %add3A_193 : vector<16xf32>
        %mul3A_195 = arith.mulf %add3A_194, %sub3A : vector<16xf32>
        %add3A_196 = arith.constant -0.0203458536 : f32
        %add3A_197 = vector.broadcast %add3A_196 : f32 to vector<16xf32>
        %add3A_198 = arith.addf %mul3A_195, %add3A_197 : vector<16xf32>
        %mul3A_199 = arith.mulf %add3A_198, %sub3A : vector<16xf32>
        %add3A_200 = arith.constant -0.00269542518 : f32
        %add3A_201 = vector.broadcast %add3A_200 : f32 to vector<16xf32>
        %add3A_202 = arith.addf %mul3A_199, %add3A_201 : vector<16xf32>
        %mul3A_203 = arith.mulf %add3A_202, %sub3A : vector<16xf32>
        %add3A_204 = arith.constant 0.151545539 : f32
        %add3A_205 = vector.broadcast %add3A_204 : f32 to vector<16xf32>
        %add3A_206 = arith.addf %mul3A_203, %add3A_205 : vector<16xf32>
        %mul3A_207 = arith.mulf %add3A_206, %sub3A : vector<16xf32>
        %add3A_208 = arith.constant -0.0854201168 : f32
        %add3A_209 = vector.broadcast %add3A_208 : f32 to vector<16xf32>
        %add3A_210 = arith.addf %mul3A_207, %add3A_209 : vector<16xf32>
        %mul3A_211 = arith.mulf %add3A_210, %sub3A : vector<16xf32>
        %add3A_212 = arith.constant -5.480290e-01 : f32
        %add3A_213 = vector.broadcast %add3A_212 : f32 to vector<16xf32>
        %add3A_214 = arith.addf %mul3A_211, %add3A_213 : vector<16xf32>
        %mul3A_215 = arith.mulf %add3A_214, %sub3A : vector<16xf32>
        %add3A_216 = arith.constant 0.673937678 : f32
        %add3A_217 = vector.broadcast %add3A_216 : f32 to vector<16xf32>
        %add3A_218 = arith.addf %mul3A_215, %add3A_217 : vector<16xf32>
        %mul3A_219 = arith.constant 0.00118462718 : f32
        %mul3A_220 = vector.broadcast %mul3A_219 : f32 to vector<16xf32>
        %mul3A_221 = arith.mulf %mul3A_220, %sub3A : vector<16xf32>
        %add3A_222 = arith.constant -0.00762139726 : f32
        %add3A_223 = vector.broadcast %add3A_222 : f32 to vector<16xf32>
        %add3A_224 = arith.addf %mul3A_221, %add3A_223 : vector<16xf32>
        %mul3A_225 = arith.mulf %add3A_224, %sub3A : vector<16xf32>
        %add3A_226 = arith.constant 0.00135799486 : f32
        %add3A_227 = vector.broadcast %add3A_226 : f32 to vector<16xf32>
        %add3A_228 = arith.addf %mul3A_225, %add3A_227 : vector<16xf32>
        %mul3A_229 = arith.mulf %add3A_228, %sub3A : vector<16xf32>
        %add3A_230 = arith.constant 0.0622184053 : f32
        %add3A_231 = vector.broadcast %add3A_230 : f32 to vector<16xf32>
        %add3A_232 = arith.addf %mul3A_229, %add3A_231 : vector<16xf32>
        %mul3A_233 = arith.mulf %add3A_232, %sub3A : vector<16xf32>
        %add3A_234 = arith.constant 1.48622465E-4 : f32
        %add3A_235 = vector.broadcast %add3A_234 : f32 to vector<16xf32>
        %add3A_236 = arith.addf %mul3A_233, %add3A_235 : vector<16xf32>
        %mul3A_237 = arith.mulf %add3A_236, %sub3A : vector<16xf32>
        %add3A_238 = arith.constant -0.383351386 : f32
        %add3A_239 = vector.broadcast %add3A_238 : f32 to vector<16xf32>
        %add3A_240 = arith.addf %mul3A_237, %add3A_239 : vector<16xf32>
        %mul3A_241 = arith.mulf %add3A_240, %sub3A : vector<16xf32>
        %add3A_242 = arith.constant 8.41221435E-7 : f32
        %add3A_243 = vector.broadcast %add3A_242 : f32 to vector<16xf32>
        %add3A_244 = arith.addf %mul3A_241, %add3A_243 : vector<16xf32>
        %mul3A_245 = arith.mulf %add3A_244, %sub3A : vector<16xf32>
        %add3A_246 = arith.constant 1.000000e+00 : f32
        %add3A_247 = vector.broadcast %add3A_246 : f32 to vector<16xf32>
        %add3A_248 = arith.addf %mul3A_245, %add3A_247 : vector<16xf32>
        %mul3A_249 = arith.constant -0.00118462718 : f32
        %mul3A_250 = vector.broadcast %mul3A_249 : f32 to vector<16xf32>
        %mul3A_251 = arith.mulf %mul3A_250, %sub3A : vector<16xf32>
        %add3A_252 = arith.constant 6.70992944E-4 : f32
        %add3A_253 = vector.broadcast %add3A_252 : f32 to vector<16xf32>
        %add3A_254 = arith.addf %mul3A_251, %add3A_253 : vector<16xf32>
        %mul3A_255 = arith.mulf %add3A_254, %sub3A : vector<16xf32>
        %add3A_256 = arith.constant 0.0194932185 : f32
        %add3A_257 = vector.broadcast %add3A_256 : f32 to vector<16xf32>
        %add3A_258 = arith.addf %mul3A_255, %add3A_257 : vector<16xf32>
        %mul3A_259 = arith.mulf %add3A_258, %sub3A : vector<16xf32>
        %add3A_260 = arith.constant -0.00385063025 : f32
        %add3A_261 = vector.broadcast %add3A_260 : f32 to vector<16xf32>
        %add3A_262 = arith.addf %mul3A_259, %add3A_261 : vector<16xf32>
        %mul3A_263 = arith.mulf %add3A_262, %sub3A : vector<16xf32>
        %add3A_264 = arith.constant -0.151636198 : f32
        %add3A_265 = vector.broadcast %add3A_264 : f32 to vector<16xf32>
        %add3A_266 = arith.addf %mul3A_263, %add3A_265 : vector<16xf32>
        %mul3A_267 = arith.mulf %add3A_266, %sub3A : vector<16xf32>
        %add3A_268 = arith.constant -0.0854589492 : f32
        %add3A_269 = vector.broadcast %add3A_268 : f32 to vector<16xf32>
        %add3A_270 = arith.addf %mul3A_267, %add3A_269 : vector<16xf32>
        %mul3A_271 = arith.mulf %add3A_270, %sub3A : vector<16xf32>
        %add3A_272 = arith.constant 0.548028469 : f32
        %add3A_273 = vector.broadcast %add3A_272 : f32 to vector<16xf32>
        %add3A_274 = arith.addf %mul3A_271, %add3A_273 : vector<16xf32>
        %mul3A_275 = arith.mulf %add3A_274, %sub3A : vector<16xf32>
        %add3A_276 = arith.constant 0.673937678 : f32
        %add3A_277 = vector.broadcast %add3A_276 : f32 to vector<16xf32>
        %add3A_278 = arith.addf %mul3A_275, %add3A_277 : vector<16xf32>
        %mul3A_279 = arith.constant -4.00823745E-4 : f32
        %mul3A_280 = vector.broadcast %mul3A_279 : f32 to vector<16xf32>
        %mul3A_281 = arith.mulf %mul3A_280, %sub3A : vector<16xf32>
        %add3A_282 = arith.constant 0.00596634718 : f32
        %add3A_283 = vector.broadcast %add3A_282 : f32 to vector<16xf32>
        %add3A_284 = arith.addf %mul3A_281, %add3A_283 : vector<16xf32>
        %mul3A_285 = arith.mulf %add3A_284, %sub3A : vector<16xf32>
        %add3A_286 = arith.constant -0.00703493087 : f32
        %add3A_287 = vector.broadcast %add3A_286 : f32 to vector<16xf32>
        %add3A_288 = arith.addf %mul3A_285, %add3A_287 : vector<16xf32>
        %mul3A_289 = arith.mulf %add3A_288, %sub3A : vector<16xf32>
        %add3A_290 = arith.constant -0.0429871492 : f32
        %add3A_291 = vector.broadcast %add3A_290 : f32 to vector<16xf32>
        %add3A_292 = arith.addf %mul3A_289, %add3A_291 : vector<16xf32>
        %mul3A_293 = arith.mulf %add3A_292, %sub3A : vector<16xf32>
        %add3A_294 = arith.constant -0.0145457434 : f32
        %add3A_295 = vector.broadcast %add3A_294 : f32 to vector<16xf32>
        %add3A_296 = arith.addf %mul3A_293, %add3A_295 : vector<16xf32>
        %mul3A_297 = arith.mulf %add3A_296, %sub3A : vector<16xf32>
        %add3A_298 = arith.constant 0.205411404 : f32
        %add3A_299 = vector.broadcast %add3A_298 : f32 to vector<16xf32>
        %add3A_300 = arith.addf %mul3A_297, %add3A_299 : vector<16xf32>
        %mul3A_301 = arith.mulf %add3A_300, %sub3A : vector<16xf32>
        %add3A_302 = arith.constant 0.354974359 : f32
        %add3A_303 = vector.broadcast %add3A_302 : f32 to vector<16xf32>
        %add3A_304 = arith.addf %mul3A_301, %add3A_303 : vector<16xf32>
        %mul3A_305 = arith.mulf %add3A_304, %sub3A : vector<16xf32>
        %add3A_306 = arith.constant 0.172554255 : f32
        %add3A_307 = vector.broadcast %add3A_306 : f32 to vector<16xf32>
        %add3A_308 = arith.addf %mul3A_305, %add3A_307 : vector<16xf32>
        %mul3A_309 = arith.constant 0.259640962 : f32
        %mul3A_310 = vector.broadcast %mul3A_309 : f32 to vector<16xf32>
        %mul3A_311 = arith.mulf %mul3A_310, %sub3A : vector<16xf32>
        %add3A_312 = arith.constant -0.992030799 : f32
        %add3A_313 = vector.broadcast %add3A_312 : f32 to vector<16xf32>
        %add3A_314 = arith.addf %mul3A_311, %add3A_313 : vector<16xf32>
        %mul3A_315 = arith.mulf %add3A_314, %sub3A : vector<16xf32>
        %add3A_316 = arith.constant 1.51545095 : f32
        %add3A_317 = vector.broadcast %add3A_316 : f32 to vector<16xf32>
        %add3A_318 = arith.addf %mul3A_315, %add3A_317 : vector<16xf32>
        %mul3A_319 = arith.mulf %add3A_318, %sub3A : vector<16xf32>
        %add3A_320 = arith.constant -1.20205593 : f32
        %add3A_321 = vector.broadcast %add3A_320 : f32 to vector<16xf32>
        %add3A_322 = arith.addf %mul3A_319, %add3A_321 : vector<16xf32>
        %mul3A_323 = arith.mulf %add3A_322, %sub3A : vector<16xf32>
        %add3A_324 = arith.constant 0.588163078 : f32
        %add3A_325 = vector.broadcast %add3A_324 : f32 to vector<16xf32>
        %add3A_326 = arith.addf %mul3A_323, %add3A_325 : vector<16xf32>
        %mul3A_327 = arith.mulf %add3A_326, %sub3A : vector<16xf32>
        %add3A_328 = arith.constant -0.0444298461 : f32
        %add3A_329 = vector.broadcast %add3A_328 : f32 to vector<16xf32>
        %add3A_330 = arith.addf %mul3A_327, %add3A_329 : vector<16xf32>
        %mul3A_331 = arith.mulf %add3A_330, %sub3A : vector<16xf32>
        %add3A_332 = arith.constant 0.046590168 : f32
        %add3A_333 = vector.broadcast %add3A_332 : f32 to vector<16xf32>
        %add3A_334 = arith.addf %mul3A_331, %add3A_333 : vector<16xf32>
        %mul3A_335 = arith.mulf %add3A_334, %sub3A : vector<16xf32>
        %add3A_336 = arith.constant 0.00123958976 : f32
        %add3A_337 = vector.broadcast %add3A_336 : f32 to vector<16xf32>
        %add3A_338 = arith.addf %mul3A_335, %add3A_337 : vector<16xf32>
        %mul3A_339 = arith.constant -0.259640962 : f32
        %mul3A_340 = vector.broadcast %mul3A_339 : f32 to vector<16xf32>
        %mul3A_341 = arith.mulf %mul3A_340, %sub3A_142 : vector<16xf32>
        %add3A_342 = arith.constant 0.825455963 : f32
        %add3A_343 = vector.broadcast %add3A_342 : f32 to vector<16xf32>
        %add3A_344 = arith.addf %mul3A_341, %add3A_343 : vector<16xf32>
        %mul3A_345 = arith.mulf %add3A_344, %sub3A_142 : vector<16xf32>
        %add3A_346 = arith.constant -1.01572621 : f32
        %add3A_347 = vector.broadcast %add3A_346 : f32 to vector<16xf32>
        %add3A_348 = arith.addf %mul3A_345, %add3A_347 : vector<16xf32>
        %mul3A_349 = arith.mulf %add3A_348, %sub3A_142 : vector<16xf32>
        %add3A_350 = arith.constant 0.582170069 : f32
        %add3A_351 = vector.broadcast %add3A_350 : f32 to vector<16xf32>
        %add3A_352 = arith.addf %mul3A_349, %add3A_351 : vector<16xf32>
        %mul3A_353 = arith.mulf %add3A_352, %sub3A_142 : vector<16xf32>
        %add3A_354 = arith.constant -0.181265756 : f32
        %add3A_355 = vector.broadcast %add3A_354 : f32 to vector<16xf32>
        %add3A_356 = arith.addf %mul3A_353, %add3A_355 : vector<16xf32>
        %mul3A_357 = arith.mulf %add3A_356, %sub3A_142 : vector<16xf32>
        %add3A_358 = arith.constant 0.234230801 : f32
        %add3A_359 = vector.broadcast %add3A_358 : f32 to vector<16xf32>
        %add3A_360 = arith.addf %mul3A_357, %add3A_359 : vector<16xf32>
        %mul3A_361 = arith.mulf %add3A_360, %sub3A_142 : vector<16xf32>
        %add3A_362 = arith.constant -0.356552333 : f32
        %add3A_363 = vector.broadcast %add3A_362 : f32 to vector<16xf32>
        %add3A_364 = arith.addf %mul3A_361, %add3A_363 : vector<16xf32>
        %mul3A_365 = arith.mulf %add3A_364, %sub3A_142 : vector<16xf32>
        %add3A_366 = arith.constant 0.172568098 : f32
        %add3A_367 = vector.broadcast %add3A_366 : f32 to vector<16xf32>
        %add3A_368 = arith.addf %mul3A_365, %add3A_367 : vector<16xf32>
        %mul3A_369 = arith.constant 4.00823745E-4 : f32
        %mul3A_370 = vector.broadcast %mul3A_369 : f32 to vector<16xf32>
        %mul3A_371 = arith.mulf %mul3A_370, %sub3A_142 : vector<16xf32>
        %add3A_372 = arith.constant 0.00316058099 : f32
        %add3A_373 = vector.broadcast %add3A_372 : f32 to vector<16xf32>
        %add3A_374 = arith.addf %mul3A_371, %add3A_373 : vector<16xf32>
        %mul3A_375 = arith.mulf %add3A_374, %sub3A_142 : vector<16xf32>
        %add3A_376 = arith.constant -0.0203458536 : f32
        %add3A_377 = vector.broadcast %add3A_376 : f32 to vector<16xf32>
        %add3A_378 = arith.addf %mul3A_375, %add3A_377 : vector<16xf32>
        %mul3A_379 = arith.mulf %add3A_378, %sub3A_142 : vector<16xf32>
        %add3A_380 = arith.constant -0.00269542518 : f32
        %add3A_381 = vector.broadcast %add3A_380 : f32 to vector<16xf32>
        %add3A_382 = arith.addf %mul3A_379, %add3A_381 : vector<16xf32>
        %mul3A_383 = arith.mulf %add3A_382, %sub3A_142 : vector<16xf32>
        %add3A_384 = arith.constant 0.151545539 : f32
        %add3A_385 = vector.broadcast %add3A_384 : f32 to vector<16xf32>
        %add3A_386 = arith.addf %mul3A_383, %add3A_385 : vector<16xf32>
        %mul3A_387 = arith.mulf %add3A_386, %sub3A_142 : vector<16xf32>
        %add3A_388 = arith.constant -0.0854201168 : f32
        %add3A_389 = vector.broadcast %add3A_388 : f32 to vector<16xf32>
        %add3A_390 = arith.addf %mul3A_387, %add3A_389 : vector<16xf32>
        %mul3A_391 = arith.mulf %add3A_390, %sub3A_142 : vector<16xf32>
        %add3A_392 = arith.constant -5.480290e-01 : f32
        %add3A_393 = vector.broadcast %add3A_392 : f32 to vector<16xf32>
        %add3A_394 = arith.addf %mul3A_391, %add3A_393 : vector<16xf32>
        %mul3A_395 = arith.mulf %add3A_394, %sub3A_142 : vector<16xf32>
        %add3A_396 = arith.constant 0.673937678 : f32
        %add3A_397 = vector.broadcast %add3A_396 : f32 to vector<16xf32>
        %add3A_398 = arith.addf %mul3A_395, %add3A_397 : vector<16xf32>
        %mul3A_399 = arith.constant 0.00118462718 : f32
        %mul3A_400 = vector.broadcast %mul3A_399 : f32 to vector<16xf32>
        %mul3A_401 = arith.mulf %mul3A_400, %sub3A_142 : vector<16xf32>
        %add3A_402 = arith.constant -0.00762139726 : f32
        %add3A_403 = vector.broadcast %add3A_402 : f32 to vector<16xf32>
        %add3A_404 = arith.addf %mul3A_401, %add3A_403 : vector<16xf32>
        %mul3A_405 = arith.mulf %add3A_404, %sub3A_142 : vector<16xf32>
        %add3A_406 = arith.constant 0.00135799486 : f32
        %add3A_407 = vector.broadcast %add3A_406 : f32 to vector<16xf32>
        %add3A_408 = arith.addf %mul3A_405, %add3A_407 : vector<16xf32>
        %mul3A_409 = arith.mulf %add3A_408, %sub3A_142 : vector<16xf32>
        %add3A_410 = arith.constant 0.0622184053 : f32
        %add3A_411 = vector.broadcast %add3A_410 : f32 to vector<16xf32>
        %add3A_412 = arith.addf %mul3A_409, %add3A_411 : vector<16xf32>
        %mul3A_413 = arith.mulf %add3A_412, %sub3A_142 : vector<16xf32>
        %add3A_414 = arith.constant 1.48622465E-4 : f32
        %add3A_415 = vector.broadcast %add3A_414 : f32 to vector<16xf32>
        %add3A_416 = arith.addf %mul3A_413, %add3A_415 : vector<16xf32>
        %mul3A_417 = arith.mulf %add3A_416, %sub3A_142 : vector<16xf32>
        %add3A_418 = arith.constant -0.383351386 : f32
        %add3A_419 = vector.broadcast %add3A_418 : f32 to vector<16xf32>
        %add3A_420 = arith.addf %mul3A_417, %add3A_419 : vector<16xf32>
        %mul3A_421 = arith.mulf %add3A_420, %sub3A_142 : vector<16xf32>
        %add3A_422 = arith.constant 8.41221435E-7 : f32
        %add3A_423 = vector.broadcast %add3A_422 : f32 to vector<16xf32>
        %add3A_424 = arith.addf %mul3A_421, %add3A_423 : vector<16xf32>
        %mul3A_425 = arith.mulf %add3A_424, %sub3A_142 : vector<16xf32>
        %add3A_426 = arith.constant 1.000000e+00 : f32
        %add3A_427 = vector.broadcast %add3A_426 : f32 to vector<16xf32>
        %add3A_428 = arith.addf %mul3A_425, %add3A_427 : vector<16xf32>
        %mul3A_429 = arith.constant -0.00118462718 : f32
        %mul3A_430 = vector.broadcast %mul3A_429 : f32 to vector<16xf32>
        %mul3A_431 = arith.mulf %mul3A_430, %sub3A_142 : vector<16xf32>
        %add3A_432 = arith.constant 6.70992944E-4 : f32
        %add3A_433 = vector.broadcast %add3A_432 : f32 to vector<16xf32>
        %add3A_434 = arith.addf %mul3A_431, %add3A_433 : vector<16xf32>
        %mul3A_435 = arith.mulf %add3A_434, %sub3A_142 : vector<16xf32>
        %add3A_436 = arith.constant 0.0194932185 : f32
        %add3A_437 = vector.broadcast %add3A_436 : f32 to vector<16xf32>
        %add3A_438 = arith.addf %mul3A_435, %add3A_437 : vector<16xf32>
        %mul3A_439 = arith.mulf %add3A_438, %sub3A_142 : vector<16xf32>
        %add3A_440 = arith.constant -0.00385063025 : f32
        %add3A_441 = vector.broadcast %add3A_440 : f32 to vector<16xf32>
        %add3A_442 = arith.addf %mul3A_439, %add3A_441 : vector<16xf32>
        %mul3A_443 = arith.mulf %add3A_442, %sub3A_142 : vector<16xf32>
        %add3A_444 = arith.constant -0.151636198 : f32
        %add3A_445 = vector.broadcast %add3A_444 : f32 to vector<16xf32>
        %add3A_446 = arith.addf %mul3A_443, %add3A_445 : vector<16xf32>
        %mul3A_447 = arith.mulf %add3A_446, %sub3A_142 : vector<16xf32>
        %add3A_448 = arith.constant -0.0854589492 : f32
        %add3A_449 = vector.broadcast %add3A_448 : f32 to vector<16xf32>
        %add3A_450 = arith.addf %mul3A_447, %add3A_449 : vector<16xf32>
        %mul3A_451 = arith.mulf %add3A_450, %sub3A_142 : vector<16xf32>
        %add3A_452 = arith.constant 0.548028469 : f32
        %add3A_453 = vector.broadcast %add3A_452 : f32 to vector<16xf32>
        %add3A_454 = arith.addf %mul3A_451, %add3A_453 : vector<16xf32>
        %mul3A_455 = arith.mulf %add3A_454, %sub3A_142 : vector<16xf32>
        %add3A_456 = arith.constant 0.673937678 : f32
        %add3A_457 = vector.broadcast %add3A_456 : f32 to vector<16xf32>
        %add3A_458 = arith.addf %mul3A_455, %add3A_457 : vector<16xf32>
        %mul3A_459 = arith.constant -4.00823745E-4 : f32
        %mul3A_460 = vector.broadcast %mul3A_459 : f32 to vector<16xf32>
        %mul3A_461 = arith.mulf %mul3A_460, %sub3A_142 : vector<16xf32>
        %add3A_462 = arith.constant 0.00596634718 : f32
        %add3A_463 = vector.broadcast %add3A_462 : f32 to vector<16xf32>
        %add3A_464 = arith.addf %mul3A_461, %add3A_463 : vector<16xf32>
        %mul3A_465 = arith.mulf %add3A_464, %sub3A_142 : vector<16xf32>
        %add3A_466 = arith.constant -0.00703493087 : f32
        %add3A_467 = vector.broadcast %add3A_466 : f32 to vector<16xf32>
        %add3A_468 = arith.addf %mul3A_465, %add3A_467 : vector<16xf32>
        %mul3A_469 = arith.mulf %add3A_468, %sub3A_142 : vector<16xf32>
        %add3A_470 = arith.constant -0.0429871492 : f32
        %add3A_471 = vector.broadcast %add3A_470 : f32 to vector<16xf32>
        %add3A_472 = arith.addf %mul3A_469, %add3A_471 : vector<16xf32>
        %mul3A_473 = arith.mulf %add3A_472, %sub3A_142 : vector<16xf32>
        %add3A_474 = arith.constant -0.0145457434 : f32
        %add3A_475 = vector.broadcast %add3A_474 : f32 to vector<16xf32>
        %add3A_476 = arith.addf %mul3A_473, %add3A_475 : vector<16xf32>
        %mul3A_477 = arith.mulf %add3A_476, %sub3A_142 : vector<16xf32>
        %add3A_478 = arith.constant 0.205411404 : f32
        %add3A_479 = vector.broadcast %add3A_478 : f32 to vector<16xf32>
        %add3A_480 = arith.addf %mul3A_477, %add3A_479 : vector<16xf32>
        %mul3A_481 = arith.mulf %add3A_480, %sub3A_142 : vector<16xf32>
        %add3A_482 = arith.constant 0.354974359 : f32
        %add3A_483 = vector.broadcast %add3A_482 : f32 to vector<16xf32>
        %add3A_484 = arith.addf %mul3A_481, %add3A_483 : vector<16xf32>
        %mul3A_485 = arith.mulf %add3A_484, %sub3A_142 : vector<16xf32>
        %add3A_486 = arith.constant 0.172554255 : f32
        %add3A_487 = vector.broadcast %add3A_486 : f32 to vector<16xf32>
        %add3A_488 = arith.addf %mul3A_485, %add3A_487 : vector<16xf32>
        %mul3A_489 = arith.constant 0.259640962 : f32
        %mul3A_490 = vector.broadcast %mul3A_489 : f32 to vector<16xf32>
        %mul3A_491 = arith.mulf %mul3A_490, %sub3A_142 : vector<16xf32>
        %add3A_492 = arith.constant -0.992030799 : f32
        %add3A_493 = vector.broadcast %add3A_492 : f32 to vector<16xf32>
        %add3A_494 = arith.addf %mul3A_491, %add3A_493 : vector<16xf32>
        %mul3A_495 = arith.mulf %add3A_494, %sub3A_142 : vector<16xf32>
        %add3A_496 = arith.constant 1.51545095 : f32
        %add3A_497 = vector.broadcast %add3A_496 : f32 to vector<16xf32>
        %add3A_498 = arith.addf %mul3A_495, %add3A_497 : vector<16xf32>
        %mul3A_499 = arith.mulf %add3A_498, %sub3A_142 : vector<16xf32>
        %add3A_500 = arith.constant -1.20205593 : f32
        %add3A_501 = vector.broadcast %add3A_500 : f32 to vector<16xf32>
        %add3A_502 = arith.addf %mul3A_499, %add3A_501 : vector<16xf32>
        %mul3A_503 = arith.mulf %add3A_502, %sub3A_142 : vector<16xf32>
        %add3A_504 = arith.constant 0.588163078 : f32
        %add3A_505 = vector.broadcast %add3A_504 : f32 to vector<16xf32>
        %add3A_506 = arith.addf %mul3A_503, %add3A_505 : vector<16xf32>
        %mul3A_507 = arith.mulf %add3A_506, %sub3A_142 : vector<16xf32>
        %add3A_508 = arith.constant -0.0444298461 : f32
        %add3A_509 = vector.broadcast %add3A_508 : f32 to vector<16xf32>
        %add3A_510 = arith.addf %mul3A_507, %add3A_509 : vector<16xf32>
        %mul3A_511 = arith.mulf %add3A_510, %sub3A_142 : vector<16xf32>
        %add3A_512 = arith.constant 0.046590168 : f32
        %add3A_513 = vector.broadcast %add3A_512 : f32 to vector<16xf32>
        %add3A_514 = arith.addf %mul3A_511, %add3A_513 : vector<16xf32>
        %mul3A_515 = arith.mulf %add3A_514, %sub3A_142 : vector<16xf32>
        %add3A_516 = arith.constant 0.00123958976 : f32
        %add3A_517 = vector.broadcast %add3A_516 : f32 to vector<16xf32>
        %add3A_518 = arith.addf %mul3A_515, %add3A_517 : vector<16xf32>
        %mul3A_519 = arith.constant 16 : i32
        %mul3A_520 = arith.muli %scan3A_116, %mul3A_519 : i32
        %add3A_521 = vector.broadcast %mul3A_520 : i32 to vector<16xi32>
        %add3A_522 = arith.addi %add3A_521, %iota3A : vector<16xi32>
        %add3A_523 = arith.constant 0 : i32
        %add3A_524 = vector.broadcast %add3A_523 : i32 to vector<16xi32>
        %add3A_525 = arith.addi %and3A_156, %add3A_524 : vector<16xi32>
        %shift_right_arithmetic3A_526 = arith.constant 3 : i32
        %shift_right_arithmetic3A_527 = vector.broadcast %shift_right_arithmetic3A_526 : i32 to vector<16xi32>
        %shift_right_arithmetic3A_528 = arith.shrsi %add3A_525, %shift_right_arithmetic3A_527 : vector<16xi32>
        %sub3A_529 = arith.subi %shift_right_arithmetic3A_528, %shift_right_arithmetic3A_158 : vector<16xi32>
        %mul3A_530 = arith.constant 64 : i32
        %mul3A_531 = vector.broadcast %mul3A_530 : i32 to vector<16xi32>
        %mul3A_532 = arith.muli %sub3A_529, %mul3A_531 : vector<16xi32>
        %add3A_533 = arith.addi %mul3A_532, %add3A_522 : vector<16xi32>
        %and3A_534 = arith.constant 7 : i32
        %and3A_535 = vector.broadcast %and3A_534 : i32 to vector<16xi32>
        %and3A_536 = arith.andi %add3A_525, %and3A_535 : vector<16xi32>
        %mul3A_537 = arith.constant 16 : i32
        %mul3A_538 = vector.broadcast %mul3A_537 : i32 to vector<16xi32>
        %mul3A_539 = arith.muli %and3A_536, %mul3A_538 : vector<16xi32>
        %add3A_540 = arith.addi %mul3A_539, %and3A_150 : vector<16xi32>
        %add3A_541 = arith.constant 1 : i32
        %add3A_542 = vector.broadcast %add3A_541 : i32 to vector<16xi32>
        %add3A_543 = arith.addi %and3A_156, %add3A_542 : vector<16xi32>
        %shift_right_arithmetic3A_544 = arith.constant 3 : i32
        %shift_right_arithmetic3A_545 = vector.broadcast %shift_right_arithmetic3A_544 : i32 to vector<16xi32>
        %shift_right_arithmetic3A_546 = arith.shrsi %add3A_543, %shift_right_arithmetic3A_545 : vector<16xi32>
        %sub3A_547 = arith.subi %shift_right_arithmetic3A_546, %shift_right_arithmetic3A_158 : vector<16xi32>
        %mul3A_548 = arith.constant 64 : i32
        %mul3A_549 = vector.broadcast %mul3A_548 : i32 to vector<16xi32>
        %mul3A_550 = arith.muli %sub3A_547, %mul3A_549 : vector<16xi32>
        %add3A_551 = arith.addi %mul3A_550, %add3A_522 : vector<16xi32>
        %and3A_552 = arith.constant 7 : i32
        %and3A_553 = vector.broadcast %and3A_552 : i32 to vector<16xi32>
        %and3A_554 = arith.andi %add3A_543, %and3A_553 : vector<16xi32>
        %mul3A_555 = arith.constant 16 : i32
        %mul3A_556 = vector.broadcast %mul3A_555 : i32 to vector<16xi32>
        %mul3A_557 = arith.muli %and3A_554, %mul3A_556 : vector<16xi32>
        %add3A_558 = arith.addi %mul3A_557, %and3A_150 : vector<16xi32>
        %add3A_559 = arith.constant 2 : i32
        %add3A_560 = vector.broadcast %add3A_559 : i32 to vector<16xi32>
        %add3A_561 = arith.addi %and3A_156, %add3A_560 : vector<16xi32>
        %shift_right_arithmetic3A_562 = arith.constant 3 : i32
        %shift_right_arithmetic3A_563 = vector.broadcast %shift_right_arithmetic3A_562 : i32 to vector<16xi32>
        %shift_right_arithmetic3A_564 = arith.shrsi %add3A_561, %shift_right_arithmetic3A_563 : vector<16xi32>
        %sub3A_565 = arith.subi %shift_right_arithmetic3A_564, %shift_right_arithmetic3A_158 : vector<16xi32>
        %mul3A_566 = arith.constant 64 : i32
        %mul3A_567 = vector.broadcast %mul3A_566 : i32 to vector<16xi32>
        %mul3A_568 = arith.muli %sub3A_565, %mul3A_567 : vector<16xi32>
        %add3A_569 = arith.addi %mul3A_568, %add3A_522 : vector<16xi32>
        %and3A_570 = arith.constant 7 : i32
        %and3A_571 = vector.broadcast %and3A_570 : i32 to vector<16xi32>
        %and3A_572 = arith.andi %add3A_561, %and3A_571 : vector<16xi32>
        %mul3A_573 = arith.constant 16 : i32
        %mul3A_574 = vector.broadcast %mul3A_573 : i32 to vector<16xi32>
        %mul3A_575 = arith.muli %and3A_572, %mul3A_574 : vector<16xi32>
        %add3A_576 = arith.addi %mul3A_575, %and3A_150 : vector<16xi32>
        %add3A_577 = arith.constant 3 : i32
        %add3A_578 = vector.broadcast %add3A_577 : i32 to vector<16xi32>
        %add3A_579 = arith.addi %and3A_156, %add3A_578 : vector<16xi32>
        %shift_right_arithmetic3A_580 = arith.constant 3 : i32
        %shift_right_arithmetic3A_581 = vector.broadcast %shift_right_arithmetic3A_580 : i32 to vector<16xi32>
        %shift_right_arithmetic3A_582 = arith.shrsi %add3A_579, %shift_right_arithmetic3A_581 : vector<16xi32>
        %sub3A_583 = arith.subi %shift_right_arithmetic3A_582, %shift_right_arithmetic3A_158 : vector<16xi32>
        %mul3A_584 = arith.constant 64 : i32
        %mul3A_585 = vector.broadcast %mul3A_584 : i32 to vector<16xi32>
        %mul3A_586 = arith.muli %sub3A_583, %mul3A_585 : vector<16xi32>
        %add3A_587 = arith.addi %mul3A_586, %add3A_522 : vector<16xi32>
        %and3A_588 = arith.constant 7 : i32
        %and3A_589 = vector.broadcast %and3A_588 : i32 to vector<16xi32>
        %and3A_590 = arith.andi %add3A_579, %and3A_589 : vector<16xi32>
        %mul3A_591 = arith.constant 16 : i32
        %mul3A_592 = vector.broadcast %mul3A_591 : i32 to vector<16xi32>
        %mul3A_593 = arith.muli %and3A_590, %mul3A_592 : vector<16xi32>
        %add3A_594 = arith.addi %mul3A_593, %and3A_150 : vector<16xi32>
        %add3A_595 = arith.constant 4 : i32
        %add3A_596 = vector.broadcast %add3A_595 : i32 to vector<16xi32>
        %add3A_597 = arith.addi %and3A_156, %add3A_596 : vector<16xi32>
        %shift_right_arithmetic3A_598 = arith.constant 3 : i32
        %shift_right_arithmetic3A_599 = vector.broadcast %shift_right_arithmetic3A_598 : i32 to vector<16xi32>
        %shift_right_arithmetic3A_600 = arith.shrsi %add3A_597, %shift_right_arithmetic3A_599 : vector<16xi32>
        %sub3A_601 = arith.subi %shift_right_arithmetic3A_600, %shift_right_arithmetic3A_158 : vector<16xi32>
        %mul3A_602 = arith.constant 64 : i32
        %mul3A_603 = vector.broadcast %mul3A_602 : i32 to vector<16xi32>
        %mul3A_604 = arith.muli %sub3A_601, %mul3A_603 : vector<16xi32>
        %add3A_605 = arith.addi %mul3A_604, %add3A_522 : vector<16xi32>
        %and3A_606 = arith.constant 7 : i32
        %and3A_607 = vector.broadcast %and3A_606 : i32 to vector<16xi32>
        %and3A_608 = arith.andi %add3A_597, %and3A_607 : vector<16xi32>
        %mul3A_609 = arith.constant 16 : i32
        %mul3A_610 = vector.broadcast %mul3A_609 : i32 to vector<16xi32>
        %mul3A_611 = arith.muli %and3A_608, %mul3A_610 : vector<16xi32>
        %add3A_612 = arith.addi %mul3A_611, %and3A_150 : vector<16xi32>
        %add3A_613 = arith.constant 5 : i32
        %add3A_614 = vector.broadcast %add3A_613 : i32 to vector<16xi32>
        %add3A_615 = arith.addi %and3A_156, %add3A_614 : vector<16xi32>
        %shift_right_arithmetic3A_616 = arith.constant 3 : i32
        %shift_right_arithmetic3A_617 = vector.broadcast %shift_right_arithmetic3A_616 : i32 to vector<16xi32>
        %shift_right_arithmetic3A_618 = arith.shrsi %add3A_615, %shift_right_arithmetic3A_617 : vector<16xi32>
        %sub3A_619 = arith.subi %shift_right_arithmetic3A_618, %shift_right_arithmetic3A_158 : vector<16xi32>
        %mul3A_620 = arith.constant 64 : i32
        %mul3A_621 = vector.broadcast %mul3A_620 : i32 to vector<16xi32>
        %mul3A_622 = arith.muli %sub3A_619, %mul3A_621 : vector<16xi32>
        %add3A_623 = arith.addi %mul3A_622, %add3A_522 : vector<16xi32>
        %and3A_624 = arith.constant 7 : i32
        %and3A_625 = vector.broadcast %and3A_624 : i32 to vector<16xi32>
        %and3A_626 = arith.andi %add3A_615, %and3A_625 : vector<16xi32>
        %mul3A_627 = arith.constant 16 : i32
        %mul3A_628 = vector.broadcast %mul3A_627 : i32 to vector<16xi32>
        %mul3A_629 = arith.muli %and3A_626, %mul3A_628 : vector<16xi32>
        %add3A_630 = arith.addi %mul3A_629, %and3A_150 : vector<16xi32>
        %broadcast_in_dim3A = arith.constant -65536 : i32
        %broadcast_in_dim3A_631 = vector.broadcast %broadcast_in_dim3A : i32 to vector<16xi32>
        %add3A_632 = arith.constant 0 : i32
        %add3A_633 = vector.broadcast %add3A_632 : i32 to vector<16xi32>
        %add3A_634 = arith.addi %add3A_540, %add3A_633 : vector<16xi32>
        %gather3A = tpu.vector_load_idx %arg12[%add3A_533, %add3A_634] : memref<128x128xi32, #tpu.memory_space<vmem>>[vector<16xi32>, vector<16xi32>], vector<16xi32>,
        %and3A_635 = arith.andi %gather3A, %broadcast_in_dim3A_631 : vector<16xi32>
        %bitcast3A = vector.bitcast %and3A_635 : vector<16xi32> to vector<16xf32>
        %shift_left3A = arith.constant 16 : i32
        %shift_left3A_636 = vector.broadcast %shift_left3A : i32 to vector<16xi32>
        %shift_left3A_637 = arith.shli %gather3A, %shift_left3A_636 : vector<16xi32>
        %bitcast3A_638 = vector.bitcast %shift_left3A_637 : vector<16xi32> to vector<16xf32>
        %mul3A_639 = arith.mulf %add3A_188, %bitcast3A : vector<16xf32>
        %mul3A_640 = arith.mulf %add3A_188, %bitcast3A_638 : vector<16xf32>
        %add3A_641 = arith.constant 0 : i32
        %add3A_642 = vector.broadcast %add3A_641 : i32 to vector<16xi32>
        %add3A_643 = arith.addi %add3A_558, %add3A_642 : vector<16xi32>
        %gather3A_644 = tpu.vector_load_idx %arg12[%add3A_551, %add3A_643] : memref<128x128xi32, #tpu.memory_space<vmem>>[vector<16xi32>, vector<16xi32>], vector<16xi32>,
        %and3A_645 = arith.andi %gather3A_644, %broadcast_in_dim3A_631 : vector<16xi32>
        %bitcast3A_646 = vector.bitcast %and3A_645 : vector<16xi32> to vector<16xf32>
        %shift_left3A_647 = arith.constant 16 : i32
        %shift_left3A_648 = vector.broadcast %shift_left3A_647 : i32 to vector<16xi32>
        %shift_left3A_649 = arith.shli %gather3A_644, %shift_left3A_648 : vector<16xi32>
        %bitcast3A_650 = vector.bitcast %shift_left3A_649 : vector<16xi32> to vector<16xf32>
        %mul3A_651 = arith.mulf %add3A_218, %bitcast3A_646 : vector<16xf32>
        %add3A_652 = arith.addf %mul3A_639, %mul3A_651 : vector<16xf32>
        %mul3A_653 = arith.mulf %add3A_218, %bitcast3A_650 : vector<16xf32>
        %add3A_654 = arith.addf %mul3A_640, %mul3A_653 : vector<16xf32>
        %add3A_655 = arith.constant 0 : i32
        %add3A_656 = vector.broadcast %add3A_655 : i32 to vector<16xi32>
        %add3A_657 = arith.addi %add3A_576, %add3A_656 : vector<16xi32>
        %gather3A_658 = tpu.vector_load_idx %arg12[%add3A_569, %add3A_657] : memref<128x128xi32, #tpu.memory_space<vmem>>[vector<16xi32>, vector<16xi32>], vector<16xi32>,
        %and3A_659 = arith.andi %gather3A_658, %broadcast_in_dim3A_631 : vector<16xi32>
        %bitcast3A_660 = vector.bitcast %and3A_659 : vector<16xi32> to vector<16xf32>
        %shift_left3A_661 = arith.constant 16 : i32
        %shift_left3A_662 = vector.broadcast %shift_left3A_661 : i32 to vector<16xi32>
        %shift_left3A_663 = arith.shli %gather3A_658, %shift_left3A_662 : vector<16xi32>
        %bitcast3A_664 = vector.bitcast %shift_left3A_663 : vector<16xi32> to vector<16xf32>
        %mul3A_665 = arith.mulf %add3A_248, %bitcast3A_660 : vector<16xf32>
        %add3A_666 = arith.addf %add3A_652, %mul3A_665 : vector<16xf32>
        %mul3A_667 = arith.mulf %add3A_248, %bitcast3A_664 : vector<16xf32>
        %add3A_668 = arith.addf %add3A_654, %mul3A_667 : vector<16xf32>
        %add3A_669 = arith.constant 0 : i32
        %add3A_670 = vector.broadcast %add3A_669 : i32 to vector<16xi32>
        %add3A_671 = arith.addi %add3A_594, %add3A_670 : vector<16xi32>
        %gather3A_672 = tpu.vector_load_idx %arg12[%add3A_587, %add3A_671] : memref<128x128xi32, #tpu.memory_space<vmem>>[vector<16xi32>, vector<16xi32>], vector<16xi32>,
        %and3A_673 = arith.andi %gather3A_672, %broadcast_in_dim3A_631 : vector<16xi32>
        %bitcast3A_674 = vector.bitcast %and3A_673 : vector<16xi32> to vector<16xf32>
        %shift_left3A_675 = arith.constant 16 : i32
        %shift_left3A_676 = vector.broadcast %shift_left3A_675 : i32 to vector<16xi32>
        %shift_left3A_677 = arith.shli %gather3A_672, %shift_left3A_676 : vector<16xi32>
        %bitcast3A_678 = vector.bitcast %shift_left3A_677 : vector<16xi32> to vector<16xf32>
        %mul3A_679 = arith.mulf %add3A_278, %bitcast3A_674 : vector<16xf32>
        %add3A_680 = arith.addf %add3A_666, %mul3A_679 : vector<16xf32>
        %mul3A_681 = arith.mulf %add3A_278, %bitcast3A_678 : vector<16xf32>
        %add3A_682 = arith.addf %add3A_668, %mul3A_681 : vector<16xf32>
        %add3A_683 = arith.constant 0 : i32
        %add3A_684 = vector.broadcast %add3A_683 : i32 to vector<16xi32>
        %add3A_685 = arith.addi %add3A_612, %add3A_684 : vector<16xi32>
        %gather3A_686 = tpu.vector_load_idx %arg12[%add3A_605, %add3A_685] : memref<128x128xi32, #tpu.memory_space<vmem>>[vector<16xi32>, vector<16xi32>], vector<16xi32>,
        %and3A_687 = arith.andi %gather3A_686, %broadcast_in_dim3A_631 : vector<16xi32>
        %bitcast3A_688 = vector.bitcast %and3A_687 : vector<16xi32> to vector<16xf32>
        %shift_left3A_689 = arith.constant 16 : i32
        %shift_left3A_690 = vector.broadcast %shift_left3A_689 : i32 to vector<16xi32>
        %shift_left3A_691 = arith.shli %gather3A_686, %shift_left3A_690 : vector<16xi32>
        %bitcast3A_692 = vector.bitcast %shift_left3A_691 : vector<16xi32> to vector<16xf32>
        %mul3A_693 = arith.mulf %add3A_308, %bitcast3A_688 : vector<16xf32>
        %add3A_694 = arith.addf %add3A_680, %mul3A_693 : vector<16xf32>
        %mul3A_695 = arith.mulf %add3A_308, %bitcast3A_692 : vector<16xf32>
        %add3A_696 = arith.addf %add3A_682, %mul3A_695 : vector<16xf32>
        %add3A_697 = arith.constant 0 : i32
        %add3A_698 = vector.broadcast %add3A_697 : i32 to vector<16xi32>
        %add3A_699 = arith.addi %add3A_630, %add3A_698 : vector<16xi32>
        %gather3A_700 = tpu.vector_load_idx %arg12[%add3A_623, %add3A_699] : memref<128x128xi32, #tpu.memory_space<vmem>>[vector<16xi32>, vector<16xi32>], vector<16xi32>,
        %and3A_701 = arith.andi %gather3A_700, %broadcast_in_dim3A_631 : vector<16xi32>
        %bitcast3A_702 = vector.bitcast %and3A_701 : vector<16xi32> to vector<16xf32>
        %shift_left3A_703 = arith.constant 16 : i32
        %shift_left3A_704 = vector.broadcast %shift_left3A_703 : i32 to vector<16xi32>
        %shift_left3A_705 = arith.shli %gather3A_700, %shift_left3A_704 : vector<16xi32>
        %bitcast3A_706 = vector.bitcast %shift_left3A_705 : vector<16xi32> to vector<16xf32>
        %mul3A_707 = arith.mulf %add3A_338, %bitcast3A_702 : vector<16xf32>
        %add3A_708 = arith.addf %add3A_694, %mul3A_707 : vector<16xf32>
        %mul3A_709 = arith.mulf %add3A_338, %bitcast3A_706 : vector<16xf32>
        %add3A_710 = arith.addf %add3A_696, %mul3A_709 : vector<16xf32>
        %mul3A_711 = arith.mulf %add3A_708, %add3A_368 : vector<16xf32>
        %mul3A_712 = arith.mulf %add3A_710, %add3A_368 : vector<16xf32>
        %add3A_713 = arith.constant 1 : i32
        %add3A_714 = vector.broadcast %add3A_713 : i32 to vector<16xi32>
        %add3A_715 = arith.addi %add3A_540, %add3A_714 : vector<16xi32>
        %gather3A_716 = tpu.vector_load_idx %arg12[%add3A_533, %add3A_715] : memref<128x128xi32, #tpu.memory_space<vmem>>[vector<16xi32>, vector<16xi32>], vector<16xi32>,
        %and3A_717 = arith.andi %gather3A_716, %broadcast_in_dim3A_631 : vector<16xi32>
        %bitcast3A_718 = vector.bitcast %and3A_717 : vector<16xi32> to vector<16xf32>
        %shift_left3A_719 = arith.constant 16 : i32
        %shift_left3A_720 = vector.broadcast %shift_left3A_719 : i32 to vector<16xi32>
        %shift_left3A_721 = arith.shli %gather3A_716, %shift_left3A_720 : vector<16xi32>
        %bitcast3A_722 = vector.bitcast %shift_left3A_721 : vector<16xi32> to vector<16xf32>
        %mul3A_723 = arith.mulf %add3A_188, %bitcast3A_718 : vector<16xf32>
        %mul3A_724 = arith.mulf %add3A_188, %bitcast3A_722 : vector<16xf32>
        %add3A_725 = arith.constant 1 : i32
        %add3A_726 = vector.broadcast %add3A_725 : i32 to vector<16xi32>
        %add3A_727 = arith.addi %add3A_558, %add3A_726 : vector<16xi32>
        %gather3A_728 = tpu.vector_load_idx %arg12[%add3A_551, %add3A_727] : memref<128x128xi32, #tpu.memory_space<vmem>>[vector<16xi32>, vector<16xi32>], vector<16xi32>,
        %and3A_729 = arith.andi %gather3A_728, %broadcast_in_dim3A_631 : vector<16xi32>
        %bitcast3A_730 = vector.bitcast %and3A_729 : vector<16xi32> to vector<16xf32>
        %shift_left3A_731 = arith.constant 16 : i32
        %shift_left3A_732 = vector.broadcast %shift_left3A_731 : i32 to vector<16xi32>
        %shift_left3A_733 = arith.shli %gather3A_728, %shift_left3A_732 : vector<16xi32>
        %bitcast3A_734 = vector.bitcast %shift_left3A_733 : vector<16xi32> to vector<16xf32>
        %mul3A_735 = arith.mulf %add3A_218, %bitcast3A_730 : vector<16xf32>
        %add3A_736 = arith.addf %mul3A_723, %mul3A_735 : vector<16xf32>
        %mul3A_737 = arith.mulf %add3A_218, %bitcast3A_734 : vector<16xf32>
        %add3A_738 = arith.addf %mul3A_724, %mul3A_737 : vector<16xf32>
        %add3A_739 = arith.constant 1 : i32
        %add3A_740 = vector.broadcast %add3A_739 : i32 to vector<16xi32>
        %add3A_741 = arith.addi %add3A_576, %add3A_740 : vector<16xi32>
        %gather3A_742 = tpu.vector_load_idx %arg12[%add3A_569, %add3A_741] : memref<128x128xi32, #tpu.memory_space<vmem>>[vector<16xi32>, vector<16xi32>], vector<16xi32>,
        %and3A_743 = arith.andi %gather3A_742, %broadcast_in_dim3A_631 : vector<16xi32>
        %bitcast3A_744 = vector.bitcast %and3A_743 : vector<16xi32> to vector<16xf32>
        %shift_left3A_745 = arith.constant 16 : i32
        %shift_left3A_746 = vector.broadcast %shift_left3A_745 : i32 to vector<16xi32>
        %shift_left3A_747 = arith.shli %gather3A_742, %shift_left3A_746 : vector<16xi32>
        %bitcast3A_748 = vector.bitcast %shift_left3A_747 : vector<16xi32> to vector<16xf32>
        %mul3A_749 = arith.mulf %add3A_248, %bitcast3A_744 : vector<16xf32>
        %add3A_750 = arith.addf %add3A_736, %mul3A_749 : vector<16xf32>
        %mul3A_751 = arith.mulf %add3A_248, %bitcast3A_748 : vector<16xf32>
        %add3A_752 = arith.addf %add3A_738, %mul3A_751 : vector<16xf32>
        %add3A_753 = arith.constant 1 : i32
        %add3A_754 = vector.broadcast %add3A_753 : i32 to vector<16xi32>
        %add3A_755 = arith.addi %add3A_594, %add3A_754 : vector<16xi32>
        %gather3A_756 = tpu.vector_load_idx %arg12[%add3A_587, %add3A_755] : memref<128x128xi32, #tpu.memory_space<vmem>>[vector<16xi32>, vector<16xi32>], vector<16xi32>,
        %and3A_757 = arith.andi %gather3A_756, %broadcast_in_dim3A_631 : vector<16xi32>
        %bitcast3A_758 = vector.bitcast %and3A_757 : vector<16xi32> to vector<16xf32>
        %shift_left3A_759 = arith.constant 16 : i32
        %shift_left3A_760 = vector.broadcast %shift_left3A_759 : i32 to vector<16xi32>
        %shift_left3A_761 = arith.shli %gather3A_756, %shift_left3A_760 : vector<16xi32>
        %bitcast3A_762 = vector.bitcast %shift_left3A_761 : vector<16xi32> to vector<16xf32>
        %mul3A_763 = arith.mulf %add3A_278, %bitcast3A_758 : vector<16xf32>
        %add3A_764 = arith.addf %add3A_750, %mul3A_763 : vector<16xf32>
        %mul3A_765 = arith.mulf %add3A_278, %bitcast3A_762 : vector<16xf32>
        %add3A_766 = arith.addf %add3A_752, %mul3A_765 : vector<16xf32>
        %add3A_767 = arith.constant 1 : i32
        %add3A_768 = vector.broadcast %add3A_767 : i32 to vector<16xi32>
        %add3A_769 = arith.addi %add3A_612, %add3A_768 : vector<16xi32>
        %gather3A_770 = tpu.vector_load_idx %arg12[%add3A_605, %add3A_769] : memref<128x128xi32, #tpu.memory_space<vmem>>[vector<16xi32>, vector<16xi32>], vector<16xi32>,
        %and3A_771 = arith.andi %gather3A_770, %broadcast_in_dim3A_631 : vector<16xi32>
        %bitcast3A_772 = vector.bitcast %and3A_771 : vector<16xi32> to vector<16xf32>
        %shift_left3A_773 = arith.constant 16 : i32
        %shift_left3A_774 = vector.broadcast %shift_left3A_773 : i32 to vector<16xi32>
        %shift_left3A_775 = arith.shli %gather3A_770, %shift_left3A_774 : vector<16xi32>
        %bitcast3A_776 = vector.bitcast %shift_left3A_775 : vector<16xi32> to vector<16xf32>
        %mul3A_777 = arith.mulf %add3A_308, %bitcast3A_772 : vector<16xf32>
        %add3A_778 = arith.addf %add3A_764, %mul3A_777 : vector<16xf32>
        %mul3A_779 = arith.mulf %add3A_308, %bitcast3A_776 : vector<16xf32>
        %add3A_780 = arith.addf %add3A_766, %mul3A_779 : vector<16xf32>
        %add3A_781 = arith.constant 1 : i32
        %add3A_782 = vector.broadcast %add3A_781 : i32 to vector<16xi32>
        %add3A_783 = arith.addi %add3A_630, %add3A_782 : vector<16xi32>
        %gather3A_784 = tpu.vector_load_idx %arg12[%add3A_623, %add3A_783] : memref<128x128xi32, #tpu.memory_space<vmem>>[vector<16xi32>, vector<16xi32>], vector<16xi32>,
        %and3A_785 = arith.andi %gather3A_784, %broadcast_in_dim3A_631 : vector<16xi32>
        %bitcast3A_786 = vector.bitcast %and3A_785 : vector<16xi32> to vector<16xf32>
        %shift_left3A_787 = arith.constant 16 : i32
        %shift_left3A_788 = vector.broadcast %shift_left3A_787 : i32 to vector<16xi32>
        %shift_left3A_789 = arith.shli %gather3A_784, %shift_left3A_788 : vector<16xi32>
        %bitcast3A_790 = vector.bitcast %shift_left3A_789 : vector<16xi32> to vector<16xf32>
        %mul3A_791 = arith.mulf %add3A_338, %bitcast3A_786 : vector<16xf32>
        %add3A_792 = arith.addf %add3A_778, %mul3A_791 : vector<16xf32>
        %mul3A_793 = arith.mulf %add3A_338, %bitcast3A_790 : vector<16xf32>
        %add3A_794 = arith.addf %add3A_780, %mul3A_793 : vector<16xf32>
        %mul3A_795 = arith.mulf %add3A_792, %add3A_398 : vector<16xf32>
        %mul3A_796 = arith.mulf %add3A_794, %add3A_398 : vector<16xf32>
        %add3A_797 = arith.constant 2 : i32
        %add3A_798 = vector.broadcast %add3A_797 : i32 to vector<16xi32>
        %add3A_799 = arith.addi %add3A_540, %add3A_798 : vector<16xi32>
        %gather3A_800 = tpu.vector_load_idx %arg12[%add3A_533, %add3A_799] : memref<128x128xi32, #tpu.memory_space<vmem>>[vector<16xi32>, vector<16xi32>], vector<16xi32>,
        %and3A_801 = arith.andi %gather3A_800, %broadcast_in_dim3A_631 : vector<16xi32>
        %bitcast3A_802 = vector.bitcast %and3A_801 : vector<16xi32> to vector<16xf32>
        %shift_left3A_803 = arith.constant 16 : i32
        %shift_left3A_804 = vector.broadcast %shift_left3A_803 : i32 to vector<16xi32>
        %shift_left3A_805 = arith.shli %gather3A_800, %shift_left3A_804 : vector<16xi32>
        %bitcast3A_806 = vector.bitcast %shift_left3A_805 : vector<16xi32> to vector<16xf32>
        %mul3A_807 = arith.mulf %add3A_188, %bitcast3A_802 : vector<16xf32>
        %mul3A_808 = arith.mulf %add3A_188, %bitcast3A_806 : vector<16xf32>
        %add3A_809 = arith.constant 2 : i32
        %add3A_810 = vector.broadcast %add3A_809 : i32 to vector<16xi32>
        %add3A_811 = arith.addi %add3A_558, %add3A_810 : vector<16xi32>
        %gather3A_812 = tpu.vector_load_idx %arg12[%add3A_551, %add3A_811] : memref<128x128xi32, #tpu.memory_space<vmem>>[vector<16xi32>, vector<16xi32>], vector<16xi32>,
        %and3A_813 = arith.andi %gather3A_812, %broadcast_in_dim3A_631 : vector<16xi32>
        %bitcast3A_814 = vector.bitcast %and3A_813 : vector<16xi32> to vector<16xf32>
        %shift_left3A_815 = arith.constant 16 : i32
        %shift_left3A_816 = vector.broadcast %shift_left3A_815 : i32 to vector<16xi32>
        %shift_left3A_817 = arith.shli %gather3A_812, %shift_left3A_816 : vector<16xi32>
        %bitcast3A_818 = vector.bitcast %shift_left3A_817 : vector<16xi32> to vector<16xf32>
        %mul3A_819 = arith.mulf %add3A_218, %bitcast3A_814 : vector<16xf32>
        %add3A_820 = arith.addf %mul3A_807, %mul3A_819 : vector<16xf32>
        %mul3A_821 = arith.mulf %add3A_218, %bitcast3A_818 : vector<16xf32>
        %add3A_822 = arith.addf %mul3A_808, %mul3A_821 : vector<16xf32>
        %add3A_823 = arith.constant 2 : i32
        %add3A_824 = vector.broadcast %add3A_823 : i32 to vector<16xi32>
        %add3A_825 = arith.addi %add3A_576, %add3A_824 : vector<16xi32>
        %gather3A_826 = tpu.vector_load_idx %arg12[%add3A_569, %add3A_825] : memref<128x128xi32, #tpu.memory_space<vmem>>[vector<16xi32>, vector<16xi32>], vector<16xi32>,
        %and3A_827 = arith.andi %gather3A_826, %broadcast_in_dim3A_631 : vector<16xi32>
        %bitcast3A_828 = vector.bitcast %and3A_827 : vector<16xi32> to vector<16xf32>
        %shift_left3A_829 = arith.constant 16 : i32
        %shift_left3A_830 = vector.broadcast %shift_left3A_829 : i32 to vector<16xi32>
        %shift_left3A_831 = arith.shli %gather3A_826, %shift_left3A_830 : vector<16xi32>
        %bitcast3A_832 = vector.bitcast %shift_left3A_831 : vector<16xi32> to vector<16xf32>
        %mul3A_833 = arith.mulf %add3A_248, %bitcast3A_828 : vector<16xf32>
        %add3A_834 = arith.addf %add3A_820, %mul3A_833 : vector<16xf32>
        %mul3A_835 = arith.mulf %add3A_248, %bitcast3A_832 : vector<16xf32>
        %add3A_836 = arith.addf %add3A_822, %mul3A_835 : vector<16xf32>
        %add3A_837 = arith.constant 2 : i32
        %add3A_838 = vector.broadcast %add3A_837 : i32 to vector<16xi32>
        %add3A_839 = arith.addi %add3A_594, %add3A_838 : vector<16xi32>
        %gather3A_840 = tpu.vector_load_idx %arg12[%add3A_587, %add3A_839] : memref<128x128xi32, #tpu.memory_space<vmem>>[vector<16xi32>, vector<16xi32>], vector<16xi32>,
        %and3A_841 = arith.andi %gather3A_840, %broadcast_in_dim3A_631 : vector<16xi32>
        %bitcast3A_842 = vector.bitcast %and3A_841 : vector<16xi32> to vector<16xf32>
        %shift_left3A_843 = arith.constant 16 : i32
        %shift_left3A_844 = vector.broadcast %shift_left3A_843 : i32 to vector<16xi32>
        %shift_left3A_845 = arith.shli %gather3A_840, %shift_left3A_844 : vector<16xi32>
        %bitcast3A_846 = vector.bitcast %shift_left3A_845 : vector<16xi32> to vector<16xf32>
        %mul3A_847 = arith.mulf %add3A_278, %bitcast3A_842 : vector<16xf32>
        %add3A_848 = arith.addf %add3A_834, %mul3A_847 : vector<16xf32>
        %mul3A_849 = arith.mulf %add3A_278, %bitcast3A_846 : vector<16xf32>
        %add3A_850 = arith.addf %add3A_836, %mul3A_849 : vector<16xf32>
        %add3A_851 = arith.constant 2 : i32
        %add3A_852 = vector.broadcast %add3A_851 : i32 to vector<16xi32>
        %add3A_853 = arith.addi %add3A_612, %add3A_852 : vector<16xi32>
        %gather3A_854 = tpu.vector_load_idx %arg12[%add3A_605, %add3A_853] : memref<128x128xi32, #tpu.memory_space<vmem>>[vector<16xi32>, vector<16xi32>], vector<16xi32>,
        %and3A_855 = arith.andi %gather3A_854, %broadcast_in_dim3A_631 : vector<16xi32>
        %bitcast3A_856 = vector.bitcast %and3A_855 : vector<16xi32> to vector<16xf32>
        %shift_left3A_857 = arith.constant 16 : i32
        %shift_left3A_858 = vector.broadcast %shift_left3A_857 : i32 to vector<16xi32>
        %shift_left3A_859 = arith.shli %gather3A_854, %shift_left3A_858 : vector<16xi32>
        %bitcast3A_860 = vector.bitcast %shift_left3A_859 : vector<16xi32> to vector<16xf32>
        %mul3A_861 = arith.mulf %add3A_308, %bitcast3A_856 : vector<16xf32>
        %add3A_862 = arith.addf %add3A_848, %mul3A_861 : vector<16xf32>
        %mul3A_863 = arith.mulf %add3A_308, %bitcast3A_860 : vector<16xf32>
        %add3A_864 = arith.addf %add3A_850, %mul3A_863 : vector<16xf32>
        %add3A_865 = arith.constant 2 : i32
        %add3A_866 = vector.broadcast %add3A_865 : i32 to vector<16xi32>
        %add3A_867 = arith.addi %add3A_630, %add3A_866 : vector<16xi32>
        %gather3A_868 = tpu.vector_load_idx %arg12[%add3A_623, %add3A_867] : memref<128x128xi32, #tpu.memory_space<vmem>>[vector<16xi32>, vector<16xi32>], vector<16xi32>,
        %and3A_869 = arith.andi %gather3A_868, %broadcast_in_dim3A_631 : vector<16xi32>
        %bitcast3A_870 = vector.bitcast %and3A_869 : vector<16xi32> to vector<16xf32>
        %shift_left3A_871 = arith.constant 16 : i32
        %shift_left3A_872 = vector.broadcast %shift_left3A_871 : i32 to vector<16xi32>
        %shift_left3A_873 = arith.shli %gather3A_868, %shift_left3A_872 : vector<16xi32>
        %bitcast3A_874 = vector.bitcast %shift_left3A_873 : vector<16xi32> to vector<16xf32>
        %mul3A_875 = arith.mulf %add3A_338, %bitcast3A_870 : vector<16xf32>
        %add3A_876 = arith.addf %add3A_862, %mul3A_875 : vector<16xf32>
        %mul3A_877 = arith.mulf %add3A_338, %bitcast3A_874 : vector<16xf32>
        %add3A_878 = arith.addf %add3A_864, %mul3A_877 : vector<16xf32>
        %mul3A_879 = arith.mulf %add3A_876, %add3A_428 : vector<16xf32>
        %mul3A_880 = arith.mulf %add3A_878, %add3A_428 : vector<16xf32>
        %add3A_881 = arith.constant 3 : i32
        %add3A_882 = vector.broadcast %add3A_881 : i32 to vector<16xi32>
        %add3A_883 = arith.addi %add3A_540, %add3A_882 : vector<16xi32>
        %gather3A_884 = tpu.vector_load_idx %arg12[%add3A_533, %add3A_883] : memref<128x128xi32, #tpu.memory_space<vmem>>[vector<16xi32>, vector<16xi32>], vector<16xi32>,
        %and3A_885 = arith.andi %gather3A_884, %broadcast_in_dim3A_631 : vector<16xi32>
        %bitcast3A_886 = vector.bitcast %and3A_885 : vector<16xi32> to vector<16xf32>
        %shift_left3A_887 = arith.constant 16 : i32
        %shift_left3A_888 = vector.broadcast %shift_left3A_887 : i32 to vector<16xi32>
        %shift_left3A_889 = arith.shli %gather3A_884, %shift_left3A_888 : vector<16xi32>
        %bitcast3A_890 = vector.bitcast %shift_left3A_889 : vector<16xi32> to vector<16xf32>
        %mul3A_891 = arith.mulf %add3A_188, %bitcast3A_886 : vector<16xf32>
        %mul3A_892 = arith.mulf %add3A_188, %bitcast3A_890 : vector<16xf32>
        %add3A_893 = arith.constant 3 : i32
        %add3A_894 = vector.broadcast %add3A_893 : i32 to vector<16xi32>
        %add3A_895 = arith.addi %add3A_558, %add3A_894 : vector<16xi32>
        %gather3A_896 = tpu.vector_load_idx %arg12[%add3A_551, %add3A_895] : memref<128x128xi32, #tpu.memory_space<vmem>>[vector<16xi32>, vector<16xi32>], vector<16xi32>,
        %and3A_897 = arith.andi %gather3A_896, %broadcast_in_dim3A_631 : vector<16xi32>
        %bitcast3A_898 = vector.bitcast %and3A_897 : vector<16xi32> to vector<16xf32>
        %shift_left3A_899 = arith.constant 16 : i32
        %shift_left3A_900 = vector.broadcast %shift_left3A_899 : i32 to vector<16xi32>
        %shift_left3A_901 = arith.shli %gather3A_896, %shift_left3A_900 : vector<16xi32>
        %bitcast3A_902 = vector.bitcast %shift_left3A_901 : vector<16xi32> to vector<16xf32>
        %mul3A_903 = arith.mulf %add3A_218, %bitcast3A_898 : vector<16xf32>
        %add3A_904 = arith.addf %mul3A_891, %mul3A_903 : vector<16xf32>
        %mul3A_905 = arith.mulf %add3A_218, %bitcast3A_902 : vector<16xf32>
        %add3A_906 = arith.addf %mul3A_892, %mul3A_905 : vector<16xf32>
        %add3A_907 = arith.constant 3 : i32
        %add3A_908 = vector.broadcast %add3A_907 : i32 to vector<16xi32>
        %add3A_909 = arith.addi %add3A_576, %add3A_908 : vector<16xi32>
        %gather3A_910 = tpu.vector_load_idx %arg12[%add3A_569, %add3A_909] : memref<128x128xi32, #tpu.memory_space<vmem>>[vector<16xi32>, vector<16xi32>], vector<16xi32>,
        %and3A_911 = arith.andi %gather3A_910, %broadcast_in_dim3A_631 : vector<16xi32>
        %bitcast3A_912 = vector.bitcast %and3A_911 : vector<16xi32> to vector<16xf32>
        %shift_left3A_913 = arith.constant 16 : i32
        %shift_left3A_914 = vector.broadcast %shift_left3A_913 : i32 to vector<16xi32>
        %shift_left3A_915 = arith.shli %gather3A_910, %shift_left3A_914 : vector<16xi32>
        %bitcast3A_916 = vector.bitcast %shift_left3A_915 : vector<16xi32> to vector<16xf32>
        %mul3A_917 = arith.mulf %add3A_248, %bitcast3A_912 : vector<16xf32>
        %add3A_918 = arith.addf %add3A_904, %mul3A_917 : vector<16xf32>
        %mul3A_919 = arith.mulf %add3A_248, %bitcast3A_916 : vector<16xf32>
        %add3A_920 = arith.addf %add3A_906, %mul3A_919 : vector<16xf32>
        %add3A_921 = arith.constant 3 : i32
        %add3A_922 = vector.broadcast %add3A_921 : i32 to vector<16xi32>
        %add3A_923 = arith.addi %add3A_594, %add3A_922 : vector<16xi32>
        %gather3A_924 = tpu.vector_load_idx %arg12[%add3A_587, %add3A_923] : memref<128x128xi32, #tpu.memory_space<vmem>>[vector<16xi32>, vector<16xi32>], vector<16xi32>,
        %and3A_925 = arith.andi %gather3A_924, %broadcast_in_dim3A_631 : vector<16xi32>
        %bitcast3A_926 = vector.bitcast %and3A_925 : vector<16xi32> to vector<16xf32>
        %shift_left3A_927 = arith.constant 16 : i32
        %shift_left3A_928 = vector.broadcast %shift_left3A_927 : i32 to vector<16xi32>
        %shift_left3A_929 = arith.shli %gather3A_924, %shift_left3A_928 : vector<16xi32>
        %bitcast3A_930 = vector.bitcast %shift_left3A_929 : vector<16xi32> to vector<16xf32>
        %mul3A_931 = arith.mulf %add3A_278, %bitcast3A_926 : vector<16xf32>
        %add3A_932 = arith.addf %add3A_918, %mul3A_931 : vector<16xf32>
        %mul3A_933 = arith.mulf %add3A_278, %bitcast3A_930 : vector<16xf32>
        %add3A_934 = arith.addf %add3A_920, %mul3A_933 : vector<16xf32>
        %add3A_935 = arith.constant 3 : i32
        %add3A_936 = vector.broadcast %add3A_935 : i32 to vector<16xi32>
        %add3A_937 = arith.addi %add3A_612, %add3A_936 : vector<16xi32>
        %gather3A_938 = tpu.vector_load_idx %arg12[%add3A_605, %add3A_937] : memref<128x128xi32, #tpu.memory_space<vmem>>[vector<16xi32>, vector<16xi32>], vector<16xi32>,
        %and3A_939 = arith.andi %gather3A_938, %broadcast_in_dim3A_631 : vector<16xi32>
        %bitcast3A_940 = vector.bitcast %and3A_939 : vector<16xi32> to vector<16xf32>
        %shift_left3A_941 = arith.constant 16 : i32
        %shift_left3A_942 = vector.broadcast %shift_left3A_941 : i32 to vector<16xi32>
        %shift_left3A_943 = arith.shli %gather3A_938, %shift_left3A_942 : vector<16xi32>
        %bitcast3A_944 = vector.bitcast %shift_left3A_943 : vector<16xi32> to vector<16xf32>
        %mul3A_945 = arith.mulf %add3A_308, %bitcast3A_940 : vector<16xf32>
        %add3A_946 = arith.addf %add3A_932, %mul3A_945 : vector<16xf32>
        %mul3A_947 = arith.mulf %add3A_308, %bitcast3A_944 : vector<16xf32>
        %add3A_948 = arith.addf %add3A_934, %mul3A_947 : vector<16xf32>
        %add3A_949 = arith.constant 3 : i32
        %add3A_950 = vector.broadcast %add3A_949 : i32 to vector<16xi32>
        %add3A_951 = arith.addi %add3A_630, %add3A_950 : vector<16xi32>
        %gather3A_952 = tpu.vector_load_idx %arg12[%add3A_623, %add3A_951] : memref<128x128xi32, #tpu.memory_space<vmem>>[vector<16xi32>, vector<16xi32>], vector<16xi32>,
        %and3A_953 = arith.andi %gather3A_952, %broadcast_in_dim3A_631 : vector<16xi32>
        %bitcast3A_954 = vector.bitcast %and3A_953 : vector<16xi32> to vector<16xf32>
        %shift_left3A_955 = arith.constant 16 : i32
        %shift_left3A_956 = vector.broadcast %shift_left3A_955 : i32 to vector<16xi32>
        %shift_left3A_957 = arith.shli %gather3A_952, %shift_left3A_956 : vector<16xi32>
        %bitcast3A_958 = vector.bitcast %shift_left3A_957 : vector<16xi32> to vector<16xf32>
        %mul3A_959 = arith.mulf %add3A_338, %bitcast3A_954 : vector<16xf32>
        %add3A_960 = arith.addf %add3A_946, %mul3A_959 : vector<16xf32>
        %mul3A_961 = arith.mulf %add3A_338, %bitcast3A_958 : vector<16xf32>
        %add3A_962 = arith.addf %add3A_948, %mul3A_961 : vector<16xf32>
        %mul3A_963 = arith.mulf %add3A_960, %add3A_458 : vector<16xf32>
        %mul3A_964 = arith.mulf %add3A_962, %add3A_458 : vector<16xf32>
        %add3A_965 = arith.constant 4 : i32
        %add3A_966 = vector.broadcast %add3A_965 : i32 to vector<16xi32>
        %add3A_967 = arith.addi %add3A_540, %add3A_966 : vector<16xi32>
        %gather3A_968 = tpu.vector_load_idx %arg12[%add3A_533, %add3A_967] : memref<128x128xi32, #tpu.memory_space<vmem>>[vector<16xi32>, vector<16xi32>], vector<16xi32>,
        %and3A_969 = arith.andi %gather3A_968, %broadcast_in_dim3A_631 : vector<16xi32>
        %bitcast3A_970 = vector.bitcast %and3A_969 : vector<16xi32> to vector<16xf32>
        %shift_left3A_971 = arith.constant 16 : i32
        %shift_left3A_972 = vector.broadcast %shift_left3A_971 : i32 to vector<16xi32>
        %shift_left3A_973 = arith.shli %gather3A_968, %shift_left3A_972 : vector<16xi32>
        %bitcast3A_974 = vector.bitcast %shift_left3A_973 : vector<16xi32> to vector<16xf32>
        %mul3A_975 = arith.mulf %add3A_188, %bitcast3A_970 : vector<16xf32>
        %mul3A_976 = arith.mulf %add3A_188, %bitcast3A_974 : vector<16xf32>
        %add3A_977 = arith.constant 4 : i32
        %add3A_978 = vector.broadcast %add3A_977 : i32 to vector<16xi32>
        %add3A_979 = arith.addi %add3A_558, %add3A_978 : vector<16xi32>
        %gather3A_980 = tpu.vector_load_idx %arg12[%add3A_551, %add3A_979] : memref<128x128xi32, #tpu.memory_space<vmem>>[vector<16xi32>, vector<16xi32>], vector<16xi32>,
        %and3A_981 = arith.andi %gather3A_980, %broadcast_in_dim3A_631 : vector<16xi32>
        %bitcast3A_982 = vector.bitcast %and3A_981 : vector<16xi32> to vector<16xf32>
        %shift_left3A_983 = arith.constant 16 : i32
        %shift_left3A_984 = vector.broadcast %shift_left3A_983 : i32 to vector<16xi32>
        %shift_left3A_985 = arith.shli %gather3A_980, %shift_left3A_984 : vector<16xi32>
        %bitcast3A_986 = vector.bitcast %shift_left3A_985 : vector<16xi32> to vector<16xf32>
        %mul3A_987 = arith.mulf %add3A_218, %bitcast3A_982 : vector<16xf32>
        %add3A_988 = arith.addf %mul3A_975, %mul3A_987 : vector<16xf32>
        %mul3A_989 = arith.mulf %add3A_218, %bitcast3A_986 : vector<16xf32>
        %add3A_990 = arith.addf %mul3A_976, %mul3A_989 : vector<16xf32>
        %add3A_991 = arith.constant 4 : i32
        %add3A_992 = vector.broadcast %add3A_991 : i32 to vector<16xi32>
        %add3A_993 = arith.addi %add3A_576, %add3A_992 : vector<16xi32>
        %gather3A_994 = tpu.vector_load_idx %arg12[%add3A_569, %add3A_993] : memref<128x128xi32, #tpu.memory_space<vmem>>[vector<16xi32>, vector<16xi32>], vector<16xi32>,
        %and3A_995 = arith.andi %gather3A_994, %broadcast_in_dim3A_631 : vector<16xi32>
        %bitcast3A_996 = vector.bitcast %and3A_995 : vector<16xi32> to vector<16xf32>
        %shift_left3A_997 = arith.constant 16 : i32
        %shift_left3A_998 = vector.broadcast %shift_left3A_997 : i32 to vector<16xi32>
        %shift_left3A_999 = arith.shli %gather3A_994, %shift_left3A_998 : vector<16xi32>
        %bitcast3A_1000 = vector.bitcast %shift_left3A_999 : vector<16xi32> to vector<16xf32>
        %mul3A_1001 = arith.mulf %add3A_248, %bitcast3A_996 : vector<16xf32>
        %add3A_1002 = arith.addf %add3A_988, %mul3A_1001 : vector<16xf32>
        %mul3A_1003 = arith.mulf %add3A_248, %bitcast3A_1000 : vector<16xf32>
        %add3A_1004 = arith.addf %add3A_990, %mul3A_1003 : vector<16xf32>
        %add3A_1005 = arith.constant 4 : i32
        %add3A_1006 = vector.broadcast %add3A_1005 : i32 to vector<16xi32>
        %add3A_1007 = arith.addi %add3A_594, %add3A_1006 : vector<16xi32>
        %gather3A_1008 = tpu.vector_load_idx %arg12[%add3A_587, %add3A_1007] : memref<128x128xi32, #tpu.memory_space<vmem>>[vector<16xi32>, vector<16xi32>], vector<16xi32>,
        %and3A_1009 = arith.andi %gather3A_1008, %broadcast_in_dim3A_631 : vector<16xi32>
        %bitcast3A_1010 = vector.bitcast %and3A_1009 : vector<16xi32> to vector<16xf32>
        %shift_left3A_1011 = arith.constant 16 : i32
        %shift_left3A_1012 = vector.broadcast %shift_left3A_1011 : i32 to vector<16xi32>
        %shift_left3A_1013 = arith.shli %gather3A_1008, %shift_left3A_1012 : vector<16xi32>
        %bitcast3A_1014 = vector.bitcast %shift_left3A_1013 : vector<16xi32> to vector<16xf32>
        %mul3A_1015 = arith.mulf %add3A_278, %bitcast3A_1010 : vector<16xf32>
        %add3A_1016 = arith.addf %add3A_1002, %mul3A_1015 : vector<16xf32>
        %mul3A_1017 = arith.mulf %add3A_278, %bitcast3A_1014 : vector<16xf32>
        %add3A_1018 = arith.addf %add3A_1004, %mul3A_1017 : vector<16xf32>
        %add3A_1019 = arith.constant 4 : i32
        %add3A_1020 = vector.broadcast %add3A_1019 : i32 to vector<16xi32>
        %add3A_1021 = arith.addi %add3A_612, %add3A_1020 : vector<16xi32>
        %gather3A_1022 = tpu.vector_load_idx %arg12[%add3A_605, %add3A_1021] : memref<128x128xi32, #tpu.memory_space<vmem>>[vector<16xi32>, vector<16xi32>], vector<16xi32>,
        %and3A_1023 = arith.andi %gather3A_1022, %broadcast_in_dim3A_631 : vector<16xi32>
        %bitcast3A_1024 = vector.bitcast %and3A_1023 : vector<16xi32> to vector<16xf32>
        %shift_left3A_1025 = arith.constant 16 : i32
        %shift_left3A_1026 = vector.broadcast %shift_left3A_1025 : i32 to vector<16xi32>
        %shift_left3A_1027 = arith.shli %gather3A_1022, %shift_left3A_1026 : vector<16xi32>
        %bitcast3A_1028 = vector.bitcast %shift_left3A_1027 : vector<16xi32> to vector<16xf32>
        %mul3A_1029 = arith.mulf %add3A_308, %bitcast3A_1024 : vector<16xf32>
        %add3A_1030 = arith.addf %add3A_1016, %mul3A_1029 : vector<16xf32>
        %mul3A_1031 = arith.mulf %add3A_308, %bitcast3A_1028 : vector<16xf32>
        %add3A_1032 = arith.addf %add3A_1018, %mul3A_1031 : vector<16xf32>
        %add3A_1033 = arith.constant 4 : i32
        %add3A_1034 = vector.broadcast %add3A_1033 : i32 to vector<16xi32>
        %add3A_1035 = arith.addi %add3A_630, %add3A_1034 : vector<16xi32>
        %gather3A_1036 = tpu.vector_load_idx %arg12[%add3A_623, %add3A_1035] : memref<128x128xi32, #tpu.memory_space<vmem>>[vector<16xi32>, vector<16xi32>], vector<16xi32>,
        %and3A_1037 = arith.andi %gather3A_1036, %broadcast_in_dim3A_631 : vector<16xi32>
        %bitcast3A_1038 = vector.bitcast %and3A_1037 : vector<16xi32> to vector<16xf32>
        %shift_left3A_1039 = arith.constant 16 : i32
        %shift_left3A_1040 = vector.broadcast %shift_left3A_1039 : i32 to vector<16xi32>
        %shift_left3A_1041 = arith.shli %gather3A_1036, %shift_left3A_1040 : vector<16xi32>
        %bitcast3A_1042 = vector.bitcast %shift_left3A_1041 : vector<16xi32> to vector<16xf32>
        %mul3A_1043 = arith.mulf %add3A_338, %bitcast3A_1038 : vector<16xf32>
        %add3A_1044 = arith.addf %add3A_1030, %mul3A_1043 : vector<16xf32>
        %mul3A_1045 = arith.mulf %add3A_338, %bitcast3A_1042 : vector<16xf32>
        %add3A_1046 = arith.addf %add3A_1032, %mul3A_1045 : vector<16xf32>
        %mul3A_1047 = arith.mulf %add3A_1044, %add3A_488 : vector<16xf32>
        %mul3A_1048 = arith.mulf %add3A_1046, %add3A_488 : vector<16xf32>
        %add3A_1049 = arith.constant 5 : i32
        %add3A_1050 = vector.broadcast %add3A_1049 : i32 to vector<16xi32>
        %add3A_1051 = arith.addi %add3A_540, %add3A_1050 : vector<16xi32>
        %gather3A_1052 = tpu.vector_load_idx %arg12[%add3A_533, %add3A_1051] : memref<128x128xi32, #tpu.memory_space<vmem>>[vector<16xi32>, vector<16xi32>], vector<16xi32>,
        %and3A_1053 = arith.andi %gather3A_1052, %broadcast_in_dim3A_631 : vector<16xi32>
        %bitcast3A_1054 = vector.bitcast %and3A_1053 : vector<16xi32> to vector<16xf32>
        %shift_left3A_1055 = arith.constant 16 : i32
        %shift_left3A_1056 = vector.broadcast %shift_left3A_1055 : i32 to vector<16xi32>
        %shift_left3A_1057 = arith.shli %gather3A_1052, %shift_left3A_1056 : vector<16xi32>
        %bitcast3A_1058 = vector.bitcast %shift_left3A_1057 : vector<16xi32> to vector<16xf32>
        %mul3A_1059 = arith.mulf %add3A_188, %bitcast3A_1054 : vector<16xf32>
        %mul3A_1060 = arith.mulf %add3A_188, %bitcast3A_1058 : vector<16xf32>
        %add3A_1061 = arith.constant 5 : i32
        %add3A_1062 = vector.broadcast %add3A_1061 : i32 to vector<16xi32>
        %add3A_1063 = arith.addi %add3A_558, %add3A_1062 : vector<16xi32>
        %gather3A_1064 = tpu.vector_load_idx %arg12[%add3A_551, %add3A_1063] : memref<128x128xi32, #tpu.memory_space<vmem>>[vector<16xi32>, vector<16xi32>], vector<16xi32>,
        %and3A_1065 = arith.andi %gather3A_1064, %broadcast_in_dim3A_631 : vector<16xi32>
        %bitcast3A_1066 = vector.bitcast %and3A_1065 : vector<16xi32> to vector<16xf32>
        %shift_left3A_1067 = arith.constant 16 : i32
        %shift_left3A_1068 = vector.broadcast %shift_left3A_1067 : i32 to vector<16xi32>
        %shift_left3A_1069 = arith.shli %gather3A_1064, %shift_left3A_1068 : vector<16xi32>
        %bitcast3A_1070 = vector.bitcast %shift_left3A_1069 : vector<16xi32> to vector<16xf32>
        %mul3A_1071 = arith.mulf %add3A_218, %bitcast3A_1066 : vector<16xf32>
        %add3A_1072 = arith.addf %mul3A_1059, %mul3A_1071 : vector<16xf32>
        %mul3A_1073 = arith.mulf %add3A_218, %bitcast3A_1070 : vector<16xf32>
        %add3A_1074 = arith.addf %mul3A_1060, %mul3A_1073 : vector<16xf32>
        %add3A_1075 = arith.constant 5 : i32
        %add3A_1076 = vector.broadcast %add3A_1075 : i32 to vector<16xi32>
        %add3A_1077 = arith.addi %add3A_576, %add3A_1076 : vector<16xi32>
        %gather3A_1078 = tpu.vector_load_idx %arg12[%add3A_569, %add3A_1077] : memref<128x128xi32, #tpu.memory_space<vmem>>[vector<16xi32>, vector<16xi32>], vector<16xi32>,
        %and3A_1079 = arith.andi %gather3A_1078, %broadcast_in_dim3A_631 : vector<16xi32>
        %bitcast3A_1080 = vector.bitcast %and3A_1079 : vector<16xi32> to vector<16xf32>
        %shift_left3A_1081 = arith.constant 16 : i32
        %shift_left3A_1082 = vector.broadcast %shift_left3A_1081 : i32 to vector<16xi32>
        %shift_left3A_1083 = arith.shli %gather3A_1078, %shift_left3A_1082 : vector<16xi32>
        %bitcast3A_1084 = vector.bitcast %shift_left3A_1083 : vector<16xi32> to vector<16xf32>
        %mul3A_1085 = arith.mulf %add3A_248, %bitcast3A_1080 : vector<16xf32>
        %add3A_1086 = arith.addf %add3A_1072, %mul3A_1085 : vector<16xf32>
        %mul3A_1087 = arith.mulf %add3A_248, %bitcast3A_1084 : vector<16xf32>
        %add3A_1088 = arith.addf %add3A_1074, %mul3A_1087 : vector<16xf32>
        %add3A_1089 = arith.constant 5 : i32
        %add3A_1090 = vector.broadcast %add3A_1089 : i32 to vector<16xi32>
        %add3A_1091 = arith.addi %add3A_594, %add3A_1090 : vector<16xi32>
        %gather3A_1092 = tpu.vector_load_idx %arg12[%add3A_587, %add3A_1091] : memref<128x128xi32, #tpu.memory_space<vmem>>[vector<16xi32>, vector<16xi32>], vector<16xi32>,
        %and3A_1093 = arith.andi %gather3A_1092, %broadcast_in_dim3A_631 : vector<16xi32>
        %bitcast3A_1094 = vector.bitcast %and3A_1093 : vector<16xi32> to vector<16xf32>
        %shift_left3A_1095 = arith.constant 16 : i32
        %shift_left3A_1096 = vector.broadcast %shift_left3A_1095 : i32 to vector<16xi32>
        %shift_left3A_1097 = arith.shli %gather3A_1092, %shift_left3A_1096 : vector<16xi32>
        %bitcast3A_1098 = vector.bitcast %shift_left3A_1097 : vector<16xi32> to vector<16xf32>
        %mul3A_1099 = arith.mulf %add3A_278, %bitcast3A_1094 : vector<16xf32>
        %add3A_1100 = arith.addf %add3A_1086, %mul3A_1099 : vector<16xf32>
        %mul3A_1101 = arith.mulf %add3A_278, %bitcast3A_1098 : vector<16xf32>
        %add3A_1102 = arith.addf %add3A_1088, %mul3A_1101 : vector<16xf32>
        %add3A_1103 = arith.constant 5 : i32
        %add3A_1104 = vector.broadcast %add3A_1103 : i32 to vector<16xi32>
        %add3A_1105 = arith.addi %add3A_612, %add3A_1104 : vector<16xi32>
        %gather3A_1106 = tpu.vector_load_idx %arg12[%add3A_605, %add3A_1105] : memref<128x128xi32, #tpu.memory_space<vmem>>[vector<16xi32>, vector<16xi32>], vector<16xi32>,
        %and3A_1107 = arith.andi %gather3A_1106, %broadcast_in_dim3A_631 : vector<16xi32>
        %bitcast3A_1108 = vector.bitcast %and3A_1107 : vector<16xi32> to vector<16xf32>
        %shift_left3A_1109 = arith.constant 16 : i32
        %shift_left3A_1110 = vector.broadcast %shift_left3A_1109 : i32 to vector<16xi32>
        %shift_left3A_1111 = arith.shli %gather3A_1106, %shift_left3A_1110 : vector<16xi32>
        %bitcast3A_1112 = vector.bitcast %shift_left3A_1111 : vector<16xi32> to vector<16xf32>
        %mul3A_1113 = arith.mulf %add3A_308, %bitcast3A_1108 : vector<16xf32>
        %add3A_1114 = arith.addf %add3A_1100, %mul3A_1113 : vector<16xf32>
        %mul3A_1115 = arith.mulf %add3A_308, %bitcast3A_1112 : vector<16xf32>
        %add3A_1116 = arith.addf %add3A_1102, %mul3A_1115 : vector<16xf32>
        %add3A_1117 = arith.constant 5 : i32
        %add3A_1118 = vector.broadcast %add3A_1117 : i32 to vector<16xi32>
        %add3A_1119 = arith.addi %add3A_630, %add3A_1118 : vector<16xi32>
        %gather3A_1120 = tpu.vector_load_idx %arg12[%add3A_623, %add3A_1119] : memref<128x128xi32, #tpu.memory_space<vmem>>[vector<16xi32>, vector<16xi32>], vector<16xi32>,
        %and3A_1121 = arith.andi %gather3A_1120, %broadcast_in_dim3A_631 : vector<16xi32>
        %bitcast3A_1122 = vector.bitcast %and3A_1121 : vector<16xi32> to vector<16xf32>
        %shift_left3A_1123 = arith.constant 16 : i32
        %shift_left3A_1124 = vector.broadcast %shift_left3A_1123 : i32 to vector<16xi32>
        %shift_left3A_1125 = arith.shli %gather3A_1120, %shift_left3A_1124 : vector<16xi32>
        %bitcast3A_1126 = vector.bitcast %shift_left3A_1125 : vector<16xi32> to vector<16xf32>
        %mul3A_1127 = arith.mulf %add3A_338, %bitcast3A_1122 : vector<16xf32>
        %add3A_1128 = arith.addf %add3A_1114, %mul3A_1127 : vector<16xf32>
        %mul3A_1129 = arith.mulf %add3A_338, %bitcast3A_1126 : vector<16xf32>
        %add3A_1130 = arith.addf %add3A_1116, %mul3A_1129 : vector<16xf32>
        %mul3A_1131 = arith.mulf %add3A_1128, %add3A_518 : vector<16xf32>
        %mul3A_1132 = arith.mulf %add3A_1130, %add3A_518 : vector<16xf32>
        %add3A_1133 = arith.addf %mul3A_711, %mul3A_795 : vector<16xf32>
        %add3A_1134 = arith.addf %mul3A_879, %mul3A_963 : vector<16xf32>
        %add3A_1135 = arith.addf %mul3A_1047, %mul3A_1131 : vector<16xf32>
        %add3A_1136 = arith.addf %mul3A_712, %mul3A_796 : vector<16xf32>
        %add3A_1137 = arith.addf %mul3A_880, %mul3A_964 : vector<16xf32>
        %add3A_1138 = arith.addf %mul3A_1048, %mul3A_1132 : vector<16xf32>
        %add3A_1139 = arith.addf %add3A_1133, %add3A_1134 : vector<16xf32>
        %add3A_1140 = arith.addf %add3A_1136, %add3A_1137 : vector<16xf32>
        %add3A_1141 = arith.addf %add3A_1139, %add3A_1135 : vector<16xf32>
        %add3A_1142 = arith.addf %add3A_1140, %add3A_1138 : vector<16xf32>
        %mul3A_1143 = arith.constant 16 : i32
        %mul3A_1144 = arith.muli %scan3A_116, %mul3A_1143 : i32
        %add3A_1145 = arith.addi %mul3A_77, %mul3A_1144 : i32
        %get3A_1146 = arith.index_cast %add3A_1145 : i32 to index
        %get3A_1147 = tpu.vector_load %arg9[%get3A_1146] {strides = array<i32>} : memref<1024xf32, #tpu.memory_space<vmem>>, vector<16xf32>,
        %mul3A_1148 = arith.constant 16 : i32
        %mul3A_1149 = arith.muli %scan3A_116, %mul3A_1148 : i32
        %add3A_1150 = vector.broadcast %mul3A_1149 : i32 to vector<16xi32>
        %add3A_1151 = arith.addi %add3A_1150, %iota3A : vector<16xi32>
        %broadcast_in_dim3A_1152 = arith.constant 0 : i32
        %broadcast_in_dim3A_1153 = vector.broadcast %broadcast_in_dim3A_1152 : i32 to vector<16xi32>
        %mul3A_1154 = arith.mulf %add3A_1141, %get3A_1147 : vector<16xf32>
        tpu.vector_store_idx %arg14[%add3A_1151, %broadcast_in_dim3A_1153], %mul3A_1154 : memref<64x2xf32, #tpu.memory_space<vmem>>[vector<16xi32>, vector<16xi32>], vector<16xf32>,
        %add3A_1155 = arith.constant 1 : i32
        %add3A_1156 = vector.broadcast %add3A_1155 : i32 to vector<16xi32>
        %add3A_1157 = arith.addi %broadcast_in_dim3A_1153, %add3A_1156 : vector<16xi32>
        %mul3A_1158 = arith.mulf %add3A_1142, %get3A_1147 : vector<16xf32>
        tpu.vector_store_idx %arg14[%add3A_1151, %add3A_1157], %mul3A_1158 : memref<64x2xf32, #tpu.memory_space<vmem>>[vector<16xi32>, vector<16xi32>], vector<16xf32>,
      }
      %scan3A_83 = arith.constant 4 : i32
      %mul3A_84 = arith.constant 64 : i32
      %mul3A_85 = arith.muli %mul3A_34, %mul3A_84 : i32
      %add3A_86 = arith.addi %mul3A_2, %mul3A_85 : i32
      "tpu.region"() ({
        %run_scoped3A = tpu.sem_alloc : memref<!tpu.dma_semaphore, #tpu.memory_space<semaphore_mem>>
        %dma_start3A_116 = arith.constant 0 : i32
        %dma_start3A_117 = tpu.memref_slice %arg6[%add3A_86, %dma_start3A_116] : memref<32768x2xf32, #tpu.memory_space<hbm>> -> memref<64x2xf32, #tpu.memory_space<hbm>>
        %dma_start3A_118 = arith.constant 0 : i32
        %dma_start3A_119 = tpu.memref_slice %arg6[%add3A_86, %dma_start3A_118] : memref<32768x2xf32, #tpu.memory_space<hbm>> -> memref<64x2xf32, #tpu.memory_space<hbm>>
        tpu.enqueue_dma source(%arg14 : memref<64x2xf32, #tpu.memory_space<vmem>>) target(%dma_start3A_119 : memref<64x2xf32, #tpu.memory_space<hbm>>) target_semaphore(%run_scoped3A : memref<!tpu.dma_semaphore, #tpu.memory_space<semaphore_mem>>)
        %dma_wait3A_120 = arith.constant 0 : i32
        %dma_wait3A_121 = tpu.memref_slice %arg6[%add3A_86, %dma_wait3A_120] : memref<32768x2xf32, #tpu.memory_space<hbm>> -> memref<64x2xf32, #tpu.memory_space<hbm>>
        %dma_wait3A_122 = arith.constant 0 : i32
        %dma_wait3A_123 = tpu.memref_slice %arg6[%add3A_86, %dma_wait3A_122] : memref<32768x2xf32, #tpu.memory_space<hbm>> -> memref<64x2xf32, #tpu.memory_space<hbm>>
        tpu.wait_dma2 semaphore(%run_scoped3A : memref<!tpu.dma_semaphore, #tpu.memory_space<semaphore_mem>>) src(%arg14 : memref<64x2xf32, #tpu.memory_space<vmem>>) dst(%dma_wait3A_123 : memref<64x2xf32, #tpu.memory_space<hbm>>)
        tpu.yield
      }) : () -> ()
      %lt3A = arith.constant 7 : i32
      %lt3A_87 = arith.cmpi slt, %scan3A_32, %lt3A : i32
      %convert_element_type3A = arith.extui %lt3A_87 : i1 to i32
      %cond3A = arith.constant 0 : i32
      %cond3A_88 = arith.cmpi ne, %convert_element_type3A, %cond3A : i32
      scf.if %cond3A_88 {
        %add3A_116 = arith.constant 2 : i32
        %add3A_117 = arith.addi %mul3A_34, %add3A_116 : i32
        %mul3A_118 = arith.constant 64 : i32
        %mul3A_119 = arith.muli %add3A_117, %mul3A_118 : i32
        %scan3A_120 = arith.constant 0 : i32
        %scan3A_121 = arith.constant 0 : i32
        %scan3A_122 = arith.constant 4 : i32
        %scan3A_123 = arith.addi %scan3A_121, %scan3A_122 : i32
        %scan3A_124 = arith.constant 1 : i32
        scf.for %scan3A_142 = %scan3A_121 to %scan3A_123 step %scan3A_124  : i32 {
          %mul3A_143 = arith.constant 16 : i32
          %mul3A_144 = arith.muli %scan3A_142, %mul3A_143 : i32
          %add3A_145 = arith.addi %mul3A_119, %mul3A_144 : i32
          %get3A = arith.index_cast %add3A_145 : i32 to index
          %get3A_146 = tpu.vector_load %arg7[%get3A] {strides = array<i32>} : memref<1024xf32, #tpu.memory_space<vmem>>, vector<16xf32>,
          %mul3A_147 = arith.constant 16 : i32
          %mul3A_148 = arith.muli %scan3A_142, %mul3A_147 : i32
          %add3A_149 = arith.addi %mul3A_119, %mul3A_148 : i32
          %get3A_150 = arith.index_cast %add3A_149 : i32 to index
          %get3A_151 = tpu.vector_load %arg8[%get3A_150] {strides = array<i32>} : memref<1024xf32, #tpu.memory_space<vmem>>, vector<16xf32>,
          %mul3A_152 = arith.constant 5.120000e+02 : f32
          %mul3A_153 = vector.broadcast %mul3A_152 : f32 to vector<16xf32>
          %mul3A_154 = arith.mulf %get3A_146, %mul3A_153 : vector<16xf32>
          %add3A_155 = arith.constant 2.560000e+02 : f32
          %add3A_156 = vector.broadcast %add3A_155 : f32 to vector<16xf32>
          %add3A_157 = arith.addf %mul3A_154, %add3A_156 : vector<16xf32>
          %convert_element_type3A_158 = arith.fptosi %add3A_157 : vector<16xf32> to vector<16xi32>
          %mul3A_159 = arith.constant 5.120000e+02 : f32
          %mul3A_160 = vector.broadcast %mul3A_159 : f32 to vector<16xf32>
          %mul3A_161 = arith.mulf %get3A_151, %mul3A_160 : vector<16xf32>
          %add3A_162 = arith.constant 2.560000e+02 : f32
          %add3A_163 = vector.broadcast %add3A_162 : f32 to vector<16xf32>
          %add3A_164 = arith.addf %mul3A_161, %add3A_163 : vector<16xf32>
          %convert_element_type3A_165 = arith.fptosi %add3A_164 : vector<16xf32> to vector<16xi32>
          %add3A_166 = arith.constant 510 : i32
          %add3A_167 = vector.broadcast %add3A_166 : i32 to vector<16xi32>
          %add3A_168 = arith.addi %convert_element_type3A_165, %add3A_167 : vector<16xi32>
          %and3A = arith.constant 511 : i32
          %and3A_169 = vector.broadcast %and3A : i32 to vector<16xi32>
          %and3A_170 = arith.andi %add3A_168, %and3A_169 : vector<16xi32>
          %shift_right_arithmetic3A = arith.constant 3 : i32
          %shift_right_arithmetic3A_171 = vector.broadcast %shift_right_arithmetic3A : i32 to vector<16xi32>
          %shift_right_arithmetic3A_172 = arith.shrsi %and3A_170, %shift_right_arithmetic3A_171 : vector<16xi32>
          %add3A_173 = arith.constant 510 : i32
          %add3A_174 = vector.broadcast %add3A_173 : i32 to vector<16xi32>
          %add3A_175 = arith.addi %convert_element_type3A_158, %add3A_174 : vector<16xi32>
          %and3A_176 = arith.constant 511 : i32
          %and3A_177 = vector.broadcast %and3A_176 : i32 to vector<16xi32>
          %and3A_178 = arith.andi %add3A_175, %and3A_177 : vector<16xi32>
          %shift_right_arithmetic3A_179 = arith.constant 3 : i32
          %shift_right_arithmetic3A_180 = vector.broadcast %shift_right_arithmetic3A_179 : i32 to vector<16xi32>
          %shift_right_arithmetic3A_181 = arith.shrsi %and3A_178, %shift_right_arithmetic3A_180 : vector<16xi32>
          %add3A_182 = arith.constant 0 : i32
          %add3A_183 = vector.broadcast %add3A_182 : i32 to vector<16xi32>
          %add3A_184 = arith.addi %shift_right_arithmetic3A_181, %add3A_183 : vector<16xi32>
          %and3A_185 = arith.constant 63 : i32
          %and3A_186 = vector.broadcast %and3A_185 : i32 to vector<16xi32>
          %and3A_187 = arith.andi %add3A_184, %and3A_186 : vector<16xi32>
          %mul3A_188 = arith.constant 64 : i32
          %mul3A_189 = vector.broadcast %mul3A_188 : i32 to vector<16xi32>
          %mul3A_190 = arith.muli %shift_right_arithmetic3A_172, %mul3A_189 : vector<16xi32>
          %add3A_191 = arith.addi %mul3A_190, %and3A_187 : vector<16xi32>
          %mul3A_192 = arith.constant 16 : i32
          %mul3A_193 = arith.muli %scan3A_142, %mul3A_192 : i32
          %add3A_194 = arith.constant 0 : i32
          %add3A_195 = arith.addi %add3A_194, %mul3A_193 : i32
          %swap3A = arith.index_cast %add3A_195 : i32 to index
          %swap3A_196 = tpu.vector_load %arg10[%swap3A] {strides = array<i32>} : memref<128xi32, #tpu.memory_space<vmem>>, vector<16xi32>,
          tpu.vector_store %arg10[%swap3A], %add3A_191 {strides = array<i32>} : memref<128xi32, #tpu.memory_space<vmem>>, vector<16xi32>,
          %add3A_197 = arith.constant 1 : i32
          %add3A_198 = vector.broadcast %add3A_197 : i32 to vector<16xi32>
          %add3A_199 = arith.addi %shift_right_arithmetic3A_181, %add3A_198 : vector<16xi32>
          %and3A_200 = arith.constant 63 : i32
          %and3A_201 = vector.broadcast %and3A_200 : i32 to vector<16xi32>
          %and3A_202 = arith.andi %add3A_199, %and3A_201 : vector<16xi32>
          %mul3A_203 = arith.constant 64 : i32
          %mul3A_204 = vector.broadcast %mul3A_203 : i32 to vector<16xi32>
          %mul3A_205 = arith.muli %shift_right_arithmetic3A_172, %mul3A_204 : vector<16xi32>
          %add3A_206 = arith.addi %mul3A_205, %and3A_202 : vector<16xi32>
          %mul3A_207 = arith.constant 16 : i32
          %mul3A_208 = arith.muli %scan3A_142, %mul3A_207 : i32
          %add3A_209 = arith.constant 64 : i32
          %add3A_210 = arith.addi %add3A_209, %mul3A_208 : i32
          %swap3A_211 = arith.index_cast %add3A_210 : i32 to index
          %swap3A_212 = tpu.vector_load %arg10[%swap3A_211] {strides = array<i32>} : memref<128xi32, #tpu.memory_space<vmem>>, vector<16xi32>,
          tpu.vector_store %arg10[%swap3A_211], %add3A_206 {strides = array<i32>} : memref<128xi32, #tpu.memory_space<vmem>>, vector<16xi32>,
        }
        %scan3A_125 = arith.constant 4 : i32
        %dma_start3A_126 = arith.constant 0 : i32
        %dma_start3A_127 = arith.constant 0 : i32
        %dma_start3A_128 = tpu.memref_slice %arg12[%dma_start3A_126, %dma_start3A_127] : memref<128x128xi32, #tpu.memory_space<vmem>> -> memref<64x128xi32, #tpu.memory_space<vmem>>
        %dma_start3A_129 = arith.constant 0 : i32
        %dma_start3A_130 = tpu.memref_slice %arg10[%dma_start3A_129] : memref<128xi32, #tpu.memory_space<vmem>> -> memref<64xi32, #tpu.memory_space<vmem>>
        %dma_start3A_131 = arith.constant 0 : i32
        %dma_start3A_132 = arith.constant 0 : i32
        %dma_start3A_133 = tpu.memref_slice %arg2[%dma_start3A_131, %dma_start3A_132] : memref<4096x128xi32, #tpu.memory_space<hbm>> -> memref<4096x128xi32, #tpu.memory_space<hbm>>
        tpu.enqueue_indirect_dma source(%dma_start3A_133 : memref<4096x128xi32, #tpu.memory_space<hbm>>) target(%dma_start3A_128 : memref<64x128xi32, #tpu.memory_space<vmem>>) offsets(%dma_start3A_130 : memref<64xi32, #tpu.memory_space<vmem>>) semaphore(%arg15 : memref<!tpu.dma_semaphore, #tpu.memory_space<semaphore_mem>>)
        %dma_start3A_134 = arith.constant 64 : i32
        %dma_start3A_135 = arith.constant 0 : i32
        %dma_start3A_136 = tpu.memref_slice %arg12[%dma_start3A_134, %dma_start3A_135] : memref<128x128xi32, #tpu.memory_space<vmem>> -> memref<64x128xi32, #tpu.memory_space<vmem>>
        %dma_start3A_137 = arith.constant 64 : i32
        %dma_start3A_138 = tpu.memref_slice %arg10[%dma_start3A_137] : memref<128xi32, #tpu.memory_space<vmem>> -> memref<64xi32, #tpu.memory_space<vmem>>
        %dma_start3A_139 = arith.constant 0 : i32
        %dma_start3A_140 = arith.constant 0 : i32
        %dma_start3A_141 = tpu.memref_slice %arg2[%dma_start3A_139, %dma_start3A_140] : memref<4096x128xi32, #tpu.memory_space<hbm>> -> memref<4096x128xi32, #tpu.memory_space<hbm>>
        tpu.enqueue_indirect_dma source(%dma_start3A_141 : memref<4096x128xi32, #tpu.memory_space<hbm>>) target(%dma_start3A_136 : memref<64x128xi32, #tpu.memory_space<vmem>>) offsets(%dma_start3A_138 : memref<64xi32, #tpu.memory_space<vmem>>) semaphore(%arg15 : memref<!tpu.dma_semaphore, #tpu.memory_space<semaphore_mem>>)
      } else {
      }
      %dma_wait3A_89 = arith.constant 0 : i32
      %dma_wait3A_90 = arith.constant 0 : i32
      %dma_wait3A_91 = tpu.memref_slice %arg13[%dma_wait3A_89, %dma_wait3A_90] : memref<128x128xi32, #tpu.memory_space<vmem>> -> memref<64x128xi32, #tpu.memory_space<vmem>>
      %dma_wait3A_92 = arith.constant 0 : i32
      %dma_wait3A_93 = tpu.memref_slice %arg10[%dma_wait3A_92] : memref<128xi32, #tpu.memory_space<vmem>> -> memref<64xi32, #tpu.memory_space<vmem>>
      %dma_wait3A_94 = arith.constant 0 : i32
      %dma_wait3A_95 = arith.constant 0 : i32
      %dma_wait3A_96 = tpu.memref_slice %arg2[%dma_wait3A_94, %dma_wait3A_95] : memref<4096x128xi32, #tpu.memory_space<hbm>> -> memref<4096x128xi32, #tpu.memory_space<hbm>>
      tpu.wait_indirect_dma semaphore(%arg16 : memref<!tpu.dma_semaphore, #tpu.memory_space<semaphore_mem>>) src(%dma_wait3A_96 : memref<4096x128xi32, #tpu.memory_space<hbm>>) dst(%dma_wait3A_91 : memref<64x128xi32, #tpu.memory_space<vmem>>)
      %dma_wait3A_97 = arith.constant 64 : i32
      %dma_wait3A_98 = arith.constant 0 : i32
      %dma_wait3A_99 = tpu.memref_slice %arg13[%dma_wait3A_97, %dma_wait3A_98] : memref<128x128xi32, #tpu.memory_space<vmem>> -> memref<64x128xi32, #tpu.memory_space<vmem>>
      %dma_wait3A_100 = arith.constant 64 : i32
      %dma_wait3A_101 = tpu.memref_slice %arg10[%dma_wait3A_100] : memref<128xi32, #tpu.memory_space<vmem>> -> memref<64xi32, #tpu.memory_space<vmem>>
      %dma_wait3A_102 = arith.constant 0 : i32
      %dma_wait3A_103 = arith.constant 0 : i32
      %dma_wait3A_104 = tpu.memref_slice %arg2[%dma_wait3A_102, %dma_wait3A_103] : memref<4096x128xi32, #tpu.memory_space<hbm>> -> memref<4096x128xi32, #tpu.memory_space<hbm>>
      tpu.wait_indirect_dma semaphore(%arg16 : memref<!tpu.dma_semaphore, #tpu.memory_space<semaphore_mem>>) src(%dma_wait3A_104 : memref<4096x128xi32, #tpu.memory_space<hbm>>) dst(%dma_wait3A_99 : memref<64x128xi32, #tpu.memory_space<vmem>>)
      %mul3A_105 = arith.constant 64 : i32
      %mul3A_106 = arith.muli %add3A_36, %mul3A_105 : i32
      %scan3A_107 = arith.constant 0 : i32
      %scan3A_108 = arith.constant 0 : i32
      %scan3A_109 = arith.constant 4 : i32
      %scan3A_110 = arith.addi %scan3A_108, %scan3A_109 : i32
      %scan3A_111 = arith.constant 1 : i32
      scf.for %scan3A_116 = %scan3A_108 to %scan3A_110 step %scan3A_111  : i32 {
        %mul3A_117 = arith.constant 16 : i32
        %mul3A_118 = arith.muli %scan3A_116, %mul3A_117 : i32
        %add3A_119 = arith.addi %mul3A_106, %mul3A_118 : i32
        %get3A = arith.index_cast %add3A_119 : i32 to index
        %get3A_120 = tpu.vector_load %arg7[%get3A] {strides = array<i32>} : memref<1024xf32, #tpu.memory_space<vmem>>, vector<16xf32>,
        %mul3A_121 = arith.constant 16 : i32
        %mul3A_122 = arith.muli %scan3A_116, %mul3A_121 : i32
        %add3A_123 = arith.addi %mul3A_106, %mul3A_122 : i32
        %get3A_124 = arith.index_cast %add3A_123 : i32 to index
        %get3A_125 = tpu.vector_load %arg8[%get3A_124] {strides = array<i32>} : memref<1024xf32, #tpu.memory_space<vmem>>, vector<16xf32>,
        %mul3A_126 = arith.constant 5.120000e+02 : f32
        %mul3A_127 = vector.broadcast %mul3A_126 : f32 to vector<16xf32>
        %mul3A_128 = arith.mulf %get3A_120, %mul3A_127 : vector<16xf32>
        %add3A_129 = arith.constant 2.560000e+02 : f32
        %add3A_130 = vector.broadcast %add3A_129 : f32 to vector<16xf32>
        %add3A_131 = arith.addf %mul3A_128, %add3A_130 : vector<16xf32>
        %mul3A_132 = arith.constant 5.120000e+02 : f32
        %mul3A_133 = vector.broadcast %mul3A_132 : f32 to vector<16xf32>
        %mul3A_134 = arith.mulf %get3A_125, %mul3A_133 : vector<16xf32>
        %add3A_135 = arith.constant 2.560000e+02 : f32
        %add3A_136 = vector.broadcast %add3A_135 : f32 to vector<16xf32>
        %add3A_137 = arith.addf %mul3A_134, %add3A_136 : vector<16xf32>
        %convert_element_type3A_138 = arith.fptosi %add3A_131 : vector<16xf32> to vector<16xi32>
        %convert_element_type3A_139 = arith.fptosi %add3A_137 : vector<16xf32> to vector<16xi32>
        %convert_element_type3A_140 = arith.sitofp %convert_element_type3A_138 : vector<16xi32> to vector<16xf32>
        %sub3A = arith.subf %add3A_131, %convert_element_type3A_140 : vector<16xf32>
        %convert_element_type3A_141 = arith.sitofp %convert_element_type3A_139 : vector<16xi32> to vector<16xf32>
        %sub3A_142 = arith.subf %add3A_137, %convert_element_type3A_141 : vector<16xf32>
        %add3A_143 = arith.constant 510 : i32
        %add3A_144 = vector.broadcast %add3A_143 : i32 to vector<16xi32>
        %add3A_145 = arith.addi %convert_element_type3A_139, %add3A_144 : vector<16xi32>
        %and3A = arith.constant 511 : i32
        %and3A_146 = vector.broadcast %and3A : i32 to vector<16xi32>
        %and3A_147 = arith.andi %add3A_145, %and3A_146 : vector<16xi32>
        %and3A_148 = arith.constant 7 : i32
        %and3A_149 = vector.broadcast %and3A_148 : i32 to vector<16xi32>
        %and3A_150 = arith.andi %and3A_147, %and3A_149 : vector<16xi32>
        %add3A_151 = arith.constant 510 : i32
        %add3A_152 = vector.broadcast %add3A_151 : i32 to vector<16xi32>
        %add3A_153 = arith.addi %convert_element_type3A_138, %add3A_152 : vector<16xi32>
        %and3A_154 = arith.constant 511 : i32
        %and3A_155 = vector.broadcast %and3A_154 : i32 to vector<16xi32>
        %and3A_156 = arith.andi %add3A_153, %and3A_155 : vector<16xi32>
        %shift_right_arithmetic3A = arith.constant 3 : i32
        %shift_right_arithmetic3A_157 = vector.broadcast %shift_right_arithmetic3A : i32 to vector<16xi32>
        %shift_right_arithmetic3A_158 = arith.shrsi %and3A_156, %shift_right_arithmetic3A_157 : vector<16xi32>
        %mul3A_159 = arith.constant -0.259640962 : f32
        %mul3A_160 = vector.broadcast %mul3A_159 : f32 to vector<16xf32>
        %mul3A_161 = arith.mulf %mul3A_160, %sub3A : vector<16xf32>
        %add3A_162 = arith.constant 0.825455963 : f32
        %add3A_163 = vector.broadcast %add3A_162 : f32 to vector<16xf32>
        %add3A_164 = arith.addf %mul3A_161, %add3A_163 : vector<16xf32>
        %mul3A_165 = arith.mulf %add3A_164, %sub3A : vector<16xf32>
        %add3A_166 = arith.constant -1.01572621 : f32
        %add3A_167 = vector.broadcast %add3A_166 : f32 to vector<16xf32>
        %add3A_168 = arith.addf %mul3A_165, %add3A_167 : vector<16xf32>
        %mul3A_169 = arith.mulf %add3A_168, %sub3A : vector<16xf32>
        %add3A_170 = arith.constant 0.582170069 : f32
        %add3A_171 = vector.broadcast %add3A_170 : f32 to vector<16xf32>
        %add3A_172 = arith.addf %mul3A_169, %add3A_171 : vector<16xf32>
        %mul3A_173 = arith.mulf %add3A_172, %sub3A : vector<16xf32>
        %add3A_174 = arith.constant -0.181265756 : f32
        %add3A_175 = vector.broadcast %add3A_174 : f32 to vector<16xf32>
        %add3A_176 = arith.addf %mul3A_173, %add3A_175 : vector<16xf32>
        %mul3A_177 = arith.mulf %add3A_176, %sub3A : vector<16xf32>
        %add3A_178 = arith.constant 0.234230801 : f32
        %add3A_179 = vector.broadcast %add3A_178 : f32 to vector<16xf32>
        %add3A_180 = arith.addf %mul3A_177, %add3A_179 : vector<16xf32>
        %mul3A_181 = arith.mulf %add3A_180, %sub3A : vector<16xf32>
        %add3A_182 = arith.constant -0.356552333 : f32
        %add3A_183 = vector.broadcast %add3A_182 : f32 to vector<16xf32>
        %add3A_184 = arith.addf %mul3A_181, %add3A_183 : vector<16xf32>
        %mul3A_185 = arith.mulf %add3A_184, %sub3A : vector<16xf32>
        %add3A_186 = arith.constant 0.172568098 : f32
        %add3A_187 = vector.broadcast %add3A_186 : f32 to vector<16xf32>
        %add3A_188 = arith.addf %mul3A_185, %add3A_187 : vector<16xf32>
        %mul3A_189 = arith.constant 4.00823745E-4 : f32
        %mul3A_190 = vector.broadcast %mul3A_189 : f32 to vector<16xf32>
        %mul3A_191 = arith.mulf %mul3A_190, %sub3A : vector<16xf32>
        %add3A_192 = arith.constant 0.00316058099 : f32
        %add3A_193 = vector.broadcast %add3A_192 : f32 to vector<16xf32>
        %add3A_194 = arith.addf %mul3A_191, %add3A_193 : vector<16xf32>
        %mul3A_195 = arith.mulf %add3A_194, %sub3A : vector<16xf32>
        %add3A_196 = arith.constant -0.0203458536 : f32
        %add3A_197 = vector.broadcast %add3A_196 : f32 to vector<16xf32>
        %add3A_198 = arith.addf %mul3A_195, %add3A_197 : vector<16xf32>
        %mul3A_199 = arith.mulf %add3A_198, %sub3A : vector<16xf32>
        %add3A_200 = arith.constant -0.00269542518 : f32
        %add3A_201 = vector.broadcast %add3A_200 : f32 to vector<16xf32>
        %add3A_202 = arith.addf %mul3A_199, %add3A_201 : vector<16xf32>
        %mul3A_203 = arith.mulf %add3A_202, %sub3A : vector<16xf32>
        %add3A_204 = arith.constant 0.151545539 : f32
        %add3A_205 = vector.broadcast %add3A_204 : f32 to vector<16xf32>
        %add3A_206 = arith.addf %mul3A_203, %add3A_205 : vector<16xf32>
        %mul3A_207 = arith.mulf %add3A_206, %sub3A : vector<16xf32>
        %add3A_208 = arith.constant -0.0854201168 : f32
        %add3A_209 = vector.broadcast %add3A_208 : f32 to vector<16xf32>
        %add3A_210 = arith.addf %mul3A_207, %add3A_209 : vector<16xf32>
        %mul3A_211 = arith.mulf %add3A_210, %sub3A : vector<16xf32>
        %add3A_212 = arith.constant -5.480290e-01 : f32
        %add3A_213 = vector.broadcast %add3A_212 : f32 to vector<16xf32>
        %add3A_214 = arith.addf %mul3A_211, %add3A_213 : vector<16xf32>
        %mul3A_215 = arith.mulf %add3A_214, %sub3A : vector<16xf32>
        %add3A_216 = arith.constant 0.673937678 : f32
        %add3A_217 = vector.broadcast %add3A_216 : f32 to vector<16xf32>
        %add3A_218 = arith.addf %mul3A_215, %add3A_217 : vector<16xf32>
        %mul3A_219 = arith.constant 0.00118462718 : f32
        %mul3A_220 = vector.broadcast %mul3A_219 : f32 to vector<16xf32>
        %mul3A_221 = arith.mulf %mul3A_220, %sub3A : vector<16xf32>
        %add3A_222 = arith.constant -0.00762139726 : f32
        %add3A_223 = vector.broadcast %add3A_222 : f32 to vector<16xf32>
        %add3A_224 = arith.addf %mul3A_221, %add3A_223 : vector<16xf32>
        %mul3A_225 = arith.mulf %add3A_224, %sub3A : vector<16xf32>
        %add3A_226 = arith.constant 0.00135799486 : f32
        %add3A_227 = vector.broadcast %add3A_226 : f32 to vector<16xf32>
        %add3A_228 = arith.addf %mul3A_225, %add3A_227 : vector<16xf32>
        %mul3A_229 = arith.mulf %add3A_228, %sub3A : vector<16xf32>
        %add3A_230 = arith.constant 0.0622184053 : f32
        %add3A_231 = vector.broadcast %add3A_230 : f32 to vector<16xf32>
        %add3A_232 = arith.addf %mul3A_229, %add3A_231 : vector<16xf32>
        %mul3A_233 = arith.mulf %add3A_232, %sub3A : vector<16xf32>
        %add3A_234 = arith.constant 1.48622465E-4 : f32
        %add3A_235 = vector.broadcast %add3A_234 : f32 to vector<16xf32>
        %add3A_236 = arith.addf %mul3A_233, %add3A_235 : vector<16xf32>
        %mul3A_237 = arith.mulf %add3A_236, %sub3A : vector<16xf32>
        %add3A_238 = arith.constant -0.383351386 : f32
        %add3A_239 = vector.broadcast %add3A_238 : f32 to vector<16xf32>
        %add3A_240 = arith.addf %mul3A_237, %add3A_239 : vector<16xf32>
        %mul3A_241 = arith.mulf %add3A_240, %sub3A : vector<16xf32>
        %add3A_242 = arith.constant 8.41221435E-7 : f32
        %add3A_243 = vector.broadcast %add3A_242 : f32 to vector<16xf32>
        %add3A_244 = arith.addf %mul3A_241, %add3A_243 : vector<16xf32>
        %mul3A_245 = arith.mulf %add3A_244, %sub3A : vector<16xf32>
        %add3A_246 = arith.constant 1.000000e+00 : f32
        %add3A_247 = vector.broadcast %add3A_246 : f32 to vector<16xf32>
        %add3A_248 = arith.addf %mul3A_245, %add3A_247 : vector<16xf32>
        %mul3A_249 = arith.constant -0.00118462718 : f32
        %mul3A_250 = vector.broadcast %mul3A_249 : f32 to vector<16xf32>
        %mul3A_251 = arith.mulf %mul3A_250, %sub3A : vector<16xf32>
        %add3A_252 = arith.constant 6.70992944E-4 : f32
        %add3A_253 = vector.broadcast %add3A_252 : f32 to vector<16xf32>
        %add3A_254 = arith.addf %mul3A_251, %add3A_253 : vector<16xf32>
        %mul3A_255 = arith.mulf %add3A_254, %sub3A : vector<16xf32>
        %add3A_256 = arith.constant 0.0194932185 : f32
        %add3A_257 = vector.broadcast %add3A_256 : f32 to vector<16xf32>
        %add3A_258 = arith.addf %mul3A_255, %add3A_257 : vector<16xf32>
        %mul3A_259 = arith.mulf %add3A_258, %sub3A : vector<16xf32>
        %add3A_260 = arith.constant -0.00385063025 : f32
        %add3A_261 = vector.broadcast %add3A_260 : f32 to vector<16xf32>
        %add3A_262 = arith.addf %mul3A_259, %add3A_261 : vector<16xf32>
        %mul3A_263 = arith.mulf %add3A_262, %sub3A : vector<16xf32>
        %add3A_264 = arith.constant -0.151636198 : f32
        %add3A_265 = vector.broadcast %add3A_264 : f32 to vector<16xf32>
        %add3A_266 = arith.addf %mul3A_263, %add3A_265 : vector<16xf32>
        %mul3A_267 = arith.mulf %add3A_266, %sub3A : vector<16xf32>
        %add3A_268 = arith.constant -0.0854589492 : f32
        %add3A_269 = vector.broadcast %add3A_268 : f32 to vector<16xf32>
        %add3A_270 = arith.addf %mul3A_267, %add3A_269 : vector<16xf32>
        %mul3A_271 = arith.mulf %add3A_270, %sub3A : vector<16xf32>
        %add3A_272 = arith.constant 0.548028469 : f32
        %add3A_273 = vector.broadcast %add3A_272 : f32 to vector<16xf32>
        %add3A_274 = arith.addf %mul3A_271, %add3A_273 : vector<16xf32>
        %mul3A_275 = arith.mulf %add3A_274, %sub3A : vector<16xf32>
        %add3A_276 = arith.constant 0.673937678 : f32
        %add3A_277 = vector.broadcast %add3A_276 : f32 to vector<16xf32>
        %add3A_278 = arith.addf %mul3A_275, %add3A_277 : vector<16xf32>
        %mul3A_279 = arith.constant -4.00823745E-4 : f32
        %mul3A_280 = vector.broadcast %mul3A_279 : f32 to vector<16xf32>
        %mul3A_281 = arith.mulf %mul3A_280, %sub3A : vector<16xf32>
        %add3A_282 = arith.constant 0.00596634718 : f32
        %add3A_283 = vector.broadcast %add3A_282 : f32 to vector<16xf32>
        %add3A_284 = arith.addf %mul3A_281, %add3A_283 : vector<16xf32>
        %mul3A_285 = arith.mulf %add3A_284, %sub3A : vector<16xf32>
        %add3A_286 = arith.constant -0.00703493087 : f32
        %add3A_287 = vector.broadcast %add3A_286 : f32 to vector<16xf32>
        %add3A_288 = arith.addf %mul3A_285, %add3A_287 : vector<16xf32>
        %mul3A_289 = arith.mulf %add3A_288, %sub3A : vector<16xf32>
        %add3A_290 = arith.constant -0.0429871492 : f32
        %add3A_291 = vector.broadcast %add3A_290 : f32 to vector<16xf32>
        %add3A_292 = arith.addf %mul3A_289, %add3A_291 : vector<16xf32>
        %mul3A_293 = arith.mulf %add3A_292, %sub3A : vector<16xf32>
        %add3A_294 = arith.constant -0.0145457434 : f32
        %add3A_295 = vector.broadcast %add3A_294 : f32 to vector<16xf32>
        %add3A_296 = arith.addf %mul3A_293, %add3A_295 : vector<16xf32>
        %mul3A_297 = arith.mulf %add3A_296, %sub3A : vector<16xf32>
        %add3A_298 = arith.constant 0.205411404 : f32
        %add3A_299 = vector.broadcast %add3A_298 : f32 to vector<16xf32>
        %add3A_300 = arith.addf %mul3A_297, %add3A_299 : vector<16xf32>
        %mul3A_301 = arith.mulf %add3A_300, %sub3A : vector<16xf32>
        %add3A_302 = arith.constant 0.354974359 : f32
        %add3A_303 = vector.broadcast %add3A_302 : f32 to vector<16xf32>
        %add3A_304 = arith.addf %mul3A_301, %add3A_303 : vector<16xf32>
        %mul3A_305 = arith.mulf %add3A_304, %sub3A : vector<16xf32>
        %add3A_306 = arith.constant 0.172554255 : f32
        %add3A_307 = vector.broadcast %add3A_306 : f32 to vector<16xf32>
        %add3A_308 = arith.addf %mul3A_305, %add3A_307 : vector<16xf32>
        %mul3A_309 = arith.constant 0.259640962 : f32
        %mul3A_310 = vector.broadcast %mul3A_309 : f32 to vector<16xf32>
        %mul3A_311 = arith.mulf %mul3A_310, %sub3A : vector<16xf32>
        %add3A_312 = arith.constant -0.992030799 : f32
        %add3A_313 = vector.broadcast %add3A_312 : f32 to vector<16xf32>
        %add3A_314 = arith.addf %mul3A_311, %add3A_313 : vector<16xf32>
        %mul3A_315 = arith.mulf %add3A_314, %sub3A : vector<16xf32>
        %add3A_316 = arith.constant 1.51545095 : f32
        %add3A_317 = vector.broadcast %add3A_316 : f32 to vector<16xf32>
        %add3A_318 = arith.addf %mul3A_315, %add3A_317 : vector<16xf32>
        %mul3A_319 = arith.mulf %add3A_318, %sub3A : vector<16xf32>
        %add3A_320 = arith.constant -1.20205593 : f32
        %add3A_321 = vector.broadcast %add3A_320 : f32 to vector<16xf32>
        %add3A_322 = arith.addf %mul3A_319, %add3A_321 : vector<16xf32>
        %mul3A_323 = arith.mulf %add3A_322, %sub3A : vector<16xf32>
        %add3A_324 = arith.constant 0.588163078 : f32
        %add3A_325 = vector.broadcast %add3A_324 : f32 to vector<16xf32>
        %add3A_326 = arith.addf %mul3A_323, %add3A_325 : vector<16xf32>
        %mul3A_327 = arith.mulf %add3A_326, %sub3A : vector<16xf32>
        %add3A_328 = arith.constant -0.0444298461 : f32
        %add3A_329 = vector.broadcast %add3A_328 : f32 to vector<16xf32>
        %add3A_330 = arith.addf %mul3A_327, %add3A_329 : vector<16xf32>
        %mul3A_331 = arith.mulf %add3A_330, %sub3A : vector<16xf32>
        %add3A_332 = arith.constant 0.046590168 : f32
        %add3A_333 = vector.broadcast %add3A_332 : f32 to vector<16xf32>
        %add3A_334 = arith.addf %mul3A_331, %add3A_333 : vector<16xf32>
        %mul3A_335 = arith.mulf %add3A_334, %sub3A : vector<16xf32>
        %add3A_336 = arith.constant 0.00123958976 : f32
        %add3A_337 = vector.broadcast %add3A_336 : f32 to vector<16xf32>
        %add3A_338 = arith.addf %mul3A_335, %add3A_337 : vector<16xf32>
        %mul3A_339 = arith.constant -0.259640962 : f32
        %mul3A_340 = vector.broadcast %mul3A_339 : f32 to vector<16xf32>
        %mul3A_341 = arith.mulf %mul3A_340, %sub3A_142 : vector<16xf32>
        %add3A_342 = arith.constant 0.825455963 : f32
        %add3A_343 = vector.broadcast %add3A_342 : f32 to vector<16xf32>
        %add3A_344 = arith.addf %mul3A_341, %add3A_343 : vector<16xf32>
        %mul3A_345 = arith.mulf %add3A_344, %sub3A_142 : vector<16xf32>
        %add3A_346 = arith.constant -1.01572621 : f32
        %add3A_347 = vector.broadcast %add3A_346 : f32 to vector<16xf32>
        %add3A_348 = arith.addf %mul3A_345, %add3A_347 : vector<16xf32>
        %mul3A_349 = arith.mulf %add3A_348, %sub3A_142 : vector<16xf32>
        %add3A_350 = arith.constant 0.582170069 : f32
        %add3A_351 = vector.broadcast %add3A_350 : f32 to vector<16xf32>
        %add3A_352 = arith.addf %mul3A_349, %add3A_351 : vector<16xf32>
        %mul3A_353 = arith.mulf %add3A_352, %sub3A_142 : vector<16xf32>
        %add3A_354 = arith.constant -0.181265756 : f32
        %add3A_355 = vector.broadcast %add3A_354 : f32 to vector<16xf32>
        %add3A_356 = arith.addf %mul3A_353, %add3A_355 : vector<16xf32>
        %mul3A_357 = arith.mulf %add3A_356, %sub3A_142 : vector<16xf32>
        %add3A_358 = arith.constant 0.234230801 : f32
        %add3A_359 = vector.broadcast %add3A_358 : f32 to vector<16xf32>
        %add3A_360 = arith.addf %mul3A_357, %add3A_359 : vector<16xf32>
        %mul3A_361 = arith.mulf %add3A_360, %sub3A_142 : vector<16xf32>
        %add3A_362 = arith.constant -0.356552333 : f32
        %add3A_363 = vector.broadcast %add3A_362 : f32 to vector<16xf32>
        %add3A_364 = arith.addf %mul3A_361, %add3A_363 : vector<16xf32>
        %mul3A_365 = arith.mulf %add3A_364, %sub3A_142 : vector<16xf32>
        %add3A_366 = arith.constant 0.172568098 : f32
        %add3A_367 = vector.broadcast %add3A_366 : f32 to vector<16xf32>
        %add3A_368 = arith.addf %mul3A_365, %add3A_367 : vector<16xf32>
        %mul3A_369 = arith.constant 4.00823745E-4 : f32
        %mul3A_370 = vector.broadcast %mul3A_369 : f32 to vector<16xf32>
        %mul3A_371 = arith.mulf %mul3A_370, %sub3A_142 : vector<16xf32>
        %add3A_372 = arith.constant 0.00316058099 : f32
        %add3A_373 = vector.broadcast %add3A_372 : f32 to vector<16xf32>
        %add3A_374 = arith.addf %mul3A_371, %add3A_373 : vector<16xf32>
        %mul3A_375 = arith.mulf %add3A_374, %sub3A_142 : vector<16xf32>
        %add3A_376 = arith.constant -0.0203458536 : f32
        %add3A_377 = vector.broadcast %add3A_376 : f32 to vector<16xf32>
        %add3A_378 = arith.addf %mul3A_375, %add3A_377 : vector<16xf32>
        %mul3A_379 = arith.mulf %add3A_378, %sub3A_142 : vector<16xf32>
        %add3A_380 = arith.constant -0.00269542518 : f32
        %add3A_381 = vector.broadcast %add3A_380 : f32 to vector<16xf32>
        %add3A_382 = arith.addf %mul3A_379, %add3A_381 : vector<16xf32>
        %mul3A_383 = arith.mulf %add3A_382, %sub3A_142 : vector<16xf32>
        %add3A_384 = arith.constant 0.151545539 : f32
        %add3A_385 = vector.broadcast %add3A_384 : f32 to vector<16xf32>
        %add3A_386 = arith.addf %mul3A_383, %add3A_385 : vector<16xf32>
        %mul3A_387 = arith.mulf %add3A_386, %sub3A_142 : vector<16xf32>
        %add3A_388 = arith.constant -0.0854201168 : f32
        %add3A_389 = vector.broadcast %add3A_388 : f32 to vector<16xf32>
        %add3A_390 = arith.addf %mul3A_387, %add3A_389 : vector<16xf32>
        %mul3A_391 = arith.mulf %add3A_390, %sub3A_142 : vector<16xf32>
        %add3A_392 = arith.constant -5.480290e-01 : f32
        %add3A_393 = vector.broadcast %add3A_392 : f32 to vector<16xf32>
        %add3A_394 = arith.addf %mul3A_391, %add3A_393 : vector<16xf32>
        %mul3A_395 = arith.mulf %add3A_394, %sub3A_142 : vector<16xf32>
        %add3A_396 = arith.constant 0.673937678 : f32
        %add3A_397 = vector.broadcast %add3A_396 : f32 to vector<16xf32>
        %add3A_398 = arith.addf %mul3A_395, %add3A_397 : vector<16xf32>
        %mul3A_399 = arith.constant 0.00118462718 : f32
        %mul3A_400 = vector.broadcast %mul3A_399 : f32 to vector<16xf32>
        %mul3A_401 = arith.mulf %mul3A_400, %sub3A_142 : vector<16xf32>
        %add3A_402 = arith.constant -0.00762139726 : f32
        %add3A_403 = vector.broadcast %add3A_402 : f32 to vector<16xf32>
        %add3A_404 = arith.addf %mul3A_401, %add3A_403 : vector<16xf32>
        %mul3A_405 = arith.mulf %add3A_404, %sub3A_142 : vector<16xf32>
        %add3A_406 = arith.constant 0.00135799486 : f32
        %add3A_407 = vector.broadcast %add3A_406 : f32 to vector<16xf32>
        %add3A_408 = arith.addf %mul3A_405, %add3A_407 : vector<16xf32>
        %mul3A_409 = arith.mulf %add3A_408, %sub3A_142 : vector<16xf32>
        %add3A_410 = arith.constant 0.0622184053 : f32
        %add3A_411 = vector.broadcast %add3A_410 : f32 to vector<16xf32>
        %add3A_412 = arith.addf %mul3A_409, %add3A_411 : vector<16xf32>
        %mul3A_413 = arith.mulf %add3A_412, %sub3A_142 : vector<16xf32>
        %add3A_414 = arith.constant 1.48622465E-4 : f32
        %add3A_415 = vector.broadcast %add3A_414 : f32 to vector<16xf32>
        %add3A_416 = arith.addf %mul3A_413, %add3A_415 : vector<16xf32>
        %mul3A_417 = arith.mulf %add3A_416, %sub3A_142 : vector<16xf32>
        %add3A_418 = arith.constant -0.383351386 : f32
        %add3A_419 = vector.broadcast %add3A_418 : f32 to vector<16xf32>
        %add3A_420 = arith.addf %mul3A_417, %add3A_419 : vector<16xf32>
        %mul3A_421 = arith.mulf %add3A_420, %sub3A_142 : vector<16xf32>
        %add3A_422 = arith.constant 8.41221435E-7 : f32
        %add3A_423 = vector.broadcast %add3A_422 : f32 to vector<16xf32>
        %add3A_424 = arith.addf %mul3A_421, %add3A_423 : vector<16xf32>
        %mul3A_425 = arith.mulf %add3A_424, %sub3A_142 : vector<16xf32>
        %add3A_426 = arith.constant 1.000000e+00 : f32
        %add3A_427 = vector.broadcast %add3A_426 : f32 to vector<16xf32>
        %add3A_428 = arith.addf %mul3A_425, %add3A_427 : vector<16xf32>
        %mul3A_429 = arith.constant -0.00118462718 : f32
        %mul3A_430 = vector.broadcast %mul3A_429 : f32 to vector<16xf32>
        %mul3A_431 = arith.mulf %mul3A_430, %sub3A_142 : vector<16xf32>
        %add3A_432 = arith.constant 6.70992944E-4 : f32
        %add3A_433 = vector.broadcast %add3A_432 : f32 to vector<16xf32>
        %add3A_434 = arith.addf %mul3A_431, %add3A_433 : vector<16xf32>
        %mul3A_435 = arith.mulf %add3A_434, %sub3A_142 : vector<16xf32>
        %add3A_436 = arith.constant 0.0194932185 : f32
        %add3A_437 = vector.broadcast %add3A_436 : f32 to vector<16xf32>
        %add3A_438 = arith.addf %mul3A_435, %add3A_437 : vector<16xf32>
        %mul3A_439 = arith.mulf %add3A_438, %sub3A_142 : vector<16xf32>
        %add3A_440 = arith.constant -0.00385063025 : f32
        %add3A_441 = vector.broadcast %add3A_440 : f32 to vector<16xf32>
        %add3A_442 = arith.addf %mul3A_439, %add3A_441 : vector<16xf32>
        %mul3A_443 = arith.mulf %add3A_442, %sub3A_142 : vector<16xf32>
        %add3A_444 = arith.constant -0.151636198 : f32
        %add3A_445 = vector.broadcast %add3A_444 : f32 to vector<16xf32>
        %add3A_446 = arith.addf %mul3A_443, %add3A_445 : vector<16xf32>
        %mul3A_447 = arith.mulf %add3A_446, %sub3A_142 : vector<16xf32>
        %add3A_448 = arith.constant -0.0854589492 : f32
        %add3A_449 = vector.broadcast %add3A_448 : f32 to vector<16xf32>
        %add3A_450 = arith.addf %mul3A_447, %add3A_449 : vector<16xf32>
        %mul3A_451 = arith.mulf %add3A_450, %sub3A_142 : vector<16xf32>
        %add3A_452 = arith.constant 0.548028469 : f32
        %add3A_453 = vector.broadcast %add3A_452 : f32 to vector<16xf32>
        %add3A_454 = arith.addf %mul3A_451, %add3A_453 : vector<16xf32>
        %mul3A_455 = arith.mulf %add3A_454, %sub3A_142 : vector<16xf32>
        %add3A_456 = arith.constant 0.673937678 : f32
        %add3A_457 = vector.broadcast %add3A_456 : f32 to vector<16xf32>
        %add3A_458 = arith.addf %mul3A_455, %add3A_457 : vector<16xf32>
        %mul3A_459 = arith.constant -4.00823745E-4 : f32
        %mul3A_460 = vector.broadcast %mul3A_459 : f32 to vector<16xf32>
        %mul3A_461 = arith.mulf %mul3A_460, %sub3A_142 : vector<16xf32>
        %add3A_462 = arith.constant 0.00596634718 : f32
        %add3A_463 = vector.broadcast %add3A_462 : f32 to vector<16xf32>
        %add3A_464 = arith.addf %mul3A_461, %add3A_463 : vector<16xf32>
        %mul3A_465 = arith.mulf %add3A_464, %sub3A_142 : vector<16xf32>
        %add3A_466 = arith.constant -0.00703493087 : f32
        %add3A_467 = vector.broadcast %add3A_466 : f32 to vector<16xf32>
        %add3A_468 = arith.addf %mul3A_465, %add3A_467 : vector<16xf32>
        %mul3A_469 = arith.mulf %add3A_468, %sub3A_142 : vector<16xf32>
        %add3A_470 = arith.constant -0.0429871492 : f32
        %add3A_471 = vector.broadcast %add3A_470 : f32 to vector<16xf32>
        %add3A_472 = arith.addf %mul3A_469, %add3A_471 : vector<16xf32>
        %mul3A_473 = arith.mulf %add3A_472, %sub3A_142 : vector<16xf32>
        %add3A_474 = arith.constant -0.0145457434 : f32
        %add3A_475 = vector.broadcast %add3A_474 : f32 to vector<16xf32>
        %add3A_476 = arith.addf %mul3A_473, %add3A_475 : vector<16xf32>
        %mul3A_477 = arith.mulf %add3A_476, %sub3A_142 : vector<16xf32>
        %add3A_478 = arith.constant 0.205411404 : f32
        %add3A_479 = vector.broadcast %add3A_478 : f32 to vector<16xf32>
        %add3A_480 = arith.addf %mul3A_477, %add3A_479 : vector<16xf32>
        %mul3A_481 = arith.mulf %add3A_480, %sub3A_142 : vector<16xf32>
        %add3A_482 = arith.constant 0.354974359 : f32
        %add3A_483 = vector.broadcast %add3A_482 : f32 to vector<16xf32>
        %add3A_484 = arith.addf %mul3A_481, %add3A_483 : vector<16xf32>
        %mul3A_485 = arith.mulf %add3A_484, %sub3A_142 : vector<16xf32>
        %add3A_486 = arith.constant 0.172554255 : f32
        %add3A_487 = vector.broadcast %add3A_486 : f32 to vector<16xf32>
        %add3A_488 = arith.addf %mul3A_485, %add3A_487 : vector<16xf32>
        %mul3A_489 = arith.constant 0.259640962 : f32
        %mul3A_490 = vector.broadcast %mul3A_489 : f32 to vector<16xf32>
        %mul3A_491 = arith.mulf %mul3A_490, %sub3A_142 : vector<16xf32>
        %add3A_492 = arith.constant -0.992030799 : f32
        %add3A_493 = vector.broadcast %add3A_492 : f32 to vector<16xf32>
        %add3A_494 = arith.addf %mul3A_491, %add3A_493 : vector<16xf32>
        %mul3A_495 = arith.mulf %add3A_494, %sub3A_142 : vector<16xf32>
        %add3A_496 = arith.constant 1.51545095 : f32
        %add3A_497 = vector.broadcast %add3A_496 : f32 to vector<16xf32>
        %add3A_498 = arith.addf %mul3A_495, %add3A_497 : vector<16xf32>
        %mul3A_499 = arith.mulf %add3A_498, %sub3A_142 : vector<16xf32>
        %add3A_500 = arith.constant -1.20205593 : f32
        %add3A_501 = vector.broadcast %add3A_500 : f32 to vector<16xf32>
        %add3A_502 = arith.addf %mul3A_499, %add3A_501 : vector<16xf32>
        %mul3A_503 = arith.mulf %add3A_502, %sub3A_142 : vector<16xf32>
        %add3A_504 = arith.constant 0.588163078 : f32
        %add3A_505 = vector.broadcast %add3A_504 : f32 to vector<16xf32>
        %add3A_506 = arith.addf %mul3A_503, %add3A_505 : vector<16xf32>
        %mul3A_507 = arith.mulf %add3A_506, %sub3A_142 : vector<16xf32>
        %add3A_508 = arith.constant -0.0444298461 : f32
        %add3A_509 = vector.broadcast %add3A_508 : f32 to vector<16xf32>
        %add3A_510 = arith.addf %mul3A_507, %add3A_509 : vector<16xf32>
        %mul3A_511 = arith.mulf %add3A_510, %sub3A_142 : vector<16xf32>
        %add3A_512 = arith.constant 0.046590168 : f32
        %add3A_513 = vector.broadcast %add3A_512 : f32 to vector<16xf32>
        %add3A_514 = arith.addf %mul3A_511, %add3A_513 : vector<16xf32>
        %mul3A_515 = arith.mulf %add3A_514, %sub3A_142 : vector<16xf32>
        %add3A_516 = arith.constant 0.00123958976 : f32
        %add3A_517 = vector.broadcast %add3A_516 : f32 to vector<16xf32>
        %add3A_518 = arith.addf %mul3A_515, %add3A_517 : vector<16xf32>
        %mul3A_519 = arith.constant 16 : i32
        %mul3A_520 = arith.muli %scan3A_116, %mul3A_519 : i32
        %add3A_521 = vector.broadcast %mul3A_520 : i32 to vector<16xi32>
        %add3A_522 = arith.addi %add3A_521, %iota3A : vector<16xi32>
        %add3A_523 = arith.constant 0 : i32
        %add3A_524 = vector.broadcast %add3A_523 : i32 to vector<16xi32>
        %add3A_525 = arith.addi %and3A_156, %add3A_524 : vector<16xi32>
        %shift_right_arithmetic3A_526 = arith.constant 3 : i32
        %shift_right_arithmetic3A_527 = vector.broadcast %shift_right_arithmetic3A_526 : i32 to vector<16xi32>
        %shift_right_arithmetic3A_528 = arith.shrsi %add3A_525, %shift_right_arithmetic3A_527 : vector<16xi32>
        %sub3A_529 = arith.subi %shift_right_arithmetic3A_528, %shift_right_arithmetic3A_158 : vector<16xi32>
        %mul3A_530 = arith.constant 64 : i32
        %mul3A_531 = vector.broadcast %mul3A_530 : i32 to vector<16xi32>
        %mul3A_532 = arith.muli %sub3A_529, %mul3A_531 : vector<16xi32>
        %add3A_533 = arith.addi %mul3A_532, %add3A_522 : vector<16xi32>
        %and3A_534 = arith.constant 7 : i32
        %and3A_535 = vector.broadcast %and3A_534 : i32 to vector<16xi32>
        %and3A_536 = arith.andi %add3A_525, %and3A_535 : vector<16xi32>
        %mul3A_537 = arith.constant 16 : i32
        %mul3A_538 = vector.broadcast %mul3A_537 : i32 to vector<16xi32>
        %mul3A_539 = arith.muli %and3A_536, %mul3A_538 : vector<16xi32>
        %add3A_540 = arith.addi %mul3A_539, %and3A_150 : vector<16xi32>
        %add3A_541 = arith.constant 1 : i32
        %add3A_542 = vector.broadcast %add3A_541 : i32 to vector<16xi32>
        %add3A_543 = arith.addi %and3A_156, %add3A_542 : vector<16xi32>
        %shift_right_arithmetic3A_544 = arith.constant 3 : i32
        %shift_right_arithmetic3A_545 = vector.broadcast %shift_right_arithmetic3A_544 : i32 to vector<16xi32>
        %shift_right_arithmetic3A_546 = arith.shrsi %add3A_543, %shift_right_arithmetic3A_545 : vector<16xi32>
        %sub3A_547 = arith.subi %shift_right_arithmetic3A_546, %shift_right_arithmetic3A_158 : vector<16xi32>
        %mul3A_548 = arith.constant 64 : i32
        %mul3A_549 = vector.broadcast %mul3A_548 : i32 to vector<16xi32>
        %mul3A_550 = arith.muli %sub3A_547, %mul3A_549 : vector<16xi32>
        %add3A_551 = arith.addi %mul3A_550, %add3A_522 : vector<16xi32>
        %and3A_552 = arith.constant 7 : i32
        %and3A_553 = vector.broadcast %and3A_552 : i32 to vector<16xi32>
        %and3A_554 = arith.andi %add3A_543, %and3A_553 : vector<16xi32>
        %mul3A_555 = arith.constant 16 : i32
        %mul3A_556 = vector.broadcast %mul3A_555 : i32 to vector<16xi32>
        %mul3A_557 = arith.muli %and3A_554, %mul3A_556 : vector<16xi32>
        %add3A_558 = arith.addi %mul3A_557, %and3A_150 : vector<16xi32>
        %add3A_559 = arith.constant 2 : i32
        %add3A_560 = vector.broadcast %add3A_559 : i32 to vector<16xi32>
        %add3A_561 = arith.addi %and3A_156, %add3A_560 : vector<16xi32>
        %shift_right_arithmetic3A_562 = arith.constant 3 : i32
        %shift_right_arithmetic3A_563 = vector.broadcast %shift_right_arithmetic3A_562 : i32 to vector<16xi32>
        %shift_right_arithmetic3A_564 = arith.shrsi %add3A_561, %shift_right_arithmetic3A_563 : vector<16xi32>
        %sub3A_565 = arith.subi %shift_right_arithmetic3A_564, %shift_right_arithmetic3A_158 : vector<16xi32>
        %mul3A_566 = arith.constant 64 : i32
        %mul3A_567 = vector.broadcast %mul3A_566 : i32 to vector<16xi32>
        %mul3A_568 = arith.muli %sub3A_565, %mul3A_567 : vector<16xi32>
        %add3A_569 = arith.addi %mul3A_568, %add3A_522 : vector<16xi32>
        %and3A_570 = arith.constant 7 : i32
        %and3A_571 = vector.broadcast %and3A_570 : i32 to vector<16xi32>
        %and3A_572 = arith.andi %add3A_561, %and3A_571 : vector<16xi32>
        %mul3A_573 = arith.constant 16 : i32
        %mul3A_574 = vector.broadcast %mul3A_573 : i32 to vector<16xi32>
        %mul3A_575 = arith.muli %and3A_572, %mul3A_574 : vector<16xi32>
        %add3A_576 = arith.addi %mul3A_575, %and3A_150 : vector<16xi32>
        %add3A_577 = arith.constant 3 : i32
        %add3A_578 = vector.broadcast %add3A_577 : i32 to vector<16xi32>
        %add3A_579 = arith.addi %and3A_156, %add3A_578 : vector<16xi32>
        %shift_right_arithmetic3A_580 = arith.constant 3 : i32
        %shift_right_arithmetic3A_581 = vector.broadcast %shift_right_arithmetic3A_580 : i32 to vector<16xi32>
        %shift_right_arithmetic3A_582 = arith.shrsi %add3A_579, %shift_right_arithmetic3A_581 : vector<16xi32>
        %sub3A_583 = arith.subi %shift_right_arithmetic3A_582, %shift_right_arithmetic3A_158 : vector<16xi32>
        %mul3A_584 = arith.constant 64 : i32
        %mul3A_585 = vector.broadcast %mul3A_584 : i32 to vector<16xi32>
        %mul3A_586 = arith.muli %sub3A_583, %mul3A_585 : vector<16xi32>
        %add3A_587 = arith.addi %mul3A_586, %add3A_522 : vector<16xi32>
        %and3A_588 = arith.constant 7 : i32
        %and3A_589 = vector.broadcast %and3A_588 : i32 to vector<16xi32>
        %and3A_590 = arith.andi %add3A_579, %and3A_589 : vector<16xi32>
        %mul3A_591 = arith.constant 16 : i32
        %mul3A_592 = vector.broadcast %mul3A_591 : i32 to vector<16xi32>
        %mul3A_593 = arith.muli %and3A_590, %mul3A_592 : vector<16xi32>
        %add3A_594 = arith.addi %mul3A_593, %and3A_150 : vector<16xi32>
        %add3A_595 = arith.constant 4 : i32
        %add3A_596 = vector.broadcast %add3A_595 : i32 to vector<16xi32>
        %add3A_597 = arith.addi %and3A_156, %add3A_596 : vector<16xi32>
        %shift_right_arithmetic3A_598 = arith.constant 3 : i32
        %shift_right_arithmetic3A_599 = vector.broadcast %shift_right_arithmetic3A_598 : i32 to vector<16xi32>
        %shift_right_arithmetic3A_600 = arith.shrsi %add3A_597, %shift_right_arithmetic3A_599 : vector<16xi32>
        %sub3A_601 = arith.subi %shift_right_arithmetic3A_600, %shift_right_arithmetic3A_158 : vector<16xi32>
        %mul3A_602 = arith.constant 64 : i32
        %mul3A_603 = vector.broadcast %mul3A_602 : i32 to vector<16xi32>
        %mul3A_604 = arith.muli %sub3A_601, %mul3A_603 : vector<16xi32>
        %add3A_605 = arith.addi %mul3A_604, %add3A_522 : vector<16xi32>
        %and3A_606 = arith.constant 7 : i32
        %and3A_607 = vector.broadcast %and3A_606 : i32 to vector<16xi32>
        %and3A_608 = arith.andi %add3A_597, %and3A_607 : vector<16xi32>
        %mul3A_609 = arith.constant 16 : i32
        %mul3A_610 = vector.broadcast %mul3A_609 : i32 to vector<16xi32>
        %mul3A_611 = arith.muli %and3A_608, %mul3A_610 : vector<16xi32>
        %add3A_612 = arith.addi %mul3A_611, %and3A_150 : vector<16xi32>
        %add3A_613 = arith.constant 5 : i32
        %add3A_614 = vector.broadcast %add3A_613 : i32 to vector<16xi32>
        %add3A_615 = arith.addi %and3A_156, %add3A_614 : vector<16xi32>
        %shift_right_arithmetic3A_616 = arith.constant 3 : i32
        %shift_right_arithmetic3A_617 = vector.broadcast %shift_right_arithmetic3A_616 : i32 to vector<16xi32>
        %shift_right_arithmetic3A_618 = arith.shrsi %add3A_615, %shift_right_arithmetic3A_617 : vector<16xi32>
        %sub3A_619 = arith.subi %shift_right_arithmetic3A_618, %shift_right_arithmetic3A_158 : vector<16xi32>
        %mul3A_620 = arith.constant 64 : i32
        %mul3A_621 = vector.broadcast %mul3A_620 : i32 to vector<16xi32>
        %mul3A_622 = arith.muli %sub3A_619, %mul3A_621 : vector<16xi32>
        %add3A_623 = arith.addi %mul3A_622, %add3A_522 : vector<16xi32>
        %and3A_624 = arith.constant 7 : i32
        %and3A_625 = vector.broadcast %and3A_624 : i32 to vector<16xi32>
        %and3A_626 = arith.andi %add3A_615, %and3A_625 : vector<16xi32>
        %mul3A_627 = arith.constant 16 : i32
        %mul3A_628 = vector.broadcast %mul3A_627 : i32 to vector<16xi32>
        %mul3A_629 = arith.muli %and3A_626, %mul3A_628 : vector<16xi32>
        %add3A_630 = arith.addi %mul3A_629, %and3A_150 : vector<16xi32>
        %broadcast_in_dim3A = arith.constant -65536 : i32
        %broadcast_in_dim3A_631 = vector.broadcast %broadcast_in_dim3A : i32 to vector<16xi32>
        %add3A_632 = arith.constant 0 : i32
        %add3A_633 = vector.broadcast %add3A_632 : i32 to vector<16xi32>
        %add3A_634 = arith.addi %add3A_540, %add3A_633 : vector<16xi32>
        %gather3A = tpu.vector_load_idx %arg13[%add3A_533, %add3A_634] : memref<128x128xi32, #tpu.memory_space<vmem>>[vector<16xi32>, vector<16xi32>], vector<16xi32>,
        %and3A_635 = arith.andi %gather3A, %broadcast_in_dim3A_631 : vector<16xi32>
        %bitcast3A = vector.bitcast %and3A_635 : vector<16xi32> to vector<16xf32>
        %shift_left3A = arith.constant 16 : i32
        %shift_left3A_636 = vector.broadcast %shift_left3A : i32 to vector<16xi32>
        %shift_left3A_637 = arith.shli %gather3A, %shift_left3A_636 : vector<16xi32>
        %bitcast3A_638 = vector.bitcast %shift_left3A_637 : vector<16xi32> to vector<16xf32>
        %mul3A_639 = arith.mulf %add3A_188, %bitcast3A : vector<16xf32>
        %mul3A_640 = arith.mulf %add3A_188, %bitcast3A_638 : vector<16xf32>
        %add3A_641 = arith.constant 0 : i32
        %add3A_642 = vector.broadcast %add3A_641 : i32 to vector<16xi32>
        %add3A_643 = arith.addi %add3A_558, %add3A_642 : vector<16xi32>
        %gather3A_644 = tpu.vector_load_idx %arg13[%add3A_551, %add3A_643] : memref<128x128xi32, #tpu.memory_space<vmem>>[vector<16xi32>, vector<16xi32>], vector<16xi32>,
        %and3A_645 = arith.andi %gather3A_644, %broadcast_in_dim3A_631 : vector<16xi32>
        %bitcast3A_646 = vector.bitcast %and3A_645 : vector<16xi32> to vector<16xf32>
        %shift_left3A_647 = arith.constant 16 : i32
        %shift_left3A_648 = vector.broadcast %shift_left3A_647 : i32 to vector<16xi32>
        %shift_left3A_649 = arith.shli %gather3A_644, %shift_left3A_648 : vector<16xi32>
        %bitcast3A_650 = vector.bitcast %shift_left3A_649 : vector<16xi32> to vector<16xf32>
        %mul3A_651 = arith.mulf %add3A_218, %bitcast3A_646 : vector<16xf32>
        %add3A_652 = arith.addf %mul3A_639, %mul3A_651 : vector<16xf32>
        %mul3A_653 = arith.mulf %add3A_218, %bitcast3A_650 : vector<16xf32>
        %add3A_654 = arith.addf %mul3A_640, %mul3A_653 : vector<16xf32>
        %add3A_655 = arith.constant 0 : i32
        %add3A_656 = vector.broadcast %add3A_655 : i32 to vector<16xi32>
        %add3A_657 = arith.addi %add3A_576, %add3A_656 : vector<16xi32>
        %gather3A_658 = tpu.vector_load_idx %arg13[%add3A_569, %add3A_657] : memref<128x128xi32, #tpu.memory_space<vmem>>[vector<16xi32>, vector<16xi32>], vector<16xi32>,
        %and3A_659 = arith.andi %gather3A_658, %broadcast_in_dim3A_631 : vector<16xi32>
        %bitcast3A_660 = vector.bitcast %and3A_659 : vector<16xi32> to vector<16xf32>
        %shift_left3A_661 = arith.constant 16 : i32
        %shift_left3A_662 = vector.broadcast %shift_left3A_661 : i32 to vector<16xi32>
        %shift_left3A_663 = arith.shli %gather3A_658, %shift_left3A_662 : vector<16xi32>
        %bitcast3A_664 = vector.bitcast %shift_left3A_663 : vector<16xi32> to vector<16xf32>
        %mul3A_665 = arith.mulf %add3A_248, %bitcast3A_660 : vector<16xf32>
        %add3A_666 = arith.addf %add3A_652, %mul3A_665 : vector<16xf32>
        %mul3A_667 = arith.mulf %add3A_248, %bitcast3A_664 : vector<16xf32>
        %add3A_668 = arith.addf %add3A_654, %mul3A_667 : vector<16xf32>
        %add3A_669 = arith.constant 0 : i32
        %add3A_670 = vector.broadcast %add3A_669 : i32 to vector<16xi32>
        %add3A_671 = arith.addi %add3A_594, %add3A_670 : vector<16xi32>
        %gather3A_672 = tpu.vector_load_idx %arg13[%add3A_587, %add3A_671] : memref<128x128xi32, #tpu.memory_space<vmem>>[vector<16xi32>, vector<16xi32>], vector<16xi32>,
        %and3A_673 = arith.andi %gather3A_672, %broadcast_in_dim3A_631 : vector<16xi32>
        %bitcast3A_674 = vector.bitcast %and3A_673 : vector<16xi32> to vector<16xf32>
        %shift_left3A_675 = arith.constant 16 : i32
        %shift_left3A_676 = vector.broadcast %shift_left3A_675 : i32 to vector<16xi32>
        %shift_left3A_677 = arith.shli %gather3A_672, %shift_left3A_676 : vector<16xi32>
        %bitcast3A_678 = vector.bitcast %shift_left3A_677 : vector<16xi32> to vector<16xf32>
        %mul3A_679 = arith.mulf %add3A_278, %bitcast3A_674 : vector<16xf32>
        %add3A_680 = arith.addf %add3A_666, %mul3A_679 : vector<16xf32>
        %mul3A_681 = arith.mulf %add3A_278, %bitcast3A_678 : vector<16xf32>
        %add3A_682 = arith.addf %add3A_668, %mul3A_681 : vector<16xf32>
        %add3A_683 = arith.constant 0 : i32
        %add3A_684 = vector.broadcast %add3A_683 : i32 to vector<16xi32>
        %add3A_685 = arith.addi %add3A_612, %add3A_684 : vector<16xi32>
        %gather3A_686 = tpu.vector_load_idx %arg13[%add3A_605, %add3A_685] : memref<128x128xi32, #tpu.memory_space<vmem>>[vector<16xi32>, vector<16xi32>], vector<16xi32>,
        %and3A_687 = arith.andi %gather3A_686, %broadcast_in_dim3A_631 : vector<16xi32>
        %bitcast3A_688 = vector.bitcast %and3A_687 : vector<16xi32> to vector<16xf32>
        %shift_left3A_689 = arith.constant 16 : i32
        %shift_left3A_690 = vector.broadcast %shift_left3A_689 : i32 to vector<16xi32>
        %shift_left3A_691 = arith.shli %gather3A_686, %shift_left3A_690 : vector<16xi32>
        %bitcast3A_692 = vector.bitcast %shift_left3A_691 : vector<16xi32> to vector<16xf32>
        %mul3A_693 = arith.mulf %add3A_308, %bitcast3A_688 : vector<16xf32>
        %add3A_694 = arith.addf %add3A_680, %mul3A_693 : vector<16xf32>
        %mul3A_695 = arith.mulf %add3A_308, %bitcast3A_692 : vector<16xf32>
        %add3A_696 = arith.addf %add3A_682, %mul3A_695 : vector<16xf32>
        %add3A_697 = arith.constant 0 : i32
        %add3A_698 = vector.broadcast %add3A_697 : i32 to vector<16xi32>
        %add3A_699 = arith.addi %add3A_630, %add3A_698 : vector<16xi32>
        %gather3A_700 = tpu.vector_load_idx %arg13[%add3A_623, %add3A_699] : memref<128x128xi32, #tpu.memory_space<vmem>>[vector<16xi32>, vector<16xi32>], vector<16xi32>,
        %and3A_701 = arith.andi %gather3A_700, %broadcast_in_dim3A_631 : vector<16xi32>
        %bitcast3A_702 = vector.bitcast %and3A_701 : vector<16xi32> to vector<16xf32>
        %shift_left3A_703 = arith.constant 16 : i32
        %shift_left3A_704 = vector.broadcast %shift_left3A_703 : i32 to vector<16xi32>
        %shift_left3A_705 = arith.shli %gather3A_700, %shift_left3A_704 : vector<16xi32>
        %bitcast3A_706 = vector.bitcast %shift_left3A_705 : vector<16xi32> to vector<16xf32>
        %mul3A_707 = arith.mulf %add3A_338, %bitcast3A_702 : vector<16xf32>
        %add3A_708 = arith.addf %add3A_694, %mul3A_707 : vector<16xf32>
        %mul3A_709 = arith.mulf %add3A_338, %bitcast3A_706 : vector<16xf32>
        %add3A_710 = arith.addf %add3A_696, %mul3A_709 : vector<16xf32>
        %mul3A_711 = arith.mulf %add3A_708, %add3A_368 : vector<16xf32>
        %mul3A_712 = arith.mulf %add3A_710, %add3A_368 : vector<16xf32>
        %add3A_713 = arith.constant 1 : i32
        %add3A_714 = vector.broadcast %add3A_713 : i32 to vector<16xi32>
        %add3A_715 = arith.addi %add3A_540, %add3A_714 : vector<16xi32>
        %gather3A_716 = tpu.vector_load_idx %arg13[%add3A_533, %add3A_715] : memref<128x128xi32, #tpu.memory_space<vmem>>[vector<16xi32>, vector<16xi32>], vector<16xi32>,
        %and3A_717 = arith.andi %gather3A_716, %broadcast_in_dim3A_631 : vector<16xi32>
        %bitcast3A_718 = vector.bitcast %and3A_717 : vector<16xi32> to vector<16xf32>
        %shift_left3A_719 = arith.constant 16 : i32
        %shift_left3A_720 = vector.broadcast %shift_left3A_719 : i32 to vector<16xi32>
        %shift_left3A_721 = arith.shli %gather3A_716, %shift_left3A_720 : vector<16xi32>
        %bitcast3A_722 = vector.bitcast %shift_left3A_721 : vector<16xi32> to vector<16xf32>
        %mul3A_723 = arith.mulf %add3A_188, %bitcast3A_718 : vector<16xf32>
        %mul3A_724 = arith.mulf %add3A_188, %bitcast3A_722 : vector<16xf32>
        %add3A_725 = arith.constant 1 : i32
        %add3A_726 = vector.broadcast %add3A_725 : i32 to vector<16xi32>
        %add3A_727 = arith.addi %add3A_558, %add3A_726 : vector<16xi32>
        %gather3A_728 = tpu.vector_load_idx %arg13[%add3A_551, %add3A_727] : memref<128x128xi32, #tpu.memory_space<vmem>>[vector<16xi32>, vector<16xi32>], vector<16xi32>,
        %and3A_729 = arith.andi %gather3A_728, %broadcast_in_dim3A_631 : vector<16xi32>
        %bitcast3A_730 = vector.bitcast %and3A_729 : vector<16xi32> to vector<16xf32>
        %shift_left3A_731 = arith.constant 16 : i32
        %shift_left3A_732 = vector.broadcast %shift_left3A_731 : i32 to vector<16xi32>
        %shift_left3A_733 = arith.shli %gather3A_728, %shift_left3A_732 : vector<16xi32>
        %bitcast3A_734 = vector.bitcast %shift_left3A_733 : vector<16xi32> to vector<16xf32>
        %mul3A_735 = arith.mulf %add3A_218, %bitcast3A_730 : vector<16xf32>
        %add3A_736 = arith.addf %mul3A_723, %mul3A_735 : vector<16xf32>
        %mul3A_737 = arith.mulf %add3A_218, %bitcast3A_734 : vector<16xf32>
        %add3A_738 = arith.addf %mul3A_724, %mul3A_737 : vector<16xf32>
        %add3A_739 = arith.constant 1 : i32
        %add3A_740 = vector.broadcast %add3A_739 : i32 to vector<16xi32>
        %add3A_741 = arith.addi %add3A_576, %add3A_740 : vector<16xi32>
        %gather3A_742 = tpu.vector_load_idx %arg13[%add3A_569, %add3A_741] : memref<128x128xi32, #tpu.memory_space<vmem>>[vector<16xi32>, vector<16xi32>], vector<16xi32>,
        %and3A_743 = arith.andi %gather3A_742, %broadcast_in_dim3A_631 : vector<16xi32>
        %bitcast3A_744 = vector.bitcast %and3A_743 : vector<16xi32> to vector<16xf32>
        %shift_left3A_745 = arith.constant 16 : i32
        %shift_left3A_746 = vector.broadcast %shift_left3A_745 : i32 to vector<16xi32>
        %shift_left3A_747 = arith.shli %gather3A_742, %shift_left3A_746 : vector<16xi32>
        %bitcast3A_748 = vector.bitcast %shift_left3A_747 : vector<16xi32> to vector<16xf32>
        %mul3A_749 = arith.mulf %add3A_248, %bitcast3A_744 : vector<16xf32>
        %add3A_750 = arith.addf %add3A_736, %mul3A_749 : vector<16xf32>
        %mul3A_751 = arith.mulf %add3A_248, %bitcast3A_748 : vector<16xf32>
        %add3A_752 = arith.addf %add3A_738, %mul3A_751 : vector<16xf32>
        %add3A_753 = arith.constant 1 : i32
        %add3A_754 = vector.broadcast %add3A_753 : i32 to vector<16xi32>
        %add3A_755 = arith.addi %add3A_594, %add3A_754 : vector<16xi32>
        %gather3A_756 = tpu.vector_load_idx %arg13[%add3A_587, %add3A_755] : memref<128x128xi32, #tpu.memory_space<vmem>>[vector<16xi32>, vector<16xi32>], vector<16xi32>,
        %and3A_757 = arith.andi %gather3A_756, %broadcast_in_dim3A_631 : vector<16xi32>
        %bitcast3A_758 = vector.bitcast %and3A_757 : vector<16xi32> to vector<16xf32>
        %shift_left3A_759 = arith.constant 16 : i32
        %shift_left3A_760 = vector.broadcast %shift_left3A_759 : i32 to vector<16xi32>
        %shift_left3A_761 = arith.shli %gather3A_756, %shift_left3A_760 : vector<16xi32>
        %bitcast3A_762 = vector.bitcast %shift_left3A_761 : vector<16xi32> to vector<16xf32>
        %mul3A_763 = arith.mulf %add3A_278, %bitcast3A_758 : vector<16xf32>
        %add3A_764 = arith.addf %add3A_750, %mul3A_763 : vector<16xf32>
        %mul3A_765 = arith.mulf %add3A_278, %bitcast3A_762 : vector<16xf32>
        %add3A_766 = arith.addf %add3A_752, %mul3A_765 : vector<16xf32>
        %add3A_767 = arith.constant 1 : i32
        %add3A_768 = vector.broadcast %add3A_767 : i32 to vector<16xi32>
        %add3A_769 = arith.addi %add3A_612, %add3A_768 : vector<16xi32>
        %gather3A_770 = tpu.vector_load_idx %arg13[%add3A_605, %add3A_769] : memref<128x128xi32, #tpu.memory_space<vmem>>[vector<16xi32>, vector<16xi32>], vector<16xi32>,
        %and3A_771 = arith.andi %gather3A_770, %broadcast_in_dim3A_631 : vector<16xi32>
        %bitcast3A_772 = vector.bitcast %and3A_771 : vector<16xi32> to vector<16xf32>
        %shift_left3A_773 = arith.constant 16 : i32
        %shift_left3A_774 = vector.broadcast %shift_left3A_773 : i32 to vector<16xi32>
        %shift_left3A_775 = arith.shli %gather3A_770, %shift_left3A_774 : vector<16xi32>
        %bitcast3A_776 = vector.bitcast %shift_left3A_775 : vector<16xi32> to vector<16xf32>
        %mul3A_777 = arith.mulf %add3A_308, %bitcast3A_772 : vector<16xf32>
        %add3A_778 = arith.addf %add3A_764, %mul3A_777 : vector<16xf32>
        %mul3A_779 = arith.mulf %add3A_308, %bitcast3A_776 : vector<16xf32>
        %add3A_780 = arith.addf %add3A_766, %mul3A_779 : vector<16xf32>
        %add3A_781 = arith.constant 1 : i32
        %add3A_782 = vector.broadcast %add3A_781 : i32 to vector<16xi32>
        %add3A_783 = arith.addi %add3A_630, %add3A_782 : vector<16xi32>
        %gather3A_784 = tpu.vector_load_idx %arg13[%add3A_623, %add3A_783] : memref<128x128xi32, #tpu.memory_space<vmem>>[vector<16xi32>, vector<16xi32>], vector<16xi32>,
        %and3A_785 = arith.andi %gather3A_784, %broadcast_in_dim3A_631 : vector<16xi32>
        %bitcast3A_786 = vector.bitcast %and3A_785 : vector<16xi32> to vector<16xf32>
        %shift_left3A_787 = arith.constant 16 : i32
        %shift_left3A_788 = vector.broadcast %shift_left3A_787 : i32 to vector<16xi32>
        %shift_left3A_789 = arith.shli %gather3A_784, %shift_left3A_788 : vector<16xi32>
        %bitcast3A_790 = vector.bitcast %shift_left3A_789 : vector<16xi32> to vector<16xf32>
        %mul3A_791 = arith.mulf %add3A_338, %bitcast3A_786 : vector<16xf32>
        %add3A_792 = arith.addf %add3A_778, %mul3A_791 : vector<16xf32>
        %mul3A_793 = arith.mulf %add3A_338, %bitcast3A_790 : vector<16xf32>
        %add3A_794 = arith.addf %add3A_780, %mul3A_793 : vector<16xf32>
        %mul3A_795 = arith.mulf %add3A_792, %add3A_398 : vector<16xf32>
        %mul3A_796 = arith.mulf %add3A_794, %add3A_398 : vector<16xf32>
        %add3A_797 = arith.constant 2 : i32
        %add3A_798 = vector.broadcast %add3A_797 : i32 to vector<16xi32>
        %add3A_799 = arith.addi %add3A_540, %add3A_798 : vector<16xi32>
        %gather3A_800 = tpu.vector_load_idx %arg13[%add3A_533, %add3A_799] : memref<128x128xi32, #tpu.memory_space<vmem>>[vector<16xi32>, vector<16xi32>], vector<16xi32>,
        %and3A_801 = arith.andi %gather3A_800, %broadcast_in_dim3A_631 : vector<16xi32>
        %bitcast3A_802 = vector.bitcast %and3A_801 : vector<16xi32> to vector<16xf32>
        %shift_left3A_803 = arith.constant 16 : i32
        %shift_left3A_804 = vector.broadcast %shift_left3A_803 : i32 to vector<16xi32>
        %shift_left3A_805 = arith.shli %gather3A_800, %shift_left3A_804 : vector<16xi32>
        %bitcast3A_806 = vector.bitcast %shift_left3A_805 : vector<16xi32> to vector<16xf32>
        %mul3A_807 = arith.mulf %add3A_188, %bitcast3A_802 : vector<16xf32>
        %mul3A_808 = arith.mulf %add3A_188, %bitcast3A_806 : vector<16xf32>
        %add3A_809 = arith.constant 2 : i32
        %add3A_810 = vector.broadcast %add3A_809 : i32 to vector<16xi32>
        %add3A_811 = arith.addi %add3A_558, %add3A_810 : vector<16xi32>
        %gather3A_812 = tpu.vector_load_idx %arg13[%add3A_551, %add3A_811] : memref<128x128xi32, #tpu.memory_space<vmem>>[vector<16xi32>, vector<16xi32>], vector<16xi32>,
        %and3A_813 = arith.andi %gather3A_812, %broadcast_in_dim3A_631 : vector<16xi32>
        %bitcast3A_814 = vector.bitcast %and3A_813 : vector<16xi32> to vector<16xf32>
        %shift_left3A_815 = arith.constant 16 : i32
        %shift_left3A_816 = vector.broadcast %shift_left3A_815 : i32 to vector<16xi32>
        %shift_left3A_817 = arith.shli %gather3A_812, %shift_left3A_816 : vector<16xi32>
        %bitcast3A_818 = vector.bitcast %shift_left3A_817 : vector<16xi32> to vector<16xf32>
        %mul3A_819 = arith.mulf %add3A_218, %bitcast3A_814 : vector<16xf32>
        %add3A_820 = arith.addf %mul3A_807, %mul3A_819 : vector<16xf32>
        %mul3A_821 = arith.mulf %add3A_218, %bitcast3A_818 : vector<16xf32>
        %add3A_822 = arith.addf %mul3A_808, %mul3A_821 : vector<16xf32>
        %add3A_823 = arith.constant 2 : i32
        %add3A_824 = vector.broadcast %add3A_823 : i32 to vector<16xi32>
        %add3A_825 = arith.addi %add3A_576, %add3A_824 : vector<16xi32>
        %gather3A_826 = tpu.vector_load_idx %arg13[%add3A_569, %add3A_825] : memref<128x128xi32, #tpu.memory_space<vmem>>[vector<16xi32>, vector<16xi32>], vector<16xi32>,
        %and3A_827 = arith.andi %gather3A_826, %broadcast_in_dim3A_631 : vector<16xi32>
        %bitcast3A_828 = vector.bitcast %and3A_827 : vector<16xi32> to vector<16xf32>
        %shift_left3A_829 = arith.constant 16 : i32
        %shift_left3A_830 = vector.broadcast %shift_left3A_829 : i32 to vector<16xi32>
        %shift_left3A_831 = arith.shli %gather3A_826, %shift_left3A_830 : vector<16xi32>
        %bitcast3A_832 = vector.bitcast %shift_left3A_831 : vector<16xi32> to vector<16xf32>
        %mul3A_833 = arith.mulf %add3A_248, %bitcast3A_828 : vector<16xf32>
        %add3A_834 = arith.addf %add3A_820, %mul3A_833 : vector<16xf32>
        %mul3A_835 = arith.mulf %add3A_248, %bitcast3A_832 : vector<16xf32>
        %add3A_836 = arith.addf %add3A_822, %mul3A_835 : vector<16xf32>
        %add3A_837 = arith.constant 2 : i32
        %add3A_838 = vector.broadcast %add3A_837 : i32 to vector<16xi32>
        %add3A_839 = arith.addi %add3A_594, %add3A_838 : vector<16xi32>
        %gather3A_840 = tpu.vector_load_idx %arg13[%add3A_587, %add3A_839] : memref<128x128xi32, #tpu.memory_space<vmem>>[vector<16xi32>, vector<16xi32>], vector<16xi32>,
        %and3A_841 = arith.andi %gather3A_840, %broadcast_in_dim3A_631 : vector<16xi32>
        %bitcast3A_842 = vector.bitcast %and3A_841 : vector<16xi32> to vector<16xf32>
        %shift_left3A_843 = arith.constant 16 : i32
        %shift_left3A_844 = vector.broadcast %shift_left3A_843 : i32 to vector<16xi32>
        %shift_left3A_845 = arith.shli %gather3A_840, %shift_left3A_844 : vector<16xi32>
        %bitcast3A_846 = vector.bitcast %shift_left3A_845 : vector<16xi32> to vector<16xf32>
        %mul3A_847 = arith.mulf %add3A_278, %bitcast3A_842 : vector<16xf32>
        %add3A_848 = arith.addf %add3A_834, %mul3A_847 : vector<16xf32>
        %mul3A_849 = arith.mulf %add3A_278, %bitcast3A_846 : vector<16xf32>
        %add3A_850 = arith.addf %add3A_836, %mul3A_849 : vector<16xf32>
        %add3A_851 = arith.constant 2 : i32
        %add3A_852 = vector.broadcast %add3A_851 : i32 to vector<16xi32>
        %add3A_853 = arith.addi %add3A_612, %add3A_852 : vector<16xi32>
        %gather3A_854 = tpu.vector_load_idx %arg13[%add3A_605, %add3A_853] : memref<128x128xi32, #tpu.memory_space<vmem>>[vector<16xi32>, vector<16xi32>], vector<16xi32>,
        %and3A_855 = arith.andi %gather3A_854, %broadcast_in_dim3A_631 : vector<16xi32>
        %bitcast3A_856 = vector.bitcast %and3A_855 : vector<16xi32> to vector<16xf32>
        %shift_left3A_857 = arith.constant 16 : i32
        %shift_left3A_858 = vector.broadcast %shift_left3A_857 : i32 to vector<16xi32>
        %shift_left3A_859 = arith.shli %gather3A_854, %shift_left3A_858 : vector<16xi32>
        %bitcast3A_860 = vector.bitcast %shift_left3A_859 : vector<16xi32> to vector<16xf32>
        %mul3A_861 = arith.mulf %add3A_308, %bitcast3A_856 : vector<16xf32>
        %add3A_862 = arith.addf %add3A_848, %mul3A_861 : vector<16xf32>
        %mul3A_863 = arith.mulf %add3A_308, %bitcast3A_860 : vector<16xf32>
        %add3A_864 = arith.addf %add3A_850, %mul3A_863 : vector<16xf32>
        %add3A_865 = arith.constant 2 : i32
        %add3A_866 = vector.broadcast %add3A_865 : i32 to vector<16xi32>
        %add3A_867 = arith.addi %add3A_630, %add3A_866 : vector<16xi32>
        %gather3A_868 = tpu.vector_load_idx %arg13[%add3A_623, %add3A_867] : memref<128x128xi32, #tpu.memory_space<vmem>>[vector<16xi32>, vector<16xi32>], vector<16xi32>,
        %and3A_869 = arith.andi %gather3A_868, %broadcast_in_dim3A_631 : vector<16xi32>
        %bitcast3A_870 = vector.bitcast %and3A_869 : vector<16xi32> to vector<16xf32>
        %shift_left3A_871 = arith.constant 16 : i32
        %shift_left3A_872 = vector.broadcast %shift_left3A_871 : i32 to vector<16xi32>
        %shift_left3A_873 = arith.shli %gather3A_868, %shift_left3A_872 : vector<16xi32>
        %bitcast3A_874 = vector.bitcast %shift_left3A_873 : vector<16xi32> to vector<16xf32>
        %mul3A_875 = arith.mulf %add3A_338, %bitcast3A_870 : vector<16xf32>
        %add3A_876 = arith.addf %add3A_862, %mul3A_875 : vector<16xf32>
        %mul3A_877 = arith.mulf %add3A_338, %bitcast3A_874 : vector<16xf32>
        %add3A_878 = arith.addf %add3A_864, %mul3A_877 : vector<16xf32>
        %mul3A_879 = arith.mulf %add3A_876, %add3A_428 : vector<16xf32>
        %mul3A_880 = arith.mulf %add3A_878, %add3A_428 : vector<16xf32>
        %add3A_881 = arith.constant 3 : i32
        %add3A_882 = vector.broadcast %add3A_881 : i32 to vector<16xi32>
        %add3A_883 = arith.addi %add3A_540, %add3A_882 : vector<16xi32>
        %gather3A_884 = tpu.vector_load_idx %arg13[%add3A_533, %add3A_883] : memref<128x128xi32, #tpu.memory_space<vmem>>[vector<16xi32>, vector<16xi32>], vector<16xi32>,
        %and3A_885 = arith.andi %gather3A_884, %broadcast_in_dim3A_631 : vector<16xi32>
        %bitcast3A_886 = vector.bitcast %and3A_885 : vector<16xi32> to vector<16xf32>
        %shift_left3A_887 = arith.constant 16 : i32
        %shift_left3A_888 = vector.broadcast %shift_left3A_887 : i32 to vector<16xi32>
        %shift_left3A_889 = arith.shli %gather3A_884, %shift_left3A_888 : vector<16xi32>
        %bitcast3A_890 = vector.bitcast %shift_left3A_889 : vector<16xi32> to vector<16xf32>
        %mul3A_891 = arith.mulf %add3A_188, %bitcast3A_886 : vector<16xf32>
        %mul3A_892 = arith.mulf %add3A_188, %bitcast3A_890 : vector<16xf32>
        %add3A_893 = arith.constant 3 : i32
        %add3A_894 = vector.broadcast %add3A_893 : i32 to vector<16xi32>
        %add3A_895 = arith.addi %add3A_558, %add3A_894 : vector<16xi32>
        %gather3A_896 = tpu.vector_load_idx %arg13[%add3A_551, %add3A_895] : memref<128x128xi32, #tpu.memory_space<vmem>>[vector<16xi32>, vector<16xi32>], vector<16xi32>,
        %and3A_897 = arith.andi %gather3A_896, %broadcast_in_dim3A_631 : vector<16xi32>
        %bitcast3A_898 = vector.bitcast %and3A_897 : vector<16xi32> to vector<16xf32>
        %shift_left3A_899 = arith.constant 16 : i32
        %shift_left3A_900 = vector.broadcast %shift_left3A_899 : i32 to vector<16xi32>
        %shift_left3A_901 = arith.shli %gather3A_896, %shift_left3A_900 : vector<16xi32>
        %bitcast3A_902 = vector.bitcast %shift_left3A_901 : vector<16xi32> to vector<16xf32>
        %mul3A_903 = arith.mulf %add3A_218, %bitcast3A_898 : vector<16xf32>
        %add3A_904 = arith.addf %mul3A_891, %mul3A_903 : vector<16xf32>
        %mul3A_905 = arith.mulf %add3A_218, %bitcast3A_902 : vector<16xf32>
        %add3A_906 = arith.addf %mul3A_892, %mul3A_905 : vector<16xf32>
        %add3A_907 = arith.constant 3 : i32
        %add3A_908 = vector.broadcast %add3A_907 : i32 to vector<16xi32>
        %add3A_909 = arith.addi %add3A_576, %add3A_908 : vector<16xi32>
        %gather3A_910 = tpu.vector_load_idx %arg13[%add3A_569, %add3A_909] : memref<128x128xi32, #tpu.memory_space<vmem>>[vector<16xi32>, vector<16xi32>], vector<16xi32>,
        %and3A_911 = arith.andi %gather3A_910, %broadcast_in_dim3A_631 : vector<16xi32>
        %bitcast3A_912 = vector.bitcast %and3A_911 : vector<16xi32> to vector<16xf32>
        %shift_left3A_913 = arith.constant 16 : i32
        %shift_left3A_914 = vector.broadcast %shift_left3A_913 : i32 to vector<16xi32>
        %shift_left3A_915 = arith.shli %gather3A_910, %shift_left3A_914 : vector<16xi32>
        %bitcast3A_916 = vector.bitcast %shift_left3A_915 : vector<16xi32> to vector<16xf32>
        %mul3A_917 = arith.mulf %add3A_248, %bitcast3A_912 : vector<16xf32>
        %add3A_918 = arith.addf %add3A_904, %mul3A_917 : vector<16xf32>
        %mul3A_919 = arith.mulf %add3A_248, %bitcast3A_916 : vector<16xf32>
        %add3A_920 = arith.addf %add3A_906, %mul3A_919 : vector<16xf32>
        %add3A_921 = arith.constant 3 : i32
        %add3A_922 = vector.broadcast %add3A_921 : i32 to vector<16xi32>
        %add3A_923 = arith.addi %add3A_594, %add3A_922 : vector<16xi32>
        %gather3A_924 = tpu.vector_load_idx %arg13[%add3A_587, %add3A_923] : memref<128x128xi32, #tpu.memory_space<vmem>>[vector<16xi32>, vector<16xi32>], vector<16xi32>,
        %and3A_925 = arith.andi %gather3A_924, %broadcast_in_dim3A_631 : vector<16xi32>
        %bitcast3A_926 = vector.bitcast %and3A_925 : vector<16xi32> to vector<16xf32>
        %shift_left3A_927 = arith.constant 16 : i32
        %shift_left3A_928 = vector.broadcast %shift_left3A_927 : i32 to vector<16xi32>
        %shift_left3A_929 = arith.shli %gather3A_924, %shift_left3A_928 : vector<16xi32>
        %bitcast3A_930 = vector.bitcast %shift_left3A_929 : vector<16xi32> to vector<16xf32>
        %mul3A_931 = arith.mulf %add3A_278, %bitcast3A_926 : vector<16xf32>
        %add3A_932 = arith.addf %add3A_918, %mul3A_931 : vector<16xf32>
        %mul3A_933 = arith.mulf %add3A_278, %bitcast3A_930 : vector<16xf32>
        %add3A_934 = arith.addf %add3A_920, %mul3A_933 : vector<16xf32>
        %add3A_935 = arith.constant 3 : i32
        %add3A_936 = vector.broadcast %add3A_935 : i32 to vector<16xi32>
        %add3A_937 = arith.addi %add3A_612, %add3A_936 : vector<16xi32>
        %gather3A_938 = tpu.vector_load_idx %arg13[%add3A_605, %add3A_937] : memref<128x128xi32, #tpu.memory_space<vmem>>[vector<16xi32>, vector<16xi32>], vector<16xi32>,
        %and3A_939 = arith.andi %gather3A_938, %broadcast_in_dim3A_631 : vector<16xi32>
        %bitcast3A_940 = vector.bitcast %and3A_939 : vector<16xi32> to vector<16xf32>
        %shift_left3A_941 = arith.constant 16 : i32
        %shift_left3A_942 = vector.broadcast %shift_left3A_941 : i32 to vector<16xi32>
        %shift_left3A_943 = arith.shli %gather3A_938, %shift_left3A_942 : vector<16xi32>
        %bitcast3A_944 = vector.bitcast %shift_left3A_943 : vector<16xi32> to vector<16xf32>
        %mul3A_945 = arith.mulf %add3A_308, %bitcast3A_940 : vector<16xf32>
        %add3A_946 = arith.addf %add3A_932, %mul3A_945 : vector<16xf32>
        %mul3A_947 = arith.mulf %add3A_308, %bitcast3A_944 : vector<16xf32>
        %add3A_948 = arith.addf %add3A_934, %mul3A_947 : vector<16xf32>
        %add3A_949 = arith.constant 3 : i32
        %add3A_950 = vector.broadcast %add3A_949 : i32 to vector<16xi32>
        %add3A_951 = arith.addi %add3A_630, %add3A_950 : vector<16xi32>
        %gather3A_952 = tpu.vector_load_idx %arg13[%add3A_623, %add3A_951] : memref<128x128xi32, #tpu.memory_space<vmem>>[vector<16xi32>, vector<16xi32>], vector<16xi32>,
        %and3A_953 = arith.andi %gather3A_952, %broadcast_in_dim3A_631 : vector<16xi32>
        %bitcast3A_954 = vector.bitcast %and3A_953 : vector<16xi32> to vector<16xf32>
        %shift_left3A_955 = arith.constant 16 : i32
        %shift_left3A_956 = vector.broadcast %shift_left3A_955 : i32 to vector<16xi32>
        %shift_left3A_957 = arith.shli %gather3A_952, %shift_left3A_956 : vector<16xi32>
        %bitcast3A_958 = vector.bitcast %shift_left3A_957 : vector<16xi32> to vector<16xf32>
        %mul3A_959 = arith.mulf %add3A_338, %bitcast3A_954 : vector<16xf32>
        %add3A_960 = arith.addf %add3A_946, %mul3A_959 : vector<16xf32>
        %mul3A_961 = arith.mulf %add3A_338, %bitcast3A_958 : vector<16xf32>
        %add3A_962 = arith.addf %add3A_948, %mul3A_961 : vector<16xf32>
        %mul3A_963 = arith.mulf %add3A_960, %add3A_458 : vector<16xf32>
        %mul3A_964 = arith.mulf %add3A_962, %add3A_458 : vector<16xf32>
        %add3A_965 = arith.constant 4 : i32
        %add3A_966 = vector.broadcast %add3A_965 : i32 to vector<16xi32>
        %add3A_967 = arith.addi %add3A_540, %add3A_966 : vector<16xi32>
        %gather3A_968 = tpu.vector_load_idx %arg13[%add3A_533, %add3A_967] : memref<128x128xi32, #tpu.memory_space<vmem>>[vector<16xi32>, vector<16xi32>], vector<16xi32>,
        %and3A_969 = arith.andi %gather3A_968, %broadcast_in_dim3A_631 : vector<16xi32>
        %bitcast3A_970 = vector.bitcast %and3A_969 : vector<16xi32> to vector<16xf32>
        %shift_left3A_971 = arith.constant 16 : i32
        %shift_left3A_972 = vector.broadcast %shift_left3A_971 : i32 to vector<16xi32>
        %shift_left3A_973 = arith.shli %gather3A_968, %shift_left3A_972 : vector<16xi32>
        %bitcast3A_974 = vector.bitcast %shift_left3A_973 : vector<16xi32> to vector<16xf32>
        %mul3A_975 = arith.mulf %add3A_188, %bitcast3A_970 : vector<16xf32>
        %mul3A_976 = arith.mulf %add3A_188, %bitcast3A_974 : vector<16xf32>
        %add3A_977 = arith.constant 4 : i32
        %add3A_978 = vector.broadcast %add3A_977 : i32 to vector<16xi32>
        %add3A_979 = arith.addi %add3A_558, %add3A_978 : vector<16xi32>
        %gather3A_980 = tpu.vector_load_idx %arg13[%add3A_551, %add3A_979] : memref<128x128xi32, #tpu.memory_space<vmem>>[vector<16xi32>, vector<16xi32>], vector<16xi32>,
        %and3A_981 = arith.andi %gather3A_980, %broadcast_in_dim3A_631 : vector<16xi32>
        %bitcast3A_982 = vector.bitcast %and3A_981 : vector<16xi32> to vector<16xf32>
        %shift_left3A_983 = arith.constant 16 : i32
        %shift_left3A_984 = vector.broadcast %shift_left3A_983 : i32 to vector<16xi32>
        %shift_left3A_985 = arith.shli %gather3A_980, %shift_left3A_984 : vector<16xi32>
        %bitcast3A_986 = vector.bitcast %shift_left3A_985 : vector<16xi32> to vector<16xf32>
        %mul3A_987 = arith.mulf %add3A_218, %bitcast3A_982 : vector<16xf32>
        %add3A_988 = arith.addf %mul3A_975, %mul3A_987 : vector<16xf32>
        %mul3A_989 = arith.mulf %add3A_218, %bitcast3A_986 : vector<16xf32>
        %add3A_990 = arith.addf %mul3A_976, %mul3A_989 : vector<16xf32>
        %add3A_991 = arith.constant 4 : i32
        %add3A_992 = vector.broadcast %add3A_991 : i32 to vector<16xi32>
        %add3A_993 = arith.addi %add3A_576, %add3A_992 : vector<16xi32>
        %gather3A_994 = tpu.vector_load_idx %arg13[%add3A_569, %add3A_993] : memref<128x128xi32, #tpu.memory_space<vmem>>[vector<16xi32>, vector<16xi32>], vector<16xi32>,
        %and3A_995 = arith.andi %gather3A_994, %broadcast_in_dim3A_631 : vector<16xi32>
        %bitcast3A_996 = vector.bitcast %and3A_995 : vector<16xi32> to vector<16xf32>
        %shift_left3A_997 = arith.constant 16 : i32
        %shift_left3A_998 = vector.broadcast %shift_left3A_997 : i32 to vector<16xi32>
        %shift_left3A_999 = arith.shli %gather3A_994, %shift_left3A_998 : vector<16xi32>
        %bitcast3A_1000 = vector.bitcast %shift_left3A_999 : vector<16xi32> to vector<16xf32>
        %mul3A_1001 = arith.mulf %add3A_248, %bitcast3A_996 : vector<16xf32>
        %add3A_1002 = arith.addf %add3A_988, %mul3A_1001 : vector<16xf32>
        %mul3A_1003 = arith.mulf %add3A_248, %bitcast3A_1000 : vector<16xf32>
        %add3A_1004 = arith.addf %add3A_990, %mul3A_1003 : vector<16xf32>
        %add3A_1005 = arith.constant 4 : i32
        %add3A_1006 = vector.broadcast %add3A_1005 : i32 to vector<16xi32>
        %add3A_1007 = arith.addi %add3A_594, %add3A_1006 : vector<16xi32>
        %gather3A_1008 = tpu.vector_load_idx %arg13[%add3A_587, %add3A_1007] : memref<128x128xi32, #tpu.memory_space<vmem>>[vector<16xi32>, vector<16xi32>], vector<16xi32>,
        %and3A_1009 = arith.andi %gather3A_1008, %broadcast_in_dim3A_631 : vector<16xi32>
        %bitcast3A_1010 = vector.bitcast %and3A_1009 : vector<16xi32> to vector<16xf32>
        %shift_left3A_1011 = arith.constant 16 : i32
        %shift_left3A_1012 = vector.broadcast %shift_left3A_1011 : i32 to vector<16xi32>
        %shift_left3A_1013 = arith.shli %gather3A_1008, %shift_left3A_1012 : vector<16xi32>
        %bitcast3A_1014 = vector.bitcast %shift_left3A_1013 : vector<16xi32> to vector<16xf32>
        %mul3A_1015 = arith.mulf %add3A_278, %bitcast3A_1010 : vector<16xf32>
        %add3A_1016 = arith.addf %add3A_1002, %mul3A_1015 : vector<16xf32>
        %mul3A_1017 = arith.mulf %add3A_278, %bitcast3A_1014 : vector<16xf32>
        %add3A_1018 = arith.addf %add3A_1004, %mul3A_1017 : vector<16xf32>
        %add3A_1019 = arith.constant 4 : i32
        %add3A_1020 = vector.broadcast %add3A_1019 : i32 to vector<16xi32>
        %add3A_1021 = arith.addi %add3A_612, %add3A_1020 : vector<16xi32>
        %gather3A_1022 = tpu.vector_load_idx %arg13[%add3A_605, %add3A_1021] : memref<128x128xi32, #tpu.memory_space<vmem>>[vector<16xi32>, vector<16xi32>], vector<16xi32>,
        %and3A_1023 = arith.andi %gather3A_1022, %broadcast_in_dim3A_631 : vector<16xi32>
        %bitcast3A_1024 = vector.bitcast %and3A_1023 : vector<16xi32> to vector<16xf32>
        %shift_left3A_1025 = arith.constant 16 : i32
        %shift_left3A_1026 = vector.broadcast %shift_left3A_1025 : i32 to vector<16xi32>
        %shift_left3A_1027 = arith.shli %gather3A_1022, %shift_left3A_1026 : vector<16xi32>
        %bitcast3A_1028 = vector.bitcast %shift_left3A_1027 : vector<16xi32> to vector<16xf32>
        %mul3A_1029 = arith.mulf %add3A_308, %bitcast3A_1024 : vector<16xf32>
        %add3A_1030 = arith.addf %add3A_1016, %mul3A_1029 : vector<16xf32>
        %mul3A_1031 = arith.mulf %add3A_308, %bitcast3A_1028 : vector<16xf32>
        %add3A_1032 = arith.addf %add3A_1018, %mul3A_1031 : vector<16xf32>
        %add3A_1033 = arith.constant 4 : i32
        %add3A_1034 = vector.broadcast %add3A_1033 : i32 to vector<16xi32>
        %add3A_1035 = arith.addi %add3A_630, %add3A_1034 : vector<16xi32>
        %gather3A_1036 = tpu.vector_load_idx %arg13[%add3A_623, %add3A_1035] : memref<128x128xi32, #tpu.memory_space<vmem>>[vector<16xi32>, vector<16xi32>], vector<16xi32>,
        %and3A_1037 = arith.andi %gather3A_1036, %broadcast_in_dim3A_631 : vector<16xi32>
        %bitcast3A_1038 = vector.bitcast %and3A_1037 : vector<16xi32> to vector<16xf32>
        %shift_left3A_1039 = arith.constant 16 : i32
        %shift_left3A_1040 = vector.broadcast %shift_left3A_1039 : i32 to vector<16xi32>
        %shift_left3A_1041 = arith.shli %gather3A_1036, %shift_left3A_1040 : vector<16xi32>
        %bitcast3A_1042 = vector.bitcast %shift_left3A_1041 : vector<16xi32> to vector<16xf32>
        %mul3A_1043 = arith.mulf %add3A_338, %bitcast3A_1038 : vector<16xf32>
        %add3A_1044 = arith.addf %add3A_1030, %mul3A_1043 : vector<16xf32>
        %mul3A_1045 = arith.mulf %add3A_338, %bitcast3A_1042 : vector<16xf32>
        %add3A_1046 = arith.addf %add3A_1032, %mul3A_1045 : vector<16xf32>
        %mul3A_1047 = arith.mulf %add3A_1044, %add3A_488 : vector<16xf32>
        %mul3A_1048 = arith.mulf %add3A_1046, %add3A_488 : vector<16xf32>
        %add3A_1049 = arith.constant 5 : i32
        %add3A_1050 = vector.broadcast %add3A_1049 : i32 to vector<16xi32>
        %add3A_1051 = arith.addi %add3A_540, %add3A_1050 : vector<16xi32>
        %gather3A_1052 = tpu.vector_load_idx %arg13[%add3A_533, %add3A_1051] : memref<128x128xi32, #tpu.memory_space<vmem>>[vector<16xi32>, vector<16xi32>], vector<16xi32>,
        %and3A_1053 = arith.andi %gather3A_1052, %broadcast_in_dim3A_631 : vector<16xi32>
        %bitcast3A_1054 = vector.bitcast %and3A_1053 : vector<16xi32> to vector<16xf32>
        %shift_left3A_1055 = arith.constant 16 : i32
        %shift_left3A_1056 = vector.broadcast %shift_left3A_1055 : i32 to vector<16xi32>
        %shift_left3A_1057 = arith.shli %gather3A_1052, %shift_left3A_1056 : vector<16xi32>
        %bitcast3A_1058 = vector.bitcast %shift_left3A_1057 : vector<16xi32> to vector<16xf32>
        %mul3A_1059 = arith.mulf %add3A_188, %bitcast3A_1054 : vector<16xf32>
        %mul3A_1060 = arith.mulf %add3A_188, %bitcast3A_1058 : vector<16xf32>
        %add3A_1061 = arith.constant 5 : i32
        %add3A_1062 = vector.broadcast %add3A_1061 : i32 to vector<16xi32>
        %add3A_1063 = arith.addi %add3A_558, %add3A_1062 : vector<16xi32>
        %gather3A_1064 = tpu.vector_load_idx %arg13[%add3A_551, %add3A_1063] : memref<128x128xi32, #tpu.memory_space<vmem>>[vector<16xi32>, vector<16xi32>], vector<16xi32>,
        %and3A_1065 = arith.andi %gather3A_1064, %broadcast_in_dim3A_631 : vector<16xi32>
        %bitcast3A_1066 = vector.bitcast %and3A_1065 : vector<16xi32> to vector<16xf32>
        %shift_left3A_1067 = arith.constant 16 : i32
        %shift_left3A_1068 = vector.broadcast %shift_left3A_1067 : i32 to vector<16xi32>
        %shift_left3A_1069 = arith.shli %gather3A_1064, %shift_left3A_1068 : vector<16xi32>
        %bitcast3A_1070 = vector.bitcast %shift_left3A_1069 : vector<16xi32> to vector<16xf32>
        %mul3A_1071 = arith.mulf %add3A_218, %bitcast3A_1066 : vector<16xf32>
        %add3A_1072 = arith.addf %mul3A_1059, %mul3A_1071 : vector<16xf32>
        %mul3A_1073 = arith.mulf %add3A_218, %bitcast3A_1070 : vector<16xf32>
        %add3A_1074 = arith.addf %mul3A_1060, %mul3A_1073 : vector<16xf32>
        %add3A_1075 = arith.constant 5 : i32
        %add3A_1076 = vector.broadcast %add3A_1075 : i32 to vector<16xi32>
        %add3A_1077 = arith.addi %add3A_576, %add3A_1076 : vector<16xi32>
        %gather3A_1078 = tpu.vector_load_idx %arg13[%add3A_569, %add3A_1077] : memref<128x128xi32, #tpu.memory_space<vmem>>[vector<16xi32>, vector<16xi32>], vector<16xi32>,
        %and3A_1079 = arith.andi %gather3A_1078, %broadcast_in_dim3A_631 : vector<16xi32>
        %bitcast3A_1080 = vector.bitcast %and3A_1079 : vector<16xi32> to vector<16xf32>
        %shift_left3A_1081 = arith.constant 16 : i32
        %shift_left3A_1082 = vector.broadcast %shift_left3A_1081 : i32 to vector<16xi32>
        %shift_left3A_1083 = arith.shli %gather3A_1078, %shift_left3A_1082 : vector<16xi32>
        %bitcast3A_1084 = vector.bitcast %shift_left3A_1083 : vector<16xi32> to vector<16xf32>
        %mul3A_1085 = arith.mulf %add3A_248, %bitcast3A_1080 : vector<16xf32>
        %add3A_1086 = arith.addf %add3A_1072, %mul3A_1085 : vector<16xf32>
        %mul3A_1087 = arith.mulf %add3A_248, %bitcast3A_1084 : vector<16xf32>
        %add3A_1088 = arith.addf %add3A_1074, %mul3A_1087 : vector<16xf32>
        %add3A_1089 = arith.constant 5 : i32
        %add3A_1090 = vector.broadcast %add3A_1089 : i32 to vector<16xi32>
        %add3A_1091 = arith.addi %add3A_594, %add3A_1090 : vector<16xi32>
        %gather3A_1092 = tpu.vector_load_idx %arg13[%add3A_587, %add3A_1091] : memref<128x128xi32, #tpu.memory_space<vmem>>[vector<16xi32>, vector<16xi32>], vector<16xi32>,
        %and3A_1093 = arith.andi %gather3A_1092, %broadcast_in_dim3A_631 : vector<16xi32>
        %bitcast3A_1094 = vector.bitcast %and3A_1093 : vector<16xi32> to vector<16xf32>
        %shift_left3A_1095 = arith.constant 16 : i32
        %shift_left3A_1096 = vector.broadcast %shift_left3A_1095 : i32 to vector<16xi32>
        %shift_left3A_1097 = arith.shli %gather3A_1092, %shift_left3A_1096 : vector<16xi32>
        %bitcast3A_1098 = vector.bitcast %shift_left3A_1097 : vector<16xi32> to vector<16xf32>
        %mul3A_1099 = arith.mulf %add3A_278, %bitcast3A_1094 : vector<16xf32>
        %add3A_1100 = arith.addf %add3A_1086, %mul3A_1099 : vector<16xf32>
        %mul3A_1101 = arith.mulf %add3A_278, %bitcast3A_1098 : vector<16xf32>
        %add3A_1102 = arith.addf %add3A_1088, %mul3A_1101 : vector<16xf32>
        %add3A_1103 = arith.constant 5 : i32
        %add3A_1104 = vector.broadcast %add3A_1103 : i32 to vector<16xi32>
        %add3A_1105 = arith.addi %add3A_612, %add3A_1104 : vector<16xi32>
        %gather3A_1106 = tpu.vector_load_idx %arg13[%add3A_605, %add3A_1105] : memref<128x128xi32, #tpu.memory_space<vmem>>[vector<16xi32>, vector<16xi32>], vector<16xi32>,
        %and3A_1107 = arith.andi %gather3A_1106, %broadcast_in_dim3A_631 : vector<16xi32>
        %bitcast3A_1108 = vector.bitcast %and3A_1107 : vector<16xi32> to vector<16xf32>
        %shift_left3A_1109 = arith.constant 16 : i32
        %shift_left3A_1110 = vector.broadcast %shift_left3A_1109 : i32 to vector<16xi32>
        %shift_left3A_1111 = arith.shli %gather3A_1106, %shift_left3A_1110 : vector<16xi32>
        %bitcast3A_1112 = vector.bitcast %shift_left3A_1111 : vector<16xi32> to vector<16xf32>
        %mul3A_1113 = arith.mulf %add3A_308, %bitcast3A_1108 : vector<16xf32>
        %add3A_1114 = arith.addf %add3A_1100, %mul3A_1113 : vector<16xf32>
        %mul3A_1115 = arith.mulf %add3A_308, %bitcast3A_1112 : vector<16xf32>
        %add3A_1116 = arith.addf %add3A_1102, %mul3A_1115 : vector<16xf32>
        %add3A_1117 = arith.constant 5 : i32
        %add3A_1118 = vector.broadcast %add3A_1117 : i32 to vector<16xi32>
        %add3A_1119 = arith.addi %add3A_630, %add3A_1118 : vector<16xi32>
        %gather3A_1120 = tpu.vector_load_idx %arg13[%add3A_623, %add3A_1119] : memref<128x128xi32, #tpu.memory_space<vmem>>[vector<16xi32>, vector<16xi32>], vector<16xi32>,
        %and3A_1121 = arith.andi %gather3A_1120, %broadcast_in_dim3A_631 : vector<16xi32>
        %bitcast3A_1122 = vector.bitcast %and3A_1121 : vector<16xi32> to vector<16xf32>
        %shift_left3A_1123 = arith.constant 16 : i32
        %shift_left3A_1124 = vector.broadcast %shift_left3A_1123 : i32 to vector<16xi32>
        %shift_left3A_1125 = arith.shli %gather3A_1120, %shift_left3A_1124 : vector<16xi32>
        %bitcast3A_1126 = vector.bitcast %shift_left3A_1125 : vector<16xi32> to vector<16xf32>
        %mul3A_1127 = arith.mulf %add3A_338, %bitcast3A_1122 : vector<16xf32>
        %add3A_1128 = arith.addf %add3A_1114, %mul3A_1127 : vector<16xf32>
        %mul3A_1129 = arith.mulf %add3A_338, %bitcast3A_1126 : vector<16xf32>
        %add3A_1130 = arith.addf %add3A_1116, %mul3A_1129 : vector<16xf32>
        %mul3A_1131 = arith.mulf %add3A_1128, %add3A_518 : vector<16xf32>
        %mul3A_1132 = arith.mulf %add3A_1130, %add3A_518 : vector<16xf32>
        %add3A_1133 = arith.addf %mul3A_711, %mul3A_795 : vector<16xf32>
        %add3A_1134 = arith.addf %mul3A_879, %mul3A_963 : vector<16xf32>
        %add3A_1135 = arith.addf %mul3A_1047, %mul3A_1131 : vector<16xf32>
        %add3A_1136 = arith.addf %mul3A_712, %mul3A_796 : vector<16xf32>
        %add3A_1137 = arith.addf %mul3A_880, %mul3A_964 : vector<16xf32>
        %add3A_1138 = arith.addf %mul3A_1048, %mul3A_1132 : vector<16xf32>
        %add3A_1139 = arith.addf %add3A_1133, %add3A_1134 : vector<16xf32>
        %add3A_1140 = arith.addf %add3A_1136, %add3A_1137 : vector<16xf32>
        %add3A_1141 = arith.addf %add3A_1139, %add3A_1135 : vector<16xf32>
        %add3A_1142 = arith.addf %add3A_1140, %add3A_1138 : vector<16xf32>
        %mul3A_1143 = arith.constant 16 : i32
        %mul3A_1144 = arith.muli %scan3A_116, %mul3A_1143 : i32
        %add3A_1145 = arith.addi %mul3A_106, %mul3A_1144 : i32
        %get3A_1146 = arith.index_cast %add3A_1145 : i32 to index
        %get3A_1147 = tpu.vector_load %arg9[%get3A_1146] {strides = array<i32>} : memref<1024xf32, #tpu.memory_space<vmem>>, vector<16xf32>,
        %mul3A_1148 = arith.constant 16 : i32
        %mul3A_1149 = arith.muli %scan3A_116, %mul3A_1148 : i32
        %add3A_1150 = vector.broadcast %mul3A_1149 : i32 to vector<16xi32>
        %add3A_1151 = arith.addi %add3A_1150, %iota3A : vector<16xi32>
        %broadcast_in_dim3A_1152 = arith.constant 0 : i32
        %broadcast_in_dim3A_1153 = vector.broadcast %broadcast_in_dim3A_1152 : i32 to vector<16xi32>
        %mul3A_1154 = arith.mulf %add3A_1141, %get3A_1147 : vector<16xf32>
        tpu.vector_store_idx %arg14[%add3A_1151, %broadcast_in_dim3A_1153], %mul3A_1154 : memref<64x2xf32, #tpu.memory_space<vmem>>[vector<16xi32>, vector<16xi32>], vector<16xf32>,
        %add3A_1155 = arith.constant 1 : i32
        %add3A_1156 = vector.broadcast %add3A_1155 : i32 to vector<16xi32>
        %add3A_1157 = arith.addi %broadcast_in_dim3A_1153, %add3A_1156 : vector<16xi32>
        %mul3A_1158 = arith.mulf %add3A_1142, %get3A_1147 : vector<16xf32>
        tpu.vector_store_idx %arg14[%add3A_1151, %add3A_1157], %mul3A_1158 : memref<64x2xf32, #tpu.memory_space<vmem>>[vector<16xi32>, vector<16xi32>], vector<16xf32>,
      }
      %scan3A_112 = arith.constant 4 : i32
      %mul3A_113 = arith.constant 64 : i32
      %mul3A_114 = arith.muli %add3A_36, %mul3A_113 : i32
      %add3A_115 = arith.addi %mul3A_2, %mul3A_114 : i32
      "tpu.region"() ({
        %run_scoped3A = tpu.sem_alloc : memref<!tpu.dma_semaphore, #tpu.memory_space<semaphore_mem>>
        %dma_start3A_116 = arith.constant 0 : i32
        %dma_start3A_117 = tpu.memref_slice %arg6[%add3A_115, %dma_start3A_116] : memref<32768x2xf32, #tpu.memory_space<hbm>> -> memref<64x2xf32, #tpu.memory_space<hbm>>
        %dma_start3A_118 = arith.constant 0 : i32
        %dma_start3A_119 = tpu.memref_slice %arg6[%add3A_115, %dma_start3A_118] : memref<32768x2xf32, #tpu.memory_space<hbm>> -> memref<64x2xf32, #tpu.memory_space<hbm>>
        tpu.enqueue_dma source(%arg14 : memref<64x2xf32, #tpu.memory_space<vmem>>) target(%dma_start3A_119 : memref<64x2xf32, #tpu.memory_space<hbm>>) target_semaphore(%run_scoped3A : memref<!tpu.dma_semaphore, #tpu.memory_space<semaphore_mem>>)
        %dma_wait3A_120 = arith.constant 0 : i32
        %dma_wait3A_121 = tpu.memref_slice %arg6[%add3A_115, %dma_wait3A_120] : memref<32768x2xf32, #tpu.memory_space<hbm>> -> memref<64x2xf32, #tpu.memory_space<hbm>>
        %dma_wait3A_122 = arith.constant 0 : i32
        %dma_wait3A_123 = tpu.memref_slice %arg6[%add3A_115, %dma_wait3A_122] : memref<32768x2xf32, #tpu.memory_space<hbm>> -> memref<64x2xf32, #tpu.memory_space<hbm>>
        tpu.wait_dma2 semaphore(%run_scoped3A : memref<!tpu.dma_semaphore, #tpu.memory_space<semaphore_mem>>) src(%arg14 : memref<64x2xf32, #tpu.memory_space<vmem>>) dst(%dma_wait3A_123 : memref<64x2xf32, #tpu.memory_space<hbm>>)
        tpu.yield
      }) : () -> ()
    }
    %scan3A_31 = arith.constant 8 : i32
    return
  }
}

module attributes {stable_mosaic.version = 14 : i64} {
  func.func @_grid_kernel(%arg0: memref<512x256xf32, #tpu.memory_space<vmem>>, %arg1: memref<512x256xf32, #tpu.memory_space<vmem>>, %arg2: memref<256x512xf32, #tpu.memory_space<vmem>>, %arg3: memref<256x512xf32, #tpu.memory_space<vmem>>, %arg4: memref<256x256xf32, #tpu.memory_space<vmem>>, %arg5: memref<256x256xf32, #tpu.memory_space<vmem>>, %arg6: memref<256x128xf32, #tpu.memory_space<vmem>>, %arg7: memref<4096x128xi32, #tpu.memory_space<vmem>>, %arg8: memref<256x128xf32, #tpu.memory_space<vmem>>) attributes {dimension_semantics = [], scalar_prefetch = 0 : i64, scratch_operands = 0 : i64, tpu.core_type = #tpu.core_type<tc>} {
    %get3A = arith.constant 0 : index
    %get3A_0 = arith.constant 0 : index
    %get3A_1 = vector.load %arg0[%get3A, %get3A_0] : memref<512x256xf32, #tpu.memory_space<vmem>>, vector<512x256xf32>
    %get3A_2 = arith.constant 0 : index
    %get3A_3 = arith.constant 0 : index
    %get3A_4 = vector.load %arg1[%get3A_2, %get3A_3] : memref<512x256xf32, #tpu.memory_space<vmem>>, vector<512x256xf32>
    %get3A_5 = arith.constant 0 : index
    %get3A_6 = arith.constant 0 : index
    %get3A_7 = vector.load %arg4[%get3A_5, %get3A_6] : memref<256x256xf32, #tpu.memory_space<vmem>>, vector<256x256xf32>
    %get3A_8 = arith.constant 0 : index
    %get3A_9 = arith.constant 0 : index
    %get3A_10 = vector.load %arg5[%get3A_8, %get3A_9] : memref<256x256xf32, #tpu.memory_space<vmem>>, vector<256x256xf32>
    %dot_general3A = arith.constant dense<0.000000e+00> : vector<512x256xf32>
    %dot_general3A_11 = tpu.matmul %get3A_1, %get3A_7, %dot_general3A {dimension_numbers = #tpu.dot_dimension_numbers<[1], [0], [0], [1], [0, 0, 1, 1], [], []>, transpose_lhs_hint = false} : vector<512x256xf32>, vector<256x256xf32>, vector<512x256xf32> -> vector<512x256xf32>
    %dot_general3A_12 = arith.constant dense<0.000000e+00> : vector<512x256xf32>
    %dot_general3A_13 = tpu.matmul %get3A_4, %get3A_10, %dot_general3A_12 {dimension_numbers = #tpu.dot_dimension_numbers<[1], [0], [0], [1], [0, 0, 1, 1], [], []>, transpose_lhs_hint = false} : vector<512x256xf32>, vector<256x256xf32>, vector<512x256xf32> -> vector<512x256xf32>
    %sub3A = arith.subf %dot_general3A_11, %dot_general3A_13 : vector<512x256xf32>
    %dot_general3A_14 = arith.constant dense<0.000000e+00> : vector<512x256xf32>
    %dot_general3A_15 = tpu.matmul %get3A_1, %get3A_10, %dot_general3A_14 {dimension_numbers = #tpu.dot_dimension_numbers<[1], [0], [0], [1], [0, 0, 1, 1], [], []>, transpose_lhs_hint = false} : vector<512x256xf32>, vector<256x256xf32>, vector<512x256xf32> -> vector<512x256xf32>
    %dot_general3A_16 = arith.constant dense<0.000000e+00> : vector<512x256xf32>
    %dot_general3A_17 = tpu.matmul %get3A_4, %get3A_7, %dot_general3A_16 {dimension_numbers = #tpu.dot_dimension_numbers<[1], [0], [0], [1], [0, 0, 1, 1], [], []>, transpose_lhs_hint = false} : vector<512x256xf32>, vector<256x256xf32>, vector<512x256xf32> -> vector<512x256xf32>
    %add3A = arith.addf %dot_general3A_15, %dot_general3A_17 : vector<512x256xf32>
    %get3A_18 = arith.constant 0 : index
    %get3A_19 = arith.constant 0 : index
    %get3A_20 = vector.load %arg2[%get3A_18, %get3A_19] : memref<256x512xf32, #tpu.memory_space<vmem>>, vector<256x512xf32>
    %get3A_21 = arith.constant 0 : index
    %get3A_22 = arith.constant 0 : index
    %get3A_23 = vector.load %arg3[%get3A_21, %get3A_22] : memref<256x512xf32, #tpu.memory_space<vmem>>, vector<256x512xf32>
    %dot_general3A_24 = arith.constant dense<0.000000e+00> : vector<512x512xf32>
    %dot_general3A_25 = tpu.matmul %sub3A, %get3A_20, %dot_general3A_24 {dimension_numbers = #tpu.dot_dimension_numbers<[1], [0], [0], [1], [0, 0, 1, 1], [], []>, transpose_lhs_hint = false} : vector<512x256xf32>, vector<256x512xf32>, vector<512x512xf32> -> vector<512x512xf32>
    %dot_general3A_26 = arith.constant dense<0.000000e+00> : vector<512x512xf32>
    %dot_general3A_27 = tpu.matmul %add3A, %get3A_23, %dot_general3A_26 {dimension_numbers = #tpu.dot_dimension_numbers<[1], [0], [0], [1], [0, 0, 1, 1], [], []>, transpose_lhs_hint = false} : vector<512x256xf32>, vector<256x512xf32>, vector<512x512xf32> -> vector<512x512xf32>
    %sub3A_28 = arith.subf %dot_general3A_25, %dot_general3A_27 : vector<512x512xf32>
    %dot_general3A_29 = arith.constant dense<0.000000e+00> : vector<512x512xf32>
    %dot_general3A_30 = tpu.matmul %sub3A, %get3A_23, %dot_general3A_29 {dimension_numbers = #tpu.dot_dimension_numbers<[1], [0], [0], [1], [0, 0, 1, 1], [], []>, transpose_lhs_hint = false} : vector<512x256xf32>, vector<256x512xf32>, vector<512x512xf32> -> vector<512x512xf32>
    %dot_general3A_31 = arith.constant dense<0.000000e+00> : vector<512x512xf32>
    %dot_general3A_32 = tpu.matmul %add3A, %get3A_20, %dot_general3A_31 {dimension_numbers = #tpu.dot_dimension_numbers<[1], [0], [0], [1], [0, 0, 1, 1], [], []>, transpose_lhs_hint = false} : vector<512x256xf32>, vector<256x512xf32>, vector<512x512xf32> -> vector<512x512xf32>
    %add3A_33 = arith.addf %dot_general3A_30, %dot_general3A_32 : vector<512x512xf32>
    %slice3A = vector.extract_strided_slice %sub3A_28 {offsets = [0, 0], sizes = [512, 16], strides = [1, 1]} : vector<512x512xf32> to vector<512x16xf32>
    %concatenate3A = tpu.concatenate %sub3A_28, %slice3A in 1 : vector<512x512xf32>, vector<512x16xf32> -> vector<512x528xf32>
    %slice3A_34 = vector.extract_strided_slice %add3A_33 {offsets = [0, 0], sizes = [512, 16], strides = [1, 1]} : vector<512x512xf32> to vector<512x16xf32>
    %concatenate3A_35 = tpu.concatenate %add3A_33, %slice3A_34 in 1 : vector<512x512xf32>, vector<512x16xf32> -> vector<512x528xf32>
    %bitcast_convert_type3A = tpu.bitcast %concatenate3A : vector<512x528xf32> -> vector<512x528xi32>
    %add3A_36 = arith.constant 32768 : i32
    %add3A_37 = vector.broadcast %add3A_36 : i32 to vector<512x528xi32>
    %add3A_38 = arith.addi %bitcast_convert_type3A, %add3A_37 : vector<512x528xi32>
    %bitcast_convert_type3A_39 = tpu.bitcast %concatenate3A_35 : vector<512x528xf32> -> vector<512x528xi32>
    %add3A_40 = arith.constant 32768 : i32
    %add3A_41 = vector.broadcast %add3A_40 : i32 to vector<512x528xi32>
    %add3A_42 = arith.addi %bitcast_convert_type3A_39, %add3A_41 : vector<512x528xi32>
    %and3A = arith.constant -65536 : i32
    %and3A_43 = vector.broadcast %and3A : i32 to vector<512x528xi32>
    %and3A_44 = arith.andi %add3A_38, %and3A_43 : vector<512x528xi32>
    %shift_right_logical3A = arith.constant 16 : i32
    %shift_right_logical3A_45 = vector.broadcast %shift_right_logical3A : i32 to vector<512x528xi32>
    %shift_right_logical3A_46 = arith.shrui %add3A_42, %shift_right_logical3A_45 : vector<512x528xi32>
    %or3A = arith.ori %and3A_44, %shift_right_logical3A_46 : vector<512x528xi32>
    %slice3A_47 = vector.extract_strided_slice %or3A {offsets = [0, 0], sizes = [64, 16], strides = [1, 1]} : vector<512x528xi32> to vector<64x16xi32>
    %slice3A_48 = vector.extract_strided_slice %or3A {offsets = [64, 0], sizes = [64, 16], strides = [1, 1]} : vector<512x528xi32> to vector<64x16xi32>
    %slice3A_49 = vector.extract_strided_slice %or3A {offsets = [128, 0], sizes = [64, 16], strides = [1, 1]} : vector<512x528xi32> to vector<64x16xi32>
    %slice3A_50 = vector.extract_strided_slice %or3A {offsets = [192, 0], sizes = [64, 16], strides = [1, 1]} : vector<512x528xi32> to vector<64x16xi32>
    %slice3A_51 = vector.extract_strided_slice %or3A {offsets = [256, 0], sizes = [64, 16], strides = [1, 1]} : vector<512x528xi32> to vector<64x16xi32>
    %slice3A_52 = vector.extract_strided_slice %or3A {offsets = [320, 0], sizes = [64, 16], strides = [1, 1]} : vector<512x528xi32> to vector<64x16xi32>
    %slice3A_53 = vector.extract_strided_slice %or3A {offsets = [384, 0], sizes = [64, 16], strides = [1, 1]} : vector<512x528xi32> to vector<64x16xi32>
    %slice3A_54 = vector.extract_strided_slice %or3A {offsets = [448, 0], sizes = [64, 16], strides = [1, 1]} : vector<512x528xi32> to vector<64x16xi32>
    %concatenate3A_55 = tpu.concatenate %slice3A_47, %slice3A_48, %slice3A_49, %slice3A_50, %slice3A_51, %slice3A_52, %slice3A_53, %slice3A_54 in 1 : vector<64x16xi32>, vector<64x16xi32>, vector<64x16xi32>, vector<64x16xi32>, vector<64x16xi32>, vector<64x16xi32>, vector<64x16xi32>, vector<64x16xi32> -> vector<64x128xi32>
    %swap3A = arith.constant 0 : index
    %swap3A_56 = arith.constant 0 : index
    %swap3A_57 = vector.load %arg7[%swap3A, %swap3A_56] : memref<4096x128xi32, #tpu.memory_space<vmem>>, vector<64x128xi32>
    tpu.vector_store %arg7[%swap3A, %swap3A_56], %concatenate3A_55 {strides = array<i32>} : memref<4096x128xi32, #tpu.memory_space<vmem>>, vector<64x128xi32>,
    %slice3A_58 = vector.extract_strided_slice %or3A {offsets = [0, 8], sizes = [64, 16], strides = [1, 1]} : vector<512x528xi32> to vector<64x16xi32>
    %slice3A_59 = vector.extract_strided_slice %or3A {offsets = [64, 8], sizes = [64, 16], strides = [1, 1]} : vector<512x528xi32> to vector<64x16xi32>
    %slice3A_60 = vector.extract_strided_slice %or3A {offsets = [128, 8], sizes = [64, 16], strides = [1, 1]} : vector<512x528xi32> to vector<64x16xi32>
    %slice3A_61 = vector.extract_strided_slice %or3A {offsets = [192, 8], sizes = [64, 16], strides = [1, 1]} : vector<512x528xi32> to vector<64x16xi32>
    %slice3A_62 = vector.extract_strided_slice %or3A {offsets = [256, 8], sizes = [64, 16], strides = [1, 1]} : vector<512x528xi32> to vector<64x16xi32>
    %slice3A_63 = vector.extract_strided_slice %or3A {offsets = [320, 8], sizes = [64, 16], strides = [1, 1]} : vector<512x528xi32> to vector<64x16xi32>
    %slice3A_64 = vector.extract_strided_slice %or3A {offsets = [384, 8], sizes = [64, 16], strides = [1, 1]} : vector<512x528xi32> to vector<64x16xi32>
    %slice3A_65 = vector.extract_strided_slice %or3A {offsets = [448, 8], sizes = [64, 16], strides = [1, 1]} : vector<512x528xi32> to vector<64x16xi32>
    %concatenate3A_66 = tpu.concatenate %slice3A_58, %slice3A_59, %slice3A_60, %slice3A_61, %slice3A_62, %slice3A_63, %slice3A_64, %slice3A_65 in 1 : vector<64x16xi32>, vector<64x16xi32>, vector<64x16xi32>, vector<64x16xi32>, vector<64x16xi32>, vector<64x16xi32>, vector<64x16xi32>, vector<64x16xi32> -> vector<64x128xi32>
    %swap3A_67 = arith.constant 64 : index
    %swap3A_68 = arith.constant 0 : index
    %swap3A_69 = vector.load %arg7[%swap3A_67, %swap3A_68] : memref<4096x128xi32, #tpu.memory_space<vmem>>, vector<64x128xi32>
    tpu.vector_store %arg7[%swap3A_67, %swap3A_68], %concatenate3A_66 {strides = array<i32>} : memref<4096x128xi32, #tpu.memory_space<vmem>>, vector<64x128xi32>,
    %slice3A_70 = vector.extract_strided_slice %or3A {offsets = [0, 16], sizes = [64, 16], strides = [1, 1]} : vector<512x528xi32> to vector<64x16xi32>
    %slice3A_71 = vector.extract_strided_slice %or3A {offsets = [64, 16], sizes = [64, 16], strides = [1, 1]} : vector<512x528xi32> to vector<64x16xi32>
    %slice3A_72 = vector.extract_strided_slice %or3A {offsets = [128, 16], sizes = [64, 16], strides = [1, 1]} : vector<512x528xi32> to vector<64x16xi32>
    %slice3A_73 = vector.extract_strided_slice %or3A {offsets = [192, 16], sizes = [64, 16], strides = [1, 1]} : vector<512x528xi32> to vector<64x16xi32>
    %slice3A_74 = vector.extract_strided_slice %or3A {offsets = [256, 16], sizes = [64, 16], strides = [1, 1]} : vector<512x528xi32> to vector<64x16xi32>
    %slice3A_75 = vector.extract_strided_slice %or3A {offsets = [320, 16], sizes = [64, 16], strides = [1, 1]} : vector<512x528xi32> to vector<64x16xi32>
    %slice3A_76 = vector.extract_strided_slice %or3A {offsets = [384, 16], sizes = [64, 16], strides = [1, 1]} : vector<512x528xi32> to vector<64x16xi32>
    %slice3A_77 = vector.extract_strided_slice %or3A {offsets = [448, 16], sizes = [64, 16], strides = [1, 1]} : vector<512x528xi32> to vector<64x16xi32>
    %concatenate3A_78 = tpu.concatenate %slice3A_70, %slice3A_71, %slice3A_72, %slice3A_73, %slice3A_74, %slice3A_75, %slice3A_76, %slice3A_77 in 1 : vector<64x16xi32>, vector<64x16xi32>, vector<64x16xi32>, vector<64x16xi32>, vector<64x16xi32>, vector<64x16xi32>, vector<64x16xi32>, vector<64x16xi32> -> vector<64x128xi32>
    %swap3A_79 = arith.constant 128 : index
    %swap3A_80 = arith.constant 0 : index
    %swap3A_81 = vector.load %arg7[%swap3A_79, %swap3A_80] : memref<4096x128xi32, #tpu.memory_space<vmem>>, vector<64x128xi32>
    tpu.vector_store %arg7[%swap3A_79, %swap3A_80], %concatenate3A_78 {strides = array<i32>} : memref<4096x128xi32, #tpu.memory_space<vmem>>, vector<64x128xi32>,
    %slice3A_82 = vector.extract_strided_slice %or3A {offsets = [0, 24], sizes = [64, 16], strides = [1, 1]} : vector<512x528xi32> to vector<64x16xi32>
    %slice3A_83 = vector.extract_strided_slice %or3A {offsets = [64, 24], sizes = [64, 16], strides = [1, 1]} : vector<512x528xi32> to vector<64x16xi32>
    %slice3A_84 = vector.extract_strided_slice %or3A {offsets = [128, 24], sizes = [64, 16], strides = [1, 1]} : vector<512x528xi32> to vector<64x16xi32>
    %slice3A_85 = vector.extract_strided_slice %or3A {offsets = [192, 24], sizes = [64, 16], strides = [1, 1]} : vector<512x528xi32> to vector<64x16xi32>
    %slice3A_86 = vector.extract_strided_slice %or3A {offsets = [256, 24], sizes = [64, 16], strides = [1, 1]} : vector<512x528xi32> to vector<64x16xi32>
    %slice3A_87 = vector.extract_strided_slice %or3A {offsets = [320, 24], sizes = [64, 16], strides = [1, 1]} : vector<512x528xi32> to vector<64x16xi32>
    %slice3A_88 = vector.extract_strided_slice %or3A {offsets = [384, 24], sizes = [64, 16], strides = [1, 1]} : vector<512x528xi32> to vector<64x16xi32>
    %slice3A_89 = vector.extract_strided_slice %or3A {offsets = [448, 24], sizes = [64, 16], strides = [1, 1]} : vector<512x528xi32> to vector<64x16xi32>
    %concatenate3A_90 = tpu.concatenate %slice3A_82, %slice3A_83, %slice3A_84, %slice3A_85, %slice3A_86, %slice3A_87, %slice3A_88, %slice3A_89 in 1 : vector<64x16xi32>, vector<64x16xi32>, vector<64x16xi32>, vector<64x16xi32>, vector<64x16xi32>, vector<64x16xi32>, vector<64x16xi32>, vector<64x16xi32> -> vector<64x128xi32>
    %swap3A_91 = arith.constant 192 : index
    %swap3A_92 = arith.constant 0 : index
    %swap3A_93 = vector.load %arg7[%swap3A_91, %swap3A_92] : memref<4096x128xi32, #tpu.memory_space<vmem>>, vector<64x128xi32>
    tpu.vector_store %arg7[%swap3A_91, %swap3A_92], %concatenate3A_90 {strides = array<i32>} : memref<4096x128xi32, #tpu.memory_space<vmem>>, vector<64x128xi32>,
    %slice3A_94 = vector.extract_strided_slice %or3A {offsets = [0, 32], sizes = [64, 16], strides = [1, 1]} : vector<512x528xi32> to vector<64x16xi32>
    %slice3A_95 = vector.extract_strided_slice %or3A {offsets = [64, 32], sizes = [64, 16], strides = [1, 1]} : vector<512x528xi32> to vector<64x16xi32>
    %slice3A_96 = vector.extract_strided_slice %or3A {offsets = [128, 32], sizes = [64, 16], strides = [1, 1]} : vector<512x528xi32> to vector<64x16xi32>
    %slice3A_97 = vector.extract_strided_slice %or3A {offsets = [192, 32], sizes = [64, 16], strides = [1, 1]} : vector<512x528xi32> to vector<64x16xi32>
    %slice3A_98 = vector.extract_strided_slice %or3A {offsets = [256, 32], sizes = [64, 16], strides = [1, 1]} : vector<512x528xi32> to vector<64x16xi32>
    %slice3A_99 = vector.extract_strided_slice %or3A {offsets = [320, 32], sizes = [64, 16], strides = [1, 1]} : vector<512x528xi32> to vector<64x16xi32>
    %slice3A_100 = vector.extract_strided_slice %or3A {offsets = [384, 32], sizes = [64, 16], strides = [1, 1]} : vector<512x528xi32> to vector<64x16xi32>
    %slice3A_101 = vector.extract_strided_slice %or3A {offsets = [448, 32], sizes = [64, 16], strides = [1, 1]} : vector<512x528xi32> to vector<64x16xi32>
    %concatenate3A_102 = tpu.concatenate %slice3A_94, %slice3A_95, %slice3A_96, %slice3A_97, %slice3A_98, %slice3A_99, %slice3A_100, %slice3A_101 in 1 : vector<64x16xi32>, vector<64x16xi32>, vector<64x16xi32>, vector<64x16xi32>, vector<64x16xi32>, vector<64x16xi32>, vector<64x16xi32>, vector<64x16xi32> -> vector<64x128xi32>
    %swap3A_103 = arith.constant 256 : index
    %swap3A_104 = arith.constant 0 : index
    %swap3A_105 = vector.load %arg7[%swap3A_103, %swap3A_104] : memref<4096x128xi32, #tpu.memory_space<vmem>>, vector<64x128xi32>
    tpu.vector_store %arg7[%swap3A_103, %swap3A_104], %concatenate3A_102 {strides = array<i32>} : memref<4096x128xi32, #tpu.memory_space<vmem>>, vector<64x128xi32>,
    %slice3A_106 = vector.extract_strided_slice %or3A {offsets = [0, 40], sizes = [64, 16], strides = [1, 1]} : vector<512x528xi32> to vector<64x16xi32>
    %slice3A_107 = vector.extract_strided_slice %or3A {offsets = [64, 40], sizes = [64, 16], strides = [1, 1]} : vector<512x528xi32> to vector<64x16xi32>
    %slice3A_108 = vector.extract_strided_slice %or3A {offsets = [128, 40], sizes = [64, 16], strides = [1, 1]} : vector<512x528xi32> to vector<64x16xi32>
    %slice3A_109 = vector.extract_strided_slice %or3A {offsets = [192, 40], sizes = [64, 16], strides = [1, 1]} : vector<512x528xi32> to vector<64x16xi32>
    %slice3A_110 = vector.extract_strided_slice %or3A {offsets = [256, 40], sizes = [64, 16], strides = [1, 1]} : vector<512x528xi32> to vector<64x16xi32>
    %slice3A_111 = vector.extract_strided_slice %or3A {offsets = [320, 40], sizes = [64, 16], strides = [1, 1]} : vector<512x528xi32> to vector<64x16xi32>
    %slice3A_112 = vector.extract_strided_slice %or3A {offsets = [384, 40], sizes = [64, 16], strides = [1, 1]} : vector<512x528xi32> to vector<64x16xi32>
    %slice3A_113 = vector.extract_strided_slice %or3A {offsets = [448, 40], sizes = [64, 16], strides = [1, 1]} : vector<512x528xi32> to vector<64x16xi32>
    %concatenate3A_114 = tpu.concatenate %slice3A_106, %slice3A_107, %slice3A_108, %slice3A_109, %slice3A_110, %slice3A_111, %slice3A_112, %slice3A_113 in 1 : vector<64x16xi32>, vector<64x16xi32>, vector<64x16xi32>, vector<64x16xi32>, vector<64x16xi32>, vector<64x16xi32>, vector<64x16xi32>, vector<64x16xi32> -> vector<64x128xi32>
    %swap3A_115 = arith.constant 320 : index
    %swap3A_116 = arith.constant 0 : index
    %swap3A_117 = vector.load %arg7[%swap3A_115, %swap3A_116] : memref<4096x128xi32, #tpu.memory_space<vmem>>, vector<64x128xi32>
    tpu.vector_store %arg7[%swap3A_115, %swap3A_116], %concatenate3A_114 {strides = array<i32>} : memref<4096x128xi32, #tpu.memory_space<vmem>>, vector<64x128xi32>,
    %slice3A_118 = vector.extract_strided_slice %or3A {offsets = [0, 48], sizes = [64, 16], strides = [1, 1]} : vector<512x528xi32> to vector<64x16xi32>
    %slice3A_119 = vector.extract_strided_slice %or3A {offsets = [64, 48], sizes = [64, 16], strides = [1, 1]} : vector<512x528xi32> to vector<64x16xi32>
    %slice3A_120 = vector.extract_strided_slice %or3A {offsets = [128, 48], sizes = [64, 16], strides = [1, 1]} : vector<512x528xi32> to vector<64x16xi32>
    %slice3A_121 = vector.extract_strided_slice %or3A {offsets = [192, 48], sizes = [64, 16], strides = [1, 1]} : vector<512x528xi32> to vector<64x16xi32>
    %slice3A_122 = vector.extract_strided_slice %or3A {offsets = [256, 48], sizes = [64, 16], strides = [1, 1]} : vector<512x528xi32> to vector<64x16xi32>
    %slice3A_123 = vector.extract_strided_slice %or3A {offsets = [320, 48], sizes = [64, 16], strides = [1, 1]} : vector<512x528xi32> to vector<64x16xi32>
    %slice3A_124 = vector.extract_strided_slice %or3A {offsets = [384, 48], sizes = [64, 16], strides = [1, 1]} : vector<512x528xi32> to vector<64x16xi32>
    %slice3A_125 = vector.extract_strided_slice %or3A {offsets = [448, 48], sizes = [64, 16], strides = [1, 1]} : vector<512x528xi32> to vector<64x16xi32>
    %concatenate3A_126 = tpu.concatenate %slice3A_118, %slice3A_119, %slice3A_120, %slice3A_121, %slice3A_122, %slice3A_123, %slice3A_124, %slice3A_125 in 1 : vector<64x16xi32>, vector<64x16xi32>, vector<64x16xi32>, vector<64x16xi32>, vector<64x16xi32>, vector<64x16xi32>, vector<64x16xi32>, vector<64x16xi32> -> vector<64x128xi32>
    %swap3A_127 = arith.constant 384 : index
    %swap3A_128 = arith.constant 0 : index
    %swap3A_129 = vector.load %arg7[%swap3A_127, %swap3A_128] : memref<4096x128xi32, #tpu.memory_space<vmem>>, vector<64x128xi32>
    tpu.vector_store %arg7[%swap3A_127, %swap3A_128], %concatenate3A_126 {strides = array<i32>} : memref<4096x128xi32, #tpu.memory_space<vmem>>, vector<64x128xi32>,
    %slice3A_130 = vector.extract_strided_slice %or3A {offsets = [0, 56], sizes = [64, 16], strides = [1, 1]} : vector<512x528xi32> to vector<64x16xi32>
    %slice3A_131 = vector.extract_strided_slice %or3A {offsets = [64, 56], sizes = [64, 16], strides = [1, 1]} : vector<512x528xi32> to vector<64x16xi32>
    %slice3A_132 = vector.extract_strided_slice %or3A {offsets = [128, 56], sizes = [64, 16], strides = [1, 1]} : vector<512x528xi32> to vector<64x16xi32>
    %slice3A_133 = vector.extract_strided_slice %or3A {offsets = [192, 56], sizes = [64, 16], strides = [1, 1]} : vector<512x528xi32> to vector<64x16xi32>
    %slice3A_134 = vector.extract_strided_slice %or3A {offsets = [256, 56], sizes = [64, 16], strides = [1, 1]} : vector<512x528xi32> to vector<64x16xi32>
    %slice3A_135 = vector.extract_strided_slice %or3A {offsets = [320, 56], sizes = [64, 16], strides = [1, 1]} : vector<512x528xi32> to vector<64x16xi32>
    %slice3A_136 = vector.extract_strided_slice %or3A {offsets = [384, 56], sizes = [64, 16], strides = [1, 1]} : vector<512x528xi32> to vector<64x16xi32>
    %slice3A_137 = vector.extract_strided_slice %or3A {offsets = [448, 56], sizes = [64, 16], strides = [1, 1]} : vector<512x528xi32> to vector<64x16xi32>
    %concatenate3A_138 = tpu.concatenate %slice3A_130, %slice3A_131, %slice3A_132, %slice3A_133, %slice3A_134, %slice3A_135, %slice3A_136, %slice3A_137 in 1 : vector<64x16xi32>, vector<64x16xi32>, vector<64x16xi32>, vector<64x16xi32>, vector<64x16xi32>, vector<64x16xi32>, vector<64x16xi32>, vector<64x16xi32> -> vector<64x128xi32>
    %swap3A_139 = arith.constant 448 : index
    %swap3A_140 = arith.constant 0 : index
    %swap3A_141 = vector.load %arg7[%swap3A_139, %swap3A_140] : memref<4096x128xi32, #tpu.memory_space<vmem>>, vector<64x128xi32>
    tpu.vector_store %arg7[%swap3A_139, %swap3A_140], %concatenate3A_138 {strides = array<i32>} : memref<4096x128xi32, #tpu.memory_space<vmem>>, vector<64x128xi32>,
    %slice3A_142 = vector.extract_strided_slice %or3A {offsets = [0, 64], sizes = [64, 16], strides = [1, 1]} : vector<512x528xi32> to vector<64x16xi32>
    %slice3A_143 = vector.extract_strided_slice %or3A {offsets = [64, 64], sizes = [64, 16], strides = [1, 1]} : vector<512x528xi32> to vector<64x16xi32>
    %slice3A_144 = vector.extract_strided_slice %or3A {offsets = [128, 64], sizes = [64, 16], strides = [1, 1]} : vector<512x528xi32> to vector<64x16xi32>
    %slice3A_145 = vector.extract_strided_slice %or3A {offsets = [192, 64], sizes = [64, 16], strides = [1, 1]} : vector<512x528xi32> to vector<64x16xi32>
    %slice3A_146 = vector.extract_strided_slice %or3A {offsets = [256, 64], sizes = [64, 16], strides = [1, 1]} : vector<512x528xi32> to vector<64x16xi32>
    %slice3A_147 = vector.extract_strided_slice %or3A {offsets = [320, 64], sizes = [64, 16], strides = [1, 1]} : vector<512x528xi32> to vector<64x16xi32>
    %slice3A_148 = vector.extract_strided_slice %or3A {offsets = [384, 64], sizes = [64, 16], strides = [1, 1]} : vector<512x528xi32> to vector<64x16xi32>
    %slice3A_149 = vector.extract_strided_slice %or3A {offsets = [448, 64], sizes = [64, 16], strides = [1, 1]} : vector<512x528xi32> to vector<64x16xi32>
    %concatenate3A_150 = tpu.concatenate %slice3A_142, %slice3A_143, %slice3A_144, %slice3A_145, %slice3A_146, %slice3A_147, %slice3A_148, %slice3A_149 in 1 : vector<64x16xi32>, vector<64x16xi32>, vector<64x16xi32>, vector<64x16xi32>, vector<64x16xi32>, vector<64x16xi32>, vector<64x16xi32>, vector<64x16xi32> -> vector<64x128xi32>
    %swap3A_151 = arith.constant 512 : index
    %swap3A_152 = arith.constant 0 : index
    %swap3A_153 = vector.load %arg7[%swap3A_151, %swap3A_152] : memref<4096x128xi32, #tpu.memory_space<vmem>>, vector<64x128xi32>
    tpu.vector_store %arg7[%swap3A_151, %swap3A_152], %concatenate3A_150 {strides = array<i32>} : memref<4096x128xi32, #tpu.memory_space<vmem>>, vector<64x128xi32>,
    %slice3A_154 = vector.extract_strided_slice %or3A {offsets = [0, 72], sizes = [64, 16], strides = [1, 1]} : vector<512x528xi32> to vector<64x16xi32>
    %slice3A_155 = vector.extract_strided_slice %or3A {offsets = [64, 72], sizes = [64, 16], strides = [1, 1]} : vector<512x528xi32> to vector<64x16xi32>
    %slice3A_156 = vector.extract_strided_slice %or3A {offsets = [128, 72], sizes = [64, 16], strides = [1, 1]} : vector<512x528xi32> to vector<64x16xi32>
    %slice3A_157 = vector.extract_strided_slice %or3A {offsets = [192, 72], sizes = [64, 16], strides = [1, 1]} : vector<512x528xi32> to vector<64x16xi32>
    %slice3A_158 = vector.extract_strided_slice %or3A {offsets = [256, 72], sizes = [64, 16], strides = [1, 1]} : vector<512x528xi32> to vector<64x16xi32>
    %slice3A_159 = vector.extract_strided_slice %or3A {offsets = [320, 72], sizes = [64, 16], strides = [1, 1]} : vector<512x528xi32> to vector<64x16xi32>
    %slice3A_160 = vector.extract_strided_slice %or3A {offsets = [384, 72], sizes = [64, 16], strides = [1, 1]} : vector<512x528xi32> to vector<64x16xi32>
    %slice3A_161 = vector.extract_strided_slice %or3A {offsets = [448, 72], sizes = [64, 16], strides = [1, 1]} : vector<512x528xi32> to vector<64x16xi32>
    %concatenate3A_162 = tpu.concatenate %slice3A_154, %slice3A_155, %slice3A_156, %slice3A_157, %slice3A_158, %slice3A_159, %slice3A_160, %slice3A_161 in 1 : vector<64x16xi32>, vector<64x16xi32>, vector<64x16xi32>, vector<64x16xi32>, vector<64x16xi32>, vector<64x16xi32>, vector<64x16xi32>, vector<64x16xi32> -> vector<64x128xi32>
    %swap3A_163 = arith.constant 576 : index
    %swap3A_164 = arith.constant 0 : index
    %swap3A_165 = vector.load %arg7[%swap3A_163, %swap3A_164] : memref<4096x128xi32, #tpu.memory_space<vmem>>, vector<64x128xi32>
    tpu.vector_store %arg7[%swap3A_163, %swap3A_164], %concatenate3A_162 {strides = array<i32>} : memref<4096x128xi32, #tpu.memory_space<vmem>>, vector<64x128xi32>,
    %slice3A_166 = vector.extract_strided_slice %or3A {offsets = [0, 80], sizes = [64, 16], strides = [1, 1]} : vector<512x528xi32> to vector<64x16xi32>
    %slice3A_167 = vector.extract_strided_slice %or3A {offsets = [64, 80], sizes = [64, 16], strides = [1, 1]} : vector<512x528xi32> to vector<64x16xi32>
    %slice3A_168 = vector.extract_strided_slice %or3A {offsets = [128, 80], sizes = [64, 16], strides = [1, 1]} : vector<512x528xi32> to vector<64x16xi32>
    %slice3A_169 = vector.extract_strided_slice %or3A {offsets = [192, 80], sizes = [64, 16], strides = [1, 1]} : vector<512x528xi32> to vector<64x16xi32>
    %slice3A_170 = vector.extract_strided_slice %or3A {offsets = [256, 80], sizes = [64, 16], strides = [1, 1]} : vector<512x528xi32> to vector<64x16xi32>
    %slice3A_171 = vector.extract_strided_slice %or3A {offsets = [320, 80], sizes = [64, 16], strides = [1, 1]} : vector<512x528xi32> to vector<64x16xi32>
    %slice3A_172 = vector.extract_strided_slice %or3A {offsets = [384, 80], sizes = [64, 16], strides = [1, 1]} : vector<512x528xi32> to vector<64x16xi32>
    %slice3A_173 = vector.extract_strided_slice %or3A {offsets = [448, 80], sizes = [64, 16], strides = [1, 1]} : vector<512x528xi32> to vector<64x16xi32>
    %concatenate3A_174 = tpu.concatenate %slice3A_166, %slice3A_167, %slice3A_168, %slice3A_169, %slice3A_170, %slice3A_171, %slice3A_172, %slice3A_173 in 1 : vector<64x16xi32>, vector<64x16xi32>, vector<64x16xi32>, vector<64x16xi32>, vector<64x16xi32>, vector<64x16xi32>, vector<64x16xi32>, vector<64x16xi32> -> vector<64x128xi32>
    %swap3A_175 = arith.constant 640 : index
    %swap3A_176 = arith.constant 0 : index
    %swap3A_177 = vector.load %arg7[%swap3A_175, %swap3A_176] : memref<4096x128xi32, #tpu.memory_space<vmem>>, vector<64x128xi32>
    tpu.vector_store %arg7[%swap3A_175, %swap3A_176], %concatenate3A_174 {strides = array<i32>} : memref<4096x128xi32, #tpu.memory_space<vmem>>, vector<64x128xi32>,
    %slice3A_178 = vector.extract_strided_slice %or3A {offsets = [0, 88], sizes = [64, 16], strides = [1, 1]} : vector<512x528xi32> to vector<64x16xi32>
    %slice3A_179 = vector.extract_strided_slice %or3A {offsets = [64, 88], sizes = [64, 16], strides = [1, 1]} : vector<512x528xi32> to vector<64x16xi32>
    %slice3A_180 = vector.extract_strided_slice %or3A {offsets = [128, 88], sizes = [64, 16], strides = [1, 1]} : vector<512x528xi32> to vector<64x16xi32>
    %slice3A_181 = vector.extract_strided_slice %or3A {offsets = [192, 88], sizes = [64, 16], strides = [1, 1]} : vector<512x528xi32> to vector<64x16xi32>
    %slice3A_182 = vector.extract_strided_slice %or3A {offsets = [256, 88], sizes = [64, 16], strides = [1, 1]} : vector<512x528xi32> to vector<64x16xi32>
    %slice3A_183 = vector.extract_strided_slice %or3A {offsets = [320, 88], sizes = [64, 16], strides = [1, 1]} : vector<512x528xi32> to vector<64x16xi32>
    %slice3A_184 = vector.extract_strided_slice %or3A {offsets = [384, 88], sizes = [64, 16], strides = [1, 1]} : vector<512x528xi32> to vector<64x16xi32>
    %slice3A_185 = vector.extract_strided_slice %or3A {offsets = [448, 88], sizes = [64, 16], strides = [1, 1]} : vector<512x528xi32> to vector<64x16xi32>
    %concatenate3A_186 = tpu.concatenate %slice3A_178, %slice3A_179, %slice3A_180, %slice3A_181, %slice3A_182, %slice3A_183, %slice3A_184, %slice3A_185 in 1 : vector<64x16xi32>, vector<64x16xi32>, vector<64x16xi32>, vector<64x16xi32>, vector<64x16xi32>, vector<64x16xi32>, vector<64x16xi32>, vector<64x16xi32> -> vector<64x128xi32>
    %swap3A_187 = arith.constant 704 : index
    %swap3A_188 = arith.constant 0 : index
    %swap3A_189 = vector.load %arg7[%swap3A_187, %swap3A_188] : memref<4096x128xi32, #tpu.memory_space<vmem>>, vector<64x128xi32>
    tpu.vector_store %arg7[%swap3A_187, %swap3A_188], %concatenate3A_186 {strides = array<i32>} : memref<4096x128xi32, #tpu.memory_space<vmem>>, vector<64x128xi32>,
    %slice3A_190 = vector.extract_strided_slice %or3A {offsets = [0, 96], sizes = [64, 16], strides = [1, 1]} : vector<512x528xi32> to vector<64x16xi32>
    %slice3A_191 = vector.extract_strided_slice %or3A {offsets = [64, 96], sizes = [64, 16], strides = [1, 1]} : vector<512x528xi32> to vector<64x16xi32>
    %slice3A_192 = vector.extract_strided_slice %or3A {offsets = [128, 96], sizes = [64, 16], strides = [1, 1]} : vector<512x528xi32> to vector<64x16xi32>
    %slice3A_193 = vector.extract_strided_slice %or3A {offsets = [192, 96], sizes = [64, 16], strides = [1, 1]} : vector<512x528xi32> to vector<64x16xi32>
    %slice3A_194 = vector.extract_strided_slice %or3A {offsets = [256, 96], sizes = [64, 16], strides = [1, 1]} : vector<512x528xi32> to vector<64x16xi32>
    %slice3A_195 = vector.extract_strided_slice %or3A {offsets = [320, 96], sizes = [64, 16], strides = [1, 1]} : vector<512x528xi32> to vector<64x16xi32>
    %slice3A_196 = vector.extract_strided_slice %or3A {offsets = [384, 96], sizes = [64, 16], strides = [1, 1]} : vector<512x528xi32> to vector<64x16xi32>
    %slice3A_197 = vector.extract_strided_slice %or3A {offsets = [448, 96], sizes = [64, 16], strides = [1, 1]} : vector<512x528xi32> to vector<64x16xi32>
    %concatenate3A_198 = tpu.concatenate %slice3A_190, %slice3A_191, %slice3A_192, %slice3A_193, %slice3A_194, %slice3A_195, %slice3A_196, %slice3A_197 in 1 : vector<64x16xi32>, vector<64x16xi32>, vector<64x16xi32>, vector<64x16xi32>, vector<64x16xi32>, vector<64x16xi32>, vector<64x16xi32>, vector<64x16xi32> -> vector<64x128xi32>
    %swap3A_199 = arith.constant 768 : index
    %swap3A_200 = arith.constant 0 : index
    %swap3A_201 = vector.load %arg7[%swap3A_199, %swap3A_200] : memref<4096x128xi32, #tpu.memory_space<vmem>>, vector<64x128xi32>
    tpu.vector_store %arg7[%swap3A_199, %swap3A_200], %concatenate3A_198 {strides = array<i32>} : memref<4096x128xi32, #tpu.memory_space<vmem>>, vector<64x128xi32>,
    %slice3A_202 = vector.extract_strided_slice %or3A {offsets = [0, 104], sizes = [64, 16], strides = [1, 1]} : vector<512x528xi32> to vector<64x16xi32>
    %slice3A_203 = vector.extract_strided_slice %or3A {offsets = [64, 104], sizes = [64, 16], strides = [1, 1]} : vector<512x528xi32> to vector<64x16xi32>
    %slice3A_204 = vector.extract_strided_slice %or3A {offsets = [128, 104], sizes = [64, 16], strides = [1, 1]} : vector<512x528xi32> to vector<64x16xi32>
    %slice3A_205 = vector.extract_strided_slice %or3A {offsets = [192, 104], sizes = [64, 16], strides = [1, 1]} : vector<512x528xi32> to vector<64x16xi32>
    %slice3A_206 = vector.extract_strided_slice %or3A {offsets = [256, 104], sizes = [64, 16], strides = [1, 1]} : vector<512x528xi32> to vector<64x16xi32>
    %slice3A_207 = vector.extract_strided_slice %or3A {offsets = [320, 104], sizes = [64, 16], strides = [1, 1]} : vector<512x528xi32> to vector<64x16xi32>
    %slice3A_208 = vector.extract_strided_slice %or3A {offsets = [384, 104], sizes = [64, 16], strides = [1, 1]} : vector<512x528xi32> to vector<64x16xi32>
    %slice3A_209 = vector.extract_strided_slice %or3A {offsets = [448, 104], sizes = [64, 16], strides = [1, 1]} : vector<512x528xi32> to vector<64x16xi32>
    %concatenate3A_210 = tpu.concatenate %slice3A_202, %slice3A_203, %slice3A_204, %slice3A_205, %slice3A_206, %slice3A_207, %slice3A_208, %slice3A_209 in 1 : vector<64x16xi32>, vector<64x16xi32>, vector<64x16xi32>, vector<64x16xi32>, vector<64x16xi32>, vector<64x16xi32>, vector<64x16xi32>, vector<64x16xi32> -> vector<64x128xi32>
    %swap3A_211 = arith.constant 832 : index
    %swap3A_212 = arith.constant 0 : index
    %swap3A_213 = vector.load %arg7[%swap3A_211, %swap3A_212] : memref<4096x128xi32, #tpu.memory_space<vmem>>, vector<64x128xi32>
    tpu.vector_store %arg7[%swap3A_211, %swap3A_212], %concatenate3A_210 {strides = array<i32>} : memref<4096x128xi32, #tpu.memory_space<vmem>>, vector<64x128xi32>,
    %slice3A_214 = vector.extract_strided_slice %or3A {offsets = [0, 112], sizes = [64, 16], strides = [1, 1]} : vector<512x528xi32> to vector<64x16xi32>
    %slice3A_215 = vector.extract_strided_slice %or3A {offsets = [64, 112], sizes = [64, 16], strides = [1, 1]} : vector<512x528xi32> to vector<64x16xi32>
    %slice3A_216 = vector.extract_strided_slice %or3A {offsets = [128, 112], sizes = [64, 16], strides = [1, 1]} : vector<512x528xi32> to vector<64x16xi32>
    %slice3A_217 = vector.extract_strided_slice %or3A {offsets = [192, 112], sizes = [64, 16], strides = [1, 1]} : vector<512x528xi32> to vector<64x16xi32>
    %slice3A_218 = vector.extract_strided_slice %or3A {offsets = [256, 112], sizes = [64, 16], strides = [1, 1]} : vector<512x528xi32> to vector<64x16xi32>
    %slice3A_219 = vector.extract_strided_slice %or3A {offsets = [320, 112], sizes = [64, 16], strides = [1, 1]} : vector<512x528xi32> to vector<64x16xi32>
    %slice3A_220 = vector.extract_strided_slice %or3A {offsets = [384, 112], sizes = [64, 16], strides = [1, 1]} : vector<512x528xi32> to vector<64x16xi32>
    %slice3A_221 = vector.extract_strided_slice %or3A {offsets = [448, 112], sizes = [64, 16], strides = [1, 1]} : vector<512x528xi32> to vector<64x16xi32>
    %concatenate3A_222 = tpu.concatenate %slice3A_214, %slice3A_215, %slice3A_216, %slice3A_217, %slice3A_218, %slice3A_219, %slice3A_220, %slice3A_221 in 1 : vector<64x16xi32>, vector<64x16xi32>, vector<64x16xi32>, vector<64x16xi32>, vector<64x16xi32>, vector<64x16xi32>, vector<64x16xi32>, vector<64x16xi32> -> vector<64x128xi32>
    %swap3A_223 = arith.constant 896 : index
    %swap3A_224 = arith.constant 0 : index
    %swap3A_225 = vector.load %arg7[%swap3A_223, %swap3A_224] : memref<4096x128xi32, #tpu.memory_space<vmem>>, vector<64x128xi32>
    tpu.vector_store %arg7[%swap3A_223, %swap3A_224], %concatenate3A_222 {strides = array<i32>} : memref<4096x128xi32, #tpu.memory_space<vmem>>, vector<64x128xi32>,
    %slice3A_226 = vector.extract_strided_slice %or3A {offsets = [0, 120], sizes = [64, 16], strides = [1, 1]} : vector<512x528xi32> to vector<64x16xi32>
    %slice3A_227 = vector.extract_strided_slice %or3A {offsets = [64, 120], sizes = [64, 16], strides = [1, 1]} : vector<512x528xi32> to vector<64x16xi32>
    %slice3A_228 = vector.extract_strided_slice %or3A {offsets = [128, 120], sizes = [64, 16], strides = [1, 1]} : vector<512x528xi32> to vector<64x16xi32>
    %slice3A_229 = vector.extract_strided_slice %or3A {offsets = [192, 120], sizes = [64, 16], strides = [1, 1]} : vector<512x528xi32> to vector<64x16xi32>
    %slice3A_230 = vector.extract_strided_slice %or3A {offsets = [256, 120], sizes = [64, 16], strides = [1, 1]} : vector<512x528xi32> to vector<64x16xi32>
    %slice3A_231 = vector.extract_strided_slice %or3A {offsets = [320, 120], sizes = [64, 16], strides = [1, 1]} : vector<512x528xi32> to vector<64x16xi32>
    %slice3A_232 = vector.extract_strided_slice %or3A {offsets = [384, 120], sizes = [64, 16], strides = [1, 1]} : vector<512x528xi32> to vector<64x16xi32>
    %slice3A_233 = vector.extract_strided_slice %or3A {offsets = [448, 120], sizes = [64, 16], strides = [1, 1]} : vector<512x528xi32> to vector<64x16xi32>
    %concatenate3A_234 = tpu.concatenate %slice3A_226, %slice3A_227, %slice3A_228, %slice3A_229, %slice3A_230, %slice3A_231, %slice3A_232, %slice3A_233 in 1 : vector<64x16xi32>, vector<64x16xi32>, vector<64x16xi32>, vector<64x16xi32>, vector<64x16xi32>, vector<64x16xi32>, vector<64x16xi32>, vector<64x16xi32> -> vector<64x128xi32>
    %swap3A_235 = arith.constant 960 : index
    %swap3A_236 = arith.constant 0 : index
    %swap3A_237 = vector.load %arg7[%swap3A_235, %swap3A_236] : memref<4096x128xi32, #tpu.memory_space<vmem>>, vector<64x128xi32>
    tpu.vector_store %arg7[%swap3A_235, %swap3A_236], %concatenate3A_234 {strides = array<i32>} : memref<4096x128xi32, #tpu.memory_space<vmem>>, vector<64x128xi32>,
    %slice3A_238 = vector.extract_strided_slice %or3A {offsets = [0, 128], sizes = [64, 16], strides = [1, 1]} : vector<512x528xi32> to vector<64x16xi32>
    %slice3A_239 = vector.extract_strided_slice %or3A {offsets = [64, 128], sizes = [64, 16], strides = [1, 1]} : vector<512x528xi32> to vector<64x16xi32>
    %slice3A_240 = vector.extract_strided_slice %or3A {offsets = [128, 128], sizes = [64, 16], strides = [1, 1]} : vector<512x528xi32> to vector<64x16xi32>
    %slice3A_241 = vector.extract_strided_slice %or3A {offsets = [192, 128], sizes = [64, 16], strides = [1, 1]} : vector<512x528xi32> to vector<64x16xi32>
    %slice3A_242 = vector.extract_strided_slice %or3A {offsets = [256, 128], sizes = [64, 16], strides = [1, 1]} : vector<512x528xi32> to vector<64x16xi32>
    %slice3A_243 = vector.extract_strided_slice %or3A {offsets = [320, 128], sizes = [64, 16], strides = [1, 1]} : vector<512x528xi32> to vector<64x16xi32>
    %slice3A_244 = vector.extract_strided_slice %or3A {offsets = [384, 128], sizes = [64, 16], strides = [1, 1]} : vector<512x528xi32> to vector<64x16xi32>
    %slice3A_245 = vector.extract_strided_slice %or3A {offsets = [448, 128], sizes = [64, 16], strides = [1, 1]} : vector<512x528xi32> to vector<64x16xi32>
    %concatenate3A_246 = tpu.concatenate %slice3A_238, %slice3A_239, %slice3A_240, %slice3A_241, %slice3A_242, %slice3A_243, %slice3A_244, %slice3A_245 in 1 : vector<64x16xi32>, vector<64x16xi32>, vector<64x16xi32>, vector<64x16xi32>, vector<64x16xi32>, vector<64x16xi32>, vector<64x16xi32>, vector<64x16xi32> -> vector<64x128xi32>
    %swap3A_247 = arith.constant 1024 : index
    %swap3A_248 = arith.constant 0 : index
    %swap3A_249 = vector.load %arg7[%swap3A_247, %swap3A_248] : memref<4096x128xi32, #tpu.memory_space<vmem>>, vector<64x128xi32>
    tpu.vector_store %arg7[%swap3A_247, %swap3A_248], %concatenate3A_246 {strides = array<i32>} : memref<4096x128xi32, #tpu.memory_space<vmem>>, vector<64x128xi32>,
    %slice3A_250 = vector.extract_strided_slice %or3A {offsets = [0, 136], sizes = [64, 16], strides = [1, 1]} : vector<512x528xi32> to vector<64x16xi32>
    %slice3A_251 = vector.extract_strided_slice %or3A {offsets = [64, 136], sizes = [64, 16], strides = [1, 1]} : vector<512x528xi32> to vector<64x16xi32>
    %slice3A_252 = vector.extract_strided_slice %or3A {offsets = [128, 136], sizes = [64, 16], strides = [1, 1]} : vector<512x528xi32> to vector<64x16xi32>
    %slice3A_253 = vector.extract_strided_slice %or3A {offsets = [192, 136], sizes = [64, 16], strides = [1, 1]} : vector<512x528xi32> to vector<64x16xi32>
    %slice3A_254 = vector.extract_strided_slice %or3A {offsets = [256, 136], sizes = [64, 16], strides = [1, 1]} : vector<512x528xi32> to vector<64x16xi32>
    %slice3A_255 = vector.extract_strided_slice %or3A {offsets = [320, 136], sizes = [64, 16], strides = [1, 1]} : vector<512x528xi32> to vector<64x16xi32>
    %slice3A_256 = vector.extract_strided_slice %or3A {offsets = [384, 136], sizes = [64, 16], strides = [1, 1]} : vector<512x528xi32> to vector<64x16xi32>
    %slice3A_257 = vector.extract_strided_slice %or3A {offsets = [448, 136], sizes = [64, 16], strides = [1, 1]} : vector<512x528xi32> to vector<64x16xi32>
    %concatenate3A_258 = tpu.concatenate %slice3A_250, %slice3A_251, %slice3A_252, %slice3A_253, %slice3A_254, %slice3A_255, %slice3A_256, %slice3A_257 in 1 : vector<64x16xi32>, vector<64x16xi32>, vector<64x16xi32>, vector<64x16xi32>, vector<64x16xi32>, vector<64x16xi32>, vector<64x16xi32>, vector<64x16xi32> -> vector<64x128xi32>
    %swap3A_259 = arith.constant 1088 : index
    %swap3A_260 = arith.constant 0 : index
    %swap3A_261 = vector.load %arg7[%swap3A_259, %swap3A_260] : memref<4096x128xi32, #tpu.memory_space<vmem>>, vector<64x128xi32>
    tpu.vector_store %arg7[%swap3A_259, %swap3A_260], %concatenate3A_258 {strides = array<i32>} : memref<4096x128xi32, #tpu.memory_space<vmem>>, vector<64x128xi32>,
    %slice3A_262 = vector.extract_strided_slice %or3A {offsets = [0, 144], sizes = [64, 16], strides = [1, 1]} : vector<512x528xi32> to vector<64x16xi32>
    %slice3A_263 = vector.extract_strided_slice %or3A {offsets = [64, 144], sizes = [64, 16], strides = [1, 1]} : vector<512x528xi32> to vector<64x16xi32>
    %slice3A_264 = vector.extract_strided_slice %or3A {offsets = [128, 144], sizes = [64, 16], strides = [1, 1]} : vector<512x528xi32> to vector<64x16xi32>
    %slice3A_265 = vector.extract_strided_slice %or3A {offsets = [192, 144], sizes = [64, 16], strides = [1, 1]} : vector<512x528xi32> to vector<64x16xi32>
    %slice3A_266 = vector.extract_strided_slice %or3A {offsets = [256, 144], sizes = [64, 16], strides = [1, 1]} : vector<512x528xi32> to vector<64x16xi32>
    %slice3A_267 = vector.extract_strided_slice %or3A {offsets = [320, 144], sizes = [64, 16], strides = [1, 1]} : vector<512x528xi32> to vector<64x16xi32>
    %slice3A_268 = vector.extract_strided_slice %or3A {offsets = [384, 144], sizes = [64, 16], strides = [1, 1]} : vector<512x528xi32> to vector<64x16xi32>
    %slice3A_269 = vector.extract_strided_slice %or3A {offsets = [448, 144], sizes = [64, 16], strides = [1, 1]} : vector<512x528xi32> to vector<64x16xi32>
    %concatenate3A_270 = tpu.concatenate %slice3A_262, %slice3A_263, %slice3A_264, %slice3A_265, %slice3A_266, %slice3A_267, %slice3A_268, %slice3A_269 in 1 : vector<64x16xi32>, vector<64x16xi32>, vector<64x16xi32>, vector<64x16xi32>, vector<64x16xi32>, vector<64x16xi32>, vector<64x16xi32>, vector<64x16xi32> -> vector<64x128xi32>
    %swap3A_271 = arith.constant 1152 : index
    %swap3A_272 = arith.constant 0 : index
    %swap3A_273 = vector.load %arg7[%swap3A_271, %swap3A_272] : memref<4096x128xi32, #tpu.memory_space<vmem>>, vector<64x128xi32>
    tpu.vector_store %arg7[%swap3A_271, %swap3A_272], %concatenate3A_270 {strides = array<i32>} : memref<4096x128xi32, #tpu.memory_space<vmem>>, vector<64x128xi32>,
    %slice3A_274 = vector.extract_strided_slice %or3A {offsets = [0, 152], sizes = [64, 16], strides = [1, 1]} : vector<512x528xi32> to vector<64x16xi32>
    %slice3A_275 = vector.extract_strided_slice %or3A {offsets = [64, 152], sizes = [64, 16], strides = [1, 1]} : vector<512x528xi32> to vector<64x16xi32>
    %slice3A_276 = vector.extract_strided_slice %or3A {offsets = [128, 152], sizes = [64, 16], strides = [1, 1]} : vector<512x528xi32> to vector<64x16xi32>
    %slice3A_277 = vector.extract_strided_slice %or3A {offsets = [192, 152], sizes = [64, 16], strides = [1, 1]} : vector<512x528xi32> to vector<64x16xi32>
    %slice3A_278 = vector.extract_strided_slice %or3A {offsets = [256, 152], sizes = [64, 16], strides = [1, 1]} : vector<512x528xi32> to vector<64x16xi32>
    %slice3A_279 = vector.extract_strided_slice %or3A {offsets = [320, 152], sizes = [64, 16], strides = [1, 1]} : vector<512x528xi32> to vector<64x16xi32>
    %slice3A_280 = vector.extract_strided_slice %or3A {offsets = [384, 152], sizes = [64, 16], strides = [1, 1]} : vector<512x528xi32> to vector<64x16xi32>
    %slice3A_281 = vector.extract_strided_slice %or3A {offsets = [448, 152], sizes = [64, 16], strides = [1, 1]} : vector<512x528xi32> to vector<64x16xi32>
    %concatenate3A_282 = tpu.concatenate %slice3A_274, %slice3A_275, %slice3A_276, %slice3A_277, %slice3A_278, %slice3A_279, %slice3A_280, %slice3A_281 in 1 : vector<64x16xi32>, vector<64x16xi32>, vector<64x16xi32>, vector<64x16xi32>, vector<64x16xi32>, vector<64x16xi32>, vector<64x16xi32>, vector<64x16xi32> -> vector<64x128xi32>
    %swap3A_283 = arith.constant 1216 : index
    %swap3A_284 = arith.constant 0 : index
    %swap3A_285 = vector.load %arg7[%swap3A_283, %swap3A_284] : memref<4096x128xi32, #tpu.memory_space<vmem>>, vector<64x128xi32>
    tpu.vector_store %arg7[%swap3A_283, %swap3A_284], %concatenate3A_282 {strides = array<i32>} : memref<4096x128xi32, #tpu.memory_space<vmem>>, vector<64x128xi32>,
    %slice3A_286 = vector.extract_strided_slice %or3A {offsets = [0, 160], sizes = [64, 16], strides = [1, 1]} : vector<512x528xi32> to vector<64x16xi32>
    %slice3A_287 = vector.extract_strided_slice %or3A {offsets = [64, 160], sizes = [64, 16], strides = [1, 1]} : vector<512x528xi32> to vector<64x16xi32>
    %slice3A_288 = vector.extract_strided_slice %or3A {offsets = [128, 160], sizes = [64, 16], strides = [1, 1]} : vector<512x528xi32> to vector<64x16xi32>
    %slice3A_289 = vector.extract_strided_slice %or3A {offsets = [192, 160], sizes = [64, 16], strides = [1, 1]} : vector<512x528xi32> to vector<64x16xi32>
    %slice3A_290 = vector.extract_strided_slice %or3A {offsets = [256, 160], sizes = [64, 16], strides = [1, 1]} : vector<512x528xi32> to vector<64x16xi32>
    %slice3A_291 = vector.extract_strided_slice %or3A {offsets = [320, 160], sizes = [64, 16], strides = [1, 1]} : vector<512x528xi32> to vector<64x16xi32>
    %slice3A_292 = vector.extract_strided_slice %or3A {offsets = [384, 160], sizes = [64, 16], strides = [1, 1]} : vector<512x528xi32> to vector<64x16xi32>
    %slice3A_293 = vector.extract_strided_slice %or3A {offsets = [448, 160], sizes = [64, 16], strides = [1, 1]} : vector<512x528xi32> to vector<64x16xi32>
    %concatenate3A_294 = tpu.concatenate %slice3A_286, %slice3A_287, %slice3A_288, %slice3A_289, %slice3A_290, %slice3A_291, %slice3A_292, %slice3A_293 in 1 : vector<64x16xi32>, vector<64x16xi32>, vector<64x16xi32>, vector<64x16xi32>, vector<64x16xi32>, vector<64x16xi32>, vector<64x16xi32>, vector<64x16xi32> -> vector<64x128xi32>
    %swap3A_295 = arith.constant 1280 : index
    %swap3A_296 = arith.constant 0 : index
    %swap3A_297 = vector.load %arg7[%swap3A_295, %swap3A_296] : memref<4096x128xi32, #tpu.memory_space<vmem>>, vector<64x128xi32>
    tpu.vector_store %arg7[%swap3A_295, %swap3A_296], %concatenate3A_294 {strides = array<i32>} : memref<4096x128xi32, #tpu.memory_space<vmem>>, vector<64x128xi32>,
    %slice3A_298 = vector.extract_strided_slice %or3A {offsets = [0, 168], sizes = [64, 16], strides = [1, 1]} : vector<512x528xi32> to vector<64x16xi32>
    %slice3A_299 = vector.extract_strided_slice %or3A {offsets = [64, 168], sizes = [64, 16], strides = [1, 1]} : vector<512x528xi32> to vector<64x16xi32>
    %slice3A_300 = vector.extract_strided_slice %or3A {offsets = [128, 168], sizes = [64, 16], strides = [1, 1]} : vector<512x528xi32> to vector<64x16xi32>
    %slice3A_301 = vector.extract_strided_slice %or3A {offsets = [192, 168], sizes = [64, 16], strides = [1, 1]} : vector<512x528xi32> to vector<64x16xi32>
    %slice3A_302 = vector.extract_strided_slice %or3A {offsets = [256, 168], sizes = [64, 16], strides = [1, 1]} : vector<512x528xi32> to vector<64x16xi32>
    %slice3A_303 = vector.extract_strided_slice %or3A {offsets = [320, 168], sizes = [64, 16], strides = [1, 1]} : vector<512x528xi32> to vector<64x16xi32>
    %slice3A_304 = vector.extract_strided_slice %or3A {offsets = [384, 168], sizes = [64, 16], strides = [1, 1]} : vector<512x528xi32> to vector<64x16xi32>
    %slice3A_305 = vector.extract_strided_slice %or3A {offsets = [448, 168], sizes = [64, 16], strides = [1, 1]} : vector<512x528xi32> to vector<64x16xi32>
    %concatenate3A_306 = tpu.concatenate %slice3A_298, %slice3A_299, %slice3A_300, %slice3A_301, %slice3A_302, %slice3A_303, %slice3A_304, %slice3A_305 in 1 : vector<64x16xi32>, vector<64x16xi32>, vector<64x16xi32>, vector<64x16xi32>, vector<64x16xi32>, vector<64x16xi32>, vector<64x16xi32>, vector<64x16xi32> -> vector<64x128xi32>
    %swap3A_307 = arith.constant 1344 : index
    %swap3A_308 = arith.constant 0 : index
    %swap3A_309 = vector.load %arg7[%swap3A_307, %swap3A_308] : memref<4096x128xi32, #tpu.memory_space<vmem>>, vector<64x128xi32>
    tpu.vector_store %arg7[%swap3A_307, %swap3A_308], %concatenate3A_306 {strides = array<i32>} : memref<4096x128xi32, #tpu.memory_space<vmem>>, vector<64x128xi32>,
    %slice3A_310 = vector.extract_strided_slice %or3A {offsets = [0, 176], sizes = [64, 16], strides = [1, 1]} : vector<512x528xi32> to vector<64x16xi32>
    %slice3A_311 = vector.extract_strided_slice %or3A {offsets = [64, 176], sizes = [64, 16], strides = [1, 1]} : vector<512x528xi32> to vector<64x16xi32>
    %slice3A_312 = vector.extract_strided_slice %or3A {offsets = [128, 176], sizes = [64, 16], strides = [1, 1]} : vector<512x528xi32> to vector<64x16xi32>
    %slice3A_313 = vector.extract_strided_slice %or3A {offsets = [192, 176], sizes = [64, 16], strides = [1, 1]} : vector<512x528xi32> to vector<64x16xi32>
    %slice3A_314 = vector.extract_strided_slice %or3A {offsets = [256, 176], sizes = [64, 16], strides = [1, 1]} : vector<512x528xi32> to vector<64x16xi32>
    %slice3A_315 = vector.extract_strided_slice %or3A {offsets = [320, 176], sizes = [64, 16], strides = [1, 1]} : vector<512x528xi32> to vector<64x16xi32>
    %slice3A_316 = vector.extract_strided_slice %or3A {offsets = [384, 176], sizes = [64, 16], strides = [1, 1]} : vector<512x528xi32> to vector<64x16xi32>
    %slice3A_317 = vector.extract_strided_slice %or3A {offsets = [448, 176], sizes = [64, 16], strides = [1, 1]} : vector<512x528xi32> to vector<64x16xi32>
    %concatenate3A_318 = tpu.concatenate %slice3A_310, %slice3A_311, %slice3A_312, %slice3A_313, %slice3A_314, %slice3A_315, %slice3A_316, %slice3A_317 in 1 : vector<64x16xi32>, vector<64x16xi32>, vector<64x16xi32>, vector<64x16xi32>, vector<64x16xi32>, vector<64x16xi32>, vector<64x16xi32>, vector<64x16xi32> -> vector<64x128xi32>
    %swap3A_319 = arith.constant 1408 : index
    %swap3A_320 = arith.constant 0 : index
    %swap3A_321 = vector.load %arg7[%swap3A_319, %swap3A_320] : memref<4096x128xi32, #tpu.memory_space<vmem>>, vector<64x128xi32>
    tpu.vector_store %arg7[%swap3A_319, %swap3A_320], %concatenate3A_318 {strides = array<i32>} : memref<4096x128xi32, #tpu.memory_space<vmem>>, vector<64x128xi32>,
    %slice3A_322 = vector.extract_strided_slice %or3A {offsets = [0, 184], sizes = [64, 16], strides = [1, 1]} : vector<512x528xi32> to vector<64x16xi32>
    %slice3A_323 = vector.extract_strided_slice %or3A {offsets = [64, 184], sizes = [64, 16], strides = [1, 1]} : vector<512x528xi32> to vector<64x16xi32>
    %slice3A_324 = vector.extract_strided_slice %or3A {offsets = [128, 184], sizes = [64, 16], strides = [1, 1]} : vector<512x528xi32> to vector<64x16xi32>
    %slice3A_325 = vector.extract_strided_slice %or3A {offsets = [192, 184], sizes = [64, 16], strides = [1, 1]} : vector<512x528xi32> to vector<64x16xi32>
    %slice3A_326 = vector.extract_strided_slice %or3A {offsets = [256, 184], sizes = [64, 16], strides = [1, 1]} : vector<512x528xi32> to vector<64x16xi32>
    %slice3A_327 = vector.extract_strided_slice %or3A {offsets = [320, 184], sizes = [64, 16], strides = [1, 1]} : vector<512x528xi32> to vector<64x16xi32>
    %slice3A_328 = vector.extract_strided_slice %or3A {offsets = [384, 184], sizes = [64, 16], strides = [1, 1]} : vector<512x528xi32> to vector<64x16xi32>
    %slice3A_329 = vector.extract_strided_slice %or3A {offsets = [448, 184], sizes = [64, 16], strides = [1, 1]} : vector<512x528xi32> to vector<64x16xi32>
    %concatenate3A_330 = tpu.concatenate %slice3A_322, %slice3A_323, %slice3A_324, %slice3A_325, %slice3A_326, %slice3A_327, %slice3A_328, %slice3A_329 in 1 : vector<64x16xi32>, vector<64x16xi32>, vector<64x16xi32>, vector<64x16xi32>, vector<64x16xi32>, vector<64x16xi32>, vector<64x16xi32>, vector<64x16xi32> -> vector<64x128xi32>
    %swap3A_331 = arith.constant 1472 : index
    %swap3A_332 = arith.constant 0 : index
    %swap3A_333 = vector.load %arg7[%swap3A_331, %swap3A_332] : memref<4096x128xi32, #tpu.memory_space<vmem>>, vector<64x128xi32>
    tpu.vector_store %arg7[%swap3A_331, %swap3A_332], %concatenate3A_330 {strides = array<i32>} : memref<4096x128xi32, #tpu.memory_space<vmem>>, vector<64x128xi32>,
    %slice3A_334 = vector.extract_strided_slice %or3A {offsets = [0, 192], sizes = [64, 16], strides = [1, 1]} : vector<512x528xi32> to vector<64x16xi32>
    %slice3A_335 = vector.extract_strided_slice %or3A {offsets = [64, 192], sizes = [64, 16], strides = [1, 1]} : vector<512x528xi32> to vector<64x16xi32>
    %slice3A_336 = vector.extract_strided_slice %or3A {offsets = [128, 192], sizes = [64, 16], strides = [1, 1]} : vector<512x528xi32> to vector<64x16xi32>
    %slice3A_337 = vector.extract_strided_slice %or3A {offsets = [192, 192], sizes = [64, 16], strides = [1, 1]} : vector<512x528xi32> to vector<64x16xi32>
    %slice3A_338 = vector.extract_strided_slice %or3A {offsets = [256, 192], sizes = [64, 16], strides = [1, 1]} : vector<512x528xi32> to vector<64x16xi32>
    %slice3A_339 = vector.extract_strided_slice %or3A {offsets = [320, 192], sizes = [64, 16], strides = [1, 1]} : vector<512x528xi32> to vector<64x16xi32>
    %slice3A_340 = vector.extract_strided_slice %or3A {offsets = [384, 192], sizes = [64, 16], strides = [1, 1]} : vector<512x528xi32> to vector<64x16xi32>
    %slice3A_341 = vector.extract_strided_slice %or3A {offsets = [448, 192], sizes = [64, 16], strides = [1, 1]} : vector<512x528xi32> to vector<64x16xi32>
    %concatenate3A_342 = tpu.concatenate %slice3A_334, %slice3A_335, %slice3A_336, %slice3A_337, %slice3A_338, %slice3A_339, %slice3A_340, %slice3A_341 in 1 : vector<64x16xi32>, vector<64x16xi32>, vector<64x16xi32>, vector<64x16xi32>, vector<64x16xi32>, vector<64x16xi32>, vector<64x16xi32>, vector<64x16xi32> -> vector<64x128xi32>
    %swap3A_343 = arith.constant 1536 : index
    %swap3A_344 = arith.constant 0 : index
    %swap3A_345 = vector.load %arg7[%swap3A_343, %swap3A_344] : memref<4096x128xi32, #tpu.memory_space<vmem>>, vector<64x128xi32>
    tpu.vector_store %arg7[%swap3A_343, %swap3A_344], %concatenate3A_342 {strides = array<i32>} : memref<4096x128xi32, #tpu.memory_space<vmem>>, vector<64x128xi32>,
    %slice3A_346 = vector.extract_strided_slice %or3A {offsets = [0, 200], sizes = [64, 16], strides = [1, 1]} : vector<512x528xi32> to vector<64x16xi32>
    %slice3A_347 = vector.extract_strided_slice %or3A {offsets = [64, 200], sizes = [64, 16], strides = [1, 1]} : vector<512x528xi32> to vector<64x16xi32>
    %slice3A_348 = vector.extract_strided_slice %or3A {offsets = [128, 200], sizes = [64, 16], strides = [1, 1]} : vector<512x528xi32> to vector<64x16xi32>
    %slice3A_349 = vector.extract_strided_slice %or3A {offsets = [192, 200], sizes = [64, 16], strides = [1, 1]} : vector<512x528xi32> to vector<64x16xi32>
    %slice3A_350 = vector.extract_strided_slice %or3A {offsets = [256, 200], sizes = [64, 16], strides = [1, 1]} : vector<512x528xi32> to vector<64x16xi32>
    %slice3A_351 = vector.extract_strided_slice %or3A {offsets = [320, 200], sizes = [64, 16], strides = [1, 1]} : vector<512x528xi32> to vector<64x16xi32>
    %slice3A_352 = vector.extract_strided_slice %or3A {offsets = [384, 200], sizes = [64, 16], strides = [1, 1]} : vector<512x528xi32> to vector<64x16xi32>
    %slice3A_353 = vector.extract_strided_slice %or3A {offsets = [448, 200], sizes = [64, 16], strides = [1, 1]} : vector<512x528xi32> to vector<64x16xi32>
    %concatenate3A_354 = tpu.concatenate %slice3A_346, %slice3A_347, %slice3A_348, %slice3A_349, %slice3A_350, %slice3A_351, %slice3A_352, %slice3A_353 in 1 : vector<64x16xi32>, vector<64x16xi32>, vector<64x16xi32>, vector<64x16xi32>, vector<64x16xi32>, vector<64x16xi32>, vector<64x16xi32>, vector<64x16xi32> -> vector<64x128xi32>
    %swap3A_355 = arith.constant 1600 : index
    %swap3A_356 = arith.constant 0 : index
    %swap3A_357 = vector.load %arg7[%swap3A_355, %swap3A_356] : memref<4096x128xi32, #tpu.memory_space<vmem>>, vector<64x128xi32>
    tpu.vector_store %arg7[%swap3A_355, %swap3A_356], %concatenate3A_354 {strides = array<i32>} : memref<4096x128xi32, #tpu.memory_space<vmem>>, vector<64x128xi32>,
    %slice3A_358 = vector.extract_strided_slice %or3A {offsets = [0, 208], sizes = [64, 16], strides = [1, 1]} : vector<512x528xi32> to vector<64x16xi32>
    %slice3A_359 = vector.extract_strided_slice %or3A {offsets = [64, 208], sizes = [64, 16], strides = [1, 1]} : vector<512x528xi32> to vector<64x16xi32>
    %slice3A_360 = vector.extract_strided_slice %or3A {offsets = [128, 208], sizes = [64, 16], strides = [1, 1]} : vector<512x528xi32> to vector<64x16xi32>
    %slice3A_361 = vector.extract_strided_slice %or3A {offsets = [192, 208], sizes = [64, 16], strides = [1, 1]} : vector<512x528xi32> to vector<64x16xi32>
    %slice3A_362 = vector.extract_strided_slice %or3A {offsets = [256, 208], sizes = [64, 16], strides = [1, 1]} : vector<512x528xi32> to vector<64x16xi32>
    %slice3A_363 = vector.extract_strided_slice %or3A {offsets = [320, 208], sizes = [64, 16], strides = [1, 1]} : vector<512x528xi32> to vector<64x16xi32>
    %slice3A_364 = vector.extract_strided_slice %or3A {offsets = [384, 208], sizes = [64, 16], strides = [1, 1]} : vector<512x528xi32> to vector<64x16xi32>
    %slice3A_365 = vector.extract_strided_slice %or3A {offsets = [448, 208], sizes = [64, 16], strides = [1, 1]} : vector<512x528xi32> to vector<64x16xi32>
    %concatenate3A_366 = tpu.concatenate %slice3A_358, %slice3A_359, %slice3A_360, %slice3A_361, %slice3A_362, %slice3A_363, %slice3A_364, %slice3A_365 in 1 : vector<64x16xi32>, vector<64x16xi32>, vector<64x16xi32>, vector<64x16xi32>, vector<64x16xi32>, vector<64x16xi32>, vector<64x16xi32>, vector<64x16xi32> -> vector<64x128xi32>
    %swap3A_367 = arith.constant 1664 : index
    %swap3A_368 = arith.constant 0 : index
    %swap3A_369 = vector.load %arg7[%swap3A_367, %swap3A_368] : memref<4096x128xi32, #tpu.memory_space<vmem>>, vector<64x128xi32>
    tpu.vector_store %arg7[%swap3A_367, %swap3A_368], %concatenate3A_366 {strides = array<i32>} : memref<4096x128xi32, #tpu.memory_space<vmem>>, vector<64x128xi32>,
    %slice3A_370 = vector.extract_strided_slice %or3A {offsets = [0, 216], sizes = [64, 16], strides = [1, 1]} : vector<512x528xi32> to vector<64x16xi32>
    %slice3A_371 = vector.extract_strided_slice %or3A {offsets = [64, 216], sizes = [64, 16], strides = [1, 1]} : vector<512x528xi32> to vector<64x16xi32>
    %slice3A_372 = vector.extract_strided_slice %or3A {offsets = [128, 216], sizes = [64, 16], strides = [1, 1]} : vector<512x528xi32> to vector<64x16xi32>
    %slice3A_373 = vector.extract_strided_slice %or3A {offsets = [192, 216], sizes = [64, 16], strides = [1, 1]} : vector<512x528xi32> to vector<64x16xi32>
    %slice3A_374 = vector.extract_strided_slice %or3A {offsets = [256, 216], sizes = [64, 16], strides = [1, 1]} : vector<512x528xi32> to vector<64x16xi32>
    %slice3A_375 = vector.extract_strided_slice %or3A {offsets = [320, 216], sizes = [64, 16], strides = [1, 1]} : vector<512x528xi32> to vector<64x16xi32>
    %slice3A_376 = vector.extract_strided_slice %or3A {offsets = [384, 216], sizes = [64, 16], strides = [1, 1]} : vector<512x528xi32> to vector<64x16xi32>
    %slice3A_377 = vector.extract_strided_slice %or3A {offsets = [448, 216], sizes = [64, 16], strides = [1, 1]} : vector<512x528xi32> to vector<64x16xi32>
    %concatenate3A_378 = tpu.concatenate %slice3A_370, %slice3A_371, %slice3A_372, %slice3A_373, %slice3A_374, %slice3A_375, %slice3A_376, %slice3A_377 in 1 : vector<64x16xi32>, vector<64x16xi32>, vector<64x16xi32>, vector<64x16xi32>, vector<64x16xi32>, vector<64x16xi32>, vector<64x16xi32>, vector<64x16xi32> -> vector<64x128xi32>
    %swap3A_379 = arith.constant 1728 : index
    %swap3A_380 = arith.constant 0 : index
    %swap3A_381 = vector.load %arg7[%swap3A_379, %swap3A_380] : memref<4096x128xi32, #tpu.memory_space<vmem>>, vector<64x128xi32>
    tpu.vector_store %arg7[%swap3A_379, %swap3A_380], %concatenate3A_378 {strides = array<i32>} : memref<4096x128xi32, #tpu.memory_space<vmem>>, vector<64x128xi32>,
    %slice3A_382 = vector.extract_strided_slice %or3A {offsets = [0, 224], sizes = [64, 16], strides = [1, 1]} : vector<512x528xi32> to vector<64x16xi32>
    %slice3A_383 = vector.extract_strided_slice %or3A {offsets = [64, 224], sizes = [64, 16], strides = [1, 1]} : vector<512x528xi32> to vector<64x16xi32>
    %slice3A_384 = vector.extract_strided_slice %or3A {offsets = [128, 224], sizes = [64, 16], strides = [1, 1]} : vector<512x528xi32> to vector<64x16xi32>
    %slice3A_385 = vector.extract_strided_slice %or3A {offsets = [192, 224], sizes = [64, 16], strides = [1, 1]} : vector<512x528xi32> to vector<64x16xi32>
    %slice3A_386 = vector.extract_strided_slice %or3A {offsets = [256, 224], sizes = [64, 16], strides = [1, 1]} : vector<512x528xi32> to vector<64x16xi32>
    %slice3A_387 = vector.extract_strided_slice %or3A {offsets = [320, 224], sizes = [64, 16], strides = [1, 1]} : vector<512x528xi32> to vector<64x16xi32>
    %slice3A_388 = vector.extract_strided_slice %or3A {offsets = [384, 224], sizes = [64, 16], strides = [1, 1]} : vector<512x528xi32> to vector<64x16xi32>
    %slice3A_389 = vector.extract_strided_slice %or3A {offsets = [448, 224], sizes = [64, 16], strides = [1, 1]} : vector<512x528xi32> to vector<64x16xi32>
    %concatenate3A_390 = tpu.concatenate %slice3A_382, %slice3A_383, %slice3A_384, %slice3A_385, %slice3A_386, %slice3A_387, %slice3A_388, %slice3A_389 in 1 : vector<64x16xi32>, vector<64x16xi32>, vector<64x16xi32>, vector<64x16xi32>, vector<64x16xi32>, vector<64x16xi32>, vector<64x16xi32>, vector<64x16xi32> -> vector<64x128xi32>
    %swap3A_391 = arith.constant 1792 : index
    %swap3A_392 = arith.constant 0 : index
    %swap3A_393 = vector.load %arg7[%swap3A_391, %swap3A_392] : memref<4096x128xi32, #tpu.memory_space<vmem>>, vector<64x128xi32>
    tpu.vector_store %arg7[%swap3A_391, %swap3A_392], %concatenate3A_390 {strides = array<i32>} : memref<4096x128xi32, #tpu.memory_space<vmem>>, vector<64x128xi32>,
    %slice3A_394 = vector.extract_strided_slice %or3A {offsets = [0, 232], sizes = [64, 16], strides = [1, 1]} : vector<512x528xi32> to vector<64x16xi32>
    %slice3A_395 = vector.extract_strided_slice %or3A {offsets = [64, 232], sizes = [64, 16], strides = [1, 1]} : vector<512x528xi32> to vector<64x16xi32>
    %slice3A_396 = vector.extract_strided_slice %or3A {offsets = [128, 232], sizes = [64, 16], strides = [1, 1]} : vector<512x528xi32> to vector<64x16xi32>
    %slice3A_397 = vector.extract_strided_slice %or3A {offsets = [192, 232], sizes = [64, 16], strides = [1, 1]} : vector<512x528xi32> to vector<64x16xi32>
    %slice3A_398 = vector.extract_strided_slice %or3A {offsets = [256, 232], sizes = [64, 16], strides = [1, 1]} : vector<512x528xi32> to vector<64x16xi32>
    %slice3A_399 = vector.extract_strided_slice %or3A {offsets = [320, 232], sizes = [64, 16], strides = [1, 1]} : vector<512x528xi32> to vector<64x16xi32>
    %slice3A_400 = vector.extract_strided_slice %or3A {offsets = [384, 232], sizes = [64, 16], strides = [1, 1]} : vector<512x528xi32> to vector<64x16xi32>
    %slice3A_401 = vector.extract_strided_slice %or3A {offsets = [448, 232], sizes = [64, 16], strides = [1, 1]} : vector<512x528xi32> to vector<64x16xi32>
    %concatenate3A_402 = tpu.concatenate %slice3A_394, %slice3A_395, %slice3A_396, %slice3A_397, %slice3A_398, %slice3A_399, %slice3A_400, %slice3A_401 in 1 : vector<64x16xi32>, vector<64x16xi32>, vector<64x16xi32>, vector<64x16xi32>, vector<64x16xi32>, vector<64x16xi32>, vector<64x16xi32>, vector<64x16xi32> -> vector<64x128xi32>
    %swap3A_403 = arith.constant 1856 : index
    %swap3A_404 = arith.constant 0 : index
    %swap3A_405 = vector.load %arg7[%swap3A_403, %swap3A_404] : memref<4096x128xi32, #tpu.memory_space<vmem>>, vector<64x128xi32>
    tpu.vector_store %arg7[%swap3A_403, %swap3A_404], %concatenate3A_402 {strides = array<i32>} : memref<4096x128xi32, #tpu.memory_space<vmem>>, vector<64x128xi32>,
    %slice3A_406 = vector.extract_strided_slice %or3A {offsets = [0, 240], sizes = [64, 16], strides = [1, 1]} : vector<512x528xi32> to vector<64x16xi32>
    %slice3A_407 = vector.extract_strided_slice %or3A {offsets = [64, 240], sizes = [64, 16], strides = [1, 1]} : vector<512x528xi32> to vector<64x16xi32>
    %slice3A_408 = vector.extract_strided_slice %or3A {offsets = [128, 240], sizes = [64, 16], strides = [1, 1]} : vector<512x528xi32> to vector<64x16xi32>
    %slice3A_409 = vector.extract_strided_slice %or3A {offsets = [192, 240], sizes = [64, 16], strides = [1, 1]} : vector<512x528xi32> to vector<64x16xi32>
    %slice3A_410 = vector.extract_strided_slice %or3A {offsets = [256, 240], sizes = [64, 16], strides = [1, 1]} : vector<512x528xi32> to vector<64x16xi32>
    %slice3A_411 = vector.extract_strided_slice %or3A {offsets = [320, 240], sizes = [64, 16], strides = [1, 1]} : vector<512x528xi32> to vector<64x16xi32>
    %slice3A_412 = vector.extract_strided_slice %or3A {offsets = [384, 240], sizes = [64, 16], strides = [1, 1]} : vector<512x528xi32> to vector<64x16xi32>
    %slice3A_413 = vector.extract_strided_slice %or3A {offsets = [448, 240], sizes = [64, 16], strides = [1, 1]} : vector<512x528xi32> to vector<64x16xi32>
    %concatenate3A_414 = tpu.concatenate %slice3A_406, %slice3A_407, %slice3A_408, %slice3A_409, %slice3A_410, %slice3A_411, %slice3A_412, %slice3A_413 in 1 : vector<64x16xi32>, vector<64x16xi32>, vector<64x16xi32>, vector<64x16xi32>, vector<64x16xi32>, vector<64x16xi32>, vector<64x16xi32>, vector<64x16xi32> -> vector<64x128xi32>
    %swap3A_415 = arith.constant 1920 : index
    %swap3A_416 = arith.constant 0 : index
    %swap3A_417 = vector.load %arg7[%swap3A_415, %swap3A_416] : memref<4096x128xi32, #tpu.memory_space<vmem>>, vector<64x128xi32>
    tpu.vector_store %arg7[%swap3A_415, %swap3A_416], %concatenate3A_414 {strides = array<i32>} : memref<4096x128xi32, #tpu.memory_space<vmem>>, vector<64x128xi32>,
    %slice3A_418 = vector.extract_strided_slice %or3A {offsets = [0, 248], sizes = [64, 16], strides = [1, 1]} : vector<512x528xi32> to vector<64x16xi32>
    %slice3A_419 = vector.extract_strided_slice %or3A {offsets = [64, 248], sizes = [64, 16], strides = [1, 1]} : vector<512x528xi32> to vector<64x16xi32>
    %slice3A_420 = vector.extract_strided_slice %or3A {offsets = [128, 248], sizes = [64, 16], strides = [1, 1]} : vector<512x528xi32> to vector<64x16xi32>
    %slice3A_421 = vector.extract_strided_slice %or3A {offsets = [192, 248], sizes = [64, 16], strides = [1, 1]} : vector<512x528xi32> to vector<64x16xi32>
    %slice3A_422 = vector.extract_strided_slice %or3A {offsets = [256, 248], sizes = [64, 16], strides = [1, 1]} : vector<512x528xi32> to vector<64x16xi32>
    %slice3A_423 = vector.extract_strided_slice %or3A {offsets = [320, 248], sizes = [64, 16], strides = [1, 1]} : vector<512x528xi32> to vector<64x16xi32>
    %slice3A_424 = vector.extract_strided_slice %or3A {offsets = [384, 248], sizes = [64, 16], strides = [1, 1]} : vector<512x528xi32> to vector<64x16xi32>
    %slice3A_425 = vector.extract_strided_slice %or3A {offsets = [448, 248], sizes = [64, 16], strides = [1, 1]} : vector<512x528xi32> to vector<64x16xi32>
    %concatenate3A_426 = tpu.concatenate %slice3A_418, %slice3A_419, %slice3A_420, %slice3A_421, %slice3A_422, %slice3A_423, %slice3A_424, %slice3A_425 in 1 : vector<64x16xi32>, vector<64x16xi32>, vector<64x16xi32>, vector<64x16xi32>, vector<64x16xi32>, vector<64x16xi32>, vector<64x16xi32>, vector<64x16xi32> -> vector<64x128xi32>
    %swap3A_427 = arith.constant 1984 : index
    %swap3A_428 = arith.constant 0 : index
    %swap3A_429 = vector.load %arg7[%swap3A_427, %swap3A_428] : memref<4096x128xi32, #tpu.memory_space<vmem>>, vector<64x128xi32>
    tpu.vector_store %arg7[%swap3A_427, %swap3A_428], %concatenate3A_426 {strides = array<i32>} : memref<4096x128xi32, #tpu.memory_space<vmem>>, vector<64x128xi32>,
    %slice3A_430 = vector.extract_strided_slice %or3A {offsets = [0, 256], sizes = [64, 16], strides = [1, 1]} : vector<512x528xi32> to vector<64x16xi32>
    %slice3A_431 = vector.extract_strided_slice %or3A {offsets = [64, 256], sizes = [64, 16], strides = [1, 1]} : vector<512x528xi32> to vector<64x16xi32>
    %slice3A_432 = vector.extract_strided_slice %or3A {offsets = [128, 256], sizes = [64, 16], strides = [1, 1]} : vector<512x528xi32> to vector<64x16xi32>
    %slice3A_433 = vector.extract_strided_slice %or3A {offsets = [192, 256], sizes = [64, 16], strides = [1, 1]} : vector<512x528xi32> to vector<64x16xi32>
    %slice3A_434 = vector.extract_strided_slice %or3A {offsets = [256, 256], sizes = [64, 16], strides = [1, 1]} : vector<512x528xi32> to vector<64x16xi32>
    %slice3A_435 = vector.extract_strided_slice %or3A {offsets = [320, 256], sizes = [64, 16], strides = [1, 1]} : vector<512x528xi32> to vector<64x16xi32>
    %slice3A_436 = vector.extract_strided_slice %or3A {offsets = [384, 256], sizes = [64, 16], strides = [1, 1]} : vector<512x528xi32> to vector<64x16xi32>
    %slice3A_437 = vector.extract_strided_slice %or3A {offsets = [448, 256], sizes = [64, 16], strides = [1, 1]} : vector<512x528xi32> to vector<64x16xi32>
    %concatenate3A_438 = tpu.concatenate %slice3A_430, %slice3A_431, %slice3A_432, %slice3A_433, %slice3A_434, %slice3A_435, %slice3A_436, %slice3A_437 in 1 : vector<64x16xi32>, vector<64x16xi32>, vector<64x16xi32>, vector<64x16xi32>, vector<64x16xi32>, vector<64x16xi32>, vector<64x16xi32>, vector<64x16xi32> -> vector<64x128xi32>
    %swap3A_439 = arith.constant 2048 : index
    %swap3A_440 = arith.constant 0 : index
    %swap3A_441 = vector.load %arg7[%swap3A_439, %swap3A_440] : memref<4096x128xi32, #tpu.memory_space<vmem>>, vector<64x128xi32>
    tpu.vector_store %arg7[%swap3A_439, %swap3A_440], %concatenate3A_438 {strides = array<i32>} : memref<4096x128xi32, #tpu.memory_space<vmem>>, vector<64x128xi32>,
    %slice3A_442 = vector.extract_strided_slice %or3A {offsets = [0, 264], sizes = [64, 16], strides = [1, 1]} : vector<512x528xi32> to vector<64x16xi32>
    %slice3A_443 = vector.extract_strided_slice %or3A {offsets = [64, 264], sizes = [64, 16], strides = [1, 1]} : vector<512x528xi32> to vector<64x16xi32>
    %slice3A_444 = vector.extract_strided_slice %or3A {offsets = [128, 264], sizes = [64, 16], strides = [1, 1]} : vector<512x528xi32> to vector<64x16xi32>
    %slice3A_445 = vector.extract_strided_slice %or3A {offsets = [192, 264], sizes = [64, 16], strides = [1, 1]} : vector<512x528xi32> to vector<64x16xi32>
    %slice3A_446 = vector.extract_strided_slice %or3A {offsets = [256, 264], sizes = [64, 16], strides = [1, 1]} : vector<512x528xi32> to vector<64x16xi32>
    %slice3A_447 = vector.extract_strided_slice %or3A {offsets = [320, 264], sizes = [64, 16], strides = [1, 1]} : vector<512x528xi32> to vector<64x16xi32>
    %slice3A_448 = vector.extract_strided_slice %or3A {offsets = [384, 264], sizes = [64, 16], strides = [1, 1]} : vector<512x528xi32> to vector<64x16xi32>
    %slice3A_449 = vector.extract_strided_slice %or3A {offsets = [448, 264], sizes = [64, 16], strides = [1, 1]} : vector<512x528xi32> to vector<64x16xi32>
    %concatenate3A_450 = tpu.concatenate %slice3A_442, %slice3A_443, %slice3A_444, %slice3A_445, %slice3A_446, %slice3A_447, %slice3A_448, %slice3A_449 in 1 : vector<64x16xi32>, vector<64x16xi32>, vector<64x16xi32>, vector<64x16xi32>, vector<64x16xi32>, vector<64x16xi32>, vector<64x16xi32>, vector<64x16xi32> -> vector<64x128xi32>
    %swap3A_451 = arith.constant 2112 : index
    %swap3A_452 = arith.constant 0 : index
    %swap3A_453 = vector.load %arg7[%swap3A_451, %swap3A_452] : memref<4096x128xi32, #tpu.memory_space<vmem>>, vector<64x128xi32>
    tpu.vector_store %arg7[%swap3A_451, %swap3A_452], %concatenate3A_450 {strides = array<i32>} : memref<4096x128xi32, #tpu.memory_space<vmem>>, vector<64x128xi32>,
    %slice3A_454 = vector.extract_strided_slice %or3A {offsets = [0, 272], sizes = [64, 16], strides = [1, 1]} : vector<512x528xi32> to vector<64x16xi32>
    %slice3A_455 = vector.extract_strided_slice %or3A {offsets = [64, 272], sizes = [64, 16], strides = [1, 1]} : vector<512x528xi32> to vector<64x16xi32>
    %slice3A_456 = vector.extract_strided_slice %or3A {offsets = [128, 272], sizes = [64, 16], strides = [1, 1]} : vector<512x528xi32> to vector<64x16xi32>
    %slice3A_457 = vector.extract_strided_slice %or3A {offsets = [192, 272], sizes = [64, 16], strides = [1, 1]} : vector<512x528xi32> to vector<64x16xi32>
    %slice3A_458 = vector.extract_strided_slice %or3A {offsets = [256, 272], sizes = [64, 16], strides = [1, 1]} : vector<512x528xi32> to vector<64x16xi32>
    %slice3A_459 = vector.extract_strided_slice %or3A {offsets = [320, 272], sizes = [64, 16], strides = [1, 1]} : vector<512x528xi32> to vector<64x16xi32>
    %slice3A_460 = vector.extract_strided_slice %or3A {offsets = [384, 272], sizes = [64, 16], strides = [1, 1]} : vector<512x528xi32> to vector<64x16xi32>
    %slice3A_461 = vector.extract_strided_slice %or3A {offsets = [448, 272], sizes = [64, 16], strides = [1, 1]} : vector<512x528xi32> to vector<64x16xi32>
    %concatenate3A_462 = tpu.concatenate %slice3A_454, %slice3A_455, %slice3A_456, %slice3A_457, %slice3A_458, %slice3A_459, %slice3A_460, %slice3A_461 in 1 : vector<64x16xi32>, vector<64x16xi32>, vector<64x16xi32>, vector<64x16xi32>, vector<64x16xi32>, vector<64x16xi32>, vector<64x16xi32>, vector<64x16xi32> -> vector<64x128xi32>
    %swap3A_463 = arith.constant 2176 : index
    %swap3A_464 = arith.constant 0 : index
    %swap3A_465 = vector.load %arg7[%swap3A_463, %swap3A_464] : memref<4096x128xi32, #tpu.memory_space<vmem>>, vector<64x128xi32>
    tpu.vector_store %arg7[%swap3A_463, %swap3A_464], %concatenate3A_462 {strides = array<i32>} : memref<4096x128xi32, #tpu.memory_space<vmem>>, vector<64x128xi32>,
    %slice3A_466 = vector.extract_strided_slice %or3A {offsets = [0, 280], sizes = [64, 16], strides = [1, 1]} : vector<512x528xi32> to vector<64x16xi32>
    %slice3A_467 = vector.extract_strided_slice %or3A {offsets = [64, 280], sizes = [64, 16], strides = [1, 1]} : vector<512x528xi32> to vector<64x16xi32>
    %slice3A_468 = vector.extract_strided_slice %or3A {offsets = [128, 280], sizes = [64, 16], strides = [1, 1]} : vector<512x528xi32> to vector<64x16xi32>
    %slice3A_469 = vector.extract_strided_slice %or3A {offsets = [192, 280], sizes = [64, 16], strides = [1, 1]} : vector<512x528xi32> to vector<64x16xi32>
    %slice3A_470 = vector.extract_strided_slice %or3A {offsets = [256, 280], sizes = [64, 16], strides = [1, 1]} : vector<512x528xi32> to vector<64x16xi32>
    %slice3A_471 = vector.extract_strided_slice %or3A {offsets = [320, 280], sizes = [64, 16], strides = [1, 1]} : vector<512x528xi32> to vector<64x16xi32>
    %slice3A_472 = vector.extract_strided_slice %or3A {offsets = [384, 280], sizes = [64, 16], strides = [1, 1]} : vector<512x528xi32> to vector<64x16xi32>
    %slice3A_473 = vector.extract_strided_slice %or3A {offsets = [448, 280], sizes = [64, 16], strides = [1, 1]} : vector<512x528xi32> to vector<64x16xi32>
    %concatenate3A_474 = tpu.concatenate %slice3A_466, %slice3A_467, %slice3A_468, %slice3A_469, %slice3A_470, %slice3A_471, %slice3A_472, %slice3A_473 in 1 : vector<64x16xi32>, vector<64x16xi32>, vector<64x16xi32>, vector<64x16xi32>, vector<64x16xi32>, vector<64x16xi32>, vector<64x16xi32>, vector<64x16xi32> -> vector<64x128xi32>
    %swap3A_475 = arith.constant 2240 : index
    %swap3A_476 = arith.constant 0 : index
    %swap3A_477 = vector.load %arg7[%swap3A_475, %swap3A_476] : memref<4096x128xi32, #tpu.memory_space<vmem>>, vector<64x128xi32>
    tpu.vector_store %arg7[%swap3A_475, %swap3A_476], %concatenate3A_474 {strides = array<i32>} : memref<4096x128xi32, #tpu.memory_space<vmem>>, vector<64x128xi32>,
    %slice3A_478 = vector.extract_strided_slice %or3A {offsets = [0, 288], sizes = [64, 16], strides = [1, 1]} : vector<512x528xi32> to vector<64x16xi32>
    %slice3A_479 = vector.extract_strided_slice %or3A {offsets = [64, 288], sizes = [64, 16], strides = [1, 1]} : vector<512x528xi32> to vector<64x16xi32>
    %slice3A_480 = vector.extract_strided_slice %or3A {offsets = [128, 288], sizes = [64, 16], strides = [1, 1]} : vector<512x528xi32> to vector<64x16xi32>
    %slice3A_481 = vector.extract_strided_slice %or3A {offsets = [192, 288], sizes = [64, 16], strides = [1, 1]} : vector<512x528xi32> to vector<64x16xi32>
    %slice3A_482 = vector.extract_strided_slice %or3A {offsets = [256, 288], sizes = [64, 16], strides = [1, 1]} : vector<512x528xi32> to vector<64x16xi32>
    %slice3A_483 = vector.extract_strided_slice %or3A {offsets = [320, 288], sizes = [64, 16], strides = [1, 1]} : vector<512x528xi32> to vector<64x16xi32>
    %slice3A_484 = vector.extract_strided_slice %or3A {offsets = [384, 288], sizes = [64, 16], strides = [1, 1]} : vector<512x528xi32> to vector<64x16xi32>
    %slice3A_485 = vector.extract_strided_slice %or3A {offsets = [448, 288], sizes = [64, 16], strides = [1, 1]} : vector<512x528xi32> to vector<64x16xi32>
    %concatenate3A_486 = tpu.concatenate %slice3A_478, %slice3A_479, %slice3A_480, %slice3A_481, %slice3A_482, %slice3A_483, %slice3A_484, %slice3A_485 in 1 : vector<64x16xi32>, vector<64x16xi32>, vector<64x16xi32>, vector<64x16xi32>, vector<64x16xi32>, vector<64x16xi32>, vector<64x16xi32>, vector<64x16xi32> -> vector<64x128xi32>
    %swap3A_487 = arith.constant 2304 : index
    %swap3A_488 = arith.constant 0 : index
    %swap3A_489 = vector.load %arg7[%swap3A_487, %swap3A_488] : memref<4096x128xi32, #tpu.memory_space<vmem>>, vector<64x128xi32>
    tpu.vector_store %arg7[%swap3A_487, %swap3A_488], %concatenate3A_486 {strides = array<i32>} : memref<4096x128xi32, #tpu.memory_space<vmem>>, vector<64x128xi32>,
    %slice3A_490 = vector.extract_strided_slice %or3A {offsets = [0, 296], sizes = [64, 16], strides = [1, 1]} : vector<512x528xi32> to vector<64x16xi32>
    %slice3A_491 = vector.extract_strided_slice %or3A {offsets = [64, 296], sizes = [64, 16], strides = [1, 1]} : vector<512x528xi32> to vector<64x16xi32>
    %slice3A_492 = vector.extract_strided_slice %or3A {offsets = [128, 296], sizes = [64, 16], strides = [1, 1]} : vector<512x528xi32> to vector<64x16xi32>
    %slice3A_493 = vector.extract_strided_slice %or3A {offsets = [192, 296], sizes = [64, 16], strides = [1, 1]} : vector<512x528xi32> to vector<64x16xi32>
    %slice3A_494 = vector.extract_strided_slice %or3A {offsets = [256, 296], sizes = [64, 16], strides = [1, 1]} : vector<512x528xi32> to vector<64x16xi32>
    %slice3A_495 = vector.extract_strided_slice %or3A {offsets = [320, 296], sizes = [64, 16], strides = [1, 1]} : vector<512x528xi32> to vector<64x16xi32>
    %slice3A_496 = vector.extract_strided_slice %or3A {offsets = [384, 296], sizes = [64, 16], strides = [1, 1]} : vector<512x528xi32> to vector<64x16xi32>
    %slice3A_497 = vector.extract_strided_slice %or3A {offsets = [448, 296], sizes = [64, 16], strides = [1, 1]} : vector<512x528xi32> to vector<64x16xi32>
    %concatenate3A_498 = tpu.concatenate %slice3A_490, %slice3A_491, %slice3A_492, %slice3A_493, %slice3A_494, %slice3A_495, %slice3A_496, %slice3A_497 in 1 : vector<64x16xi32>, vector<64x16xi32>, vector<64x16xi32>, vector<64x16xi32>, vector<64x16xi32>, vector<64x16xi32>, vector<64x16xi32>, vector<64x16xi32> -> vector<64x128xi32>
    %swap3A_499 = arith.constant 2368 : index
    %swap3A_500 = arith.constant 0 : index
    %swap3A_501 = vector.load %arg7[%swap3A_499, %swap3A_500] : memref<4096x128xi32, #tpu.memory_space<vmem>>, vector<64x128xi32>
    tpu.vector_store %arg7[%swap3A_499, %swap3A_500], %concatenate3A_498 {strides = array<i32>} : memref<4096x128xi32, #tpu.memory_space<vmem>>, vector<64x128xi32>,
    %slice3A_502 = vector.extract_strided_slice %or3A {offsets = [0, 304], sizes = [64, 16], strides = [1, 1]} : vector<512x528xi32> to vector<64x16xi32>
    %slice3A_503 = vector.extract_strided_slice %or3A {offsets = [64, 304], sizes = [64, 16], strides = [1, 1]} : vector<512x528xi32> to vector<64x16xi32>
    %slice3A_504 = vector.extract_strided_slice %or3A {offsets = [128, 304], sizes = [64, 16], strides = [1, 1]} : vector<512x528xi32> to vector<64x16xi32>
    %slice3A_505 = vector.extract_strided_slice %or3A {offsets = [192, 304], sizes = [64, 16], strides = [1, 1]} : vector<512x528xi32> to vector<64x16xi32>
    %slice3A_506 = vector.extract_strided_slice %or3A {offsets = [256, 304], sizes = [64, 16], strides = [1, 1]} : vector<512x528xi32> to vector<64x16xi32>
    %slice3A_507 = vector.extract_strided_slice %or3A {offsets = [320, 304], sizes = [64, 16], strides = [1, 1]} : vector<512x528xi32> to vector<64x16xi32>
    %slice3A_508 = vector.extract_strided_slice %or3A {offsets = [384, 304], sizes = [64, 16], strides = [1, 1]} : vector<512x528xi32> to vector<64x16xi32>
    %slice3A_509 = vector.extract_strided_slice %or3A {offsets = [448, 304], sizes = [64, 16], strides = [1, 1]} : vector<512x528xi32> to vector<64x16xi32>
    %concatenate3A_510 = tpu.concatenate %slice3A_502, %slice3A_503, %slice3A_504, %slice3A_505, %slice3A_506, %slice3A_507, %slice3A_508, %slice3A_509 in 1 : vector<64x16xi32>, vector<64x16xi32>, vector<64x16xi32>, vector<64x16xi32>, vector<64x16xi32>, vector<64x16xi32>, vector<64x16xi32>, vector<64x16xi32> -> vector<64x128xi32>
    %swap3A_511 = arith.constant 2432 : index
    %swap3A_512 = arith.constant 0 : index
    %swap3A_513 = vector.load %arg7[%swap3A_511, %swap3A_512] : memref<4096x128xi32, #tpu.memory_space<vmem>>, vector<64x128xi32>
    tpu.vector_store %arg7[%swap3A_511, %swap3A_512], %concatenate3A_510 {strides = array<i32>} : memref<4096x128xi32, #tpu.memory_space<vmem>>, vector<64x128xi32>,
    %slice3A_514 = vector.extract_strided_slice %or3A {offsets = [0, 312], sizes = [64, 16], strides = [1, 1]} : vector<512x528xi32> to vector<64x16xi32>
    %slice3A_515 = vector.extract_strided_slice %or3A {offsets = [64, 312], sizes = [64, 16], strides = [1, 1]} : vector<512x528xi32> to vector<64x16xi32>
    %slice3A_516 = vector.extract_strided_slice %or3A {offsets = [128, 312], sizes = [64, 16], strides = [1, 1]} : vector<512x528xi32> to vector<64x16xi32>
    %slice3A_517 = vector.extract_strided_slice %or3A {offsets = [192, 312], sizes = [64, 16], strides = [1, 1]} : vector<512x528xi32> to vector<64x16xi32>
    %slice3A_518 = vector.extract_strided_slice %or3A {offsets = [256, 312], sizes = [64, 16], strides = [1, 1]} : vector<512x528xi32> to vector<64x16xi32>
    %slice3A_519 = vector.extract_strided_slice %or3A {offsets = [320, 312], sizes = [64, 16], strides = [1, 1]} : vector<512x528xi32> to vector<64x16xi32>
    %slice3A_520 = vector.extract_strided_slice %or3A {offsets = [384, 312], sizes = [64, 16], strides = [1, 1]} : vector<512x528xi32> to vector<64x16xi32>
    %slice3A_521 = vector.extract_strided_slice %or3A {offsets = [448, 312], sizes = [64, 16], strides = [1, 1]} : vector<512x528xi32> to vector<64x16xi32>
    %concatenate3A_522 = tpu.concatenate %slice3A_514, %slice3A_515, %slice3A_516, %slice3A_517, %slice3A_518, %slice3A_519, %slice3A_520, %slice3A_521 in 1 : vector<64x16xi32>, vector<64x16xi32>, vector<64x16xi32>, vector<64x16xi32>, vector<64x16xi32>, vector<64x16xi32>, vector<64x16xi32>, vector<64x16xi32> -> vector<64x128xi32>
    %swap3A_523 = arith.constant 2496 : index
    %swap3A_524 = arith.constant 0 : index
    %swap3A_525 = vector.load %arg7[%swap3A_523, %swap3A_524] : memref<4096x128xi32, #tpu.memory_space<vmem>>, vector<64x128xi32>
    tpu.vector_store %arg7[%swap3A_523, %swap3A_524], %concatenate3A_522 {strides = array<i32>} : memref<4096x128xi32, #tpu.memory_space<vmem>>, vector<64x128xi32>,
    %slice3A_526 = vector.extract_strided_slice %or3A {offsets = [0, 320], sizes = [64, 16], strides = [1, 1]} : vector<512x528xi32> to vector<64x16xi32>
    %slice3A_527 = vector.extract_strided_slice %or3A {offsets = [64, 320], sizes = [64, 16], strides = [1, 1]} : vector<512x528xi32> to vector<64x16xi32>
    %slice3A_528 = vector.extract_strided_slice %or3A {offsets = [128, 320], sizes = [64, 16], strides = [1, 1]} : vector<512x528xi32> to vector<64x16xi32>
    %slice3A_529 = vector.extract_strided_slice %or3A {offsets = [192, 320], sizes = [64, 16], strides = [1, 1]} : vector<512x528xi32> to vector<64x16xi32>
    %slice3A_530 = vector.extract_strided_slice %or3A {offsets = [256, 320], sizes = [64, 16], strides = [1, 1]} : vector<512x528xi32> to vector<64x16xi32>
    %slice3A_531 = vector.extract_strided_slice %or3A {offsets = [320, 320], sizes = [64, 16], strides = [1, 1]} : vector<512x528xi32> to vector<64x16xi32>
    %slice3A_532 = vector.extract_strided_slice %or3A {offsets = [384, 320], sizes = [64, 16], strides = [1, 1]} : vector<512x528xi32> to vector<64x16xi32>
    %slice3A_533 = vector.extract_strided_slice %or3A {offsets = [448, 320], sizes = [64, 16], strides = [1, 1]} : vector<512x528xi32> to vector<64x16xi32>
    %concatenate3A_534 = tpu.concatenate %slice3A_526, %slice3A_527, %slice3A_528, %slice3A_529, %slice3A_530, %slice3A_531, %slice3A_532, %slice3A_533 in 1 : vector<64x16xi32>, vector<64x16xi32>, vector<64x16xi32>, vector<64x16xi32>, vector<64x16xi32>, vector<64x16xi32>, vector<64x16xi32>, vector<64x16xi32> -> vector<64x128xi32>
    %swap3A_535 = arith.constant 2560 : index
    %swap3A_536 = arith.constant 0 : index
    %swap3A_537 = vector.load %arg7[%swap3A_535, %swap3A_536] : memref<4096x128xi32, #tpu.memory_space<vmem>>, vector<64x128xi32>
    tpu.vector_store %arg7[%swap3A_535, %swap3A_536], %concatenate3A_534 {strides = array<i32>} : memref<4096x128xi32, #tpu.memory_space<vmem>>, vector<64x128xi32>,
    %slice3A_538 = vector.extract_strided_slice %or3A {offsets = [0, 328], sizes = [64, 16], strides = [1, 1]} : vector<512x528xi32> to vector<64x16xi32>
    %slice3A_539 = vector.extract_strided_slice %or3A {offsets = [64, 328], sizes = [64, 16], strides = [1, 1]} : vector<512x528xi32> to vector<64x16xi32>
    %slice3A_540 = vector.extract_strided_slice %or3A {offsets = [128, 328], sizes = [64, 16], strides = [1, 1]} : vector<512x528xi32> to vector<64x16xi32>
    %slice3A_541 = vector.extract_strided_slice %or3A {offsets = [192, 328], sizes = [64, 16], strides = [1, 1]} : vector<512x528xi32> to vector<64x16xi32>
    %slice3A_542 = vector.extract_strided_slice %or3A {offsets = [256, 328], sizes = [64, 16], strides = [1, 1]} : vector<512x528xi32> to vector<64x16xi32>
    %slice3A_543 = vector.extract_strided_slice %or3A {offsets = [320, 328], sizes = [64, 16], strides = [1, 1]} : vector<512x528xi32> to vector<64x16xi32>
    %slice3A_544 = vector.extract_strided_slice %or3A {offsets = [384, 328], sizes = [64, 16], strides = [1, 1]} : vector<512x528xi32> to vector<64x16xi32>
    %slice3A_545 = vector.extract_strided_slice %or3A {offsets = [448, 328], sizes = [64, 16], strides = [1, 1]} : vector<512x528xi32> to vector<64x16xi32>
    %concatenate3A_546 = tpu.concatenate %slice3A_538, %slice3A_539, %slice3A_540, %slice3A_541, %slice3A_542, %slice3A_543, %slice3A_544, %slice3A_545 in 1 : vector<64x16xi32>, vector<64x16xi32>, vector<64x16xi32>, vector<64x16xi32>, vector<64x16xi32>, vector<64x16xi32>, vector<64x16xi32>, vector<64x16xi32> -> vector<64x128xi32>
    %swap3A_547 = arith.constant 2624 : index
    %swap3A_548 = arith.constant 0 : index
    %swap3A_549 = vector.load %arg7[%swap3A_547, %swap3A_548] : memref<4096x128xi32, #tpu.memory_space<vmem>>, vector<64x128xi32>
    tpu.vector_store %arg7[%swap3A_547, %swap3A_548], %concatenate3A_546 {strides = array<i32>} : memref<4096x128xi32, #tpu.memory_space<vmem>>, vector<64x128xi32>,
    %slice3A_550 = vector.extract_strided_slice %or3A {offsets = [0, 336], sizes = [64, 16], strides = [1, 1]} : vector<512x528xi32> to vector<64x16xi32>
    %slice3A_551 = vector.extract_strided_slice %or3A {offsets = [64, 336], sizes = [64, 16], strides = [1, 1]} : vector<512x528xi32> to vector<64x16xi32>
    %slice3A_552 = vector.extract_strided_slice %or3A {offsets = [128, 336], sizes = [64, 16], strides = [1, 1]} : vector<512x528xi32> to vector<64x16xi32>
    %slice3A_553 = vector.extract_strided_slice %or3A {offsets = [192, 336], sizes = [64, 16], strides = [1, 1]} : vector<512x528xi32> to vector<64x16xi32>
    %slice3A_554 = vector.extract_strided_slice %or3A {offsets = [256, 336], sizes = [64, 16], strides = [1, 1]} : vector<512x528xi32> to vector<64x16xi32>
    %slice3A_555 = vector.extract_strided_slice %or3A {offsets = [320, 336], sizes = [64, 16], strides = [1, 1]} : vector<512x528xi32> to vector<64x16xi32>
    %slice3A_556 = vector.extract_strided_slice %or3A {offsets = [384, 336], sizes = [64, 16], strides = [1, 1]} : vector<512x528xi32> to vector<64x16xi32>
    %slice3A_557 = vector.extract_strided_slice %or3A {offsets = [448, 336], sizes = [64, 16], strides = [1, 1]} : vector<512x528xi32> to vector<64x16xi32>
    %concatenate3A_558 = tpu.concatenate %slice3A_550, %slice3A_551, %slice3A_552, %slice3A_553, %slice3A_554, %slice3A_555, %slice3A_556, %slice3A_557 in 1 : vector<64x16xi32>, vector<64x16xi32>, vector<64x16xi32>, vector<64x16xi32>, vector<64x16xi32>, vector<64x16xi32>, vector<64x16xi32>, vector<64x16xi32> -> vector<64x128xi32>
    %swap3A_559 = arith.constant 2688 : index
    %swap3A_560 = arith.constant 0 : index
    %swap3A_561 = vector.load %arg7[%swap3A_559, %swap3A_560] : memref<4096x128xi32, #tpu.memory_space<vmem>>, vector<64x128xi32>
    tpu.vector_store %arg7[%swap3A_559, %swap3A_560], %concatenate3A_558 {strides = array<i32>} : memref<4096x128xi32, #tpu.memory_space<vmem>>, vector<64x128xi32>,
    %slice3A_562 = vector.extract_strided_slice %or3A {offsets = [0, 344], sizes = [64, 16], strides = [1, 1]} : vector<512x528xi32> to vector<64x16xi32>
    %slice3A_563 = vector.extract_strided_slice %or3A {offsets = [64, 344], sizes = [64, 16], strides = [1, 1]} : vector<512x528xi32> to vector<64x16xi32>
    %slice3A_564 = vector.extract_strided_slice %or3A {offsets = [128, 344], sizes = [64, 16], strides = [1, 1]} : vector<512x528xi32> to vector<64x16xi32>
    %slice3A_565 = vector.extract_strided_slice %or3A {offsets = [192, 344], sizes = [64, 16], strides = [1, 1]} : vector<512x528xi32> to vector<64x16xi32>
    %slice3A_566 = vector.extract_strided_slice %or3A {offsets = [256, 344], sizes = [64, 16], strides = [1, 1]} : vector<512x528xi32> to vector<64x16xi32>
    %slice3A_567 = vector.extract_strided_slice %or3A {offsets = [320, 344], sizes = [64, 16], strides = [1, 1]} : vector<512x528xi32> to vector<64x16xi32>
    %slice3A_568 = vector.extract_strided_slice %or3A {offsets = [384, 344], sizes = [64, 16], strides = [1, 1]} : vector<512x528xi32> to vector<64x16xi32>
    %slice3A_569 = vector.extract_strided_slice %or3A {offsets = [448, 344], sizes = [64, 16], strides = [1, 1]} : vector<512x528xi32> to vector<64x16xi32>
    %concatenate3A_570 = tpu.concatenate %slice3A_562, %slice3A_563, %slice3A_564, %slice3A_565, %slice3A_566, %slice3A_567, %slice3A_568, %slice3A_569 in 1 : vector<64x16xi32>, vector<64x16xi32>, vector<64x16xi32>, vector<64x16xi32>, vector<64x16xi32>, vector<64x16xi32>, vector<64x16xi32>, vector<64x16xi32> -> vector<64x128xi32>
    %swap3A_571 = arith.constant 2752 : index
    %swap3A_572 = arith.constant 0 : index
    %swap3A_573 = vector.load %arg7[%swap3A_571, %swap3A_572] : memref<4096x128xi32, #tpu.memory_space<vmem>>, vector<64x128xi32>
    tpu.vector_store %arg7[%swap3A_571, %swap3A_572], %concatenate3A_570 {strides = array<i32>} : memref<4096x128xi32, #tpu.memory_space<vmem>>, vector<64x128xi32>,
    %slice3A_574 = vector.extract_strided_slice %or3A {offsets = [0, 352], sizes = [64, 16], strides = [1, 1]} : vector<512x528xi32> to vector<64x16xi32>
    %slice3A_575 = vector.extract_strided_slice %or3A {offsets = [64, 352], sizes = [64, 16], strides = [1, 1]} : vector<512x528xi32> to vector<64x16xi32>
    %slice3A_576 = vector.extract_strided_slice %or3A {offsets = [128, 352], sizes = [64, 16], strides = [1, 1]} : vector<512x528xi32> to vector<64x16xi32>
    %slice3A_577 = vector.extract_strided_slice %or3A {offsets = [192, 352], sizes = [64, 16], strides = [1, 1]} : vector<512x528xi32> to vector<64x16xi32>
    %slice3A_578 = vector.extract_strided_slice %or3A {offsets = [256, 352], sizes = [64, 16], strides = [1, 1]} : vector<512x528xi32> to vector<64x16xi32>
    %slice3A_579 = vector.extract_strided_slice %or3A {offsets = [320, 352], sizes = [64, 16], strides = [1, 1]} : vector<512x528xi32> to vector<64x16xi32>
    %slice3A_580 = vector.extract_strided_slice %or3A {offsets = [384, 352], sizes = [64, 16], strides = [1, 1]} : vector<512x528xi32> to vector<64x16xi32>
    %slice3A_581 = vector.extract_strided_slice %or3A {offsets = [448, 352], sizes = [64, 16], strides = [1, 1]} : vector<512x528xi32> to vector<64x16xi32>
    %concatenate3A_582 = tpu.concatenate %slice3A_574, %slice3A_575, %slice3A_576, %slice3A_577, %slice3A_578, %slice3A_579, %slice3A_580, %slice3A_581 in 1 : vector<64x16xi32>, vector<64x16xi32>, vector<64x16xi32>, vector<64x16xi32>, vector<64x16xi32>, vector<64x16xi32>, vector<64x16xi32>, vector<64x16xi32> -> vector<64x128xi32>
    %swap3A_583 = arith.constant 2816 : index
    %swap3A_584 = arith.constant 0 : index
    %swap3A_585 = vector.load %arg7[%swap3A_583, %swap3A_584] : memref<4096x128xi32, #tpu.memory_space<vmem>>, vector<64x128xi32>
    tpu.vector_store %arg7[%swap3A_583, %swap3A_584], %concatenate3A_582 {strides = array<i32>} : memref<4096x128xi32, #tpu.memory_space<vmem>>, vector<64x128xi32>,
    %slice3A_586 = vector.extract_strided_slice %or3A {offsets = [0, 360], sizes = [64, 16], strides = [1, 1]} : vector<512x528xi32> to vector<64x16xi32>
    %slice3A_587 = vector.extract_strided_slice %or3A {offsets = [64, 360], sizes = [64, 16], strides = [1, 1]} : vector<512x528xi32> to vector<64x16xi32>
    %slice3A_588 = vector.extract_strided_slice %or3A {offsets = [128, 360], sizes = [64, 16], strides = [1, 1]} : vector<512x528xi32> to vector<64x16xi32>
    %slice3A_589 = vector.extract_strided_slice %or3A {offsets = [192, 360], sizes = [64, 16], strides = [1, 1]} : vector<512x528xi32> to vector<64x16xi32>
    %slice3A_590 = vector.extract_strided_slice %or3A {offsets = [256, 360], sizes = [64, 16], strides = [1, 1]} : vector<512x528xi32> to vector<64x16xi32>
    %slice3A_591 = vector.extract_strided_slice %or3A {offsets = [320, 360], sizes = [64, 16], strides = [1, 1]} : vector<512x528xi32> to vector<64x16xi32>
    %slice3A_592 = vector.extract_strided_slice %or3A {offsets = [384, 360], sizes = [64, 16], strides = [1, 1]} : vector<512x528xi32> to vector<64x16xi32>
    %slice3A_593 = vector.extract_strided_slice %or3A {offsets = [448, 360], sizes = [64, 16], strides = [1, 1]} : vector<512x528xi32> to vector<64x16xi32>
    %concatenate3A_594 = tpu.concatenate %slice3A_586, %slice3A_587, %slice3A_588, %slice3A_589, %slice3A_590, %slice3A_591, %slice3A_592, %slice3A_593 in 1 : vector<64x16xi32>, vector<64x16xi32>, vector<64x16xi32>, vector<64x16xi32>, vector<64x16xi32>, vector<64x16xi32>, vector<64x16xi32>, vector<64x16xi32> -> vector<64x128xi32>
    %swap3A_595 = arith.constant 2880 : index
    %swap3A_596 = arith.constant 0 : index
    %swap3A_597 = vector.load %arg7[%swap3A_595, %swap3A_596] : memref<4096x128xi32, #tpu.memory_space<vmem>>, vector<64x128xi32>
    tpu.vector_store %arg7[%swap3A_595, %swap3A_596], %concatenate3A_594 {strides = array<i32>} : memref<4096x128xi32, #tpu.memory_space<vmem>>, vector<64x128xi32>,
    %slice3A_598 = vector.extract_strided_slice %or3A {offsets = [0, 368], sizes = [64, 16], strides = [1, 1]} : vector<512x528xi32> to vector<64x16xi32>
    %slice3A_599 = vector.extract_strided_slice %or3A {offsets = [64, 368], sizes = [64, 16], strides = [1, 1]} : vector<512x528xi32> to vector<64x16xi32>
    %slice3A_600 = vector.extract_strided_slice %or3A {offsets = [128, 368], sizes = [64, 16], strides = [1, 1]} : vector<512x528xi32> to vector<64x16xi32>
    %slice3A_601 = vector.extract_strided_slice %or3A {offsets = [192, 368], sizes = [64, 16], strides = [1, 1]} : vector<512x528xi32> to vector<64x16xi32>
    %slice3A_602 = vector.extract_strided_slice %or3A {offsets = [256, 368], sizes = [64, 16], strides = [1, 1]} : vector<512x528xi32> to vector<64x16xi32>
    %slice3A_603 = vector.extract_strided_slice %or3A {offsets = [320, 368], sizes = [64, 16], strides = [1, 1]} : vector<512x528xi32> to vector<64x16xi32>
    %slice3A_604 = vector.extract_strided_slice %or3A {offsets = [384, 368], sizes = [64, 16], strides = [1, 1]} : vector<512x528xi32> to vector<64x16xi32>
    %slice3A_605 = vector.extract_strided_slice %or3A {offsets = [448, 368], sizes = [64, 16], strides = [1, 1]} : vector<512x528xi32> to vector<64x16xi32>
    %concatenate3A_606 = tpu.concatenate %slice3A_598, %slice3A_599, %slice3A_600, %slice3A_601, %slice3A_602, %slice3A_603, %slice3A_604, %slice3A_605 in 1 : vector<64x16xi32>, vector<64x16xi32>, vector<64x16xi32>, vector<64x16xi32>, vector<64x16xi32>, vector<64x16xi32>, vector<64x16xi32>, vector<64x16xi32> -> vector<64x128xi32>
    %swap3A_607 = arith.constant 2944 : index
    %swap3A_608 = arith.constant 0 : index
    %swap3A_609 = vector.load %arg7[%swap3A_607, %swap3A_608] : memref<4096x128xi32, #tpu.memory_space<vmem>>, vector<64x128xi32>
    tpu.vector_store %arg7[%swap3A_607, %swap3A_608], %concatenate3A_606 {strides = array<i32>} : memref<4096x128xi32, #tpu.memory_space<vmem>>, vector<64x128xi32>,
    %slice3A_610 = vector.extract_strided_slice %or3A {offsets = [0, 376], sizes = [64, 16], strides = [1, 1]} : vector<512x528xi32> to vector<64x16xi32>
    %slice3A_611 = vector.extract_strided_slice %or3A {offsets = [64, 376], sizes = [64, 16], strides = [1, 1]} : vector<512x528xi32> to vector<64x16xi32>
    %slice3A_612 = vector.extract_strided_slice %or3A {offsets = [128, 376], sizes = [64, 16], strides = [1, 1]} : vector<512x528xi32> to vector<64x16xi32>
    %slice3A_613 = vector.extract_strided_slice %or3A {offsets = [192, 376], sizes = [64, 16], strides = [1, 1]} : vector<512x528xi32> to vector<64x16xi32>
    %slice3A_614 = vector.extract_strided_slice %or3A {offsets = [256, 376], sizes = [64, 16], strides = [1, 1]} : vector<512x528xi32> to vector<64x16xi32>
    %slice3A_615 = vector.extract_strided_slice %or3A {offsets = [320, 376], sizes = [64, 16], strides = [1, 1]} : vector<512x528xi32> to vector<64x16xi32>
    %slice3A_616 = vector.extract_strided_slice %or3A {offsets = [384, 376], sizes = [64, 16], strides = [1, 1]} : vector<512x528xi32> to vector<64x16xi32>
    %slice3A_617 = vector.extract_strided_slice %or3A {offsets = [448, 376], sizes = [64, 16], strides = [1, 1]} : vector<512x528xi32> to vector<64x16xi32>
    %concatenate3A_618 = tpu.concatenate %slice3A_610, %slice3A_611, %slice3A_612, %slice3A_613, %slice3A_614, %slice3A_615, %slice3A_616, %slice3A_617 in 1 : vector<64x16xi32>, vector<64x16xi32>, vector<64x16xi32>, vector<64x16xi32>, vector<64x16xi32>, vector<64x16xi32>, vector<64x16xi32>, vector<64x16xi32> -> vector<64x128xi32>
    %swap3A_619 = arith.constant 3008 : index
    %swap3A_620 = arith.constant 0 : index
    %swap3A_621 = vector.load %arg7[%swap3A_619, %swap3A_620] : memref<4096x128xi32, #tpu.memory_space<vmem>>, vector<64x128xi32>
    tpu.vector_store %arg7[%swap3A_619, %swap3A_620], %concatenate3A_618 {strides = array<i32>} : memref<4096x128xi32, #tpu.memory_space<vmem>>, vector<64x128xi32>,
    %slice3A_622 = vector.extract_strided_slice %or3A {offsets = [0, 384], sizes = [64, 16], strides = [1, 1]} : vector<512x528xi32> to vector<64x16xi32>
    %slice3A_623 = vector.extract_strided_slice %or3A {offsets = [64, 384], sizes = [64, 16], strides = [1, 1]} : vector<512x528xi32> to vector<64x16xi32>
    %slice3A_624 = vector.extract_strided_slice %or3A {offsets = [128, 384], sizes = [64, 16], strides = [1, 1]} : vector<512x528xi32> to vector<64x16xi32>
    %slice3A_625 = vector.extract_strided_slice %or3A {offsets = [192, 384], sizes = [64, 16], strides = [1, 1]} : vector<512x528xi32> to vector<64x16xi32>
    %slice3A_626 = vector.extract_strided_slice %or3A {offsets = [256, 384], sizes = [64, 16], strides = [1, 1]} : vector<512x528xi32> to vector<64x16xi32>
    %slice3A_627 = vector.extract_strided_slice %or3A {offsets = [320, 384], sizes = [64, 16], strides = [1, 1]} : vector<512x528xi32> to vector<64x16xi32>
    %slice3A_628 = vector.extract_strided_slice %or3A {offsets = [384, 384], sizes = [64, 16], strides = [1, 1]} : vector<512x528xi32> to vector<64x16xi32>
    %slice3A_629 = vector.extract_strided_slice %or3A {offsets = [448, 384], sizes = [64, 16], strides = [1, 1]} : vector<512x528xi32> to vector<64x16xi32>
    %concatenate3A_630 = tpu.concatenate %slice3A_622, %slice3A_623, %slice3A_624, %slice3A_625, %slice3A_626, %slice3A_627, %slice3A_628, %slice3A_629 in 1 : vector<64x16xi32>, vector<64x16xi32>, vector<64x16xi32>, vector<64x16xi32>, vector<64x16xi32>, vector<64x16xi32>, vector<64x16xi32>, vector<64x16xi32> -> vector<64x128xi32>
    %swap3A_631 = arith.constant 3072 : index
    %swap3A_632 = arith.constant 0 : index
    %swap3A_633 = vector.load %arg7[%swap3A_631, %swap3A_632] : memref<4096x128xi32, #tpu.memory_space<vmem>>, vector<64x128xi32>
    tpu.vector_store %arg7[%swap3A_631, %swap3A_632], %concatenate3A_630 {strides = array<i32>} : memref<4096x128xi32, #tpu.memory_space<vmem>>, vector<64x128xi32>,
    %slice3A_634 = vector.extract_strided_slice %or3A {offsets = [0, 392], sizes = [64, 16], strides = [1, 1]} : vector<512x528xi32> to vector<64x16xi32>
    %slice3A_635 = vector.extract_strided_slice %or3A {offsets = [64, 392], sizes = [64, 16], strides = [1, 1]} : vector<512x528xi32> to vector<64x16xi32>
    %slice3A_636 = vector.extract_strided_slice %or3A {offsets = [128, 392], sizes = [64, 16], strides = [1, 1]} : vector<512x528xi32> to vector<64x16xi32>
    %slice3A_637 = vector.extract_strided_slice %or3A {offsets = [192, 392], sizes = [64, 16], strides = [1, 1]} : vector<512x528xi32> to vector<64x16xi32>
    %slice3A_638 = vector.extract_strided_slice %or3A {offsets = [256, 392], sizes = [64, 16], strides = [1, 1]} : vector<512x528xi32> to vector<64x16xi32>
    %slice3A_639 = vector.extract_strided_slice %or3A {offsets = [320, 392], sizes = [64, 16], strides = [1, 1]} : vector<512x528xi32> to vector<64x16xi32>
    %slice3A_640 = vector.extract_strided_slice %or3A {offsets = [384, 392], sizes = [64, 16], strides = [1, 1]} : vector<512x528xi32> to vector<64x16xi32>
    %slice3A_641 = vector.extract_strided_slice %or3A {offsets = [448, 392], sizes = [64, 16], strides = [1, 1]} : vector<512x528xi32> to vector<64x16xi32>
    %concatenate3A_642 = tpu.concatenate %slice3A_634, %slice3A_635, %slice3A_636, %slice3A_637, %slice3A_638, %slice3A_639, %slice3A_640, %slice3A_641 in 1 : vector<64x16xi32>, vector<64x16xi32>, vector<64x16xi32>, vector<64x16xi32>, vector<64x16xi32>, vector<64x16xi32>, vector<64x16xi32>, vector<64x16xi32> -> vector<64x128xi32>
    %swap3A_643 = arith.constant 3136 : index
    %swap3A_644 = arith.constant 0 : index
    %swap3A_645 = vector.load %arg7[%swap3A_643, %swap3A_644] : memref<4096x128xi32, #tpu.memory_space<vmem>>, vector<64x128xi32>
    tpu.vector_store %arg7[%swap3A_643, %swap3A_644], %concatenate3A_642 {strides = array<i32>} : memref<4096x128xi32, #tpu.memory_space<vmem>>, vector<64x128xi32>,
    %slice3A_646 = vector.extract_strided_slice %or3A {offsets = [0, 400], sizes = [64, 16], strides = [1, 1]} : vector<512x528xi32> to vector<64x16xi32>
    %slice3A_647 = vector.extract_strided_slice %or3A {offsets = [64, 400], sizes = [64, 16], strides = [1, 1]} : vector<512x528xi32> to vector<64x16xi32>
    %slice3A_648 = vector.extract_strided_slice %or3A {offsets = [128, 400], sizes = [64, 16], strides = [1, 1]} : vector<512x528xi32> to vector<64x16xi32>
    %slice3A_649 = vector.extract_strided_slice %or3A {offsets = [192, 400], sizes = [64, 16], strides = [1, 1]} : vector<512x528xi32> to vector<64x16xi32>
    %slice3A_650 = vector.extract_strided_slice %or3A {offsets = [256, 400], sizes = [64, 16], strides = [1, 1]} : vector<512x528xi32> to vector<64x16xi32>
    %slice3A_651 = vector.extract_strided_slice %or3A {offsets = [320, 400], sizes = [64, 16], strides = [1, 1]} : vector<512x528xi32> to vector<64x16xi32>
    %slice3A_652 = vector.extract_strided_slice %or3A {offsets = [384, 400], sizes = [64, 16], strides = [1, 1]} : vector<512x528xi32> to vector<64x16xi32>
    %slice3A_653 = vector.extract_strided_slice %or3A {offsets = [448, 400], sizes = [64, 16], strides = [1, 1]} : vector<512x528xi32> to vector<64x16xi32>
    %concatenate3A_654 = tpu.concatenate %slice3A_646, %slice3A_647, %slice3A_648, %slice3A_649, %slice3A_650, %slice3A_651, %slice3A_652, %slice3A_653 in 1 : vector<64x16xi32>, vector<64x16xi32>, vector<64x16xi32>, vector<64x16xi32>, vector<64x16xi32>, vector<64x16xi32>, vector<64x16xi32>, vector<64x16xi32> -> vector<64x128xi32>
    %swap3A_655 = arith.constant 3200 : index
    %swap3A_656 = arith.constant 0 : index
    %swap3A_657 = vector.load %arg7[%swap3A_655, %swap3A_656] : memref<4096x128xi32, #tpu.memory_space<vmem>>, vector<64x128xi32>
    tpu.vector_store %arg7[%swap3A_655, %swap3A_656], %concatenate3A_654 {strides = array<i32>} : memref<4096x128xi32, #tpu.memory_space<vmem>>, vector<64x128xi32>,
    %slice3A_658 = vector.extract_strided_slice %or3A {offsets = [0, 408], sizes = [64, 16], strides = [1, 1]} : vector<512x528xi32> to vector<64x16xi32>
    %slice3A_659 = vector.extract_strided_slice %or3A {offsets = [64, 408], sizes = [64, 16], strides = [1, 1]} : vector<512x528xi32> to vector<64x16xi32>
    %slice3A_660 = vector.extract_strided_slice %or3A {offsets = [128, 408], sizes = [64, 16], strides = [1, 1]} : vector<512x528xi32> to vector<64x16xi32>
    %slice3A_661 = vector.extract_strided_slice %or3A {offsets = [192, 408], sizes = [64, 16], strides = [1, 1]} : vector<512x528xi32> to vector<64x16xi32>
    %slice3A_662 = vector.extract_strided_slice %or3A {offsets = [256, 408], sizes = [64, 16], strides = [1, 1]} : vector<512x528xi32> to vector<64x16xi32>
    %slice3A_663 = vector.extract_strided_slice %or3A {offsets = [320, 408], sizes = [64, 16], strides = [1, 1]} : vector<512x528xi32> to vector<64x16xi32>
    %slice3A_664 = vector.extract_strided_slice %or3A {offsets = [384, 408], sizes = [64, 16], strides = [1, 1]} : vector<512x528xi32> to vector<64x16xi32>
    %slice3A_665 = vector.extract_strided_slice %or3A {offsets = [448, 408], sizes = [64, 16], strides = [1, 1]} : vector<512x528xi32> to vector<64x16xi32>
    %concatenate3A_666 = tpu.concatenate %slice3A_658, %slice3A_659, %slice3A_660, %slice3A_661, %slice3A_662, %slice3A_663, %slice3A_664, %slice3A_665 in 1 : vector<64x16xi32>, vector<64x16xi32>, vector<64x16xi32>, vector<64x16xi32>, vector<64x16xi32>, vector<64x16xi32>, vector<64x16xi32>, vector<64x16xi32> -> vector<64x128xi32>
    %swap3A_667 = arith.constant 3264 : index
    %swap3A_668 = arith.constant 0 : index
    %swap3A_669 = vector.load %arg7[%swap3A_667, %swap3A_668] : memref<4096x128xi32, #tpu.memory_space<vmem>>, vector<64x128xi32>
    tpu.vector_store %arg7[%swap3A_667, %swap3A_668], %concatenate3A_666 {strides = array<i32>} : memref<4096x128xi32, #tpu.memory_space<vmem>>, vector<64x128xi32>,
    %slice3A_670 = vector.extract_strided_slice %or3A {offsets = [0, 416], sizes = [64, 16], strides = [1, 1]} : vector<512x528xi32> to vector<64x16xi32>
    %slice3A_671 = vector.extract_strided_slice %or3A {offsets = [64, 416], sizes = [64, 16], strides = [1, 1]} : vector<512x528xi32> to vector<64x16xi32>
    %slice3A_672 = vector.extract_strided_slice %or3A {offsets = [128, 416], sizes = [64, 16], strides = [1, 1]} : vector<512x528xi32> to vector<64x16xi32>
    %slice3A_673 = vector.extract_strided_slice %or3A {offsets = [192, 416], sizes = [64, 16], strides = [1, 1]} : vector<512x528xi32> to vector<64x16xi32>
    %slice3A_674 = vector.extract_strided_slice %or3A {offsets = [256, 416], sizes = [64, 16], strides = [1, 1]} : vector<512x528xi32> to vector<64x16xi32>
    %slice3A_675 = vector.extract_strided_slice %or3A {offsets = [320, 416], sizes = [64, 16], strides = [1, 1]} : vector<512x528xi32> to vector<64x16xi32>
    %slice3A_676 = vector.extract_strided_slice %or3A {offsets = [384, 416], sizes = [64, 16], strides = [1, 1]} : vector<512x528xi32> to vector<64x16xi32>
    %slice3A_677 = vector.extract_strided_slice %or3A {offsets = [448, 416], sizes = [64, 16], strides = [1, 1]} : vector<512x528xi32> to vector<64x16xi32>
    %concatenate3A_678 = tpu.concatenate %slice3A_670, %slice3A_671, %slice3A_672, %slice3A_673, %slice3A_674, %slice3A_675, %slice3A_676, %slice3A_677 in 1 : vector<64x16xi32>, vector<64x16xi32>, vector<64x16xi32>, vector<64x16xi32>, vector<64x16xi32>, vector<64x16xi32>, vector<64x16xi32>, vector<64x16xi32> -> vector<64x128xi32>
    %swap3A_679 = arith.constant 3328 : index
    %swap3A_680 = arith.constant 0 : index
    %swap3A_681 = vector.load %arg7[%swap3A_679, %swap3A_680] : memref<4096x128xi32, #tpu.memory_space<vmem>>, vector<64x128xi32>
    tpu.vector_store %arg7[%swap3A_679, %swap3A_680], %concatenate3A_678 {strides = array<i32>} : memref<4096x128xi32, #tpu.memory_space<vmem>>, vector<64x128xi32>,
    %slice3A_682 = vector.extract_strided_slice %or3A {offsets = [0, 424], sizes = [64, 16], strides = [1, 1]} : vector<512x528xi32> to vector<64x16xi32>
    %slice3A_683 = vector.extract_strided_slice %or3A {offsets = [64, 424], sizes = [64, 16], strides = [1, 1]} : vector<512x528xi32> to vector<64x16xi32>
    %slice3A_684 = vector.extract_strided_slice %or3A {offsets = [128, 424], sizes = [64, 16], strides = [1, 1]} : vector<512x528xi32> to vector<64x16xi32>
    %slice3A_685 = vector.extract_strided_slice %or3A {offsets = [192, 424], sizes = [64, 16], strides = [1, 1]} : vector<512x528xi32> to vector<64x16xi32>
    %slice3A_686 = vector.extract_strided_slice %or3A {offsets = [256, 424], sizes = [64, 16], strides = [1, 1]} : vector<512x528xi32> to vector<64x16xi32>
    %slice3A_687 = vector.extract_strided_slice %or3A {offsets = [320, 424], sizes = [64, 16], strides = [1, 1]} : vector<512x528xi32> to vector<64x16xi32>
    %slice3A_688 = vector.extract_strided_slice %or3A {offsets = [384, 424], sizes = [64, 16], strides = [1, 1]} : vector<512x528xi32> to vector<64x16xi32>
    %slice3A_689 = vector.extract_strided_slice %or3A {offsets = [448, 424], sizes = [64, 16], strides = [1, 1]} : vector<512x528xi32> to vector<64x16xi32>
    %concatenate3A_690 = tpu.concatenate %slice3A_682, %slice3A_683, %slice3A_684, %slice3A_685, %slice3A_686, %slice3A_687, %slice3A_688, %slice3A_689 in 1 : vector<64x16xi32>, vector<64x16xi32>, vector<64x16xi32>, vector<64x16xi32>, vector<64x16xi32>, vector<64x16xi32>, vector<64x16xi32>, vector<64x16xi32> -> vector<64x128xi32>
    %swap3A_691 = arith.constant 3392 : index
    %swap3A_692 = arith.constant 0 : index
    %swap3A_693 = vector.load %arg7[%swap3A_691, %swap3A_692] : memref<4096x128xi32, #tpu.memory_space<vmem>>, vector<64x128xi32>
    tpu.vector_store %arg7[%swap3A_691, %swap3A_692], %concatenate3A_690 {strides = array<i32>} : memref<4096x128xi32, #tpu.memory_space<vmem>>, vector<64x128xi32>,
    %slice3A_694 = vector.extract_strided_slice %or3A {offsets = [0, 432], sizes = [64, 16], strides = [1, 1]} : vector<512x528xi32> to vector<64x16xi32>
    %slice3A_695 = vector.extract_strided_slice %or3A {offsets = [64, 432], sizes = [64, 16], strides = [1, 1]} : vector<512x528xi32> to vector<64x16xi32>
    %slice3A_696 = vector.extract_strided_slice %or3A {offsets = [128, 432], sizes = [64, 16], strides = [1, 1]} : vector<512x528xi32> to vector<64x16xi32>
    %slice3A_697 = vector.extract_strided_slice %or3A {offsets = [192, 432], sizes = [64, 16], strides = [1, 1]} : vector<512x528xi32> to vector<64x16xi32>
    %slice3A_698 = vector.extract_strided_slice %or3A {offsets = [256, 432], sizes = [64, 16], strides = [1, 1]} : vector<512x528xi32> to vector<64x16xi32>
    %slice3A_699 = vector.extract_strided_slice %or3A {offsets = [320, 432], sizes = [64, 16], strides = [1, 1]} : vector<512x528xi32> to vector<64x16xi32>
    %slice3A_700 = vector.extract_strided_slice %or3A {offsets = [384, 432], sizes = [64, 16], strides = [1, 1]} : vector<512x528xi32> to vector<64x16xi32>
    %slice3A_701 = vector.extract_strided_slice %or3A {offsets = [448, 432], sizes = [64, 16], strides = [1, 1]} : vector<512x528xi32> to vector<64x16xi32>
    %concatenate3A_702 = tpu.concatenate %slice3A_694, %slice3A_695, %slice3A_696, %slice3A_697, %slice3A_698, %slice3A_699, %slice3A_700, %slice3A_701 in 1 : vector<64x16xi32>, vector<64x16xi32>, vector<64x16xi32>, vector<64x16xi32>, vector<64x16xi32>, vector<64x16xi32>, vector<64x16xi32>, vector<64x16xi32> -> vector<64x128xi32>
    %swap3A_703 = arith.constant 3456 : index
    %swap3A_704 = arith.constant 0 : index
    %swap3A_705 = vector.load %arg7[%swap3A_703, %swap3A_704] : memref<4096x128xi32, #tpu.memory_space<vmem>>, vector<64x128xi32>
    tpu.vector_store %arg7[%swap3A_703, %swap3A_704], %concatenate3A_702 {strides = array<i32>} : memref<4096x128xi32, #tpu.memory_space<vmem>>, vector<64x128xi32>,
    %slice3A_706 = vector.extract_strided_slice %or3A {offsets = [0, 440], sizes = [64, 16], strides = [1, 1]} : vector<512x528xi32> to vector<64x16xi32>
    %slice3A_707 = vector.extract_strided_slice %or3A {offsets = [64, 440], sizes = [64, 16], strides = [1, 1]} : vector<512x528xi32> to vector<64x16xi32>
    %slice3A_708 = vector.extract_strided_slice %or3A {offsets = [128, 440], sizes = [64, 16], strides = [1, 1]} : vector<512x528xi32> to vector<64x16xi32>
    %slice3A_709 = vector.extract_strided_slice %or3A {offsets = [192, 440], sizes = [64, 16], strides = [1, 1]} : vector<512x528xi32> to vector<64x16xi32>
    %slice3A_710 = vector.extract_strided_slice %or3A {offsets = [256, 440], sizes = [64, 16], strides = [1, 1]} : vector<512x528xi32> to vector<64x16xi32>
    %slice3A_711 = vector.extract_strided_slice %or3A {offsets = [320, 440], sizes = [64, 16], strides = [1, 1]} : vector<512x528xi32> to vector<64x16xi32>
    %slice3A_712 = vector.extract_strided_slice %or3A {offsets = [384, 440], sizes = [64, 16], strides = [1, 1]} : vector<512x528xi32> to vector<64x16xi32>
    %slice3A_713 = vector.extract_strided_slice %or3A {offsets = [448, 440], sizes = [64, 16], strides = [1, 1]} : vector<512x528xi32> to vector<64x16xi32>
    %concatenate3A_714 = tpu.concatenate %slice3A_706, %slice3A_707, %slice3A_708, %slice3A_709, %slice3A_710, %slice3A_711, %slice3A_712, %slice3A_713 in 1 : vector<64x16xi32>, vector<64x16xi32>, vector<64x16xi32>, vector<64x16xi32>, vector<64x16xi32>, vector<64x16xi32>, vector<64x16xi32>, vector<64x16xi32> -> vector<64x128xi32>
    %swap3A_715 = arith.constant 3520 : index
    %swap3A_716 = arith.constant 0 : index
    %swap3A_717 = vector.load %arg7[%swap3A_715, %swap3A_716] : memref<4096x128xi32, #tpu.memory_space<vmem>>, vector<64x128xi32>
    tpu.vector_store %arg7[%swap3A_715, %swap3A_716], %concatenate3A_714 {strides = array<i32>} : memref<4096x128xi32, #tpu.memory_space<vmem>>, vector<64x128xi32>,
    %slice3A_718 = vector.extract_strided_slice %or3A {offsets = [0, 448], sizes = [64, 16], strides = [1, 1]} : vector<512x528xi32> to vector<64x16xi32>
    %slice3A_719 = vector.extract_strided_slice %or3A {offsets = [64, 448], sizes = [64, 16], strides = [1, 1]} : vector<512x528xi32> to vector<64x16xi32>
    %slice3A_720 = vector.extract_strided_slice %or3A {offsets = [128, 448], sizes = [64, 16], strides = [1, 1]} : vector<512x528xi32> to vector<64x16xi32>
    %slice3A_721 = vector.extract_strided_slice %or3A {offsets = [192, 448], sizes = [64, 16], strides = [1, 1]} : vector<512x528xi32> to vector<64x16xi32>
    %slice3A_722 = vector.extract_strided_slice %or3A {offsets = [256, 448], sizes = [64, 16], strides = [1, 1]} : vector<512x528xi32> to vector<64x16xi32>
    %slice3A_723 = vector.extract_strided_slice %or3A {offsets = [320, 448], sizes = [64, 16], strides = [1, 1]} : vector<512x528xi32> to vector<64x16xi32>
    %slice3A_724 = vector.extract_strided_slice %or3A {offsets = [384, 448], sizes = [64, 16], strides = [1, 1]} : vector<512x528xi32> to vector<64x16xi32>
    %slice3A_725 = vector.extract_strided_slice %or3A {offsets = [448, 448], sizes = [64, 16], strides = [1, 1]} : vector<512x528xi32> to vector<64x16xi32>
    %concatenate3A_726 = tpu.concatenate %slice3A_718, %slice3A_719, %slice3A_720, %slice3A_721, %slice3A_722, %slice3A_723, %slice3A_724, %slice3A_725 in 1 : vector<64x16xi32>, vector<64x16xi32>, vector<64x16xi32>, vector<64x16xi32>, vector<64x16xi32>, vector<64x16xi32>, vector<64x16xi32>, vector<64x16xi32> -> vector<64x128xi32>
    %swap3A_727 = arith.constant 3584 : index
    %swap3A_728 = arith.constant 0 : index
    %swap3A_729 = vector.load %arg7[%swap3A_727, %swap3A_728] : memref<4096x128xi32, #tpu.memory_space<vmem>>, vector<64x128xi32>
    tpu.vector_store %arg7[%swap3A_727, %swap3A_728], %concatenate3A_726 {strides = array<i32>} : memref<4096x128xi32, #tpu.memory_space<vmem>>, vector<64x128xi32>,
    %slice3A_730 = vector.extract_strided_slice %or3A {offsets = [0, 456], sizes = [64, 16], strides = [1, 1]} : vector<512x528xi32> to vector<64x16xi32>
    %slice3A_731 = vector.extract_strided_slice %or3A {offsets = [64, 456], sizes = [64, 16], strides = [1, 1]} : vector<512x528xi32> to vector<64x16xi32>
    %slice3A_732 = vector.extract_strided_slice %or3A {offsets = [128, 456], sizes = [64, 16], strides = [1, 1]} : vector<512x528xi32> to vector<64x16xi32>
    %slice3A_733 = vector.extract_strided_slice %or3A {offsets = [192, 456], sizes = [64, 16], strides = [1, 1]} : vector<512x528xi32> to vector<64x16xi32>
    %slice3A_734 = vector.extract_strided_slice %or3A {offsets = [256, 456], sizes = [64, 16], strides = [1, 1]} : vector<512x528xi32> to vector<64x16xi32>
    %slice3A_735 = vector.extract_strided_slice %or3A {offsets = [320, 456], sizes = [64, 16], strides = [1, 1]} : vector<512x528xi32> to vector<64x16xi32>
    %slice3A_736 = vector.extract_strided_slice %or3A {offsets = [384, 456], sizes = [64, 16], strides = [1, 1]} : vector<512x528xi32> to vector<64x16xi32>
    %slice3A_737 = vector.extract_strided_slice %or3A {offsets = [448, 456], sizes = [64, 16], strides = [1, 1]} : vector<512x528xi32> to vector<64x16xi32>
    %concatenate3A_738 = tpu.concatenate %slice3A_730, %slice3A_731, %slice3A_732, %slice3A_733, %slice3A_734, %slice3A_735, %slice3A_736, %slice3A_737 in 1 : vector<64x16xi32>, vector<64x16xi32>, vector<64x16xi32>, vector<64x16xi32>, vector<64x16xi32>, vector<64x16xi32>, vector<64x16xi32>, vector<64x16xi32> -> vector<64x128xi32>
    %swap3A_739 = arith.constant 3648 : index
    %swap3A_740 = arith.constant 0 : index
    %swap3A_741 = vector.load %arg7[%swap3A_739, %swap3A_740] : memref<4096x128xi32, #tpu.memory_space<vmem>>, vector<64x128xi32>
    tpu.vector_store %arg7[%swap3A_739, %swap3A_740], %concatenate3A_738 {strides = array<i32>} : memref<4096x128xi32, #tpu.memory_space<vmem>>, vector<64x128xi32>,
    %slice3A_742 = vector.extract_strided_slice %or3A {offsets = [0, 464], sizes = [64, 16], strides = [1, 1]} : vector<512x528xi32> to vector<64x16xi32>
    %slice3A_743 = vector.extract_strided_slice %or3A {offsets = [64, 464], sizes = [64, 16], strides = [1, 1]} : vector<512x528xi32> to vector<64x16xi32>
    %slice3A_744 = vector.extract_strided_slice %or3A {offsets = [128, 464], sizes = [64, 16], strides = [1, 1]} : vector<512x528xi32> to vector<64x16xi32>
    %slice3A_745 = vector.extract_strided_slice %or3A {offsets = [192, 464], sizes = [64, 16], strides = [1, 1]} : vector<512x528xi32> to vector<64x16xi32>
    %slice3A_746 = vector.extract_strided_slice %or3A {offsets = [256, 464], sizes = [64, 16], strides = [1, 1]} : vector<512x528xi32> to vector<64x16xi32>
    %slice3A_747 = vector.extract_strided_slice %or3A {offsets = [320, 464], sizes = [64, 16], strides = [1, 1]} : vector<512x528xi32> to vector<64x16xi32>
    %slice3A_748 = vector.extract_strided_slice %or3A {offsets = [384, 464], sizes = [64, 16], strides = [1, 1]} : vector<512x528xi32> to vector<64x16xi32>
    %slice3A_749 = vector.extract_strided_slice %or3A {offsets = [448, 464], sizes = [64, 16], strides = [1, 1]} : vector<512x528xi32> to vector<64x16xi32>
    %concatenate3A_750 = tpu.concatenate %slice3A_742, %slice3A_743, %slice3A_744, %slice3A_745, %slice3A_746, %slice3A_747, %slice3A_748, %slice3A_749 in 1 : vector<64x16xi32>, vector<64x16xi32>, vector<64x16xi32>, vector<64x16xi32>, vector<64x16xi32>, vector<64x16xi32>, vector<64x16xi32>, vector<64x16xi32> -> vector<64x128xi32>
    %swap3A_751 = arith.constant 3712 : index
    %swap3A_752 = arith.constant 0 : index
    %swap3A_753 = vector.load %arg7[%swap3A_751, %swap3A_752] : memref<4096x128xi32, #tpu.memory_space<vmem>>, vector<64x128xi32>
    tpu.vector_store %arg7[%swap3A_751, %swap3A_752], %concatenate3A_750 {strides = array<i32>} : memref<4096x128xi32, #tpu.memory_space<vmem>>, vector<64x128xi32>,
    %slice3A_754 = vector.extract_strided_slice %or3A {offsets = [0, 472], sizes = [64, 16], strides = [1, 1]} : vector<512x528xi32> to vector<64x16xi32>
    %slice3A_755 = vector.extract_strided_slice %or3A {offsets = [64, 472], sizes = [64, 16], strides = [1, 1]} : vector<512x528xi32> to vector<64x16xi32>
    %slice3A_756 = vector.extract_strided_slice %or3A {offsets = [128, 472], sizes = [64, 16], strides = [1, 1]} : vector<512x528xi32> to vector<64x16xi32>
    %slice3A_757 = vector.extract_strided_slice %or3A {offsets = [192, 472], sizes = [64, 16], strides = [1, 1]} : vector<512x528xi32> to vector<64x16xi32>
    %slice3A_758 = vector.extract_strided_slice %or3A {offsets = [256, 472], sizes = [64, 16], strides = [1, 1]} : vector<512x528xi32> to vector<64x16xi32>
    %slice3A_759 = vector.extract_strided_slice %or3A {offsets = [320, 472], sizes = [64, 16], strides = [1, 1]} : vector<512x528xi32> to vector<64x16xi32>
    %slice3A_760 = vector.extract_strided_slice %or3A {offsets = [384, 472], sizes = [64, 16], strides = [1, 1]} : vector<512x528xi32> to vector<64x16xi32>
    %slice3A_761 = vector.extract_strided_slice %or3A {offsets = [448, 472], sizes = [64, 16], strides = [1, 1]} : vector<512x528xi32> to vector<64x16xi32>
    %concatenate3A_762 = tpu.concatenate %slice3A_754, %slice3A_755, %slice3A_756, %slice3A_757, %slice3A_758, %slice3A_759, %slice3A_760, %slice3A_761 in 1 : vector<64x16xi32>, vector<64x16xi32>, vector<64x16xi32>, vector<64x16xi32>, vector<64x16xi32>, vector<64x16xi32>, vector<64x16xi32>, vector<64x16xi32> -> vector<64x128xi32>
    %swap3A_763 = arith.constant 3776 : index
    %swap3A_764 = arith.constant 0 : index
    %swap3A_765 = vector.load %arg7[%swap3A_763, %swap3A_764] : memref<4096x128xi32, #tpu.memory_space<vmem>>, vector<64x128xi32>
    tpu.vector_store %arg7[%swap3A_763, %swap3A_764], %concatenate3A_762 {strides = array<i32>} : memref<4096x128xi32, #tpu.memory_space<vmem>>, vector<64x128xi32>,
    %slice3A_766 = vector.extract_strided_slice %or3A {offsets = [0, 480], sizes = [64, 16], strides = [1, 1]} : vector<512x528xi32> to vector<64x16xi32>
    %slice3A_767 = vector.extract_strided_slice %or3A {offsets = [64, 480], sizes = [64, 16], strides = [1, 1]} : vector<512x528xi32> to vector<64x16xi32>
    %slice3A_768 = vector.extract_strided_slice %or3A {offsets = [128, 480], sizes = [64, 16], strides = [1, 1]} : vector<512x528xi32> to vector<64x16xi32>
    %slice3A_769 = vector.extract_strided_slice %or3A {offsets = [192, 480], sizes = [64, 16], strides = [1, 1]} : vector<512x528xi32> to vector<64x16xi32>
    %slice3A_770 = vector.extract_strided_slice %or3A {offsets = [256, 480], sizes = [64, 16], strides = [1, 1]} : vector<512x528xi32> to vector<64x16xi32>
    %slice3A_771 = vector.extract_strided_slice %or3A {offsets = [320, 480], sizes = [64, 16], strides = [1, 1]} : vector<512x528xi32> to vector<64x16xi32>
    %slice3A_772 = vector.extract_strided_slice %or3A {offsets = [384, 480], sizes = [64, 16], strides = [1, 1]} : vector<512x528xi32> to vector<64x16xi32>
    %slice3A_773 = vector.extract_strided_slice %or3A {offsets = [448, 480], sizes = [64, 16], strides = [1, 1]} : vector<512x528xi32> to vector<64x16xi32>
    %concatenate3A_774 = tpu.concatenate %slice3A_766, %slice3A_767, %slice3A_768, %slice3A_769, %slice3A_770, %slice3A_771, %slice3A_772, %slice3A_773 in 1 : vector<64x16xi32>, vector<64x16xi32>, vector<64x16xi32>, vector<64x16xi32>, vector<64x16xi32>, vector<64x16xi32>, vector<64x16xi32>, vector<64x16xi32> -> vector<64x128xi32>
    %swap3A_775 = arith.constant 3840 : index
    %swap3A_776 = arith.constant 0 : index
    %swap3A_777 = vector.load %arg7[%swap3A_775, %swap3A_776] : memref<4096x128xi32, #tpu.memory_space<vmem>>, vector<64x128xi32>
    tpu.vector_store %arg7[%swap3A_775, %swap3A_776], %concatenate3A_774 {strides = array<i32>} : memref<4096x128xi32, #tpu.memory_space<vmem>>, vector<64x128xi32>,
    %slice3A_778 = vector.extract_strided_slice %or3A {offsets = [0, 488], sizes = [64, 16], strides = [1, 1]} : vector<512x528xi32> to vector<64x16xi32>
    %slice3A_779 = vector.extract_strided_slice %or3A {offsets = [64, 488], sizes = [64, 16], strides = [1, 1]} : vector<512x528xi32> to vector<64x16xi32>
    %slice3A_780 = vector.extract_strided_slice %or3A {offsets = [128, 488], sizes = [64, 16], strides = [1, 1]} : vector<512x528xi32> to vector<64x16xi32>
    %slice3A_781 = vector.extract_strided_slice %or3A {offsets = [192, 488], sizes = [64, 16], strides = [1, 1]} : vector<512x528xi32> to vector<64x16xi32>
    %slice3A_782 = vector.extract_strided_slice %or3A {offsets = [256, 488], sizes = [64, 16], strides = [1, 1]} : vector<512x528xi32> to vector<64x16xi32>
    %slice3A_783 = vector.extract_strided_slice %or3A {offsets = [320, 488], sizes = [64, 16], strides = [1, 1]} : vector<512x528xi32> to vector<64x16xi32>
    %slice3A_784 = vector.extract_strided_slice %or3A {offsets = [384, 488], sizes = [64, 16], strides = [1, 1]} : vector<512x528xi32> to vector<64x16xi32>
    %slice3A_785 = vector.extract_strided_slice %or3A {offsets = [448, 488], sizes = [64, 16], strides = [1, 1]} : vector<512x528xi32> to vector<64x16xi32>
    %concatenate3A_786 = tpu.concatenate %slice3A_778, %slice3A_779, %slice3A_780, %slice3A_781, %slice3A_782, %slice3A_783, %slice3A_784, %slice3A_785 in 1 : vector<64x16xi32>, vector<64x16xi32>, vector<64x16xi32>, vector<64x16xi32>, vector<64x16xi32>, vector<64x16xi32>, vector<64x16xi32>, vector<64x16xi32> -> vector<64x128xi32>
    %swap3A_787 = arith.constant 3904 : index
    %swap3A_788 = arith.constant 0 : index
    %swap3A_789 = vector.load %arg7[%swap3A_787, %swap3A_788] : memref<4096x128xi32, #tpu.memory_space<vmem>>, vector<64x128xi32>
    tpu.vector_store %arg7[%swap3A_787, %swap3A_788], %concatenate3A_786 {strides = array<i32>} : memref<4096x128xi32, #tpu.memory_space<vmem>>, vector<64x128xi32>,
    %slice3A_790 = vector.extract_strided_slice %or3A {offsets = [0, 496], sizes = [64, 16], strides = [1, 1]} : vector<512x528xi32> to vector<64x16xi32>
    %slice3A_791 = vector.extract_strided_slice %or3A {offsets = [64, 496], sizes = [64, 16], strides = [1, 1]} : vector<512x528xi32> to vector<64x16xi32>
    %slice3A_792 = vector.extract_strided_slice %or3A {offsets = [128, 496], sizes = [64, 16], strides = [1, 1]} : vector<512x528xi32> to vector<64x16xi32>
    %slice3A_793 = vector.extract_strided_slice %or3A {offsets = [192, 496], sizes = [64, 16], strides = [1, 1]} : vector<512x528xi32> to vector<64x16xi32>
    %slice3A_794 = vector.extract_strided_slice %or3A {offsets = [256, 496], sizes = [64, 16], strides = [1, 1]} : vector<512x528xi32> to vector<64x16xi32>
    %slice3A_795 = vector.extract_strided_slice %or3A {offsets = [320, 496], sizes = [64, 16], strides = [1, 1]} : vector<512x528xi32> to vector<64x16xi32>
    %slice3A_796 = vector.extract_strided_slice %or3A {offsets = [384, 496], sizes = [64, 16], strides = [1, 1]} : vector<512x528xi32> to vector<64x16xi32>
    %slice3A_797 = vector.extract_strided_slice %or3A {offsets = [448, 496], sizes = [64, 16], strides = [1, 1]} : vector<512x528xi32> to vector<64x16xi32>
    %concatenate3A_798 = tpu.concatenate %slice3A_790, %slice3A_791, %slice3A_792, %slice3A_793, %slice3A_794, %slice3A_795, %slice3A_796, %slice3A_797 in 1 : vector<64x16xi32>, vector<64x16xi32>, vector<64x16xi32>, vector<64x16xi32>, vector<64x16xi32>, vector<64x16xi32>, vector<64x16xi32>, vector<64x16xi32> -> vector<64x128xi32>
    %swap3A_799 = arith.constant 3968 : index
    %swap3A_800 = arith.constant 0 : index
    %swap3A_801 = vector.load %arg7[%swap3A_799, %swap3A_800] : memref<4096x128xi32, #tpu.memory_space<vmem>>, vector<64x128xi32>
    tpu.vector_store %arg7[%swap3A_799, %swap3A_800], %concatenate3A_798 {strides = array<i32>} : memref<4096x128xi32, #tpu.memory_space<vmem>>, vector<64x128xi32>,
    %slice3A_802 = vector.extract_strided_slice %or3A {offsets = [0, 504], sizes = [64, 16], strides = [1, 1]} : vector<512x528xi32> to vector<64x16xi32>
    %slice3A_803 = vector.extract_strided_slice %or3A {offsets = [64, 504], sizes = [64, 16], strides = [1, 1]} : vector<512x528xi32> to vector<64x16xi32>
    %slice3A_804 = vector.extract_strided_slice %or3A {offsets = [128, 504], sizes = [64, 16], strides = [1, 1]} : vector<512x528xi32> to vector<64x16xi32>
    %slice3A_805 = vector.extract_strided_slice %or3A {offsets = [192, 504], sizes = [64, 16], strides = [1, 1]} : vector<512x528xi32> to vector<64x16xi32>
    %slice3A_806 = vector.extract_strided_slice %or3A {offsets = [256, 504], sizes = [64, 16], strides = [1, 1]} : vector<512x528xi32> to vector<64x16xi32>
    %slice3A_807 = vector.extract_strided_slice %or3A {offsets = [320, 504], sizes = [64, 16], strides = [1, 1]} : vector<512x528xi32> to vector<64x16xi32>
    %slice3A_808 = vector.extract_strided_slice %or3A {offsets = [384, 504], sizes = [64, 16], strides = [1, 1]} : vector<512x528xi32> to vector<64x16xi32>
    %slice3A_809 = vector.extract_strided_slice %or3A {offsets = [448, 504], sizes = [64, 16], strides = [1, 1]} : vector<512x528xi32> to vector<64x16xi32>
    %concatenate3A_810 = tpu.concatenate %slice3A_802, %slice3A_803, %slice3A_804, %slice3A_805, %slice3A_806, %slice3A_807, %slice3A_808, %slice3A_809 in 1 : vector<64x16xi32>, vector<64x16xi32>, vector<64x16xi32>, vector<64x16xi32>, vector<64x16xi32>, vector<64x16xi32>, vector<64x16xi32>, vector<64x16xi32> -> vector<64x128xi32>
    %swap3A_811 = arith.constant 4032 : index
    %swap3A_812 = arith.constant 0 : index
    %swap3A_813 = vector.load %arg7[%swap3A_811, %swap3A_812] : memref<4096x128xi32, #tpu.memory_space<vmem>>, vector<64x128xi32>
    tpu.vector_store %arg7[%swap3A_811, %swap3A_812], %concatenate3A_810 {strides = array<i32>} : memref<4096x128xi32, #tpu.memory_space<vmem>>, vector<64x128xi32>,
    %get3A_814 = arith.constant 0 : index
    %get3A_815 = arith.constant 0 : index
    %get3A_816 = vector.load %arg6[%get3A_814, %get3A_815] : memref<256x128xf32, #tpu.memory_space<vmem>>, vector<256x128xf32>
    %sqrt3A = math.sqrt %get3A_816 : vector<256x128xf32>
    %swap3A_817 = arith.constant 0 : index
    %swap3A_818 = arith.constant 0 : index
    %swap3A_819 = vector.load %arg8[%swap3A_817, %swap3A_818] : memref<256x128xf32, #tpu.memory_space<vmem>>, vector<256x128xf32>
    tpu.vector_store %arg8[%swap3A_817, %swap3A_818], %sqrt3A {strides = array<i32>} : memref<256x128xf32, #tpu.memory_space<vmem>>, vector<256x128xf32>,
    return
  }
}

</mosaic_0001>

<sc_bundles>
// kernel: kernel.4.cloned.1.call-start
scs
__scs_entry_jumppad:
0x0: {  	(pc) =	sbr.rel $0x88, $3  }
0x1: {  	(tag) =	ssettag $0x0;
	lr =	simm.s32 $0x1  }
0x2: {  	[smem:$0x3F9E] =	sst lr;
	_ =	strace $0xD0000000  }
0x3: {  	_ = 	snop  }
0x4: {  	_ = 	snop  }
0x5: {  	_ = 	snop  }
0x6: {  	_ = 	snop  }
0x7: {  	_ = 	snop  }
__scs_overlays_trampoline_lowered:
0x8: {  	[smem:$0x3FAD] =	sst s0  }
0x9: {  	[smem:$0x3FAE] =	sst s1  }
0xa: {  	[smem:$0x3FAF] =	sst s2  }
0xb: {  	[smem:$0x3FB0] =	sst s3  }
0xc: {  	[smem:$0x3FB1] =	sst s4  }
0xd: {  	[smem:$0x3FB2] =	sst s5  }
0xe: {  	[smem:$0x3FB3] =	sst s6  }
0xf: {  	[smem:$0x3FB4] =	sst s7  }
0x10: {  	[smem:$0x3FB5] =	sst s8  }
0x11: {  	[smem:$0x3FB6] =	sst s9;
	s0 =	simm.s32 @!p0 $0x0  }
0x12: {  	s1 =	sld [smem:$0x3F9C];
	s0 =	simm.s32 @p0 $0x1  }
0x13: {  	[smem:$0x3FB7] =	sst s0;
	s0 =	simm.s32 @!p1 $0x0  }
0x14: {  	s2 =	sld [smem:$0x3F9B];
	s0 =	simm.s32 @p1 $0x1  }
0x15: {  	[smem:$0x3FB8] =	sst s0;
	s0 =	simm.s32 @!p2 $0x0  }
0x16: {  	s3 =	sld [smem:$0x3FDB];
	s0 =	simm.s32 @p2 $0x1  }
0x17: {  	s4 =	simm.s32 $0x1BF5;
	[smem:$0x3FBA] =	sst s0  }
0x18: {  	s0 =	sld [smem:$0x3F9D];
	_ =	swait.ge [sflag:s4], $0x0  }
0x19: {  	s7 =	sld [smem:$0x3F9E]  }
0x1a: {  	s8 =	sadd.s32 $0xFFFFE003, lr  }
0x1b: {  	s9 =	sadd.s32 $0xFFFFFEF7, lr;
	s5 =	simm.s32 $0xFFFFFFFF;
	p2 =	slt.u32 s8, $0xFFFFF086  }
0x1c: {  	p1 =	slt.u32 s9, $0xF7A;
	s5 =	simm.s32 @!p2 $0x0  }
0x1d: {  	s5 =	simm.s32 @p1 $0x1;
	p0 =	seq.s32 s7, s2  }
0x1e: {  	s7 =	smul.u32 @!p0 $0xF7A, s2;
	p2 =	seq.s32 @!p0 s5, $0x0  }
0x1f: {  	s9 =	smul.u32 $0xF7A, s1;
	s8 =	simm.s32 @!p0 $0x1BF5;
	p2 =	por !p2, p0  }
0x20: {  	[sflag:s8] =	ssyncset.s32 @!p0 $0xFFFFF086;
	s6 =	sadd.s32 @!p0 s3, s7;
	s7 =	simm.s32 @!p0 $0x108  }
0x21: {  	s3 =	sadd.s32 s3, s9;
	s6 =	sadd.s32 @!p0 $0x88, s6;
	s7 =	simm.s32 @p2 $0x1082  }
0x22: {  	[simem:s7], [sflag:s8] =	dma.local @!p0 [hbm:s6], $0xF7A  }
0x23: {  	s9 =	sor.u32 $0xD0000000, s2;
	s6 =	simm.s32 $0x108;
	_ =	swait.ge @!p0 [sflag:s8], $0x0  }
0x24: {  	s3 =	sadd.s32 $0x88, s3;
	s6 =	simm.s32 @!p1 $0x1082;
	[sflag:s4] =	ssyncset.s32 $0xFFFFF086  }
0x25: {  	[simem:s6], [sflag:s4] =	dma.local [hbm:s3], $0xF7A  }
0x26: {  	[smem:$0x3F9E] =	sst s1;
	(tag) =	ssettag s2;
	_ =	strace s9  }
0x27: {  	s1 =	sld [smem:$0x3FAE]  }
0x28: {  	s2 =	sld [smem:$0x3FAF]  }
0x29: {  	s4 =	sld [smem:$0x3FB1]  }
0x2a: {  	p0 =	seq.s32 s5, $0x0;
	s5 =	sld [smem:$0x3FB2]  }
0x2b: {  	s6 =	sld [smem:$0x3FB3]  }
0x2c: {  	s7 =	sld [smem:$0x3FB4]  }
0x2d: {  	s3 =	simm.s32 $0x108;
	s8 =	sld [smem:$0x3FB5]  }
0x2e: {  	s3 =	simm.s32 @!p0 $0x1082;
	s9 =	sld [smem:$0x3FB6]  }
0x2f: {  	lr =	sadd.s32 s0, s3;
	s0 =	sld [smem:$0x3FAD]  }
0x30: {  	s3 =	sld [smem:$0x3FB0]  }
0x31: {  	[smem:$0x3FB9] =	sst s10  }
0x32: {  	s10 =	sld [smem:$0x3FB7];
	_ =	sdelay $0x3  }
0x33: {  	p0 =	seq.s32 s10, $0x1;
	s10 =	sld [smem:$0x3FB9];
	_ =	sdelay $0x3  }
0x34: {  	[smem:$0x3FB9] =	sst s10  }
0x35: {  	s10 =	sld [smem:$0x3FB8];
	_ =	sdelay $0x3  }
0x36: {  	p1 =	seq.s32 s10, $0x1;
	s10 =	sld [smem:$0x3FB9];
	_ =	sdelay $0x3  }
0x37: {  	[smem:$0x3FB9] =	sst s10  }
0x38: {  	s10 =	sld [smem:$0x3FBA]  }
0x39: {  	_ = 	snop;
	(pc) =	sbr.ind lr, $3  }
0x3a: {  	_ = 	snop  }
0x3b: {  	_ = 	snop  }
0x3c: {  	p2 =	seq.s32 s10, $0x1;
	s10 =	sld [smem:$0x3FB9]  }
0x3d: {  	_ =	shalt  }
0x3e: {  	_ =	shalt  }
0x3f: {  	_ =	shalt  }
0x40: {  	_ =	shalt  }
0x41: {  	_ =	shalt  }
0x42: {  	_ =	shalt  }
0x43: {  	_ =	shalt  }
0x44: {  	_ =	shalt  }
0x45: {  	_ =	shalt  }
0x46: {  	_ =	shalt  }
0x47: {  	_ =	shalt  }
0x48: {  	_ =	shalt  }
0x49: {  	_ =	shalt  }
0x4a: {  	_ =	shalt  }
0x4b: {  	_ =	shalt  }
0x4c: {  	_ =	shalt  }
0x4d: {  	_ =	shalt  }
0x4e: {  	_ =	shalt  }
0x4f: {  	_ =	shalt  }
0x50: {  	_ =	shalt  }
0x51: {  	_ =	shalt  }
0x52: {  	_ =	shalt  }
0x53: {  	_ =	shalt  }
0x54: {  	_ =	shalt  }
0x55: {  	_ =	shalt  }
0x56: {  	_ =	shalt  }
0x57: {  	_ =	shalt  }
0x58: {  	_ =	shalt  }
0x59: {  	_ =	shalt  }
0x5a: {  	_ =	shalt  }
0x5b: {  	_ =	shalt  }
0x5c: {  	_ =	shalt  }
0x5d: {  	_ =	shalt  }
0x5e: {  	_ =	shalt  }
0x5f: {  	_ =	shalt  }
0x60: {  	_ =	shalt  }
0x61: {  	_ =	shalt  }
0x62: {  	_ =	shalt  }
0x63: {  	_ =	shalt  }
0x64: {  	_ =	shalt  }
0x65: {  	_ =	shalt  }
0x66: {  	_ =	shalt  }
0x67: {  	_ =	shalt  }
0x68: {  	_ =	shalt  }
0x69: {  	_ =	shalt  }
0x6a: {  	_ =	shalt  }
0x6b: {  	_ =	shalt  }
0x6c: {  	_ =	shalt  }
0x6d: {  	_ =	shalt  }
0x6e: {  	_ =	shalt  }
0x6f: {  	_ =	shalt  }
0x70: {  	_ =	shalt  }
0x71: {  	_ =	shalt  }
0x72: {  	_ =	shalt  }
0x73: {  	_ =	shalt  }
0x74: {  	_ =	shalt  }
0x75: {  	_ =	shalt  }
0x76: {  	_ =	shalt  }
0x77: {  	_ =	shalt  }
0x78: {  	_ =	shalt  }
0x79: {  	_ =	shalt  }
0x7a: {  	_ =	shalt  }
0x7b: {  	_ =	shalt  }
0x7c: {  	_ =	shalt  }
0x7d: {  	_ =	shalt  }
0x7e: {  	_ =	shalt  }
0x7f: {  	_ =	shalt  }
0x80: {  	_ =	shalt  }
0x81: {  	_ =	shalt  }
0x82: {  	_ =	shalt  }
0x83: {  	_ =	shalt  }
0x84: {  	_ =	shalt  }
0x85: {  	_ =	shalt  }
0x86: {  	_ =	shalt  }
0x87: {  	_ =	shalt  }
.Lfunc_end0:
.L_simem_size_0:
called_computation_lowered:
.L_overlay_start_0:
0x88: {  	s2 =	sld [smem:$0x3FD9]  }
0x89: {  	s3 =	sld [smem:$0x3FFE];
	_ =	sdelay $0x1  }
0x8a: {  	s1 =	srdreg.scid  }
0x8b: {  	s0 =	sand.u32 $0x1, s1  }
0x8c: {  	s17 =	sshll.u32 s0, $0xA;
	s2 =	sadd.s32 s3, s2  }
0x8d: {  	s2 =	sadd.s32 s2, s17  }
0x8e: {  	[smem:$0x3FC5] =	sst s2  }
0x8f: {  	_ = 	snop  }
0x90: {  	s2 =	sld [smem:$0x3FD0];
	(tm) =	ssettm $0x1  }
0x91: {  	s18 =	sld [smem:$0x3FFB];
	_ =	sdelay $0x3  }
0x92: {  	_ =	strace s18  }
0x93: {  	s3 =	sld [smem:$0x3FFC];
	_ =	sdelay $0x3  }
0x94: {  	_ =	strace s3  }
0x95: {  	s3 =	sld [smem:$0x3FFD];
	_ =	sdelay $0x3  }
0x96: {  	_ =	strace s3  }
0x97: {  	_ =	strace $0x8FFFFFFF  }
0x98: {  	s19 =	sld [smem:$0x3FDB];
	_ =	sdelay $0x1  }
0x99: {  	s4 =	simm.s32 $_scs_section_size  }
0x9a: {  	s5 =	simm.s32 $_size__tile_overlayer_lowered;
	s6 =	simm.s32 $_tile_overlayer_lowered  }
0x9b: {  	s22 =	simm.s32 $0x1BFF;
	s21 =	sshll.u32 s6, $0x1;
	s3 =	sadd.s32 s4, s19  }
0x9c: {  	s7 =	simm.s32 $0x0;
	s20 =	sshll.u32 s5, $0x1;
	s5 =	sadd.s32 s21, s3  }
0x9d: {  	[timem:s7], [sflag:s22] =	dma.local [hbm:s5], s20  }
0x9e: {  	_ =	swait.ge [sflag:s22], s20  }
0x9f: {  	s4 =	ssub.s32 $0x0, s20;
	[sflag:s22] =	ssyncset.done $0x0  }
0xa0: {  	[sflag:s22] =	ssyncadd.s32 s4;
	_ =	sdelay $0x1  }
0xa1: {  	s23 =	simm.s32 $0x1B8B  }
0xa2: {  	_ =	swait.ge [sflag:s23], $0x1  }
0xa3: {  	[sflag:s23] =	ssyncset.done $0x0  }
0xa4: {  	s25 =	simm.s32 $0x1B8E;
	s24 =	sld [smem:$0x3FFE];
	[sflag:s23] =	ssyncadd.s32 $0xFFFFFFFF  }
0xa5: {  	s26 =	simm.s32 $execute0_lowered;
	[smem:$0x3FD2] =	sst s25  }
0xa6: {  	s5 =	sshll.u32 s26, $0x1;
	_ =	strace $0x80000046;
	[dreg:$0x1] =	wrdreg $0xFFFFFFFF  }
0xa7: {  	s28 =	simm.s32 $_size_execute0_lowered;
	s3 =	sadd.s32 s3, s5;
	[dreg:$0x0] =	wrdreg $0x0  }
0xa8: {  	s5 =	sshll.u32 s28, $0x1;
	[dreg:$0x2] =	wrdreg s3  }
0xa9: {  	[dreg:$0x3] =	wrdreg s5  }
0xaa: {  	[dreg:$0x4] =	wrdreg $0xC0  }
0xab: {  	_ =	task [dreg:s7], $0x5FFFF  }
0xac: {  	[dreg:$0x1] =	wrdreg $0xFFFFFFFF  }
0xad: {  	[dreg:$0x0] =	wrdreg $0x60  }
0xae: {  	[dreg:$0x2] =	wrdreg s24  }
0xaf: {  	[dreg:$0x3] =	wrdreg s2  }
0xb0: {  	[dreg:$0x4] =	wrdreg $0x9  }
0xb1: {  	_ =	task.clear_ibuf [dreg:s7], $0x5FFFF;
	_ =	strace $0x90000046  }
0xb2: {  	s29 =	simm.s32 $0x9;
	_ =	strace $0x80000048  }
0xb3: {  	_ =	swait.ge [sflag:s29], $0x1  }
0xb4: {  	[sflag:s29] =	ssyncadd.s32 $0xFFFFFFFF  }
0xb5: {  	_ =	strace $0x90000048  }
0xb6: {  	_ =	sfence  }
0xb7: {  	s30 =	sld [smem:$0x0];
	_ =	sdelay $0x2  }
0xb8: {  	s31 =	sshll.u32 s1, $0xD;
	s1 =	sshrl.u32 s1, $0x2  }
0xb9: {  	s3 =	sand.u32 $0x4000, s31;
	s1 =	sadd.s32 s1, s30  }
0xba: {  	s0 =	sor.u32 s3, s0;
	s1 =	sshll.u32 s1, $0x11  }
0xbb: {  	s0 =	sor.u32 s1, s0  }
0xbc: {  	s0 =	sadd.s32 $0x8F2B, s0  }
0xbd: {  	[sflag:s0] =	ssyncadd.remote.s32 $0x1  }
0xbe: {  	_ =	sfence.sel $0xFFFF  }
0xbf: {  	[dreg:$0x0] =	wrdreg $0xFFFFFFFF;
	(pc) =	sbr.abs _section_cstart, $3  }
0xc0: {  	[dreg:$0x1] =	wrdreg $0xFFFFFFFF  }
0xc1: {  	_ =	task.clear_ibuf [dreg:s7], $0x2FFFF;
	_ =	strace $0x9FFFFFFF  }
0xc2: {  	(tm) =	ssettm $0x7FFFFFFF  }
0xc3: {  	_ =	shalt  }
tec
execute0_lowered:
.L_overlay_start_1:
0x0: {  	(tag) =	ssettag $0x1  }
0x1: {  	s0 =	rddreg [dreg:$0x0]  }
0x2: {  	s1 =	rddreg [dreg:$0x1];
	s3 =	srdreg.scid;
	s2 =	simm.s32 $0x0  }
0x3: {  	s5 =	stileid.u32;
	s10 =	simm.s32 $0x3;
	s11 =	simm.s32 $0xC00  }
0x4: {  	s12 =	simm.s32 $0xD00;
	s13 =	simm.s32 $0xC40;
	s14 =	simm.s32 $0x2D00  }
0x5: {  	s15 =	simm.s32 $0x40;
	s16 =	simm.s32 $0xC80;
	s17 =	simm.s32 $0x4D00  }
0x6: {  	s18 =	simm.s32 $0xCC0;
	s19 =	simm.s32 $0x6D00;
	s4 =	sand.u32 $0x1, s3  }
0x7: {  	[smem:$0x7FF] =	sst s2;
	s26 =	sshll.u32 s5, $0xB;
	s28 =	sshll.u32 s4, $0xA  }
0x8: {  	s5 =	sadd.s32 $0x13A00, s0;
	s6 =	ssub.s32 $0x2, s4;
	s3 =	sor.u32 s28, s26  }
0x9: {  	_ =	strace $0x80000047;
	s8 =	sshrl.u32 s6, $0x1;
	s7 =	sshrl.u32 s3, $0x3  }
0xa: {  	s4 =	sadd.s32 $0x2A00, s0;
	s29 =	ssub.s32 s6, s8;
	s1 =	sadd.s32 s1, s7  }
0xb: {  	s9 =	sadd.s32 s7, s0;
	s0 =	smax.u32 s29, $0x1;
	[dreg:$0x4] =	wrdreg s1  }
0xc: {  	s20 =	simm.s32 $0x1;
	s30 =	sadd.s32 $0x1A00, s9;
	[dreg:$0x6] =	wrdreg s0  }
0xd: {  	v0 =	vlaneseq.u32;
	s21 =	simm.s32 $0x8D00;
	s31 =	sadd.s32 $0x12A00, s9;
	[dreg:$0x3] =	wrdreg s30  }
0xe: {  	s22 =	simm.s32 $0x2;
	s23 =	simm.s32 $0x0;
	v0 =	vmul.u32 $0x80, v0;
	[dreg:$0x5] =	wrdreg s31  }
.LBB2_1:
0xf: {  	s0 =	rddreg [dreg:$0x3]  }
0x10: {  	[tilespmem:s2], [sflag:$0x3] =	stream.linear.gather [hbm4b:s0+s2], $0x400, $0x38;
	[tilespmem:$0xAD00] =	vst v63  }
0x11: {  	_ =	swait.ge [sflag:s10], $0x400  }
0x12: {  	[sflag:s10] =	ssyncset.done $0x0  }
0x13: {  	s8 =	simm.s32 $0x400;
	s26 =	rddreg [dreg:$0x4];
	[sflag:s10] =	ssyncadd.s32 $0xFFFFFC00  }
0x14: {  	[tilespmem:s8], [sflag:$0x3] =	stream.linear.gather [hbm4b:s26+s2], $0x400, $0x38;
	[tilespmem:$0xAD00] =	vst v63  }
0x15: {  	_ =	swait.ge [sflag:s10], $0x400  }
0x16: {  	[sflag:s10] =	ssyncset.done $0x0  }
0x17: {  	s7 =	simm.s32 $0x800;
	s30 =	rddreg [dreg:$0x5];
	[sflag:s10] =	ssyncadd.s32 $0xFFFFFC00  }
0x18: {  	[tilespmem:s7], [sflag:$0x3] =	stream.linear.gather [hbm4b:s30+s2], $0x400, $0x38;
	[tilespmem:$0xAD00] =	vst v63  }
0x19: {  	_ =	swait.ge [sflag:s10], $0x400  }
0x1a: {  	[sflag:s10] =	ssyncset.done $0x0  }
0x1b: {  	[sflag:s10] =	ssyncadd.s32 $0xFFFFFC00  }
0x1c: {  	v1 =	vld [tilespmem:$0x0]  }
0x1d: {  	v2 =	vld [tilespmem:$0x400]  }
0x1e: {  	v3 =	vld [tilespmem:$0x10]  }
0x1f: {  	v4 =	vld [tilespmem:$0x410]  }
0x20: {  	v5 =	vld [tilespmem:$0x20]  }
0x21: {  	v6 =	vld [tilespmem:$0x420]  }
0x22: {  	v8 =	vld [tilespmem:$0x30]  }
0x23: {  	v9 =	vld [tilespmem:$0x430]  }
0x24: {  	v1 =	vmul.f32 $5.120000000e+02, v1  }
0x25: {  	v2 =	vmul.f32 $5.120000000e+02, v2;
	v3 =	vmul.f32 $5.120000000e+02, v3  }
0x26: {  	v4 =	vmul.f32 $5.120000000e+02, v4;
	v5 =	vmul.f32 $5.120000000e+02, v5  }
0x27: {  	v6 =	vmul.f32 $5.120000000e+02, v6;
	v8 =	vmul.f32 $5.120000000e+02, v8;
	v1 =	vadd.f32 $2.560000000e+02, v1  }
0x28: {  	v9 =	vmul.f32 $5.120000000e+02, v9;
	v2 =	vadd.f32 $2.560000000e+02, v2;
	v3 =	vadd.f32 $2.560000000e+02, v3  }
0x29: {  	v4 =	vadd.f32 $2.560000000e+02, v4;
	v8 =	vadd.f32 $2.560000000e+02, v8;
	v1 =	vtrunc.f32 v1  }
0x2a: {  	v2 =	vtrunc.f32 v2;
	v3 =	vtrunc.f32 v3  }
0x2b: {  	v9 =	vadd.f32 $2.560000000e+02, v9;
	v4 =	vtrunc.f32 v4;
	v8 =	vtrunc.f32 v8  }
0x2c: {  	v1 =	vcvt.f32.s32 v1;
	v2 =	vcvt.f32.s32 v2  }
0x2d: {  	v57 =	vadd.f32 $2.560000000e+02, v6;
	v9 =	vtrunc.f32 v9;
	v3 =	vcvt.f32.s32 v3  }
0x2e: {  	v4 =	vcvt.f32.s32 v4;
	v1 =	vadd.s32 $0x1FE, v1;
	v2 =	vshll.u32 v2, $0x3  }
0x2f: {  	v59 =	vcvt.f32.s32 v8;
	v1 =	vshrl.u32 v1, $0x3;
	v2 =	vadd.s32 $0xFF0, v2  }
0x30: {  	v7 =	vand.u32 $0x3F, v1;
	v2 =	vand.u32 $0xFC0, v2;
	v1 =	vadd.s32 $0x1, v1  }
0x31: {  	v60 =	vcvt.f32.s32 v9;
	v7 =	vor.u32 v7, v2;
	v1 =	vand.u32 $0x3F, v1  }
0x32: {  	v1 =	vor.u32 v1, v2;
	v2 =	vadd.s32 $0x1FE, v3;
	v3 =	vadd.f32 $2.560000000e+02, v5  }
0x33: {  	v4 =	vshll.u32 v4, $0x3;
	v61 =	vadd.s32 $0x1FE, v59;
	v62 =	vshll.u32 v60, $0x3  }
0x34: {  	v4 =	vadd.s32 $0xFF0, v4;
	v63 =	vadd.s32 $0xFF0, v62;
	v3 =	vtrunc.f32 v3  }
0x35: {  	v5 =	vtrunc.f32 v57;
	v2 =	vshrl.u32 v2, $0x3;
	v3 =	vcvt.f32.s32 v3  }
0x36: {  	v4 =	vand.u32 $0xFC0, v4;
	v5 =	vcvt.f32.s32 v5;
	v58 =	vand.u32 $0x3F, v2  }
0x37: {  	v2 =	vadd.s32 $0x1, v2;
	v6 =	vor.u32 v58, v4;
	v3 =	vadd.s32 $0x1FE, v3  }
0x38: {  	[tilespmem:$0xC00] =	vst v7;
	v2 =	vand.u32 $0x3F, v2;
	v5 =	vshll.u32 v5, $0x3;
	v3 =	vshrl.u32 v3, $0x3  }
0x39: {  	[tilespmem:$0xC40] =	vst v1;
	v5 =	vadd.s32 $0xFF0, v5;
	v10 =	vand.u32 $0x3F, v3;
	v3 =	vadd.s32 $0x1, v3  }
0x3a: {  	v1 =	vor.u32 v2, v4;
	[tilespmem:$0xC10] =	vst v6;
	v5 =	vand.u32 $0xFC0, v5;
	v3 =	vand.u32 $0x3F, v3  }
0x3b: {  	[tilespmem:$0xC50] =	vst v1;
	v2 =	vor.u32 v10, v5;
	v1 =	vor.u32 v3, v5;
	v3 =	vshrl.u32 v61, $0x3  }
0x3c: {  	v4 =	vand.u32 $0xFC0, v63;
	[tilespmem:$0xC20] =	vst v2;
	v2 =	vand.u32 $0x3F, v3;
	v3 =	vadd.s32 $0x1, v3  }
0x3d: {  	[tilespmem:$0xC60] =	vst v1;
	v1 =	vor.u32 v2, v4;
	v2 =	vand.u32 $0x3F, v3  }
0x3e: {  	[tilespmem:$0xC30] =	vst v1;
	v1 =	vor.u32 v2, v4  }
0x3f: {  	s28 =	simm.s32 $0x440;
	s29 =	simm.s32 $0x40;
	[tilespmem:$0xC70] =	vst v1  }
0x40: {  	[tilespmem:s12], [sflag:$0x1] =	stream.indirect.gather [hbm4b:s4+s15], $0x80, s11, s15, $0xb8;
	[tilespmem:$0xAD00] =	vst v63  }
0x41: {  	s9 =	simm.s32 $0x0;
	s31 =	simm.s32 $0x0;
	s26 =	simm.s32 $0x840  }
0x42: {  	[tilespmem:s14], [sflag:$0x1] =	stream.indirect.gather [hbm4b:s4+s15], $0x80, s13, s15, $0xb8;
	[tilespmem:$0xAD00] =	vst v63  }
.LBB2_2:
0x43: {  	s1 =	sshll.u32 s31, $0x7  }
0x44: {  	v1 =	vld [tilespmem:s1+$0x40]  }
0x45: {  	v2 =	vld [tilespmem:s1+$0x440];
	_ =	sdelay $0x4  }
0x46: {  	v1 =	vmul.f32 $5.120000000e+02, v1;
	v2 =	vmul.f32 $5.120000000e+02, v2;
	_ =	sdelay $0x1  }
0x47: {  	v1 =	vadd.f32 $2.560000000e+02, v1;
	v2 =	vadd.f32 $2.560000000e+02, v2;
	_ =	sdelay $0x1  }
0x48: {  	v1 =	vtrunc.f32 v1;
	v2 =	vtrunc.f32 v2  }
0x49: {  	v1 =	vcvt.f32.s32 v1;
	v2 =	vcvt.f32.s32 v2;
	_ =	sdelay $0x1  }
0x4a: {  	v1 =	vadd.s32 $0x1FE, v1;
	v2 =	vshll.u32 v2, $0x3  }
0x4b: {  	v1 =	vshrl.u32 v1, $0x3;
	v2 =	vadd.s32 $0xFF0, v2  }
0x4c: {  	v3 =	vand.u32 $0x3F, v1;
	v2 =	vand.u32 $0xFC0, v2;
	v1 =	vadd.s32 $0x1, v1  }
0x4d: {  	v3 =	vor.u32 v3, v2;
	v1 =	vand.u32 $0x3F, v1  }
0x4e: {  	[tilespmem:$0xC80] =	vst v3;
	v1 =	vor.u32 v1, v2  }
0x4f: {  	[tilespmem:$0xCC0] =	vst v1  }
0x50: {  	v1 =	vld [tilespmem:s1+$0x50]  }
0x51: {  	v2 =	vld [tilespmem:s1+$0x450];
	_ =	sdelay $0x4  }
0x52: {  	v1 =	vmul.f32 $5.120000000e+02, v1;
	v2 =	vmul.f32 $5.120000000e+02, v2;
	_ =	sdelay $0x1  }
0x53: {  	v1 =	vadd.f32 $2.560000000e+02, v1;
	v2 =	vadd.f32 $2.560000000e+02, v2;
	_ =	sdelay $0x1  }
0x54: {  	v1 =	vtrunc.f32 v1;
	v2 =	vtrunc.f32 v2  }
0x55: {  	v1 =	vcvt.f32.s32 v1;
	v2 =	vcvt.f32.s32 v2;
	_ =	sdelay $0x1  }
0x56: {  	v1 =	vadd.s32 $0x1FE, v1;
	v2 =	vshll.u32 v2, $0x3  }
0x57: {  	v1 =	vshrl.u32 v1, $0x3;
	v2 =	vadd.s32 $0xFF0, v2  }
0x58: {  	v3 =	vand.u32 $0x3F, v1;
	v2 =	vand.u32 $0xFC0, v2;
	v1 =	vadd.s32 $0x1, v1  }
0x59: {  	v3 =	vor.u32 v3, v2;
	v1 =	vand.u32 $0x3F, v1  }
0x5a: {  	[tilespmem:$0xC90] =	vst v3;
	v1 =	vor.u32 v1, v2  }
0x5b: {  	[tilespmem:$0xCD0] =	vst v1  }
0x5c: {  	v1 =	vld [tilespmem:s1+$0x60]  }
0x5d: {  	v2 =	vld [tilespmem:s1+$0x460];
	_ =	sdelay $0x4  }
0x5e: {  	v1 =	vmul.f32 $5.120000000e+02, v1;
	v2 =	vmul.f32 $5.120000000e+02, v2;
	_ =	sdelay $0x1  }
0x5f: {  	v1 =	vadd.f32 $2.560000000e+02, v1;
	v2 =	vadd.f32 $2.560000000e+02, v2;
	_ =	sdelay $0x1  }
0x60: {  	v1 =	vtrunc.f32 v1;
	v2 =	vtrunc.f32 v2  }
0x61: {  	v1 =	vcvt.f32.s32 v1;
	v2 =	vcvt.f32.s32 v2;
	_ =	sdelay $0x1  }
0x62: {  	v1 =	vadd.s32 $0x1FE, v1;
	v2 =	vshll.u32 v2, $0x3  }
0x63: {  	v1 =	vshrl.u32 v1, $0x3;
	v2 =	vadd.s32 $0xFF0, v2  }
0x64: {  	v3 =	vand.u32 $0x3F, v1;
	v2 =	vand.u32 $0xFC0, v2;
	v1 =	vadd.s32 $0x1, v1  }
0x65: {  	v3 =	vor.u32 v3, v2;
	v1 =	vand.u32 $0x3F, v1  }
0x66: {  	[tilespmem:$0xCA0] =	vst v3;
	v1 =	vor.u32 v1, v2  }
0x67: {  	[tilespmem:$0xCE0] =	vst v1  }
0x68: {  	v1 =	vld [tilespmem:s1+$0x70]  }
0x69: {  	v2 =	vld [tilespmem:s1+$0x470];
	_ =	sdelay $0x4  }
0x6a: {  	v1 =	vmul.f32 $5.120000000e+02, v1;
	v2 =	vmul.f32 $5.120000000e+02, v2;
	_ =	sdelay $0x1  }
0x6b: {  	v1 =	vadd.f32 $2.560000000e+02, v1;
	v2 =	vadd.f32 $2.560000000e+02, v2;
	_ =	sdelay $0x1  }
0x6c: {  	v1 =	vtrunc.f32 v1;
	v2 =	vtrunc.f32 v2  }
0x6d: {  	v1 =	vcvt.f32.s32 v1;
	v2 =	vcvt.f32.s32 v2;
	_ =	sdelay $0x1  }
0x6e: {  	v1 =	vadd.s32 $0x1FE, v1;
	v2 =	vshll.u32 v2, $0x3  }
0x6f: {  	v1 =	vshrl.u32 v1, $0x3;
	v2 =	vadd.s32 $0xFF0, v2  }
0x70: {  	v3 =	vand.u32 $0x3F, v1;
	v2 =	vand.u32 $0xFC0, v2;
	v1 =	vadd.s32 $0x1, v1  }
0x71: {  	v3 =	vor.u32 v3, v2;
	v1 =	vand.u32 $0x3F, v1  }
0x72: {  	[tilespmem:$0xCB0] =	vst v3;
	v1 =	vor.u32 v1, v2  }
0x73: {  	[tilespmem:$0xCF0] =	vst v1  }
0x74: {  	[tilespmem:s17], [sflag:$0x2] =	stream.indirect.gather [hbm4b:s4+s15], $0x80, s16, s15, $0xb8;
	[tilespmem:$0xAD00] =	vst v63  }
0x75: {  	_ = 	snop  }
0x76: {  	[tilespmem:s19], [sflag:$0x2] =	stream.indirect.gather [hbm4b:s4+s15], $0x80, s18, s15, $0xb8;
	[tilespmem:$0xAD00] =	vst v63  }
0x77: {  	_ =	swait.ge [sflag:s20], $0x2000  }
0x78: {  	[sflag:s20] =	ssyncset.done $0x0  }
0x79: {  	[sflag:s20] =	ssyncadd.s32 $0xFFFFE000  }
0x7a: {  	s6 =	simm.s32 $0x0;
	_ =	swait.ge [sflag:s20], $0x2000  }
0x7b: {  	s25 =	smov.u32 s7;
	s24 =	smov.u32 s8;
	[sflag:s20] =	ssyncset.done $0x0  }
0x7c: {  	s30 =	smov.u32 s9;
	s0 =	sor.u32 $0x40, s1;
	[sflag:s20] =	ssyncadd.s32 $0xFFFFE000  }
.LBB2_3:
0x7d: {  	v1 =	vld [tilespmem:s30+$0x0]  }
0x7e: {  	v3 =	vld [tilespmem:s24+$0x0];
	_ =	sdelay $0x3  }
0x7f: {  	v1 =	vmul.f32 $5.120000000e+02, v1  }
0x80: {  	v3 =	vmul.f32 $5.120000000e+02, v3  }
0x81: {  	v1 =	vadd.f32 $2.560000000e+02, v1  }
0x82: {  	v3 =	vadd.f32 $2.560000000e+02, v3  }
0x83: {  	v2 =	vtrunc.f32 v1  }
0x84: {  	v7 =	vtrunc.f32 v3;
	v2 =	vcvt.f32.s32 v2  }
0x85: {  	v7 =	vcvt.f32.s32 v7  }
0x86: {  	v49 =	vmov s6;
	v4 =	vcvt.s32.f32 v2  }
0x87: {  	v11 =	vcvt.s32.f32 v7;
	v7 =	vadd.s32 $0x6, v7;
	v30 =	vadd.s32 $0x1FE, v2  }
0x88: {  	v13 =	vand.u32 $0x7, v7;
	v43 =	vand.u32 $0x1FF, v30;
	v7 =	vshll.u32 v30, $0x4  }
0x89: {  	v6 =	vsub.f32 v1, v4;
	v47 =	vshrl.u32 v43, $0x3;
	v7 =	vand.u32 $0x70, v7  }
0x8a: {  	v50 =	vadd.s32 $0x1, v43;
	v55 =	vadd.s32 $0x2, v43;
	v59 =	vadd.s32 $0x3, v43  }
0x8b: {  	v51 =	vor.u32 v13, v7;
	v52 =	vshrl.u32 v50, $0x3;
	v54 =	vshll.u32 v50, $0x4  }
0x8c: {  	v56 =	vshrl.u32 v55, $0x3;
	v60 =	vshrl.u32 v59, $0x3;
	v1 =	vmul.f32 $2.596409620e-01, v6  }
0x8d: {  	v25 =	vshll.u32 v59, $0x4;
	v5 =	vmul.f32 $4.008237450e-04, v6;
	v9 =	vmul.f32 $1.184627180e-03, v6  }
0x8e: {  	v53 =	vsub.s32 v52, v47;
	v7 =	vand.u32 $0x70, v54;
	v24 =	vsub.s32 v56, v47  }
0x8f: {  	v61 =	vand.u32 $0x70, v25;
	v23 =	vor.u32 v13, v7;
	v58 =	vshll.u32 v53, $0xD  }
0x90: {  	v62 =	vshll.u32 v24, $0xD;
	v27 =	vsub.f32 $8.254559630e-01, v1;
	v8 =	vadd.f32 $3.160580990e-03, v5  }
0x91: {  	v63 =	vor.u32 v13, v61;
	v10 =	vadd.f32 $-7.621397260e-03, v9;
	v9 =	vsub.f32 $6.709929440e-04, v9  }
0x92: {  	v1 =	vadd.f32 $-9.920307990e-01, v1;
	v4 =	vmul.f32 v27, v6;
	v8 =	vmul.f32 v8, v6  }
0x93: {  	v12 =	vmul.f32 v10, v6;
	v10 =	vsub.f32 v3, v11;
	v9 =	vmul.f32 v9, v6  }
0x94: {  	v1 =	vmul.f32 v1, v6;
	v4 =	vadd.f32 $-1.015726210e+00, v4;
	v8 =	vadd.f32 $-2.034585360e-02, v8  }
0x95: {  	v29 =	vadd.f32 $1.357994860e-03, v12;
	v32 =	vadd.f32 $1.949321850e-02, v9;
	v34 =	vmul.f32 $2.596409620e-01, v10  }
0x96: {  	v1 =	vadd.f32 $1.515450950e+00, v1;
	v38 =	vmul.f32 $4.008237450e-04, v10;
	v15 =	vmul.f32 $1.184627180e-03, v10  }
0x97: {  	v4 =	vmul.f32 v4, v6;
	v28 =	vmul.f32 v8, v6;
	v36 =	vsub.f32 $8.254559630e-01, v34  }
0x98: {  	v8 =	vmul.f32 v32, v6;
	v39 =	vadd.f32 $3.160580990e-03, v38;
	v17 =	vadd.f32 $-7.621397260e-03, v15  }
0x99: {  	v1 =	vmul.f32 v1, v6;
	v15 =	vsub.f32 $6.709929440e-04, v15;
	v9 =	vadd.f32 $-9.920307990e-01, v34  }
0x9a: {  	v31 =	vmul.f32 v29, v6;
	v3 =	vadd.f32 $5.821700690e-01, v4;
	v4 =	vadd.f32 $-2.695425180e-03, v28  }
0x9b: {  	v8 =	vadd.f32 $-3.850630250e-03, v8;
	v1 =	vadd.f32 $-1.202055930e+00, v1;
	v12 =	vmul.f32 v36, v10  }
0x9c: {  	v16 =	vmul.f32 v39, v10;
	v42 =	vmul.f32 v17, v10;
	v28 =	vadd.s32 $0x4, v43  }
0x9d: {  	v15 =	vmul.f32 v15, v10;
	v9 =	vmul.f32 v9, v10;
	v30 =	vshrl.u32 v28, $0x3  }
0x9e: {  	v2 =	vmul.f32 v3, v6;
	v3 =	vsub.f32 $5.966347180e-03, v5;
	v4 =	vmul.f32 v4, v6  }
0x9f: {  	v5 =	vadd.f32 $6.221840530e-02, v31;
	v8 =	vmul.f32 v8, v6;
	v12 =	vadd.f32 $-1.015726210e+00, v12  }
0xa0: {  	v33 =	vmul.f32 v1, v6;
	v41 =	vadd.f32 $-2.034585360e-02, v16;
	v15 =	vadd.f32 $1.949321850e-02, v15  }
0xa1: {  	v9 =	vadd.f32 $1.515450950e+00, v9;
	v32 =	vsub.s32 v30, v47;
	v3 =	vmul.f32 v3, v6  }
0xa2: {  	v2 =	vadd.f32 $-1.812657560e-01, v2;
	v5 =	vmul.f32 v5, v6;
	v40 =	vmul.f32 v12, v10  }
0xa3: {  	v4 =	vadd.f32 $1.515455390e-01, v4;
	v12 =	vmul.f32 v41, v10;
	v15 =	vmul.f32 v15, v10  }
0xa4: {  	v8 =	vadd.f32 $-1.516361980e-01, v8;
	v9 =	vmul.f32 v9, v10;
	v2 =	vmul.f32 v2, v6  }
0xa5: {  	v3 =	vadd.f32 $-7.034930870e-03, v3;
	v4 =	vmul.f32 v4, v6;
	v5 =	vadd.f32 $1.486224650e-04, v5  }
0xa6: {  	v8 =	vmul.f32 v8, v6;
	v12 =	vadd.f32 $-2.695425180e-03, v12;
	v15 =	vadd.f32 $-3.850630250e-03, v15  }
0xa7: {  	v9 =	vadd.f32 $-1.202055930e+00, v9;
	v2 =	vadd.f32 $2.342308010e-01, v2;
	v3 =	vmul.f32 v3, v6  }
0xa8: {  	v4 =	vadd.f32 $-8.542011680e-02, v4;
	v5 =	vmul.f32 v5, v6;
	v12 =	vmul.f32 v12, v10  }
0xa9: {  	v15 =	vmul.f32 v15, v10;
	v2 =	vmul.f32 v2, v6;
	v3 =	vadd.f32 $-4.298714920e-02, v3  }
0xaa: {  	v8 =	vadd.f32 $-8.545894920e-02, v8;
	v9 =	vmul.f32 v9, v10;
	v4 =	vmul.f32 v4, v6  }
0xab: {  	v5 =	vadd.f32 $-3.833513860e-01, v5;
	v2 =	vadd.f32 $-3.565523330e-01, v2;
	v3 =	vmul.f32 v3, v6  }
0xac: {  	v8 =	vmul.f32 v8, v6;
	v12 =	vadd.f32 $1.515455390e-01, v12;
	v15 =	vadd.f32 $-1.516361980e-01, v15  }
0xad: {  	v9 =	vadd.f32 $5.881630780e-01, v9;
	v2 =	vmul.f32 v2, v6;
	v3 =	vadd.f32 $-1.454574340e-02, v3  }
0xae: {  	v4 =	vadd.f32 $-5.480290060e-01, v4;
	v5 =	vmul.f32 v5, v6;
	v8 =	vadd.f32 $5.480284690e-01, v8  }
0xaf: {  	v12 =	vmul.f32 v12, v10;
	v1 =	vadd.f32 $1.725680980e-01, v2;
	v2 =	vmul.f32 v3, v6  }
0xb0: {  	v15 =	vmul.f32 v15, v10;
	v9 =	vmul.f32 v9, v10;
	v3 =	vadd.f32 $5.881630780e-01, v33  }
0xb1: {  	v4 =	vmul.f32 v4, v6;
	v5 =	vadd.f32 $8.412214350e-07, v5;
	v2 =	vadd.f32 $2.054114040e-01, v2  }
0xb2: {  	v37 =	vmul.f32 v8, v6;
	v8 =	vsub.f32 $5.966347180e-03, v38;
	v3 =	vmul.f32 v3, v6  }
0xb3: {  	v12 =	vadd.f32 $-8.542011680e-02, v12;
	v15 =	vadd.f32 $-8.545894920e-02, v15;
	v35 =	vmul.f32 v2, v6  }
0xb4: {  	v9 =	vadd.f32 $-4.442984610e-02, v9;
	v5 =	vmul.f32 v5, v6;
	v3 =	vadd.f32 $-4.442984610e-02, v3  }
0xb5: {  	v8 =	vmul.f32 v8, v10;
	v12 =	vmul.f32 v12, v10;
	v11 =	vadd.f32 $3.549743590e-01, v35  }
0xb6: {  	v16 =	vadd.s32 $0x5, v43;
	v15 =	vmul.f32 v15, v10;
	v14 =	vmul.f32 v3, v6  }
0xb7: {  	v4 =	vadd.f32 $6.739376780e-01, v4;
	v22 =	vmul.f32 v9, v10;
	v11 =	vmul.f32 v11, v6  }
0xb8: {  	v9 =	vshll.u32 v49, $0x7;
	v2 =	vadd.f32 $1.000000000e+00, v5;
	v14 =	vadd.f32 $4.659016800e-02, v14  }
0xb9: {  	v33 =	vshll.u32 v28, $0x4;
	v5 =	vadd.f32 $1.725542550e-01, v11;
	v11 =	vadd.f32 $5.821700690e-01, v40  }
0xba: {  	v7 =	vor.u32 v0, v9;
	v6 =	vmul.f32 v14, v6;
	v14 =	vadd.f32 $1.357994860e-03, v42  }
0xbb: {  	v8 =	vadd.f32 $-7.034930870e-03, v8;
	v12 =	vadd.f32 $-5.480290060e-01, v12;
	v11 =	vmul.f32 v11, v10  }
0xbc: {  	v46 =	vadd.f32 $5.480284690e-01, v15;
	v9 =	vadd.s32 v7, v58;
	v14 =	vmul.f32 v14, v10  }
0xbd: {  	v29 =	vadd.s32 v7, v62;
	v22 =	vadd.f32 $4.659016800e-02, v22;
	v11 =	vadd.f32 $-1.812657560e-01, v11  }
0xbe: {  	v15 =	vor.u32 v23, v9;
	v8 =	vmul.f32 v8, v10;
	v14 =	vadd.f32 $6.221840530e-02, v14  }
0xbf: {  	v23 =	vand.u32 $0x70, v33;
	v44 =	vmul.f32 v12, v10;
	v11 =	vmul.f32 v11, v10  }
0xc0: {  	v12 =	vsub.s32 v60, v47;
	v23 =	vor.u32 v13, v23;
	v14 =	vmul.f32 v14, v10  }
0xc1: {  	v30 =	vadd.s32 $0x1, v15;
	v33 =	vadd.s32 $0x2, v15;
	v11 =	vadd.f32 $2.342308010e-01, v11  }
0xc2: {  	v31 =	vshll.u32 v12, $0xD;
	v12 =	vshll.u32 v32, $0xD;
	v14 =	vadd.f32 $1.486224650e-04, v14  }
0xc3: {  	v3 =	vadd.f32 $6.739376780e-01, v37;
	v8 =	vadd.f32 $-4.298714920e-02, v8;
	v11 =	vmul.f32 v11, v10  }
0xc4: {  	v19 =	vadd.f32 $6.739376780e-01, v44;
	v35 =	vshrl.u32 v16, $0x3;
	v14 =	vmul.f32 v14, v10  }
0xc5: {  	v16 =	vshll.u32 v16, $0x4;
	v12 =	vadd.s32 v7, v12;
	v11 =	vadd.f32 $-3.565523330e-01, v11  }
0xc6: {  	v17 =	vsub.s32 v35, v47;
	v16 =	vand.u32 $0x70, v16;
	v14 =	vadd.f32 $-3.833513860e-01, v14  }
0xc7: {  	v12 =	vor.u32 v23, v12;
	v8 =	vmul.f32 v8, v10;
	v26 =	vld.idx.msk [tilespmem:v15+s12+$0x0], $0xffff;
	v11 =	vmul.f32 v11, v10  }
0xc8: {  	v17 =	vshll.u32 v17, $0xD;
	v56 =	vadd.s32 $0x1, v12;
	v14 =	vmul.f32 v14, v10  }
0xc9: {  	v17 =	vadd.s32 v7, v17;
	v8 =	vadd.f32 $-1.454574340e-02, v8;
	v18 =	vadd.f32 $1.725680980e-01, v11  }
0xca: {  	v30 =	vld.idx.msk [tilespmem:v30+s12+$0x0], $0xffff;
	v45 =	vadd.f32 $8.412214350e-07, v14;
	v11 =	vshll.u32 v55, $0x4;
	v14 =	vor.u32 v7, v51  }
0xcb: {  	v6 =	vadd.f32 $1.239589760e-03, v6;
	v8 =	vmul.f32 v8, v10;
	v57 =	vand.u32 $0x70, v11  }
0xcc: {  	v39 =	vand.u32 $0xFFFF0000, v26;
	v28 =	vadd.s32 $0x1, v14;
	v11 =	vor.u32 v13, v57  }
0xcd: {  	v42 =	vld.idx.msk [tilespmem:v12+s12+$0x0], $0xffff;
	v40 =	vshll.u32 v26, $0x10;
	v13 =	vor.u32 v13, v16;
	v9 =	vor.u32 v11, v29  }
0xce: {  	v48 =	vadd.f32 $2.054114040e-01, v8;
	v8 =	vmul.f32 v46, v10;
	v13 =	vor.u32 v13, v17  }
0xcf: {  	v61 =	vand.u32 $0xFFFF0000, v30;
	v30 =	vshll.u32 v30, $0x10;
	v11 =	vadd.s32 v7, v31;
	v34 =	vld.idx.msk [tilespmem:v14+s12+$0x0], $0xffff  }
0xd0: {  	v25 =	vmul.f32 v39, v4;
	v30 =	vmul.f32 v30, v4;
	v11 =	vor.u32 v63, v11  }
0xd1: {  	v21 =	vmul.f32 v48, v10;
	v8 =	vadd.f32 $6.739376780e-01, v8;
	v48 =	vadd.s32 $0x1, v9;
	v51 =	vld.idx.msk [tilespmem:v28+s12+$0x0], $0xffff  }
0xd2: {  	v50 =	vand.u32 $0xFFFF0000, v42;
	v26 =	vshll.u32 v42, $0x10;
	v63 =	vadd.s32 $0x2, v14;
	v36 =	vld.idx.msk [tilespmem:v9+s12+$0x0], $0xffff  }
0xd3: {  	v21 =	vadd.f32 $3.549743590e-01, v21;
	v26 =	vmul.f32 v26, v5;
	v20 =	vmul.f32 v45, v10;
	v29 =	vld.idx.msk [tilespmem:v13+s12+$0x0], $0xffff  }
0xd4: {  	v17 =	vmul.f32 v40, v4;
	v52 =	vadd.s32 $0x1, v11;
	v37 =	vand.u32 $0xFFFF0000, v34  }
0xd5: {  	v62 =	vadd.s32 $0x1, v13;
	v27 =	vld.idx.msk [tilespmem:v11+s12+$0x0], $0xffff;
	v38 =	vshll.u32 v34, $0x10;
	v16 =	vmul.f32 v37, v1  }
0xd6: {  	v28 =	vmul.f32 v61, v4;
	v55 =	vld.idx.msk [tilespmem:v48+s12+$0x0], $0xffff;
	v23 =	vmul.f32 v38, v1;
	v58 =	vand.u32 $0xFFFF0000, v51  }
0xd7: {  	v40 =	vld.idx.msk [tilespmem:v63+s12+$0x0], $0xffff;
	v59 =	vshll.u32 v51, $0x10;
	v16 =	vadd.f32 v25, v16;
	v41 =	vand.u32 $0xFFFF0000, v36  }
0xd8: {  	v17 =	vadd.f32 v17, v23;
	v43 =	vshll.u32 v36, $0x10;
	v31 =	vand.u32 $0xFFFF0000, v29  }
0xd9: {  	v60 =	vld.idx.msk [tilespmem:v52+s12+$0x0], $0xffff;
	v57 =	vshll.u32 v29, $0x10;
	v44 =	vmul.f32 v41, v2;
	v23 =	vmul.f32 v43, v2  }
0xda: {  	v45 =	vand.u32 $0xFFFF0000, v27;
	v47 =	vshll.u32 v27, $0x10;
	v54 =	vmul.f32 v31, v6  }
0xdb: {  	v38 =	vld.idx.msk [tilespmem:v62+s12+$0x0], $0xffff;
	v25 =	vmul.f32 v57, v6;
	v32 =	vand.u32 $0xFFFF0000, v55;
	v41 =	vadd.s32 $0x2, v9  }
0xdc: {  	v51 =	vand.u32 $0xFFFF0000, v40;
	v27 =	vshll.u32 v40, $0x10;
	v46 =	vmul.f32 v45, v3  }
0xdd: {  	v57 =	vadd.s32 $0x3, v14;
	v49 =	vmul.f32 v47, v3;
	v34 =	vmul.f32 v32, v2  }
0xde: {  	v43 =	vld.idx.msk [tilespmem:v33+s12+$0x0], $0xffff;
	v35 =	vand.u32 $0xFFFF0000, v60;
	v39 =	vshll.u32 v60, $0x10;
	v16 =	vadd.f32 v16, v44  }
0xdf: {  	v45 =	vadd.s32 $0x2, v11;
	v17 =	vadd.f32 v17, v23;
	v23 =	vmul.f32 v50, v5  }
0xe0: {  	v37 =	vmul.f32 v35, v3;
	v48 =	vand.u32 $0xFFFF0000, v38;
	v24 =	vadd.f32 v16, v46  }
0xe1: {  	v17 =	vadd.f32 v17, v49;
	v16 =	vmul.f32 v21, v10;
	v10 =	vmul.f32 v22, v10  }
0xe2: {  	v22 =	vshll.u32 v55, $0x10;
	v49 =	vshll.u32 v38, $0x10;
	v55 =	vmul.f32 v27, v1  }
0xe3: {  	v22 =	vmul.f32 v22, v2;
	v52 =	vand.u32 $0xFFFF0000, v43;
	v60 =	vmul.f32 v49, v6  }
0xe4: {  	v49 =	vadd.s32 $0x4, v15;
	v53 =	vadd.f32 v24, v23;
	v17 =	vadd.f32 v17, v26  }
0xe5: {  	v23 =	vmul.f32 v58, v1;
	v26 =	vmul.f32 v59, v1;
	v24 =	vld.idx.msk [tilespmem:v56+s12+$0x0], $0xffff;
	v56 =	vadd.s32 $0x2, v13  }
0xe6: {  	v59 =	vadd.s32 $0x3, v15;
	v16 =	vadd.f32 $1.725542550e-01, v16;
	v10 =	vadd.f32 $1.239589760e-03, v10  }
0xe7: {  	v50 =	vld.idx.msk [tilespmem:v41+s12+$0x0], $0xffff;
	v15 =	vadd.s32 $0x5, v15;
	v21 =	vadd.f32 v53, v54;
	v23 =	vadd.f32 v28, v23  }
0xe8: {  	v26 =	vadd.f32 v30, v26;
	v25 =	vadd.f32 v17, v25;
	v53 =	vadd.s32 $0x2, v12  }
0xe9: {  	v28 =	vmul.f32 v52, v4;
	v54 =	vld.idx.msk [tilespmem:v45+s12+$0x0], $0xffff;
	v30 =	vshll.u32 v43, $0x10;
	v45 =	vadd.s32 $0x3, v12  }
0xea: {  	v30 =	vmul.f32 v30, v4;
	v22 =	vadd.f32 v26, v22;
	v26 =	vmul.f32 v39, v3  }
0xeb: {  	v36 =	vadd.f32 v23, v34;
	v17 =	vmul.f32 v21, v18;
	v18 =	vmul.f32 v25, v18  }
0xec: {  	v58 =	vand.u32 $0xFFFF0000, v50;
	v34 =	vadd.f32 $1.000000000e+00, v20;
	v25 =	vshll.u32 v50, $0x10  }
0xed: {  	v39 =	vadd.s32 $0x3, v11;
	v42 =	vand.u32 $0xFFFF0000, v24;
	v24 =	vshll.u32 v24, $0x10  }
0xee: {  	v61 =	vmul.f32 v58, v2;
	v25 =	vmul.f32 v25, v2;
	v23 =	vadd.f32 v36, v37  }
0xef: {  	v44 =	vmul.f32 v42, v5;
	v46 =	vadd.f32 v22, v26;
	v47 =	vmul.f32 v24, v5  }
0xf0: {  	v24 =	vmul.f32 v48, v6;
	v26 =	vmul.f32 v51, v1;
	v36 =	vadd.s32 $0x3, v9  }
0xf1: {  	v37 =	vld.idx.msk [tilespmem:v59+s12+$0x0], $0xffff;
	v51 =	vadd.s32 $0x4, v9;
	v59 =	vadd.s32 $0x4, v12;
	v9 =	vadd.s32 $0x5, v9  }
0xf2: {  	v12 =	vadd.s32 $0x5, v12;
	v62 =	vand.u32 $0xFFFF0000, v54;
	v35 =	vshll.u32 v54, $0x10  }
0xf3: {  	v27 =	vld.idx.msk [tilespmem:v56+s12+$0x0], $0xffff;
	v54 =	vadd.s32 $0x3, v13;
	v23 =	vadd.f32 v23, v44;
	v21 =	vadd.f32 v46, v47  }
0xf4: {  	v29 =	vld.idx.msk [tilespmem:v53+s12+$0x0], $0xffff;
	v26 =	vadd.f32 v28, v26;
	v63 =	vmul.f32 v62, v3;
	v20 =	vmul.f32 v35, v3  }
0xf5: {  	v28 =	vld.idx.msk [tilespmem:v57+s12+$0x0], $0xffff;
	v47 =	vadd.s32 $0x4, v14;
	v57 =	vadd.s32 $0x4, v11;
	v62 =	vadd.s32 $0x4, v13  }
0xf6: {  	v14 =	vadd.s32 $0x5, v14;
	v11 =	vadd.s32 $0x5, v11;
	v23 =	vadd.f32 v23, v24  }
0xf7: {  	v13 =	vadd.s32 $0x5, v13;
	v24 =	vadd.f32 v30, v55;
	v22 =	vadd.f32 v26, v61  }
0xf8: {  	v15 =	vld.idx.msk [tilespmem:v15+s12+$0x0], $0xffff;
	v21 =	vadd.f32 v21, v60;
	v40 =	vand.u32 $0xFFFF0000, v27;
	v27 =	vshll.u32 v27, $0x10  }
0xf9: {  	v31 =	vld.idx.msk [tilespmem:v39+s12+$0x0], $0xffff;
	v44 =	vand.u32 $0xFFFF0000, v37;
	v27 =	vmul.f32 v27, v6;
	v24 =	vadd.f32 v24, v25  }
0xfa: {  	v30 =	vld.idx.msk [tilespmem:v45+s12+$0x0], $0xffff;
	v22 =	vadd.f32 v22, v63;
	v38 =	vand.u32 $0xFFFF0000, v29;
	v29 =	vshll.u32 v29, $0x10  }
0xfb: {  	v55 =	vld.idx.msk [tilespmem:v49+s12+$0x0], $0xffff;
	v25 =	vshll.u32 v37, $0x10;
	v26 =	vmul.f32 v38, v5;
	v29 =	vmul.f32 v29, v5  }
0xfc: {  	v42 =	vld.idx.msk [tilespmem:v36+s12+$0x0], $0xffff;
	v43 =	vand.u32 $0xFFFF0000, v28;
	v28 =	vshll.u32 v28, $0x10;
	v25 =	vmul.f32 v25, v4  }
0xfd: {  	v53 =	vld.idx.msk [tilespmem:v47+s12+$0x0], $0xffff;
	v47 =	vand.u32 $0xFFFF0000, v15;
	v24 =	vadd.f32 v24, v20;
	v20 =	vmul.f32 v23, v19  }
0xfe: {  	v15 =	vshll.u32 v15, $0x10;
	v19 =	vmul.f32 v21, v19;
	v21 =	vmul.f32 v40, v6  }
0xff: {  	v46 =	vmul.f32 v28, v1;
	v50 =	vand.u32 $0xFFFF0000, v31;
	v52 =	vshll.u32 v31, $0x10  }
0x100: {  	v9 =	vld.idx.msk [tilespmem:v9+s12+$0x0], $0xffff;
	v22 =	vadd.f32 v22, v26;
	v26 =	vmul.f32 v43, v1;
	v56 =	vand.u32 $0xFFFF0000, v30  }
0x101: {  	v30 =	vshll.u32 v30, $0x10;
	v61 =	vand.u32 $0xFFFF0000, v55;
	v28 =	vshll.u32 v55, $0x10  }
0x102: {  	v32 =	vld.idx.msk [tilespmem:v57+s12+$0x0], $0xffff;
	v41 =	vadd.f32 v24, v29;
	v29 =	vmul.f32 v44, v4;
	v48 =	vand.u32 $0xFFFF0000, v42  }
0x103: {  	v33 =	vld.idx.msk [tilespmem:v62+s12+$0x0], $0xffff;
	v24 =	vshll.u32 v42, $0x10;
	v58 =	vmul.f32 v56, v5;
	v30 =	vmul.f32 v30, v5  }
0x104: {  	v14 =	vld.idx.msk [tilespmem:v14+s12+$0x0], $0xffff;
	v28 =	vmul.f32 v28, v4;
	v21 =	vadd.f32 v22, v21;
	v22 =	vadd.f32 v25, v46  }
0x105: {  	v12 =	vld.idx.msk [tilespmem:v12+s12+$0x0], $0xffff;
	v24 =	vmul.f32 v24, v2;
	v25 =	vmul.f32 v50, v3;
	v50 =	vand.u32 $0xFFFF0000, v9  }
0x106: {  	v13 =	vld.idx.msk [tilespmem:v13+s12+$0x0], $0xffff;
	v9 =	vshll.u32 v9, $0x10;
	v26 =	vadd.f32 v29, v26;
	v29 =	vmul.f32 v48, v2  }
0x107: {  	v31 =	vld.idx.msk [tilespmem:v59+s12+$0x0], $0xffff;
	v23 =	vadd.f32 v41, v27;
	v60 =	vand.u32 $0xFFFF0000, v53;
	v27 =	vshll.u32 v53, $0x10  }
0x108: {  	v37 =	vand.u32 $0xFFFF0000, v32;
	v39 =	vshll.u32 v32, $0x10;
	v45 =	vand.u32 $0xFFFF0000, v33  }
0x109: {  	v46 =	vand.u32 $0xFFFF0000, v14;
	v14 =	vshll.u32 v14, $0x10;
	v49 =	vshll.u32 v33, $0x10  }
0x10a: {  	v11 =	vld.idx.msk [tilespmem:v11+s12+$0x0], $0xffff;
	v53 =	vshll.u32 v12, $0x10;
	v22 =	vadd.f32 v24, v22;
	v24 =	vmul.f32 v52, v3  }
0x10b: {  	v55 =	vshll.u32 v13, $0x10;
	v21 =	vmul.f32 v21, v34;
	v27 =	vmul.f32 v27, v1  }
0x10c: {  	v38 =	vmul.f32 v37, v3;
	v40 =	vand.u32 $0xFFFF0000, v31;
	v26 =	vadd.f32 v29, v26  }
0x10d: {  	v41 =	vmul.f32 v39, v3;
	v44 =	vshll.u32 v31, $0x10;
	v23 =	vmul.f32 v23, v34;
	v29 =	vld.idx.msk [tilespmem:v51+s12+$0x0], $0xffff  }
0x10e: {  	v42 =	vmul.f32 v40, v5;
	v22 =	vadd.f32 v24, v22;
	v25 =	vadd.f32 v25, v26;
	v26 =	vld.idx.msk [tilespmem:v54+s12+$0x0], $0xffff  }
0x10f: {  	v51 =	vand.u32 $0xFFFF0000, v11;
	v11 =	vshll.u32 v11, $0x10;
	v27 =	vadd.f32 v28, v27  }
0x110: {  	v54 =	vand.u32 $0xFFFF0000, v13;
	v22 =	vadd.f32 v30, v22;
	v30 =	vmul.f32 v61, v4  }
0x111: {  	v61 =	vadd.f32 v19, v18;
	v24 =	vadd.f32 v58, v25;
	v25 =	vmul.f32 v60, v1  }
0x112: {  	v63 =	vand.u32 $0xFFFF0000, v29;
	v34 =	vshll.u32 v29, $0x10;
	v29 =	vmul.f32 v46, v1  }
0x113: {  	v25 =	vadd.f32 v30, v25;
	v35 =	vmul.f32 v63, v2;
	v36 =	vand.u32 $0xFFFF0000, v26  }
0x114: {  	v28 =	vmul.f32 v34, v2;
	v26 =	vshll.u32 v26, $0x10;
	v30 =	vmul.f32 v36, v6  }
0x115: {  	v1 =	vmul.f32 v14, v1;
	v25 =	vadd.f32 v35, v25;
	v26 =	vmul.f32 v26, v6  }
0x116: {  	v27 =	vadd.f32 v28, v27;
	v24 =	vadd.f32 v30, v24;
	v30 =	vmul.f32 v47, v4  }
0x117: {  	v28 =	vmul.f32 v45, v6;
	v25 =	vadd.f32 v38, v25;
	v4 =	vmul.f32 v15, v4  }
0x118: {  	v22 =	vadd.f32 v26, v22;
	v15 =	vmul.f32 v50, v2;
	v48 =	vadd.f32 v30, v29  }
0x119: {  	v43 =	vadd.f32 v41, v27;
	v2 =	vmul.f32 v9, v2;
	v1 =	vadd.f32 v4, v1  }
0x11a: {  	v27 =	vmul.f32 v44, v5;
	v4 =	vmul.f32 v51, v3;
	v52 =	vadd.f32 v15, v48  }
0x11b: {  	v1 =	vadd.f32 v2, v1;
	v2 =	vmul.f32 v11, v3;
	v3 =	vand.u32 $0xFFFF0000, v12  }
0x11c: {  	v25 =	vadd.f32 v42, v25;
	v3 =	vmul.f32 v3, v5;
	v4 =	vadd.f32 v4, v52  }
0x11d: {  	v26 =	vadd.f32 v27, v43;
	v1 =	vadd.f32 v2, v1;
	v2 =	vmul.f32 v53, v5  }
0x11e: {  	v27 =	vmul.f32 v49, v6;
	v5 =	vmul.f32 v54, v6;
	v3 =	vadd.f32 v3, v4  }
0x11f: {  	v25 =	vadd.f32 v28, v25;
	v1 =	vadd.f32 v2, v1;
	v2 =	vmul.f32 v55, v6  }
0x120: {  	v57 =	vmul.f32 v24, v8;
	v58 =	vmul.f32 v22, v8;
	v3 =	vadd.f32 v5, v3  }
0x121: {  	v56 =	vadd.f32 v27, v26;
	v59 =	vmul.f32 v25, v16;
	v1 =	vadd.f32 v2, v1  }
0x122: {  	v4 =	vadd.f32 v57, v21;
	v2 =	vmul.f32 v3, v10;
	v3 =	vadd.f32 v20, v17  }
0x123: {  	v62 =	vld [tilespmem:s25+$0x0];
	v60 =	vmul.f32 v56, v16;
	v6 =	vadd.f32 v58, v23;
	v1 =	vmul.f32 v1, v10  }
0x124: {  	v2 =	vadd.f32 v2, v59;
	v3 =	vadd.f32 v4, v3  }
0x125: {  	v63 =	vadd.f32 v6, v61;
	v1 =	vadd.f32 v1, v60  }
0x126: {  	p0 =	sne.s32 s6, $0x30;
	v2 =	vadd.f32 v2, v3;
	v3 =	vor.u32 $0x1, v7  }
.Ltmp0:
0x127: {  	v1 =	vadd.f32 v1, v63;
	(pc) =	sbr.rel @p0 .LBB2_3-.Ltmp0, $4  }
0x128: {  	v2 =	vmul.f32 v2, v62  }
0x129: {  	v1 =	vmul.f32 v1, v62  }
0x12a: {  	s30 =	sadd.s32 $0x10, s30;
	[tilespmem:v7+s21+$0x0] =	vst.idx.msk $0xffff, v2  }
0x12b: {  	s24 =	sadd.s32 $0x10, s24;
	s6 =	sadd.s32 $0x10, s6;
	s25 =	sadd.s32 $0x10, s25;
	[tilespmem:v3+s21+$0x0] =	vst.idx.msk $0xffff, v1  }
0x12c: {  	s6 =	sadd.s32 s3, s1  }
0x12d: {  	p0 =	seq.s32 s31, $0x7;
	s6 =	sshll.u32 s6, $0x4  }
.Ltmp1:
0x12e: {  	s6 =	sadd.s32 s5, s6;
	(pc) =	sbr.rel @p0 .LBB2_6-.Ltmp1, $4  }
0x12f: {  	[hbm4b:s6+s2] =	stream.linear.scatter [tilespmem:s21], [sflag:$0x3], $0x2000, $0x38;
	[tilespmem:$0xAD00] =	vst v63  }
0x130: {  	_ =	swait.ge [sflag:s10], $0x2000  }
0x131: {  	[sflag:s10] =	ssyncset.done $0x0  }
0x132: {  	[sflag:s10] =	ssyncadd.s32 $0xFFFFE000  }
0x133: {  	v1 =	vld [tilespmem:s1+$0x80]  }
0x134: {  	v2 =	vld [tilespmem:s1+$0x480];
	_ =	sdelay $0x4  }
0x135: {  	v1 =	vmul.f32 $5.120000000e+02, v1;
	v2 =	vmul.f32 $5.120000000e+02, v2;
	_ =	sdelay $0x1  }
0x136: {  	v1 =	vadd.f32 $2.560000000e+02, v1;
	v2 =	vadd.f32 $2.560000000e+02, v2;
	_ =	sdelay $0x1  }
0x137: {  	v1 =	vtrunc.f32 v1;
	v2 =	vtrunc.f32 v2  }
0x138: {  	v1 =	vcvt.f32.s32 v1;
	v2 =	vcvt.f32.s32 v2;
	_ =	sdelay $0x1  }
0x139: {  	v1 =	vadd.s32 $0x1FE, v1;
	v2 =	vshll.u32 v2, $0x3  }
0x13a: {  	v1 =	vshrl.u32 v1, $0x3;
	v2 =	vadd.s32 $0xFF0, v2  }
0x13b: {  	v3 =	vand.u32 $0x3F, v1;
	v2 =	vand.u32 $0xFC0, v2;
	v1 =	vadd.s32 $0x1, v1  }
0x13c: {  	v3 =	vor.u32 v3, v2;
	v1 =	vand.u32 $0x3F, v1  }
0x13d: {  	[tilespmem:$0xC00] =	vst v3;
	v1 =	vor.u32 v1, v2  }
0x13e: {  	[tilespmem:$0xC40] =	vst v1  }
0x13f: {  	v1 =	vld [tilespmem:s1+$0x90]  }
0x140: {  	v2 =	vld [tilespmem:s1+$0x490];
	_ =	sdelay $0x4  }
0x141: {  	v1 =	vmul.f32 $5.120000000e+02, v1;
	v2 =	vmul.f32 $5.120000000e+02, v2;
	_ =	sdelay $0x1  }
0x142: {  	v1 =	vadd.f32 $2.560000000e+02, v1;
	v2 =	vadd.f32 $2.560000000e+02, v2;
	_ =	sdelay $0x1  }
0x143: {  	v1 =	vtrunc.f32 v1;
	v2 =	vtrunc.f32 v2  }
0x144: {  	v1 =	vcvt.f32.s32 v1;
	v2 =	vcvt.f32.s32 v2;
	_ =	sdelay $0x1  }
0x145: {  	v1 =	vadd.s32 $0x1FE, v1;
	v2 =	vshll.u32 v2, $0x3  }
0x146: {  	v1 =	vshrl.u32 v1, $0x3;
	v2 =	vadd.s32 $0xFF0, v2  }
0x147: {  	v3 =	vand.u32 $0x3F, v1;
	v2 =	vand.u32 $0xFC0, v2;
	v1 =	vadd.s32 $0x1, v1  }
0x148: {  	v3 =	vor.u32 v3, v2;
	v1 =	vand.u32 $0x3F, v1  }
0x149: {  	[tilespmem:$0xC10] =	vst v3;
	v1 =	vor.u32 v1, v2  }
0x14a: {  	[tilespmem:$0xC50] =	vst v1  }
0x14b: {  	v1 =	vld [tilespmem:s1+$0xA0]  }
0x14c: {  	v2 =	vld [tilespmem:s1+$0x4A0];
	_ =	sdelay $0x4  }
0x14d: {  	v1 =	vmul.f32 $5.120000000e+02, v1;
	v2 =	vmul.f32 $5.120000000e+02, v2;
	_ =	sdelay $0x1  }
0x14e: {  	v1 =	vadd.f32 $2.560000000e+02, v1;
	v2 =	vadd.f32 $2.560000000e+02, v2;
	_ =	sdelay $0x1  }
0x14f: {  	v1 =	vtrunc.f32 v1;
	v2 =	vtrunc.f32 v2  }
0x150: {  	v1 =	vcvt.f32.s32 v1;
	v2 =	vcvt.f32.s32 v2;
	_ =	sdelay $0x1  }
0x151: {  	v1 =	vadd.s32 $0x1FE, v1;
	v2 =	vshll.u32 v2, $0x3  }
0x152: {  	v1 =	vshrl.u32 v1, $0x3;
	v2 =	vadd.s32 $0xFF0, v2  }
0x153: {  	v3 =	vand.u32 $0x3F, v1;
	v2 =	vand.u32 $0xFC0, v2;
	v1 =	vadd.s32 $0x1, v1  }
0x154: {  	v3 =	vor.u32 v3, v2;
	v1 =	vand.u32 $0x3F, v1  }
0x155: {  	[tilespmem:$0xC20] =	vst v3;
	v1 =	vor.u32 v1, v2  }
0x156: {  	[tilespmem:$0xC60] =	vst v1  }
0x157: {  	v1 =	vld [tilespmem:s1+$0xB0]  }
0x158: {  	v2 =	vld [tilespmem:s1+$0x4B0];
	_ =	sdelay $0x4  }
0x159: {  	v1 =	vmul.f32 $5.120000000e+02, v1;
	v2 =	vmul.f32 $5.120000000e+02, v2;
	_ =	sdelay $0x1  }
0x15a: {  	v1 =	vadd.f32 $2.560000000e+02, v1;
	v2 =	vadd.f32 $2.560000000e+02, v2;
	_ =	sdelay $0x1  }
0x15b: {  	v1 =	vtrunc.f32 v1;
	v2 =	vtrunc.f32 v2  }
0x15c: {  	v1 =	vcvt.f32.s32 v1;
	v2 =	vcvt.f32.s32 v2;
	_ =	sdelay $0x1  }
0x15d: {  	v1 =	vadd.s32 $0x1FE, v1;
	v2 =	vshll.u32 v2, $0x3  }
0x15e: {  	v1 =	vshrl.u32 v1, $0x3;
	v2 =	vadd.s32 $0xFF0, v2  }
0x15f: {  	v3 =	vand.u32 $0x3F, v1;
	v2 =	vand.u32 $0xFC0, v2;
	v1 =	vadd.s32 $0x1, v1  }
0x160: {  	v3 =	vor.u32 v3, v2;
	v1 =	vand.u32 $0x3F, v1  }
0x161: {  	[tilespmem:$0xC30] =	vst v3;
	v1 =	vor.u32 v1, v2  }
0x162: {  	[tilespmem:$0xC70] =	vst v1  }
0x163: {  	[tilespmem:s12], [sflag:$0x1] =	stream.indirect.gather [hbm4b:s4+s15], $0x80, s11, s15, $0xb8;
	[tilespmem:$0xAD00] =	vst v63  }
0x164: {  	_ = 	snop  }
0x165: {  	[tilespmem:s14], [sflag:$0x1] =	stream.indirect.gather [hbm4b:s4+s15], $0x80, s13, s15, $0xb8;
	[tilespmem:$0xAD00] =	vst v63  }
.LBB2_6:
0x166: {  	_ =	swait.ge [sflag:s22], $0x2000  }
0x167: {  	[sflag:s22] =	ssyncset.done $0x0  }
0x168: {  	[sflag:s22] =	ssyncadd.s32 $0xFFFFE000  }
0x169: {  	_ =	swait.ge [sflag:s22], $0x2000  }
0x16a: {  	s1 =	simm.s32 $0x0;
	s6 =	smov.u32 s29;
	[sflag:s22] =	ssyncset.done $0x0  }
0x16b: {  	s24 =	smov.u32 s28;
	s25 =	smov.u32 s26;
	[sflag:s22] =	ssyncadd.s32 $0xFFFFE000  }
.LBB2_7:
0x16c: {  	v1 =	vld [tilespmem:s6+$0x0]  }
0x16d: {  	v3 =	vld [tilespmem:s24+$0x0];
	_ =	sdelay $0x3  }
0x16e: {  	v1 =	vmul.f32 $5.120000000e+02, v1  }
0x16f: {  	v3 =	vmul.f32 $5.120000000e+02, v3  }
0x170: {  	v1 =	vadd.f32 $2.560000000e+02, v1  }
0x171: {  	v3 =	vadd.f32 $2.560000000e+02, v3  }
0x172: {  	v2 =	vtrunc.f32 v1  }
0x173: {  	v7 =	vtrunc.f32 v3;
	v2 =	vcvt.f32.s32 v2  }
0x174: {  	v7 =	vcvt.f32.s32 v7  }
0x175: {  	v49 =	vmov s1;
	v4 =	vcvt.s32.f32 v2  }
0x176: {  	v11 =	vcvt.s32.f32 v7;
	v7 =	vadd.s32 $0x6, v7;
	v30 =	vadd.s32 $0x1FE, v2  }
0x177: {  	v13 =	vand.u32 $0x7, v7;
	v43 =	vand.u32 $0x1FF, v30;
	v7 =	vshll.u32 v30, $0x4  }
0x178: {  	v6 =	vsub.f32 v1, v4;
	v47 =	vshrl.u32 v43, $0x3;
	v7 =	vand.u32 $0x70, v7  }
0x179: {  	v50 =	vadd.s32 $0x1, v43;
	v55 =	vadd.s32 $0x2, v43;
	v59 =	vadd.s32 $0x3, v43  }
0x17a: {  	v51 =	vor.u32 v13, v7;
	v52 =	vshrl.u32 v50, $0x3;
	v54 =	vshll.u32 v50, $0x4  }
0x17b: {  	v56 =	vshrl.u32 v55, $0x3;
	v60 =	vshrl.u32 v59, $0x3;
	v1 =	vmul.f32 $2.596409620e-01, v6  }
0x17c: {  	v25 =	vshll.u32 v59, $0x4;
	v5 =	vmul.f32 $4.008237450e-04, v6;
	v9 =	vmul.f32 $1.184627180e-03, v6  }
0x17d: {  	v53 =	vsub.s32 v52, v47;
	v7 =	vand.u32 $0x70, v54;
	v24 =	vsub.s32 v56, v47  }
0x17e: {  	v61 =	vand.u32 $0x70, v25;
	v23 =	vor.u32 v13, v7;
	v58 =	vshll.u32 v53, $0xD  }
0x17f: {  	v62 =	vshll.u32 v24, $0xD;
	v27 =	vsub.f32 $8.254559630e-01, v1;
	v8 =	vadd.f32 $3.160580990e-03, v5  }
0x180: {  	v63 =	vor.u32 v13, v61;
	v10 =	vadd.f32 $-7.621397260e-03, v9;
	v9 =	vsub.f32 $6.709929440e-04, v9  }
0x181: {  	v1 =	vadd.f32 $-9.920307990e-01, v1;
	v4 =	vmul.f32 v27, v6;
	v8 =	vmul.f32 v8, v6  }
0x182: {  	v12 =	vmul.f32 v10, v6;
	v10 =	vsub.f32 v3, v11;
	v9 =	vmul.f32 v9, v6  }
0x183: {  	v1 =	vmul.f32 v1, v6;
	v4 =	vadd.f32 $-1.015726210e+00, v4;
	v8 =	vadd.f32 $-2.034585360e-02, v8  }
0x184: {  	v29 =	vadd.f32 $1.357994860e-03, v12;
	v32 =	vadd.f32 $1.949321850e-02, v9;
	v34 =	vmul.f32 $2.596409620e-01, v10  }
0x185: {  	v1 =	vadd.f32 $1.515450950e+00, v1;
	v38 =	vmul.f32 $4.008237450e-04, v10;
	v15 =	vmul.f32 $1.184627180e-03, v10  }
0x186: {  	v4 =	vmul.f32 v4, v6;
	v28 =	vmul.f32 v8, v6;
	v36 =	vsub.f32 $8.254559630e-01, v34  }
0x187: {  	v8 =	vmul.f32 v32, v6;
	v39 =	vadd.f32 $3.160580990e-03, v38;
	v17 =	vadd.f32 $-7.621397260e-03, v15  }
0x188: {  	v1 =	vmul.f32 v1, v6;
	v15 =	vsub.f32 $6.709929440e-04, v15;
	v9 =	vadd.f32 $-9.920307990e-01, v34  }
0x189: {  	v31 =	vmul.f32 v29, v6;
	v3 =	vadd.f32 $5.821700690e-01, v4;
	v4 =	vadd.f32 $-2.695425180e-03, v28  }
0x18a: {  	v8 =	vadd.f32 $-3.850630250e-03, v8;
	v1 =	vadd.f32 $-1.202055930e+00, v1;
	v12 =	vmul.f32 v36, v10  }
0x18b: {  	v16 =	vmul.f32 v39, v10;
	v42 =	vmul.f32 v17, v10;
	v28 =	vadd.s32 $0x4, v43  }
0x18c: {  	v15 =	vmul.f32 v15, v10;
	v9 =	vmul.f32 v9, v10;
	v30 =	vshrl.u32 v28, $0x3  }
0x18d: {  	v2 =	vmul.f32 v3, v6;
	v3 =	vsub.f32 $5.966347180e-03, v5;
	v4 =	vmul.f32 v4, v6  }
0x18e: {  	v5 =	vadd.f32 $6.221840530e-02, v31;
	v8 =	vmul.f32 v8, v6;
	v12 =	vadd.f32 $-1.015726210e+00, v12  }
0x18f: {  	v33 =	vmul.f32 v1, v6;
	v41 =	vadd.f32 $-2.034585360e-02, v16;
	v15 =	vadd.f32 $1.949321850e-02, v15  }
0x190: {  	v9 =	vadd.f32 $1.515450950e+00, v9;
	v32 =	vsub.s32 v30, v47;
	v3 =	vmul.f32 v3, v6  }
0x191: {  	v2 =	vadd.f32 $-1.812657560e-01, v2;
	v5 =	vmul.f32 v5, v6;
	v40 =	vmul.f32 v12, v10  }
0x192: {  	v4 =	vadd.f32 $1.515455390e-01, v4;
	v12 =	vmul.f32 v41, v10;
	v15 =	vmul.f32 v15, v10  }
0x193: {  	v8 =	vadd.f32 $-1.516361980e-01, v8;
	v9 =	vmul.f32 v9, v10;
	v2 =	vmul.f32 v2, v6  }
0x194: {  	v3 =	vadd.f32 $-7.034930870e-03, v3;
	v4 =	vmul.f32 v4, v6;
	v5 =	vadd.f32 $1.486224650e-04, v5  }
0x195: {  	v8 =	vmul.f32 v8, v6;
	v12 =	vadd.f32 $-2.695425180e-03, v12;
	v15 =	vadd.f32 $-3.850630250e-03, v15  }
0x196: {  	v9 =	vadd.f32 $-1.202055930e+00, v9;
	v2 =	vadd.f32 $2.342308010e-01, v2;
	v3 =	vmul.f32 v3, v6  }
0x197: {  	v4 =	vadd.f32 $-8.542011680e-02, v4;
	v5 =	vmul.f32 v5, v6;
	v12 =	vmul.f32 v12, v10  }
0x198: {  	v15 =	vmul.f32 v15, v10;
	v2 =	vmul.f32 v2, v6;
	v3 =	vadd.f32 $-4.298714920e-02, v3  }
0x199: {  	v8 =	vadd.f32 $-8.545894920e-02, v8;
	v9 =	vmul.f32 v9, v10;
	v4 =	vmul.f32 v4, v6  }
0x19a: {  	v5 =	vadd.f32 $-3.833513860e-01, v5;
	v2 =	vadd.f32 $-3.565523330e-01, v2;
	v3 =	vmul.f32 v3, v6  }
0x19b: {  	v8 =	vmul.f32 v8, v6;
	v12 =	vadd.f32 $1.515455390e-01, v12;
	v15 =	vadd.f32 $-1.516361980e-01, v15  }
0x19c: {  	v9 =	vadd.f32 $5.881630780e-01, v9;
	v2 =	vmul.f32 v2, v6;
	v3 =	vadd.f32 $-1.454574340e-02, v3  }
0x19d: {  	v4 =	vadd.f32 $-5.480290060e-01, v4;
	v5 =	vmul.f32 v5, v6;
	v8 =	vadd.f32 $5.480284690e-01, v8  }
0x19e: {  	v12 =	vmul.f32 v12, v10;
	v1 =	vadd.f32 $1.725680980e-01, v2;
	v2 =	vmul.f32 v3, v6  }
0x19f: {  	v15 =	vmul.f32 v15, v10;
	v9 =	vmul.f32 v9, v10;
	v3 =	vadd.f32 $5.881630780e-01, v33  }
0x1a0: {  	v4 =	vmul.f32 v4, v6;
	v5 =	vadd.f32 $8.412214350e-07, v5;
	v2 =	vadd.f32 $2.054114040e-01, v2  }
0x1a1: {  	v37 =	vmul.f32 v8, v6;
	v8 =	vsub.f32 $5.966347180e-03, v38;
	v3 =	vmul.f32 v3, v6  }
0x1a2: {  	v12 =	vadd.f32 $-8.542011680e-02, v12;
	v15 =	vadd.f32 $-8.545894920e-02, v15;
	v35 =	vmul.f32 v2, v6  }
0x1a3: {  	v9 =	vadd.f32 $-4.442984610e-02, v9;
	v5 =	vmul.f32 v5, v6;
	v3 =	vadd.f32 $-4.442984610e-02, v3  }
0x1a4: {  	v8 =	vmul.f32 v8, v10;
	v12 =	vmul.f32 v12, v10;
	v11 =	vadd.f32 $3.549743590e-01, v35  }
0x1a5: {  	v16 =	vadd.s32 $0x5, v43;
	v15 =	vmul.f32 v15, v10;
	v14 =	vmul.f32 v3, v6  }
0x1a6: {  	v4 =	vadd.f32 $6.739376780e-01, v4;
	v22 =	vmul.f32 v9, v10;
	v11 =	vmul.f32 v11, v6  }
0x1a7: {  	v9 =	vshll.u32 v49, $0x7;
	v2 =	vadd.f32 $1.000000000e+00, v5;
	v14 =	vadd.f32 $4.659016800e-02, v14  }
0x1a8: {  	v33 =	vshll.u32 v28, $0x4;
	v5 =	vadd.f32 $1.725542550e-01, v11;
	v11 =	vadd.f32 $5.821700690e-01, v40  }
0x1a9: {  	v7 =	vor.u32 v0, v9;
	v6 =	vmul.f32 v14, v6;
	v14 =	vadd.f32 $1.357994860e-03, v42  }
0x1aa: {  	v8 =	vadd.f32 $-7.034930870e-03, v8;
	v12 =	vadd.f32 $-5.480290060e-01, v12;
	v11 =	vmul.f32 v11, v10  }
0x1ab: {  	v46 =	vadd.f32 $5.480284690e-01, v15;
	v9 =	vadd.s32 v7, v58;
	v14 =	vmul.f32 v14, v10  }
0x1ac: {  	v29 =	vadd.s32 v7, v62;
	v22 =	vadd.f32 $4.659016800e-02, v22;
	v11 =	vadd.f32 $-1.812657560e-01, v11  }
0x1ad: {  	v15 =	vor.u32 v23, v9;
	v8 =	vmul.f32 v8, v10;
	v14 =	vadd.f32 $6.221840530e-02, v14  }
0x1ae: {  	v23 =	vand.u32 $0x70, v33;
	v44 =	vmul.f32 v12, v10;
	v11 =	vmul.f32 v11, v10  }
0x1af: {  	v12 =	vsub.s32 v60, v47;
	v23 =	vor.u32 v13, v23;
	v14 =	vmul.f32 v14, v10  }
0x1b0: {  	v30 =	vadd.s32 $0x1, v15;
	v33 =	vadd.s32 $0x2, v15;
	v11 =	vadd.f32 $2.342308010e-01, v11  }
0x1b1: {  	v31 =	vshll.u32 v12, $0xD;
	v12 =	vshll.u32 v32, $0xD;
	v14 =	vadd.f32 $1.486224650e-04, v14  }
0x1b2: {  	v3 =	vadd.f32 $6.739376780e-01, v37;
	v8 =	vadd.f32 $-4.298714920e-02, v8;
	v11 =	vmul.f32 v11, v10  }
0x1b3: {  	v19 =	vadd.f32 $6.739376780e-01, v44;
	v35 =	vshrl.u32 v16, $0x3;
	v14 =	vmul.f32 v14, v10  }
0x1b4: {  	v16 =	vshll.u32 v16, $0x4;
	v12 =	vadd.s32 v7, v12;
	v11 =	vadd.f32 $-3.565523330e-01, v11  }
0x1b5: {  	v17 =	vsub.s32 v35, v47;
	v16 =	vand.u32 $0x70, v16;
	v14 =	vadd.f32 $-3.833513860e-01, v14  }
0x1b6: {  	v12 =	vor.u32 v23, v12;
	v8 =	vmul.f32 v8, v10;
	v26 =	vld.idx.msk [tilespmem:v15+s17+$0x0], $0xffff;
	v11 =	vmul.f32 v11, v10  }
0x1b7: {  	v17 =	vshll.u32 v17, $0xD;
	v56 =	vadd.s32 $0x1, v12;
	v14 =	vmul.f32 v14, v10  }
0x1b8: {  	v17 =	vadd.s32 v7, v17;
	v8 =	vadd.f32 $-1.454574340e-02, v8;
	v18 =	vadd.f32 $1.725680980e-01, v11  }
0x1b9: {  	v30 =	vld.idx.msk [tilespmem:v30+s17+$0x0], $0xffff;
	v45 =	vadd.f32 $8.412214350e-07, v14;
	v11 =	vshll.u32 v55, $0x4;
	v14 =	vor.u32 v7, v51  }
0x1ba: {  	v6 =	vadd.f32 $1.239589760e-03, v6;
	v8 =	vmul.f32 v8, v10;
	v57 =	vand.u32 $0x70, v11  }
0x1bb: {  	v39 =	vand.u32 $0xFFFF0000, v26;
	v28 =	vadd.s32 $0x1, v14;
	v11 =	vor.u32 v13, v57  }
0x1bc: {  	v42 =	vld.idx.msk [tilespmem:v12+s17+$0x0], $0xffff;
	v40 =	vshll.u32 v26, $0x10;
	v13 =	vor.u32 v13, v16;
	v9 =	vor.u32 v11, v29  }
0x1bd: {  	v48 =	vadd.f32 $2.054114040e-01, v8;
	v8 =	vmul.f32 v46, v10;
	v13 =	vor.u32 v13, v17  }
0x1be: {  	v61 =	vand.u32 $0xFFFF0000, v30;
	v30 =	vshll.u32 v30, $0x10;
	v11 =	vadd.s32 v7, v31;
	v34 =	vld.idx.msk [tilespmem:v14+s17+$0x0], $0xffff  }
0x1bf: {  	v25 =	vmul.f32 v39, v4;
	v30 =	vmul.f32 v30, v4;
	v11 =	vor.u32 v63, v11  }
0x1c0: {  	v21 =	vmul.f32 v48, v10;
	v8 =	vadd.f32 $6.739376780e-01, v8;
	v48 =	vadd.s32 $0x1, v9;
	v51 =	vld.idx.msk [tilespmem:v28+s17+$0x0], $0xffff  }
0x1c1: {  	v50 =	vand.u32 $0xFFFF0000, v42;
	v26 =	vshll.u32 v42, $0x10;
	v63 =	vadd.s32 $0x2, v14;
	v36 =	vld.idx.msk [tilespmem:v9+s17+$0x0], $0xffff  }
0x1c2: {  	v21 =	vadd.f32 $3.549743590e-01, v21;
	v26 =	vmul.f32 v26, v5;
	v20 =	vmul.f32 v45, v10;
	v29 =	vld.idx.msk [tilespmem:v13+s17+$0x0], $0xffff  }
0x1c3: {  	v17 =	vmul.f32 v40, v4;
	v52 =	vadd.s32 $0x1, v11;
	v37 =	vand.u32 $0xFFFF0000, v34  }
0x1c4: {  	v62 =	vadd.s32 $0x1, v13;
	v27 =	vld.idx.msk [tilespmem:v11+s17+$0x0], $0xffff;
	v38 =	vshll.u32 v34, $0x10;
	v16 =	vmul.f32 v37, v1  }
0x1c5: {  	v28 =	vmul.f32 v61, v4;
	v55 =	vld.idx.msk [tilespmem:v48+s17+$0x0], $0xffff;
	v23 =	vmul.f32 v38, v1;
	v58 =	vand.u32 $0xFFFF0000, v51  }
0x1c6: {  	v40 =	vld.idx.msk [tilespmem:v63+s17+$0x0], $0xffff;
	v59 =	vshll.u32 v51, $0x10;
	v16 =	vadd.f32 v25, v16;
	v41 =	vand.u32 $0xFFFF0000, v36  }
0x1c7: {  	v17 =	vadd.f32 v17, v23;
	v43 =	vshll.u32 v36, $0x10;
	v31 =	vand.u32 $0xFFFF0000, v29  }
0x1c8: {  	v60 =	vld.idx.msk [tilespmem:v52+s17+$0x0], $0xffff;
	v57 =	vshll.u32 v29, $0x10;
	v44 =	vmul.f32 v41, v2;
	v23 =	vmul.f32 v43, v2  }
0x1c9: {  	v45 =	vand.u32 $0xFFFF0000, v27;
	v47 =	vshll.u32 v27, $0x10;
	v54 =	vmul.f32 v31, v6  }
0x1ca: {  	v38 =	vld.idx.msk [tilespmem:v62+s17+$0x0], $0xffff;
	v25 =	vmul.f32 v57, v6;
	v32 =	vand.u32 $0xFFFF0000, v55;
	v41 =	vadd.s32 $0x2, v9  }
0x1cb: {  	v51 =	vand.u32 $0xFFFF0000, v40;
	v27 =	vshll.u32 v40, $0x10;
	v46 =	vmul.f32 v45, v3  }
0x1cc: {  	v57 =	vadd.s32 $0x3, v14;
	v49 =	vmul.f32 v47, v3;
	v34 =	vmul.f32 v32, v2  }
0x1cd: {  	v43 =	vld.idx.msk [tilespmem:v33+s17+$0x0], $0xffff;
	v35 =	vand.u32 $0xFFFF0000, v60;
	v39 =	vshll.u32 v60, $0x10;
	v16 =	vadd.f32 v16, v44  }
0x1ce: {  	v45 =	vadd.s32 $0x2, v11;
	v17 =	vadd.f32 v17, v23;
	v23 =	vmul.f32 v50, v5  }
0x1cf: {  	v37 =	vmul.f32 v35, v3;
	v48 =	vand.u32 $0xFFFF0000, v38;
	v24 =	vadd.f32 v16, v46  }
0x1d0: {  	v17 =	vadd.f32 v17, v49;
	v16 =	vmul.f32 v21, v10;
	v10 =	vmul.f32 v22, v10  }
0x1d1: {  	v22 =	vshll.u32 v55, $0x10;
	v49 =	vshll.u32 v38, $0x10;
	v55 =	vmul.f32 v27, v1  }
0x1d2: {  	v22 =	vmul.f32 v22, v2;
	v52 =	vand.u32 $0xFFFF0000, v43;
	v60 =	vmul.f32 v49, v6  }
0x1d3: {  	v49 =	vadd.s32 $0x4, v15;
	v53 =	vadd.f32 v24, v23;
	v17 =	vadd.f32 v17, v26  }
0x1d4: {  	v23 =	vmul.f32 v58, v1;
	v26 =	vmul.f32 v59, v1;
	v24 =	vld.idx.msk [tilespmem:v56+s17+$0x0], $0xffff;
	v56 =	vadd.s32 $0x2, v13  }
0x1d5: {  	v59 =	vadd.s32 $0x3, v15;
	v16 =	vadd.f32 $1.725542550e-01, v16;
	v10 =	vadd.f32 $1.239589760e-03, v10  }
0x1d6: {  	v50 =	vld.idx.msk [tilespmem:v41+s17+$0x0], $0xffff;
	v15 =	vadd.s32 $0x5, v15;
	v21 =	vadd.f32 v53, v54;
	v23 =	vadd.f32 v28, v23  }
0x1d7: {  	v26 =	vadd.f32 v30, v26;
	v25 =	vadd.f32 v17, v25;
	v53 =	vadd.s32 $0x2, v12  }
0x1d8: {  	v28 =	vmul.f32 v52, v4;
	v54 =	vld.idx.msk [tilespmem:v45+s17+$0x0], $0xffff;
	v30 =	vshll.u32 v43, $0x10;
	v45 =	vadd.s32 $0x3, v12  }
0x1d9: {  	v30 =	vmul.f32 v30, v4;
	v22 =	vadd.f32 v26, v22;
	v26 =	vmul.f32 v39, v3  }
0x1da: {  	v36 =	vadd.f32 v23, v34;
	v17 =	vmul.f32 v21, v18;
	v18 =	vmul.f32 v25, v18  }
0x1db: {  	v58 =	vand.u32 $0xFFFF0000, v50;
	v34 =	vadd.f32 $1.000000000e+00, v20;
	v25 =	vshll.u32 v50, $0x10  }
0x1dc: {  	v39 =	vadd.s32 $0x3, v11;
	v42 =	vand.u32 $0xFFFF0000, v24;
	v24 =	vshll.u32 v24, $0x10  }
0x1dd: {  	v61 =	vmul.f32 v58, v2;
	v25 =	vmul.f32 v25, v2;
	v23 =	vadd.f32 v36, v37  }
0x1de: {  	v44 =	vmul.f32 v42, v5;
	v46 =	vadd.f32 v22, v26;
	v47 =	vmul.f32 v24, v5  }
0x1df: {  	v24 =	vmul.f32 v48, v6;
	v26 =	vmul.f32 v51, v1;
	v36 =	vadd.s32 $0x3, v9  }
0x1e0: {  	v37 =	vld.idx.msk [tilespmem:v59+s17+$0x0], $0xffff;
	v51 =	vadd.s32 $0x4, v9;
	v59 =	vadd.s32 $0x4, v12;
	v9 =	vadd.s32 $0x5, v9  }
0x1e1: {  	v12 =	vadd.s32 $0x5, v12;
	v62 =	vand.u32 $0xFFFF0000, v54;
	v35 =	vshll.u32 v54, $0x10  }
0x1e2: {  	v27 =	vld.idx.msk [tilespmem:v56+s17+$0x0], $0xffff;
	v54 =	vadd.s32 $0x3, v13;
	v23 =	vadd.f32 v23, v44;
	v21 =	vadd.f32 v46, v47  }
0x1e3: {  	v29 =	vld.idx.msk [tilespmem:v53+s17+$0x0], $0xffff;
	v26 =	vadd.f32 v28, v26;
	v63 =	vmul.f32 v62, v3;
	v20 =	vmul.f32 v35, v3  }
0x1e4: {  	v28 =	vld.idx.msk [tilespmem:v57+s17+$0x0], $0xffff;
	v47 =	vadd.s32 $0x4, v14;
	v57 =	vadd.s32 $0x4, v11;
	v62 =	vadd.s32 $0x4, v13  }
0x1e5: {  	v14 =	vadd.s32 $0x5, v14;
	v11 =	vadd.s32 $0x5, v11;
	v23 =	vadd.f32 v23, v24  }
0x1e6: {  	v13 =	vadd.s32 $0x5, v13;
	v24 =	vadd.f32 v30, v55;
	v22 =	vadd.f32 v26, v61  }
0x1e7: {  	v15 =	vld.idx.msk [tilespmem:v15+s17+$0x0], $0xffff;
	v21 =	vadd.f32 v21, v60;
	v40 =	vand.u32 $0xFFFF0000, v27;
	v27 =	vshll.u32 v27, $0x10  }
0x1e8: {  	v31 =	vld.idx.msk [tilespmem:v39+s17+$0x0], $0xffff;
	v44 =	vand.u32 $0xFFFF0000, v37;
	v27 =	vmul.f32 v27, v6;
	v24 =	vadd.f32 v24, v25  }
0x1e9: {  	v30 =	vld.idx.msk [tilespmem:v45+s17+$0x0], $0xffff;
	v22 =	vadd.f32 v22, v63;
	v38 =	vand.u32 $0xFFFF0000, v29;
	v29 =	vshll.u32 v29, $0x10  }
0x1ea: {  	v55 =	vld.idx.msk [tilespmem:v49+s17+$0x0], $0xffff;
	v25 =	vshll.u32 v37, $0x10;
	v26 =	vmul.f32 v38, v5;
	v29 =	vmul.f32 v29, v5  }
0x1eb: {  	v42 =	vld.idx.msk [tilespmem:v36+s17+$0x0], $0xffff;
	v43 =	vand.u32 $0xFFFF0000, v28;
	v28 =	vshll.u32 v28, $0x10;
	v25 =	vmul.f32 v25, v4  }
0x1ec: {  	v53 =	vld.idx.msk [tilespmem:v47+s17+$0x0], $0xffff;
	v47 =	vand.u32 $0xFFFF0000, v15;
	v24 =	vadd.f32 v24, v20;
	v20 =	vmul.f32 v23, v19  }
0x1ed: {  	v15 =	vshll.u32 v15, $0x10;
	v19 =	vmul.f32 v21, v19;
	v21 =	vmul.f32 v40, v6  }
0x1ee: {  	v46 =	vmul.f32 v28, v1;
	v50 =	vand.u32 $0xFFFF0000, v31;
	v52 =	vshll.u32 v31, $0x10  }
0x1ef: {  	v9 =	vld.idx.msk [tilespmem:v9+s17+$0x0], $0xffff;
	v22 =	vadd.f32 v22, v26;
	v26 =	vmul.f32 v43, v1;
	v56 =	vand.u32 $0xFFFF0000, v30  }
0x1f0: {  	v30 =	vshll.u32 v30, $0x10;
	v61 =	vand.u32 $0xFFFF0000, v55;
	v28 =	vshll.u32 v55, $0x10  }
0x1f1: {  	v32 =	vld.idx.msk [tilespmem:v57+s17+$0x0], $0xffff;
	v41 =	vadd.f32 v24, v29;
	v29 =	vmul.f32 v44, v4;
	v48 =	vand.u32 $0xFFFF0000, v42  }
0x1f2: {  	v33 =	vld.idx.msk [tilespmem:v62+s17+$0x0], $0xffff;
	v24 =	vshll.u32 v42, $0x10;
	v58 =	vmul.f32 v56, v5;
	v30 =	vmul.f32 v30, v5  }
0x1f3: {  	v14 =	vld.idx.msk [tilespmem:v14+s17+$0x0], $0xffff;
	v28 =	vmul.f32 v28, v4;
	v21 =	vadd.f32 v22, v21;
	v22 =	vadd.f32 v25, v46  }
0x1f4: {  	v12 =	vld.idx.msk [tilespmem:v12+s17+$0x0], $0xffff;
	v24 =	vmul.f32 v24, v2;
	v25 =	vmul.f32 v50, v3;
	v50 =	vand.u32 $0xFFFF0000, v9  }
0x1f5: {  	v13 =	vld.idx.msk [tilespmem:v13+s17+$0x0], $0xffff;
	v9 =	vshll.u32 v9, $0x10;
	v26 =	vadd.f32 v29, v26;
	v29 =	vmul.f32 v48, v2  }
0x1f6: {  	v31 =	vld.idx.msk [tilespmem:v59+s17+$0x0], $0xffff;
	v23 =	vadd.f32 v41, v27;
	v60 =	vand.u32 $0xFFFF0000, v53;
	v27 =	vshll.u32 v53, $0x10  }
0x1f7: {  	v37 =	vand.u32 $0xFFFF0000, v32;
	v39 =	vshll.u32 v32, $0x10;
	v45 =	vand.u32 $0xFFFF0000, v33  }
0x1f8: {  	v46 =	vand.u32 $0xFFFF0000, v14;
	v14 =	vshll.u32 v14, $0x10;
	v49 =	vshll.u32 v33, $0x10  }
0x1f9: {  	v11 =	vld.idx.msk [tilespmem:v11+s17+$0x0], $0xffff;
	v53 =	vshll.u32 v12, $0x10;
	v22 =	vadd.f32 v24, v22;
	v24 =	vmul.f32 v52, v3  }
0x1fa: {  	v55 =	vshll.u32 v13, $0x10;
	v21 =	vmul.f32 v21, v34;
	v27 =	vmul.f32 v27, v1  }
0x1fb: {  	v38 =	vmul.f32 v37, v3;
	v40 =	vand.u32 $0xFFFF0000, v31;
	v26 =	vadd.f32 v29, v26  }
0x1fc: {  	v41 =	vmul.f32 v39, v3;
	v44 =	vshll.u32 v31, $0x10;
	v23 =	vmul.f32 v23, v34;
	v29 =	vld.idx.msk [tilespmem:v51+s17+$0x0], $0xffff  }
0x1fd: {  	v42 =	vmul.f32 v40, v5;
	v22 =	vadd.f32 v24, v22;
	v25 =	vadd.f32 v25, v26;
	v26 =	vld.idx.msk [tilespmem:v54+s17+$0x0], $0xffff  }
0x1fe: {  	v51 =	vand.u32 $0xFFFF0000, v11;
	v11 =	vshll.u32 v11, $0x10;
	v27 =	vadd.f32 v28, v27  }
0x1ff: {  	v54 =	vand.u32 $0xFFFF0000, v13;
	v22 =	vadd.f32 v30, v22;
	v30 =	vmul.f32 v61, v4  }
0x200: {  	v61 =	vadd.f32 v19, v18;
	v24 =	vadd.f32 v58, v25;
	v25 =	vmul.f32 v60, v1  }
0x201: {  	v63 =	vand.u32 $0xFFFF0000, v29;
	v34 =	vshll.u32 v29, $0x10;
	v29 =	vmul.f32 v46, v1  }
0x202: {  	v25 =	vadd.f32 v30, v25;
	v35 =	vmul.f32 v63, v2;
	v36 =	vand.u32 $0xFFFF0000, v26  }
0x203: {  	v28 =	vmul.f32 v34, v2;
	v26 =	vshll.u32 v26, $0x10;
	v30 =	vmul.f32 v36, v6  }
0x204: {  	v1 =	vmul.f32 v14, v1;
	v25 =	vadd.f32 v35, v25;
	v26 =	vmul.f32 v26, v6  }
0x205: {  	v27 =	vadd.f32 v28, v27;
	v24 =	vadd.f32 v30, v24;
	v30 =	vmul.f32 v47, v4  }
0x206: {  	v28 =	vmul.f32 v45, v6;
	v25 =	vadd.f32 v38, v25;
	v4 =	vmul.f32 v15, v4  }
0x207: {  	v22 =	vadd.f32 v26, v22;
	v15 =	vmul.f32 v50, v2;
	v48 =	vadd.f32 v30, v29  }
0x208: {  	v43 =	vadd.f32 v41, v27;
	v2 =	vmul.f32 v9, v2;
	v1 =	vadd.f32 v4, v1  }
0x209: {  	v27 =	vmul.f32 v44, v5;
	v4 =	vmul.f32 v51, v3;
	v52 =	vadd.f32 v15, v48  }
0x20a: {  	v1 =	vadd.f32 v2, v1;
	v2 =	vmul.f32 v11, v3;
	v3 =	vand.u32 $0xFFFF0000, v12  }
0x20b: {  	v25 =	vadd.f32 v42, v25;
	v3 =	vmul.f32 v3, v5;
	v4 =	vadd.f32 v4, v52  }
0x20c: {  	v26 =	vadd.f32 v27, v43;
	v1 =	vadd.f32 v2, v1;
	v2 =	vmul.f32 v53, v5  }
0x20d: {  	v27 =	vmul.f32 v49, v6;
	v5 =	vmul.f32 v54, v6;
	v3 =	vadd.f32 v3, v4  }
0x20e: {  	v25 =	vadd.f32 v28, v25;
	v1 =	vadd.f32 v2, v1;
	v2 =	vmul.f32 v55, v6  }
0x20f: {  	v57 =	vmul.f32 v24, v8;
	v58 =	vmul.f32 v22, v8;
	v3 =	vadd.f32 v5, v3  }
0x210: {  	v56 =	vadd.f32 v27, v26;
	v59 =	vmul.f32 v25, v16;
	v1 =	vadd.f32 v2, v1  }
0x211: {  	v4 =	vadd.f32 v57, v21;
	v2 =	vmul.f32 v3, v10;
	v3 =	vadd.f32 v20, v17  }
0x212: {  	v62 =	vld [tilespmem:s25+$0x0];
	v60 =	vmul.f32 v56, v16;
	v6 =	vadd.f32 v58, v23;
	v1 =	vmul.f32 v1, v10  }
0x213: {  	v2 =	vadd.f32 v2, v59;
	v3 =	vadd.f32 v4, v3  }
0x214: {  	v63 =	vadd.f32 v6, v61;
	v1 =	vadd.f32 v1, v60  }
0x215: {  	p0 =	sne.s32 s1, $0x30;
	v2 =	vadd.f32 v2, v3;
	v3 =	vor.u32 $0x1, v7  }
.Ltmp2:
0x216: {  	v1 =	vadd.f32 v1, v63;
	(pc) =	sbr.rel @p0 .LBB2_7-.Ltmp2, $4  }
0x217: {  	v2 =	vmul.f32 v2, v62  }
0x218: {  	v1 =	vmul.f32 v1, v62  }
0x219: {  	s24 =	sadd.s32 $0x10, s24;
	[tilespmem:v7+s21+$0x0] =	vst.idx.msk $0xffff, v2  }
0x21a: {  	s6 =	sadd.s32 $0x10, s6;
	s1 =	sadd.s32 $0x10, s1;
	s25 =	sadd.s32 $0x10, s25;
	[tilespmem:v3+s21+$0x0] =	vst.idx.msk $0xffff, v1  }
0x21b: {  	s0 =	sadd.s32 s3, s0;
	s31 =	sadd.s32 $0x1, s31  }
0x21c: {  	s0 =	sshll.u32 s0, $0x4;
	p0 =	sne.s32 s31, $0x8  }
.Ltmp3:
0x21d: {  	s0 =	sadd.s32 s5, s0;
	(pc) =	sbr.rel @p0 .LBB2_2-.Ltmp3, $4  }
0x21e: {  	[hbm4b:s0+s2] =	stream.linear.scatter [tilespmem:s21], [sflag:$0x3], $0x2000, $0x38;
	[tilespmem:$0xAD00] =	vst v63  }
0x21f: {  	s9 =	sadd.s32 $0x80, s9;
	s8 =	sadd.s32 $0x80, s8;
	_ =	swait.ge [sflag:s10], $0x2000  }
0x220: {  	s7 =	sadd.s32 $0x80, s7;
	s26 =	sadd.s32 $0x80, s26;
	[sflag:s10] =	ssyncset.done $0x0  }
0x221: {  	s28 =	sadd.s32 $0x80, s28;
	s29 =	sadd.s32 $0x80, s29;
	[sflag:s10] =	ssyncadd.s32 $0xFFFFE000  }
0x222: {  	s23 =	sadd.s32 $0x1, s23;
	s0 =	rddreg [dreg:$0x6]  }
0x223: {  	p0 =	sne.s32 s23, s0  }
.Ltmp4:
0x224: {  	_ = 	snop;
	(pc) =	sbr.rel @p0 .LBB2_1-.Ltmp4, $1  }
0x225: {  	_ =	sdelay $0x3  }
0x226: {  	_ =	sfence.sel $0x180000  }
0x227: {  	[bflag:$0x0] =	sbarrier.arrive $0xFFFF  }
0x228: {  	_ =	strace $0x90000047  }
0x229: {  	s0 =	stileid.u32;
	[bflag:$0x2] =	sbarrier.arrive $0xFFFF  }
0x22a: {  	p0 =	sne.s32 s0, $0x0;
	s0 =	rddreg [dreg:$0x2]  }
0x22b: {  	s0 =	sadd.s32 @!p0 $0x100000, s0  }
0x22c: {  	[sflag:s0] =	ssyncadd.tile.s32 @!p0 $0x1;
	_ =	shalt  }
.Lfunc_end2:
_tile_overlayer_lowered:
.L_overlay_start_2:
0x22d: {  	(tag) =	ssettag $0x2  }
0x22e: {  	s0 =	rddreg [dreg:$0x0];
	s2 =	stileid.u32  }
0x22f: {  	s1 =	rddreg [dreg:$0x1];
	p0 =	sne.s32 s2, $0x0  }
0x230: {  	s3 =	rddreg [dreg:$0x2];
	[bflag:$0x3] =	sbarrier.arrive $0xFFFF;
	s2 =	simm.s32 @!p0 $0x1C03  }
0x231: {  	[timem:s3], [sflag:s2] =	dma.local @!p0 [hbm:s0], s1  }
0x232: {  	s0 =	simm.s32 @!p0 $0x3  }
0x233: {  	_ =	swait.ge @!p0 [sflag:s0], s1  }
0x234: {  	s1 =	ssub.s32 @!p0 $0x0, s1;
	[sflag:s0] =	ssyncset.done @!p0 $0x0  }
0x235: {  	[sflag:s0] =	ssyncadd.s32 @!p0 s1  }
0x236: {  	[bflag:$0x3] =	sbarrier.arrive $0xFFFF  }
0x237: {  	_ =	shalt  }

</sc_bundles>
